<compile_context>
chip_gen: v7x
topology: tpu7x:2x2x1
jax: 0.10.2.dev20260603
libtpu: 0.0.44.dev20260713+nightly
codegen_flags: <defaults>
</compile_context>

<pallas_src>
import functools

import jax
import jax.numpy as jnp
from jax import lax
from jax.experimental import pallas as pl
from jax.experimental.pallas import tpu as pltpu
from jax.experimental.pallas import tpu_sc as plsc

B = 1024
S = 20
E = 128
RPS = 12
NC, NS = 2, 16
NW = NC * NS
SEGW = B // NW
NGROUP = E // 16

_mesh = plsc.VectorSubcoreMesh(core_axis_name="c", subcore_axis_name="s")


@functools.partial(
    pl.kernel,
    out_type=(jax.ShapeDtypeStruct((B, E), jnp.float32),
              jax.ShapeDtypeStruct((S * B, E), jnp.float32)),
    mesh=_mesh,
    scratch_types=[
        pltpu.VMEM((RPS * SEGW,), jnp.int32),
        pltpu.VMEM((S * RPS * SEGW,), jnp.int32),
        [pltpu.VMEM((SEGW, E), jnp.float32) for _ in range(2 * RPS)],
        [pltpu.VMEM((SEGW, E), jnp.float32) for _ in range(2)],
        [pltpu.SemaphoreType.DMA for _ in range(2)],
        [pltpu.SemaphoreType.DMA for _ in range(2)],
        pltpu.SemaphoreType.DMA,
    ],
)
def _embed_kernel(obs_idx_hbm, act_idx_hbm, table_hbm, obs_hbm, act_hbm,
                  idx_o, idx_a, bufs, outb, gsem, osem, isem):
    wid = lax.axis_index("s") * NC + lax.axis_index("c")
    col = wid * SEGW

    for i in range(RPS):
        pltpu.async_copy(obs_idx_hbm.at[pl.ds(i * B + col, SEGW)],
                         idx_o.at[pl.ds(i * SEGW, SEGW)], isem)
    pltpu.make_async_copy(obs_idx_hbm.at[pl.ds(0, RPS * SEGW)], idx_o,
                          isem).wait()

    def issue_act(g, p):
        for i in range(RPS):
            pltpu.async_copy(
                table_hbm.at[idx_a.at[pl.ds((g * RPS + i) * SEGW, SEGW)]],
                bufs[RPS * p + i], gsem[p])

    def drain_g(p):
        for i in range(RPS):
            pltpu.make_async_copy(table_hbm.at[pl.ds(0, SEGW)],
                                  bufs[RPS * p + i], gsem[p]).wait()

    def wait_out(ob):
        pltpu.make_async_copy(table_hbm.at[pl.ds(0, SEGW)], outb[ob],
                              osem[ob]).wait()

    def reduce_store(p, ob, dst_ref, dst_row):
        def body(b, _):
            for gr in range(NGROUP):
                sl = pl.ds(gr * 16, 16)
                acc = bufs[RPS * p][b, sl]
                for i in range(1, RPS):
                    acc = acc + bufs[RPS * p + i][b, sl]
                outb[ob][b, sl] = acc * (1.0 / RPS)
            return 0

        lax.fori_loop(0, SEGW, body, 0)
        pltpu.async_copy(outb[ob], dst_ref.at[pl.ds(dst_row, SEGW)], osem[ob])

    for i in range(RPS):
        pltpu.async_copy(table_hbm.at[idx_o.at[pl.ds(i * SEGW, SEGW)]],
                         bufs[i], gsem[0])
    def stage_act(i, _):
        pltpu.async_copy(act_idx_hbm.at[pl.ds(i * B + col, SEGW)],
                         idx_a.at[pl.ds(i * SEGW, SEGW)], isem)
        return 0

    lax.fori_loop(0, S * RPS, stage_act, 0)
    pltpu.make_async_copy(act_idx_hbm.at[pl.ds(0, S * RPS * SEGW)], idx_a,
                          isem).wait()
    issue_act(0, 1)
    drain_g(0)
    reduce_store(0, 0, obs_hbm, col)

    def pair_body(k, _):
        g = 2 * k
        issue_act(g + 1, 0)
        drain_g(1)

        @pl.when(k > 0)
        def _w1():
            wait_out(1)

        reduce_store(1, 1, act_hbm, g * B + col)

        @pl.when(g + 2 < S)
        def _i2():
            issue_act(g + 2, 1)

        drain_g(0)
        wait_out(0)
        reduce_store(0, 0, act_hbm, (g + 1) * B + col)
        return 0

    lax.fori_loop(0, S // 2, pair_body, 0)
    wait_out(0)
    wait_out(1)


def kernel(sub_index, derived_sub_indices, action_mask, table):
    obs_w = jnp.transpose(sub_index.astype(jnp.int32),
                          (1, 3, 2, 0)).reshape(RPS * B)
    act_w = jnp.transpose(derived_sub_indices.astype(jnp.int32),
                          (1, 3, 2, 0)).reshape(S * RPS * B)
    obs, act = _embed_kernel(obs_w, act_w, table)
    obs = obs.reshape(B, 1, E)
    act = act.reshape(S, B, E).transpose(1, 0, 2)
    return (obs, act, action_mask)

# --- scband reference (transcript-rebuilt; emitter-appended) ---
"""Pipeline reference for scband-custom-combined-extractor-27419071218217 (READ-ONLY COPY).

The authoritative reference and input builder live on the scoring server;
editing this copy changes nothing except your own understanding.
"""

import jax, jax.numpy as jnp
import numpy as np

NUM_EMBEDDINGS = 100000
EMBED_DIM = 128
B, S, A = 1024, 20, 4

def setup_inputs(seed: int = 0) -> dict:
    key = jax.random.key(seed)
    k0, k1, k2 = jax.random.split(key, 3)
    sub_index = jax.random.randint(k0, (B, 1, A, 3), 0, NUM_EMBEDDINGS, dtype=jnp.int64 if jax.config.jax_enable_x64 else jnp.int32)
    derived_sub_indices = jax.random.randint(k1, (B, S, A, 3), 0, NUM_EMBEDDINGS, dtype=jnp.int64 if jax.config.jax_enable_x64 else jnp.int32)
    action_mask = jnp.ones((B, S), dtype=jnp.bool_)
    table = jax.random.normal(k2, (NUM_EMBEDDINGS, EMBED_DIM), dtype=jnp.float32)
    return {"sub_index": sub_index, "derived_sub_indices": derived_sub_indices, "action_mask": action_mask, "table": table}

def _get_embeddings_batch(table, idx):
    # idx: [B, S, A, 3] -> gather -> [B, S, A, 3, E] -> reduce over atoms and components -> [B, S, E]
    gathered = jnp.take(table, idx, axis=0)
    return jnp.mean(gathered, axis=(2, 3))

def reference(sub_index, derived_sub_indices, action_mask, table):
    obs_embeddings = _get_embeddings_batch(table, sub_index)        # [B, 1, E]
    action_embeddings = _get_embeddings_batch(table, derived_sub_indices)  # [B, S, E]
    return (obs_embeddings, action_embeddings, action_mask)

if __name__ == "__main__":
    import jax
    _d = setup_inputs()
    print(jax.jit(kernel)(*tuple(_d.values())))

</pallas_src>

<mosaic_0001>
#map = affine_map<(d0, d1) -> (0)>
#map1 = affine_map<(d0, d1) -> (0, 0)>
module attributes {stable_mosaic.version = 14 : i64} {
  func.func @_embed_kernel(%arg0: i32, %arg1: i32, %arg2: memref<12288xi32, #tpu.memory_space<hbm>>, %arg3: memref<245760xi32, #tpu.memory_space<hbm>>, %arg4: memref<100000x128xf32, #tpu.memory_space<hbm>>, %arg5: memref<1024x128xf32, #tpu.memory_space<hbm>>, %arg6: memref<20480x128xf32, #tpu.memory_space<hbm>>, %arg7: memref<384xi32, #tpu.memory_space<vmem>>, %arg8: memref<7680xi32, #tpu.memory_space<vmem>>, %arg9: memref<32x128xf32, #tpu.memory_space<vmem>>, %arg10: memref<32x128xf32, #tpu.memory_space<vmem>>, %arg11: memref<32x128xf32, #tpu.memory_space<vmem>>, %arg12: memref<32x128xf32, #tpu.memory_space<vmem>>, %arg13: memref<32x128xf32, #tpu.memory_space<vmem>>, %arg14: memref<32x128xf32, #tpu.memory_space<vmem>>, %arg15: memref<32x128xf32, #tpu.memory_space<vmem>>, %arg16: memref<32x128xf32, #tpu.memory_space<vmem>>, %arg17: memref<32x128xf32, #tpu.memory_space<vmem>>, %arg18: memref<32x128xf32, #tpu.memory_space<vmem>>, %arg19: memref<32x128xf32, #tpu.memory_space<vmem>>, %arg20: memref<32x128xf32, #tpu.memory_space<vmem>>, %arg21: memref<32x128xf32, #tpu.memory_space<vmem>>, %arg22: memref<32x128xf32, #tpu.memory_space<vmem>>, %arg23: memref<32x128xf32, #tpu.memory_space<vmem>>, %arg24: memref<32x128xf32, #tpu.memory_space<vmem>>, %arg25: memref<32x128xf32, #tpu.memory_space<vmem>>, %arg26: memref<32x128xf32, #tpu.memory_space<vmem>>, %arg27: memref<32x128xf32, #tpu.memory_space<vmem>>, %arg28: memref<32x128xf32, #tpu.memory_space<vmem>>, %arg29: memref<32x128xf32, #tpu.memory_space<vmem>>, %arg30: memref<32x128xf32, #tpu.memory_space<vmem>>, %arg31: memref<32x128xf32, #tpu.memory_space<vmem>>, %arg32: memref<32x128xf32, #tpu.memory_space<vmem>>, %arg33: memref<32x128xf32, #tpu.memory_space<vmem>>, %arg34: memref<32x128xf32, #tpu.memory_space<vmem>>, %arg35: memref<!tpu.dma_semaphore, #tpu.memory_space<semaphore_mem>>, %arg36: memref<!tpu.dma_semaphore, #tpu.memory_space<semaphore_mem>>, %arg37: memref<!tpu.dma_semaphore, #tpu.memory_space<semaphore_mem>>, %arg38: memref<!tpu.dma_semaphore, #tpu.memory_space<semaphore_mem>>, %arg39: memref<!tpu.dma_semaphore, #tpu.memory_space<semaphore_mem>>) attributes {dimension_semantics = [#tpu.dimension_semantics<core_parallel>, #tpu.dimension_semantics<subcore_parallel>], iteration_bounds = array<i64: 2, 16>, scalar_prefetch = 0 : i64, scratch_operands = 33 : i64, tpu.core_type = #tpu.core_type<sc_vector_subcore>, window_params = [{transform_indices = #map}, {transform_indices = #map}, {transform_indices = #map1}, {transform_indices = #map1}, {transform_indices = #map1}]} {
    %mul3A = arith.constant 2 : i32
    %mul3A_0 = arith.muli %arg1, %mul3A : i32
    %add3A = arith.addi %mul3A_0, %arg0 : i32
    %mul3A_1 = arith.constant 32 : i32
    %mul3A_2 = arith.muli %add3A, %mul3A_1 : i32
    %add3A_3 = arith.constant 0 : i32
    %add3A_4 = arith.addi %add3A_3, %mul3A_2 : i32
    %dma_start3A = arith.constant 0 : i32
    %dma_start3A_5 = tpu.memref_slice %arg7[%dma_start3A] : memref<384xi32, #tpu.memory_space<vmem>> -> memref<32xi32, #tpu.memory_space<vmem>>
    %dma_start3A_6 = tpu.memref_slice %arg2[%add3A_4] : memref<12288xi32, #tpu.memory_space<hbm>> -> memref<32xi32, #tpu.memory_space<hbm>>
    %dma_start3A_7 = arith.constant 0 : i32
    %dma_start3A_8 = tpu.memref_slice %arg7[%dma_start3A_7] : memref<384xi32, #tpu.memory_space<vmem>> -> memref<32xi32, #tpu.memory_space<vmem>>
    %dma_start3A_9 = tpu.memref_slice %arg2[%add3A_4] : memref<12288xi32, #tpu.memory_space<hbm>> -> memref<32xi32, #tpu.memory_space<hbm>>
    tpu.enqueue_dma source(%dma_start3A_9 : memref<32xi32, #tpu.memory_space<hbm>>) target(%dma_start3A_8 : memref<32xi32, #tpu.memory_space<vmem>>) target_semaphore(%arg39 : memref<!tpu.dma_semaphore, #tpu.memory_space<semaphore_mem>>)
    %add3A_10 = arith.constant 1024 : i32
    %add3A_11 = arith.addi %add3A_10, %mul3A_2 : i32
    %dma_start3A_12 = arith.constant 32 : i32
    %dma_start3A_13 = tpu.memref_slice %arg7[%dma_start3A_12] : memref<384xi32, #tpu.memory_space<vmem>> -> memref<32xi32, #tpu.memory_space<vmem>>
    %dma_start3A_14 = tpu.memref_slice %arg2[%add3A_11] : memref<12288xi32, #tpu.memory_space<hbm>> -> memref<32xi32, #tpu.memory_space<hbm>>
    %dma_start3A_15 = arith.constant 32 : i32
    %dma_start3A_16 = tpu.memref_slice %arg7[%dma_start3A_15] : memref<384xi32, #tpu.memory_space<vmem>> -> memref<32xi32, #tpu.memory_space<vmem>>
    %dma_start3A_17 = tpu.memref_slice %arg2[%add3A_11] : memref<12288xi32, #tpu.memory_space<hbm>> -> memref<32xi32, #tpu.memory_space<hbm>>
    tpu.enqueue_dma source(%dma_start3A_17 : memref<32xi32, #tpu.memory_space<hbm>>) target(%dma_start3A_16 : memref<32xi32, #tpu.memory_space<vmem>>) target_semaphore(%arg39 : memref<!tpu.dma_semaphore, #tpu.memory_space<semaphore_mem>>)
    %add3A_18 = arith.constant 2048 : i32
    %add3A_19 = arith.addi %add3A_18, %mul3A_2 : i32
    %dma_start3A_20 = arith.constant 64 : i32
    %dma_start3A_21 = tpu.memref_slice %arg7[%dma_start3A_20] : memref<384xi32, #tpu.memory_space<vmem>> -> memref<32xi32, #tpu.memory_space<vmem>>
    %dma_start3A_22 = tpu.memref_slice %arg2[%add3A_19] : memref<12288xi32, #tpu.memory_space<hbm>> -> memref<32xi32, #tpu.memory_space<hbm>>
    %dma_start3A_23 = arith.constant 64 : i32
    %dma_start3A_24 = tpu.memref_slice %arg7[%dma_start3A_23] : memref<384xi32, #tpu.memory_space<vmem>> -> memref<32xi32, #tpu.memory_space<vmem>>
    %dma_start3A_25 = tpu.memref_slice %arg2[%add3A_19] : memref<12288xi32, #tpu.memory_space<hbm>> -> memref<32xi32, #tpu.memory_space<hbm>>
    tpu.enqueue_dma source(%dma_start3A_25 : memref<32xi32, #tpu.memory_space<hbm>>) target(%dma_start3A_24 : memref<32xi32, #tpu.memory_space<vmem>>) target_semaphore(%arg39 : memref<!tpu.dma_semaphore, #tpu.memory_space<semaphore_mem>>)
    %add3A_26 = arith.constant 3072 : i32
    %add3A_27 = arith.addi %add3A_26, %mul3A_2 : i32
    %dma_start3A_28 = arith.constant 96 : i32
    %dma_start3A_29 = tpu.memref_slice %arg7[%dma_start3A_28] : memref<384xi32, #tpu.memory_space<vmem>> -> memref<32xi32, #tpu.memory_space<vmem>>
    %dma_start3A_30 = tpu.memref_slice %arg2[%add3A_27] : memref<12288xi32, #tpu.memory_space<hbm>> -> memref<32xi32, #tpu.memory_space<hbm>>
    %dma_start3A_31 = arith.constant 96 : i32
    %dma_start3A_32 = tpu.memref_slice %arg7[%dma_start3A_31] : memref<384xi32, #tpu.memory_space<vmem>> -> memref<32xi32, #tpu.memory_space<vmem>>
    %dma_start3A_33 = tpu.memref_slice %arg2[%add3A_27] : memref<12288xi32, #tpu.memory_space<hbm>> -> memref<32xi32, #tpu.memory_space<hbm>>
    tpu.enqueue_dma source(%dma_start3A_33 : memref<32xi32, #tpu.memory_space<hbm>>) target(%dma_start3A_32 : memref<32xi32, #tpu.memory_space<vmem>>) target_semaphore(%arg39 : memref<!tpu.dma_semaphore, #tpu.memory_space<semaphore_mem>>)
    %add3A_34 = arith.constant 4096 : i32
    %add3A_35 = arith.addi %add3A_34, %mul3A_2 : i32
    %dma_start3A_36 = arith.constant 128 : i32
    %dma_start3A_37 = tpu.memref_slice %arg7[%dma_start3A_36] : memref<384xi32, #tpu.memory_space<vmem>> -> memref<32xi32, #tpu.memory_space<vmem>>
    %dma_start3A_38 = tpu.memref_slice %arg2[%add3A_35] : memref<12288xi32, #tpu.memory_space<hbm>> -> memref<32xi32, #tpu.memory_space<hbm>>
    %dma_start3A_39 = arith.constant 128 : i32
    %dma_start3A_40 = tpu.memref_slice %arg7[%dma_start3A_39] : memref<384xi32, #tpu.memory_space<vmem>> -> memref<32xi32, #tpu.memory_space<vmem>>
    %dma_start3A_41 = tpu.memref_slice %arg2[%add3A_35] : memref<12288xi32, #tpu.memory_space<hbm>> -> memref<32xi32, #tpu.memory_space<hbm>>
    tpu.enqueue_dma source(%dma_start3A_41 : memref<32xi32, #tpu.memory_space<hbm>>) target(%dma_start3A_40 : memref<32xi32, #tpu.memory_space<vmem>>) target_semaphore(%arg39 : memref<!tpu.dma_semaphore, #tpu.memory_space<semaphore_mem>>)
    %add3A_42 = arith.constant 5120 : i32
    %add3A_43 = arith.addi %add3A_42, %mul3A_2 : i32
    %dma_start3A_44 = arith.constant 160 : i32
    %dma_start3A_45 = tpu.memref_slice %arg7[%dma_start3A_44] : memref<384xi32, #tpu.memory_space<vmem>> -> memref<32xi32, #tpu.memory_space<vmem>>
    %dma_start3A_46 = tpu.memref_slice %arg2[%add3A_43] : memref<12288xi32, #tpu.memory_space<hbm>> -> memref<32xi32, #tpu.memory_space<hbm>>
    %dma_start3A_47 = arith.constant 160 : i32
    %dma_start3A_48 = tpu.memref_slice %arg7[%dma_start3A_47] : memref<384xi32, #tpu.memory_space<vmem>> -> memref<32xi32, #tpu.memory_space<vmem>>
    %dma_start3A_49 = tpu.memref_slice %arg2[%add3A_43] : memref<12288xi32, #tpu.memory_space<hbm>> -> memref<32xi32, #tpu.memory_space<hbm>>
    tpu.enqueue_dma source(%dma_start3A_49 : memref<32xi32, #tpu.memory_space<hbm>>) target(%dma_start3A_48 : memref<32xi32, #tpu.memory_space<vmem>>) target_semaphore(%arg39 : memref<!tpu.dma_semaphore, #tpu.memory_space<semaphore_mem>>)
    %add3A_50 = arith.constant 6144 : i32
    %add3A_51 = arith.addi %add3A_50, %mul3A_2 : i32
    %dma_start3A_52 = arith.constant 192 : i32
    %dma_start3A_53 = tpu.memref_slice %arg7[%dma_start3A_52] : memref<384xi32, #tpu.memory_space<vmem>> -> memref<32xi32, #tpu.memory_space<vmem>>
    %dma_start3A_54 = tpu.memref_slice %arg2[%add3A_51] : memref<12288xi32, #tpu.memory_space<hbm>> -> memref<32xi32, #tpu.memory_space<hbm>>
    %dma_start3A_55 = arith.constant 192 : i32
    %dma_start3A_56 = tpu.memref_slice %arg7[%dma_start3A_55] : memref<384xi32, #tpu.memory_space<vmem>> -> memref<32xi32, #tpu.memory_space<vmem>>
    %dma_start3A_57 = tpu.memref_slice %arg2[%add3A_51] : memref<12288xi32, #tpu.memory_space<hbm>> -> memref<32xi32, #tpu.memory_space<hbm>>
    tpu.enqueue_dma source(%dma_start3A_57 : memref<32xi32, #tpu.memory_space<hbm>>) target(%dma_start3A_56 : memref<32xi32, #tpu.memory_space<vmem>>) target_semaphore(%arg39 : memref<!tpu.dma_semaphore, #tpu.memory_space<semaphore_mem>>)
    %add3A_58 = arith.constant 7168 : i32
    %add3A_59 = arith.addi %add3A_58, %mul3A_2 : i32
    %dma_start3A_60 = arith.constant 224 : i32
    %dma_start3A_61 = tpu.memref_slice %arg7[%dma_start3A_60] : memref<384xi32, #tpu.memory_space<vmem>> -> memref<32xi32, #tpu.memory_space<vmem>>
    %dma_start3A_62 = tpu.memref_slice %arg2[%add3A_59] : memref<12288xi32, #tpu.memory_space<hbm>> -> memref<32xi32, #tpu.memory_space<hbm>>
    %dma_start3A_63 = arith.constant 224 : i32
    %dma_start3A_64 = tpu.memref_slice %arg7[%dma_start3A_63] : memref<384xi32, #tpu.memory_space<vmem>> -> memref<32xi32, #tpu.memory_space<vmem>>
    %dma_start3A_65 = tpu.memref_slice %arg2[%add3A_59] : memref<12288xi32, #tpu.memory_space<hbm>> -> memref<32xi32, #tpu.memory_space<hbm>>
    tpu.enqueue_dma source(%dma_start3A_65 : memref<32xi32, #tpu.memory_space<hbm>>) target(%dma_start3A_64 : memref<32xi32, #tpu.memory_space<vmem>>) target_semaphore(%arg39 : memref<!tpu.dma_semaphore, #tpu.memory_space<semaphore_mem>>)
    %add3A_66 = arith.constant 8192 : i32
    %add3A_67 = arith.addi %add3A_66, %mul3A_2 : i32
    %dma_start3A_68 = arith.constant 256 : i32
    %dma_start3A_69 = tpu.memref_slice %arg7[%dma_start3A_68] : memref<384xi32, #tpu.memory_space<vmem>> -> memref<32xi32, #tpu.memory_space<vmem>>
    %dma_start3A_70 = tpu.memref_slice %arg2[%add3A_67] : memref<12288xi32, #tpu.memory_space<hbm>> -> memref<32xi32, #tpu.memory_space<hbm>>
    %dma_start3A_71 = arith.constant 256 : i32
    %dma_start3A_72 = tpu.memref_slice %arg7[%dma_start3A_71] : memref<384xi32, #tpu.memory_space<vmem>> -> memref<32xi32, #tpu.memory_space<vmem>>
    %dma_start3A_73 = tpu.memref_slice %arg2[%add3A_67] : memref<12288xi32, #tpu.memory_space<hbm>> -> memref<32xi32, #tpu.memory_space<hbm>>
    tpu.enqueue_dma source(%dma_start3A_73 : memref<32xi32, #tpu.memory_space<hbm>>) target(%dma_start3A_72 : memref<32xi32, #tpu.memory_space<vmem>>) target_semaphore(%arg39 : memref<!tpu.dma_semaphore, #tpu.memory_space<semaphore_mem>>)
    %add3A_74 = arith.constant 9216 : i32
    %add3A_75 = arith.addi %add3A_74, %mul3A_2 : i32
    %dma_start3A_76 = arith.constant 288 : i32
    %dma_start3A_77 = tpu.memref_slice %arg7[%dma_start3A_76] : memref<384xi32, #tpu.memory_space<vmem>> -> memref<32xi32, #tpu.memory_space<vmem>>
    %dma_start3A_78 = tpu.memref_slice %arg2[%add3A_75] : memref<12288xi32, #tpu.memory_space<hbm>> -> memref<32xi32, #tpu.memory_space<hbm>>
    %dma_start3A_79 = arith.constant 288 : i32
    %dma_start3A_80 = tpu.memref_slice %arg7[%dma_start3A_79] : memref<384xi32, #tpu.memory_space<vmem>> -> memref<32xi32, #tpu.memory_space<vmem>>
    %dma_start3A_81 = tpu.memref_slice %arg2[%add3A_75] : memref<12288xi32, #tpu.memory_space<hbm>> -> memref<32xi32, #tpu.memory_space<hbm>>
    tpu.enqueue_dma source(%dma_start3A_81 : memref<32xi32, #tpu.memory_space<hbm>>) target(%dma_start3A_80 : memref<32xi32, #tpu.memory_space<vmem>>) target_semaphore(%arg39 : memref<!tpu.dma_semaphore, #tpu.memory_space<semaphore_mem>>)
    %add3A_82 = arith.constant 10240 : i32
    %add3A_83 = arith.addi %add3A_82, %mul3A_2 : i32
    %dma_start3A_84 = arith.constant 320 : i32
    %dma_start3A_85 = tpu.memref_slice %arg7[%dma_start3A_84] : memref<384xi32, #tpu.memory_space<vmem>> -> memref<32xi32, #tpu.memory_space<vmem>>
    %dma_start3A_86 = tpu.memref_slice %arg2[%add3A_83] : memref<12288xi32, #tpu.memory_space<hbm>> -> memref<32xi32, #tpu.memory_space<hbm>>
    %dma_start3A_87 = arith.constant 320 : i32
    %dma_start3A_88 = tpu.memref_slice %arg7[%dma_start3A_87] : memref<384xi32, #tpu.memory_space<vmem>> -> memref<32xi32, #tpu.memory_space<vmem>>
    %dma_start3A_89 = tpu.memref_slice %arg2[%add3A_83] : memref<12288xi32, #tpu.memory_space<hbm>> -> memref<32xi32, #tpu.memory_space<hbm>>
    tpu.enqueue_dma source(%dma_start3A_89 : memref<32xi32, #tpu.memory_space<hbm>>) target(%dma_start3A_88 : memref<32xi32, #tpu.memory_space<vmem>>) target_semaphore(%arg39 : memref<!tpu.dma_semaphore, #tpu.memory_space<semaphore_mem>>)
    %add3A_90 = arith.constant 11264 : i32
    %add3A_91 = arith.addi %add3A_90, %mul3A_2 : i32
    %dma_start3A_92 = arith.constant 352 : i32
    %dma_start3A_93 = tpu.memref_slice %arg7[%dma_start3A_92] : memref<384xi32, #tpu.memory_space<vmem>> -> memref<32xi32, #tpu.memory_space<vmem>>
    %dma_start3A_94 = tpu.memref_slice %arg2[%add3A_91] : memref<12288xi32, #tpu.memory_space<hbm>> -> memref<32xi32, #tpu.memory_space<hbm>>
    %dma_start3A_95 = arith.constant 352 : i32
    %dma_start3A_96 = tpu.memref_slice %arg7[%dma_start3A_95] : memref<384xi32, #tpu.memory_space<vmem>> -> memref<32xi32, #tpu.memory_space<vmem>>
    %dma_start3A_97 = tpu.memref_slice %arg2[%add3A_91] : memref<12288xi32, #tpu.memory_space<hbm>> -> memref<32xi32, #tpu.memory_space<hbm>>
    tpu.enqueue_dma source(%dma_start3A_97 : memref<32xi32, #tpu.memory_space<hbm>>) target(%dma_start3A_96 : memref<32xi32, #tpu.memory_space<vmem>>) target_semaphore(%arg39 : memref<!tpu.dma_semaphore, #tpu.memory_space<semaphore_mem>>)
    %dma_wait3A = arith.constant 0 : i32
    %dma_wait3A_98 = tpu.memref_slice %arg2[%dma_wait3A] : memref<12288xi32, #tpu.memory_space<hbm>> -> memref<384xi32, #tpu.memory_space<hbm>>
    %dma_wait3A_99 = arith.constant 0 : i32
    %dma_wait3A_100 = tpu.memref_slice %arg2[%dma_wait3A_99] : memref<12288xi32, #tpu.memory_space<hbm>> -> memref<384xi32, #tpu.memory_space<hbm>>
    tpu.wait_dma2 semaphore(%arg39 : memref<!tpu.dma_semaphore, #tpu.memory_space<semaphore_mem>>) src(%dma_wait3A_100 : memref<384xi32, #tpu.memory_space<hbm>>) dst(%arg7 : memref<384xi32, #tpu.memory_space<vmem>>)
    %dma_start3A_101 = arith.constant 0 : i32
    %dma_start3A_102 = tpu.memref_slice %arg7[%dma_start3A_101] : memref<384xi32, #tpu.memory_space<vmem>> -> memref<32xi32, #tpu.memory_space<vmem>>
    %dma_start3A_103 = arith.constant 0 : i32
    %dma_start3A_104 = arith.constant 0 : i32
    %dma_start3A_105 = tpu.memref_slice %arg4[%dma_start3A_103, %dma_start3A_104] : memref<100000x128xf32, #tpu.memory_space<hbm>> -> memref<100000x128xf32, #tpu.memory_space<hbm>>
    tpu.enqueue_indirect_dma source(%dma_start3A_105 : memref<100000x128xf32, #tpu.memory_space<hbm>>) target(%arg9 : memref<32x128xf32, #tpu.memory_space<vmem>>) offsets(%dma_start3A_102 : memref<32xi32, #tpu.memory_space<vmem>>) semaphore(%arg35 : memref<!tpu.dma_semaphore, #tpu.memory_space<semaphore_mem>>)
    %dma_start3A_106 = arith.constant 32 : i32
    %dma_start3A_107 = tpu.memref_slice %arg7[%dma_start3A_106] : memref<384xi32, #tpu.memory_space<vmem>> -> memref<32xi32, #tpu.memory_space<vmem>>
    %dma_start3A_108 = arith.constant 0 : i32
    %dma_start3A_109 = arith.constant 0 : i32
    %dma_start3A_110 = tpu.memref_slice %arg4[%dma_start3A_108, %dma_start3A_109] : memref<100000x128xf32, #tpu.memory_space<hbm>> -> memref<100000x128xf32, #tpu.memory_space<hbm>>
    tpu.enqueue_indirect_dma source(%dma_start3A_110 : memref<100000x128xf32, #tpu.memory_space<hbm>>) target(%arg10 : memref<32x128xf32, #tpu.memory_space<vmem>>) offsets(%dma_start3A_107 : memref<32xi32, #tpu.memory_space<vmem>>) semaphore(%arg35 : memref<!tpu.dma_semaphore, #tpu.memory_space<semaphore_mem>>)
    %dma_start3A_111 = arith.constant 64 : i32
    %dma_start3A_112 = tpu.memref_slice %arg7[%dma_start3A_111] : memref<384xi32, #tpu.memory_space<vmem>> -> memref<32xi32, #tpu.memory_space<vmem>>
    %dma_start3A_113 = arith.constant 0 : i32
    %dma_start3A_114 = arith.constant 0 : i32
    %dma_start3A_115 = tpu.memref_slice %arg4[%dma_start3A_113, %dma_start3A_114] : memref<100000x128xf32, #tpu.memory_space<hbm>> -> memref<100000x128xf32, #tpu.memory_space<hbm>>
    tpu.enqueue_indirect_dma source(%dma_start3A_115 : memref<100000x128xf32, #tpu.memory_space<hbm>>) target(%arg11 : memref<32x128xf32, #tpu.memory_space<vmem>>) offsets(%dma_start3A_112 : memref<32xi32, #tpu.memory_space<vmem>>) semaphore(%arg35 : memref<!tpu.dma_semaphore, #tpu.memory_space<semaphore_mem>>)
    %dma_start3A_116 = arith.constant 96 : i32
    %dma_start3A_117 = tpu.memref_slice %arg7[%dma_start3A_116] : memref<384xi32, #tpu.memory_space<vmem>> -> memref<32xi32, #tpu.memory_space<vmem>>
    %dma_start3A_118 = arith.constant 0 : i32
    %dma_start3A_119 = arith.constant 0 : i32
    %dma_start3A_120 = tpu.memref_slice %arg4[%dma_start3A_118, %dma_start3A_119] : memref<100000x128xf32, #tpu.memory_space<hbm>> -> memref<100000x128xf32, #tpu.memory_space<hbm>>
    tpu.enqueue_indirect_dma source(%dma_start3A_120 : memref<100000x128xf32, #tpu.memory_space<hbm>>) target(%arg12 : memref<32x128xf32, #tpu.memory_space<vmem>>) offsets(%dma_start3A_117 : memref<32xi32, #tpu.memory_space<vmem>>) semaphore(%arg35 : memref<!tpu.dma_semaphore, #tpu.memory_space<semaphore_mem>>)
    %dma_start3A_121 = arith.constant 128 : i32
    %dma_start3A_122 = tpu.memref_slice %arg7[%dma_start3A_121] : memref<384xi32, #tpu.memory_space<vmem>> -> memref<32xi32, #tpu.memory_space<vmem>>
    %dma_start3A_123 = arith.constant 0 : i32
    %dma_start3A_124 = arith.constant 0 : i32
    %dma_start3A_125 = tpu.memref_slice %arg4[%dma_start3A_123, %dma_start3A_124] : memref<100000x128xf32, #tpu.memory_space<hbm>> -> memref<100000x128xf32, #tpu.memory_space<hbm>>
    tpu.enqueue_indirect_dma source(%dma_start3A_125 : memref<100000x128xf32, #tpu.memory_space<hbm>>) target(%arg13 : memref<32x128xf32, #tpu.memory_space<vmem>>) offsets(%dma_start3A_122 : memref<32xi32, #tpu.memory_space<vmem>>) semaphore(%arg35 : memref<!tpu.dma_semaphore, #tpu.memory_space<semaphore_mem>>)
    %dma_start3A_126 = arith.constant 160 : i32
    %dma_start3A_127 = tpu.memref_slice %arg7[%dma_start3A_126] : memref<384xi32, #tpu.memory_space<vmem>> -> memref<32xi32, #tpu.memory_space<vmem>>
    %dma_start3A_128 = arith.constant 0 : i32
    %dma_start3A_129 = arith.constant 0 : i32
    %dma_start3A_130 = tpu.memref_slice %arg4[%dma_start3A_128, %dma_start3A_129] : memref<100000x128xf32, #tpu.memory_space<hbm>> -> memref<100000x128xf32, #tpu.memory_space<hbm>>
    tpu.enqueue_indirect_dma source(%dma_start3A_130 : memref<100000x128xf32, #tpu.memory_space<hbm>>) target(%arg14 : memref<32x128xf32, #tpu.memory_space<vmem>>) offsets(%dma_start3A_127 : memref<32xi32, #tpu.memory_space<vmem>>) semaphore(%arg35 : memref<!tpu.dma_semaphore, #tpu.memory_space<semaphore_mem>>)
    %dma_start3A_131 = arith.constant 192 : i32
    %dma_start3A_132 = tpu.memref_slice %arg7[%dma_start3A_131] : memref<384xi32, #tpu.memory_space<vmem>> -> memref<32xi32, #tpu.memory_space<vmem>>
    %dma_start3A_133 = arith.constant 0 : i32
    %dma_start3A_134 = arith.constant 0 : i32
    %dma_start3A_135 = tpu.memref_slice %arg4[%dma_start3A_133, %dma_start3A_134] : memref<100000x128xf32, #tpu.memory_space<hbm>> -> memref<100000x128xf32, #tpu.memory_space<hbm>>
    tpu.enqueue_indirect_dma source(%dma_start3A_135 : memref<100000x128xf32, #tpu.memory_space<hbm>>) target(%arg15 : memref<32x128xf32, #tpu.memory_space<vmem>>) offsets(%dma_start3A_132 : memref<32xi32, #tpu.memory_space<vmem>>) semaphore(%arg35 : memref<!tpu.dma_semaphore, #tpu.memory_space<semaphore_mem>>)
    %dma_start3A_136 = arith.constant 224 : i32
    %dma_start3A_137 = tpu.memref_slice %arg7[%dma_start3A_136] : memref<384xi32, #tpu.memory_space<vmem>> -> memref<32xi32, #tpu.memory_space<vmem>>
    %dma_start3A_138 = arith.constant 0 : i32
    %dma_start3A_139 = arith.constant 0 : i32
    %dma_start3A_140 = tpu.memref_slice %arg4[%dma_start3A_138, %dma_start3A_139] : memref<100000x128xf32, #tpu.memory_space<hbm>> -> memref<100000x128xf32, #tpu.memory_space<hbm>>
    tpu.enqueue_indirect_dma source(%dma_start3A_140 : memref<100000x128xf32, #tpu.memory_space<hbm>>) target(%arg16 : memref<32x128xf32, #tpu.memory_space<vmem>>) offsets(%dma_start3A_137 : memref<32xi32, #tpu.memory_space<vmem>>) semaphore(%arg35 : memref<!tpu.dma_semaphore, #tpu.memory_space<semaphore_mem>>)
    %dma_start3A_141 = arith.constant 256 : i32
    %dma_start3A_142 = tpu.memref_slice %arg7[%dma_start3A_141] : memref<384xi32, #tpu.memory_space<vmem>> -> memref<32xi32, #tpu.memory_space<vmem>>
    %dma_start3A_143 = arith.constant 0 : i32
    %dma_start3A_144 = arith.constant 0 : i32
    %dma_start3A_145 = tpu.memref_slice %arg4[%dma_start3A_143, %dma_start3A_144] : memref<100000x128xf32, #tpu.memory_space<hbm>> -> memref<100000x128xf32, #tpu.memory_space<hbm>>
    tpu.enqueue_indirect_dma source(%dma_start3A_145 : memref<100000x128xf32, #tpu.memory_space<hbm>>) target(%arg17 : memref<32x128xf32, #tpu.memory_space<vmem>>) offsets(%dma_start3A_142 : memref<32xi32, #tpu.memory_space<vmem>>) semaphore(%arg35 : memref<!tpu.dma_semaphore, #tpu.memory_space<semaphore_mem>>)
    %dma_start3A_146 = arith.constant 288 : i32
    %dma_start3A_147 = tpu.memref_slice %arg7[%dma_start3A_146] : memref<384xi32, #tpu.memory_space<vmem>> -> memref<32xi32, #tpu.memory_space<vmem>>
    %dma_start3A_148 = arith.constant 0 : i32
    %dma_start3A_149 = arith.constant 0 : i32
    %dma_start3A_150 = tpu.memref_slice %arg4[%dma_start3A_148, %dma_start3A_149] : memref<100000x128xf32, #tpu.memory_space<hbm>> -> memref<100000x128xf32, #tpu.memory_space<hbm>>
    tpu.enqueue_indirect_dma source(%dma_start3A_150 : memref<100000x128xf32, #tpu.memory_space<hbm>>) target(%arg18 : memref<32x128xf32, #tpu.memory_space<vmem>>) offsets(%dma_start3A_147 : memref<32xi32, #tpu.memory_space<vmem>>) semaphore(%arg35 : memref<!tpu.dma_semaphore, #tpu.memory_space<semaphore_mem>>)
    %dma_start3A_151 = arith.constant 320 : i32
    %dma_start3A_152 = tpu.memref_slice %arg7[%dma_start3A_151] : memref<384xi32, #tpu.memory_space<vmem>> -> memref<32xi32, #tpu.memory_space<vmem>>
    %dma_start3A_153 = arith.constant 0 : i32
    %dma_start3A_154 = arith.constant 0 : i32
    %dma_start3A_155 = tpu.memref_slice %arg4[%dma_start3A_153, %dma_start3A_154] : memref<100000x128xf32, #tpu.memory_space<hbm>> -> memref<100000x128xf32, #tpu.memory_space<hbm>>
    tpu.enqueue_indirect_dma source(%dma_start3A_155 : memref<100000x128xf32, #tpu.memory_space<hbm>>) target(%arg19 : memref<32x128xf32, #tpu.memory_space<vmem>>) offsets(%dma_start3A_152 : memref<32xi32, #tpu.memory_space<vmem>>) semaphore(%arg35 : memref<!tpu.dma_semaphore, #tpu.memory_space<semaphore_mem>>)
    %dma_start3A_156 = arith.constant 352 : i32
    %dma_start3A_157 = tpu.memref_slice %arg7[%dma_start3A_156] : memref<384xi32, #tpu.memory_space<vmem>> -> memref<32xi32, #tpu.memory_space<vmem>>
    %dma_start3A_158 = arith.constant 0 : i32
    %dma_start3A_159 = arith.constant 0 : i32
    %dma_start3A_160 = tpu.memref_slice %arg4[%dma_start3A_158, %dma_start3A_159] : memref<100000x128xf32, #tpu.memory_space<hbm>> -> memref<100000x128xf32, #tpu.memory_space<hbm>>
    tpu.enqueue_indirect_dma source(%dma_start3A_160 : memref<100000x128xf32, #tpu.memory_space<hbm>>) target(%arg20 : memref<32x128xf32, #tpu.memory_space<vmem>>) offsets(%dma_start3A_157 : memref<32xi32, #tpu.memory_space<vmem>>) semaphore(%arg35 : memref<!tpu.dma_semaphore, #tpu.memory_space<semaphore_mem>>)
    %scan3A = arith.constant 0 : i32
    %scan3A_161 = arith.constant 0 : i32
    %scan3A_162 = arith.constant 240 : i32
    %scan3A_163 = arith.addi %scan3A_161, %scan3A_162 : i32
    %scan3A_164 = arith.constant 1 : i32
    %scan3A_165 = scf.for %scan3A_333 = %scan3A_161 to %scan3A_163 step %scan3A_164 iter_args(%scan3A_334 = %scan3A) -> (i32)  : i32 {
      %mul3A_335 = arith.constant 1024 : i32
      %mul3A_336 = arith.muli %scan3A_333, %mul3A_335 : i32
      %add3A_337 = arith.addi %mul3A_336, %mul3A_2 : i32
      %mul3A_338 = arith.constant 32 : i32
      %mul3A_339 = arith.muli %scan3A_333, %mul3A_338 : i32
      %dma_start3A_340 = tpu.memref_slice %arg8[%mul3A_339] : memref<7680xi32, #tpu.memory_space<vmem>> -> memref<32xi32, #tpu.memory_space<vmem>>
      %dma_start3A_341 = tpu.memref_slice %arg3[%add3A_337] : memref<245760xi32, #tpu.memory_space<hbm>> -> memref<32xi32, #tpu.memory_space<hbm>>
      %dma_start3A_342 = tpu.memref_slice %arg8[%mul3A_339] : memref<7680xi32, #tpu.memory_space<vmem>> -> memref<32xi32, #tpu.memory_space<vmem>>
      %dma_start3A_343 = tpu.memref_slice %arg3[%add3A_337] : memref<245760xi32, #tpu.memory_space<hbm>> -> memref<32xi32, #tpu.memory_space<hbm>>
      tpu.enqueue_dma source(%dma_start3A_343 : memref<32xi32, #tpu.memory_space<hbm>>) target(%dma_start3A_342 : memref<32xi32, #tpu.memory_space<vmem>>) target_semaphore(%arg39 : memref<!tpu.dma_semaphore, #tpu.memory_space<semaphore_mem>>)
      %scan3A_344 = arith.constant 0 : i32
      scf.yield %scan3A_344 : i32
    }
    %scan3A_166 = arith.constant 240 : i32
    %dma_wait3A_167 = arith.constant 0 : i32
    %dma_wait3A_168 = tpu.memref_slice %arg3[%dma_wait3A_167] : memref<245760xi32, #tpu.memory_space<hbm>> -> memref<7680xi32, #tpu.memory_space<hbm>>
    %dma_wait3A_169 = arith.constant 0 : i32
    %dma_wait3A_170 = tpu.memref_slice %arg3[%dma_wait3A_169] : memref<245760xi32, #tpu.memory_space<hbm>> -> memref<7680xi32, #tpu.memory_space<hbm>>
    tpu.wait_dma2 semaphore(%arg39 : memref<!tpu.dma_semaphore, #tpu.memory_space<semaphore_mem>>) src(%dma_wait3A_170 : memref<7680xi32, #tpu.memory_space<hbm>>) dst(%arg8 : memref<7680xi32, #tpu.memory_space<vmem>>)
    %dma_start3A_171 = arith.constant 0 : i32
    %dma_start3A_172 = tpu.memref_slice %arg8[%dma_start3A_171] : memref<7680xi32, #tpu.memory_space<vmem>> -> memref<32xi32, #tpu.memory_space<vmem>>
    %dma_start3A_173 = arith.constant 0 : i32
    %dma_start3A_174 = arith.constant 0 : i32
    %dma_start3A_175 = tpu.memref_slice %arg4[%dma_start3A_173, %dma_start3A_174] : memref<100000x128xf32, #tpu.memory_space<hbm>> -> memref<100000x128xf32, #tpu.memory_space<hbm>>
    tpu.enqueue_indirect_dma source(%dma_start3A_175 : memref<100000x128xf32, #tpu.memory_space<hbm>>) target(%arg21 : memref<32x128xf32, #tpu.memory_space<vmem>>) offsets(%dma_start3A_172 : memref<32xi32, #tpu.memory_space<vmem>>) semaphore(%arg36 : memref<!tpu.dma_semaphore, #tpu.memory_space<semaphore_mem>>)
    %dma_start3A_176 = arith.constant 32 : i32
    %dma_start3A_177 = tpu.memref_slice %arg8[%dma_start3A_176] : memref<7680xi32, #tpu.memory_space<vmem>> -> memref<32xi32, #tpu.memory_space<vmem>>
    %dma_start3A_178 = arith.constant 0 : i32
    %dma_start3A_179 = arith.constant 0 : i32
    %dma_start3A_180 = tpu.memref_slice %arg4[%dma_start3A_178, %dma_start3A_179] : memref<100000x128xf32, #tpu.memory_space<hbm>> -> memref<100000x128xf32, #tpu.memory_space<hbm>>
    tpu.enqueue_indirect_dma source(%dma_start3A_180 : memref<100000x128xf32, #tpu.memory_space<hbm>>) target(%arg22 : memref<32x128xf32, #tpu.memory_space<vmem>>) offsets(%dma_start3A_177 : memref<32xi32, #tpu.memory_space<vmem>>) semaphore(%arg36 : memref<!tpu.dma_semaphore, #tpu.memory_space<semaphore_mem>>)
    %dma_start3A_181 = arith.constant 64 : i32
    %dma_start3A_182 = tpu.memref_slice %arg8[%dma_start3A_181] : memref<7680xi32, #tpu.memory_space<vmem>> -> memref<32xi32, #tpu.memory_space<vmem>>
    %dma_start3A_183 = arith.constant 0 : i32
    %dma_start3A_184 = arith.constant 0 : i32
    %dma_start3A_185 = tpu.memref_slice %arg4[%dma_start3A_183, %dma_start3A_184] : memref<100000x128xf32, #tpu.memory_space<hbm>> -> memref<100000x128xf32, #tpu.memory_space<hbm>>
    tpu.enqueue_indirect_dma source(%dma_start3A_185 : memref<100000x128xf32, #tpu.memory_space<hbm>>) target(%arg23 : memref<32x128xf32, #tpu.memory_space<vmem>>) offsets(%dma_start3A_182 : memref<32xi32, #tpu.memory_space<vmem>>) semaphore(%arg36 : memref<!tpu.dma_semaphore, #tpu.memory_space<semaphore_mem>>)
    %dma_start3A_186 = arith.constant 96 : i32
    %dma_start3A_187 = tpu.memref_slice %arg8[%dma_start3A_186] : memref<7680xi32, #tpu.memory_space<vmem>> -> memref<32xi32, #tpu.memory_space<vmem>>
    %dma_start3A_188 = arith.constant 0 : i32
    %dma_start3A_189 = arith.constant 0 : i32
    %dma_start3A_190 = tpu.memref_slice %arg4[%dma_start3A_188, %dma_start3A_189] : memref<100000x128xf32, #tpu.memory_space<hbm>> -> memref<100000x128xf32, #tpu.memory_space<hbm>>
    tpu.enqueue_indirect_dma source(%dma_start3A_190 : memref<100000x128xf32, #tpu.memory_space<hbm>>) target(%arg24 : memref<32x128xf32, #tpu.memory_space<vmem>>) offsets(%dma_start3A_187 : memref<32xi32, #tpu.memory_space<vmem>>) semaphore(%arg36 : memref<!tpu.dma_semaphore, #tpu.memory_space<semaphore_mem>>)
    %dma_start3A_191 = arith.constant 128 : i32
    %dma_start3A_192 = tpu.memref_slice %arg8[%dma_start3A_191] : memref<7680xi32, #tpu.memory_space<vmem>> -> memref<32xi32, #tpu.memory_space<vmem>>
    %dma_start3A_193 = arith.constant 0 : i32
    %dma_start3A_194 = arith.constant 0 : i32
    %dma_start3A_195 = tpu.memref_slice %arg4[%dma_start3A_193, %dma_start3A_194] : memref<100000x128xf32, #tpu.memory_space<hbm>> -> memref<100000x128xf32, #tpu.memory_space<hbm>>
    tpu.enqueue_indirect_dma source(%dma_start3A_195 : memref<100000x128xf32, #tpu.memory_space<hbm>>) target(%arg25 : memref<32x128xf32, #tpu.memory_space<vmem>>) offsets(%dma_start3A_192 : memref<32xi32, #tpu.memory_space<vmem>>) semaphore(%arg36 : memref<!tpu.dma_semaphore, #tpu.memory_space<semaphore_mem>>)
    %dma_start3A_196 = arith.constant 160 : i32
    %dma_start3A_197 = tpu.memref_slice %arg8[%dma_start3A_196] : memref<7680xi32, #tpu.memory_space<vmem>> -> memref<32xi32, #tpu.memory_space<vmem>>
    %dma_start3A_198 = arith.constant 0 : i32
    %dma_start3A_199 = arith.constant 0 : i32
    %dma_start3A_200 = tpu.memref_slice %arg4[%dma_start3A_198, %dma_start3A_199] : memref<100000x128xf32, #tpu.memory_space<hbm>> -> memref<100000x128xf32, #tpu.memory_space<hbm>>
    tpu.enqueue_indirect_dma source(%dma_start3A_200 : memref<100000x128xf32, #tpu.memory_space<hbm>>) target(%arg26 : memref<32x128xf32, #tpu.memory_space<vmem>>) offsets(%dma_start3A_197 : memref<32xi32, #tpu.memory_space<vmem>>) semaphore(%arg36 : memref<!tpu.dma_semaphore, #tpu.memory_space<semaphore_mem>>)
    %dma_start3A_201 = arith.constant 192 : i32
    %dma_start3A_202 = tpu.memref_slice %arg8[%dma_start3A_201] : memref<7680xi32, #tpu.memory_space<vmem>> -> memref<32xi32, #tpu.memory_space<vmem>>
    %dma_start3A_203 = arith.constant 0 : i32
    %dma_start3A_204 = arith.constant 0 : i32
    %dma_start3A_205 = tpu.memref_slice %arg4[%dma_start3A_203, %dma_start3A_204] : memref<100000x128xf32, #tpu.memory_space<hbm>> -> memref<100000x128xf32, #tpu.memory_space<hbm>>
    tpu.enqueue_indirect_dma source(%dma_start3A_205 : memref<100000x128xf32, #tpu.memory_space<hbm>>) target(%arg27 : memref<32x128xf32, #tpu.memory_space<vmem>>) offsets(%dma_start3A_202 : memref<32xi32, #tpu.memory_space<vmem>>) semaphore(%arg36 : memref<!tpu.dma_semaphore, #tpu.memory_space<semaphore_mem>>)
    %dma_start3A_206 = arith.constant 224 : i32
    %dma_start3A_207 = tpu.memref_slice %arg8[%dma_start3A_206] : memref<7680xi32, #tpu.memory_space<vmem>> -> memref<32xi32, #tpu.memory_space<vmem>>
    %dma_start3A_208 = arith.constant 0 : i32
    %dma_start3A_209 = arith.constant 0 : i32
    %dma_start3A_210 = tpu.memref_slice %arg4[%dma_start3A_208, %dma_start3A_209] : memref<100000x128xf32, #tpu.memory_space<hbm>> -> memref<100000x128xf32, #tpu.memory_space<hbm>>
    tpu.enqueue_indirect_dma source(%dma_start3A_210 : memref<100000x128xf32, #tpu.memory_space<hbm>>) target(%arg28 : memref<32x128xf32, #tpu.memory_space<vmem>>) offsets(%dma_start3A_207 : memref<32xi32, #tpu.memory_space<vmem>>) semaphore(%arg36 : memref<!tpu.dma_semaphore, #tpu.memory_space<semaphore_mem>>)
    %dma_start3A_211 = arith.constant 256 : i32
    %dma_start3A_212 = tpu.memref_slice %arg8[%dma_start3A_211] : memref<7680xi32, #tpu.memory_space<vmem>> -> memref<32xi32, #tpu.memory_space<vmem>>
    %dma_start3A_213 = arith.constant 0 : i32
    %dma_start3A_214 = arith.constant 0 : i32
    %dma_start3A_215 = tpu.memref_slice %arg4[%dma_start3A_213, %dma_start3A_214] : memref<100000x128xf32, #tpu.memory_space<hbm>> -> memref<100000x128xf32, #tpu.memory_space<hbm>>
    tpu.enqueue_indirect_dma source(%dma_start3A_215 : memref<100000x128xf32, #tpu.memory_space<hbm>>) target(%arg29 : memref<32x128xf32, #tpu.memory_space<vmem>>) offsets(%dma_start3A_212 : memref<32xi32, #tpu.memory_space<vmem>>) semaphore(%arg36 : memref<!tpu.dma_semaphore, #tpu.memory_space<semaphore_mem>>)
    %dma_start3A_216 = arith.constant 288 : i32
    %dma_start3A_217 = tpu.memref_slice %arg8[%dma_start3A_216] : memref<7680xi32, #tpu.memory_space<vmem>> -> memref<32xi32, #tpu.memory_space<vmem>>
    %dma_start3A_218 = arith.constant 0 : i32
    %dma_start3A_219 = arith.constant 0 : i32
    %dma_start3A_220 = tpu.memref_slice %arg4[%dma_start3A_218, %dma_start3A_219] : memref<100000x128xf32, #tpu.memory_space<hbm>> -> memref<100000x128xf32, #tpu.memory_space<hbm>>
    tpu.enqueue_indirect_dma source(%dma_start3A_220 : memref<100000x128xf32, #tpu.memory_space<hbm>>) target(%arg30 : memref<32x128xf32, #tpu.memory_space<vmem>>) offsets(%dma_start3A_217 : memref<32xi32, #tpu.memory_space<vmem>>) semaphore(%arg36 : memref<!tpu.dma_semaphore, #tpu.memory_space<semaphore_mem>>)
    %dma_start3A_221 = arith.constant 320 : i32
    %dma_start3A_222 = tpu.memref_slice %arg8[%dma_start3A_221] : memref<7680xi32, #tpu.memory_space<vmem>> -> memref<32xi32, #tpu.memory_space<vmem>>
    %dma_start3A_223 = arith.constant 0 : i32
    %dma_start3A_224 = arith.constant 0 : i32
    %dma_start3A_225 = tpu.memref_slice %arg4[%dma_start3A_223, %dma_start3A_224] : memref<100000x128xf32, #tpu.memory_space<hbm>> -> memref<100000x128xf32, #tpu.memory_space<hbm>>
    tpu.enqueue_indirect_dma source(%dma_start3A_225 : memref<100000x128xf32, #tpu.memory_space<hbm>>) target(%arg31 : memref<32x128xf32, #tpu.memory_space<vmem>>) offsets(%dma_start3A_222 : memref<32xi32, #tpu.memory_space<vmem>>) semaphore(%arg36 : memref<!tpu.dma_semaphore, #tpu.memory_space<semaphore_mem>>)
    %dma_start3A_226 = arith.constant 352 : i32
    %dma_start3A_227 = tpu.memref_slice %arg8[%dma_start3A_226] : memref<7680xi32, #tpu.memory_space<vmem>> -> memref<32xi32, #tpu.memory_space<vmem>>
    %dma_start3A_228 = arith.constant 0 : i32
    %dma_start3A_229 = arith.constant 0 : i32
    %dma_start3A_230 = tpu.memref_slice %arg4[%dma_start3A_228, %dma_start3A_229] : memref<100000x128xf32, #tpu.memory_space<hbm>> -> memref<100000x128xf32, #tpu.memory_space<hbm>>
    tpu.enqueue_indirect_dma source(%dma_start3A_230 : memref<100000x128xf32, #tpu.memory_space<hbm>>) target(%arg32 : memref<32x128xf32, #tpu.memory_space<vmem>>) offsets(%dma_start3A_227 : memref<32xi32, #tpu.memory_space<vmem>>) semaphore(%arg36 : memref<!tpu.dma_semaphore, #tpu.memory_space<semaphore_mem>>)
    %dma_wait3A_231 = arith.constant 0 : i32
    %dma_wait3A_232 = arith.constant 0 : i32
    %dma_wait3A_233 = tpu.memref_slice %arg4[%dma_wait3A_231, %dma_wait3A_232] : memref<100000x128xf32, #tpu.memory_space<hbm>> -> memref<32x128xf32, #tpu.memory_space<hbm>>
    %dma_wait3A_234 = arith.constant 0 : i32
    %dma_wait3A_235 = arith.constant 0 : i32
    %dma_wait3A_236 = tpu.memref_slice %arg4[%dma_wait3A_234, %dma_wait3A_235] : memref<100000x128xf32, #tpu.memory_space<hbm>> -> memref<32x128xf32, #tpu.memory_space<hbm>>
    tpu.wait_dma2 semaphore(%arg35 : memref<!tpu.dma_semaphore, #tpu.memory_space<semaphore_mem>>) src(%dma_wait3A_236 : memref<32x128xf32, #tpu.memory_space<hbm>>) dst(%arg9 : memref<32x128xf32, #tpu.memory_space<vmem>>)
    %dma_wait3A_237 = arith.constant 0 : i32
    %dma_wait3A_238 = arith.constant 0 : i32
    %dma_wait3A_239 = tpu.memref_slice %arg4[%dma_wait3A_237, %dma_wait3A_238] : memref<100000x128xf32, #tpu.memory_space<hbm>> -> memref<32x128xf32, #tpu.memory_space<hbm>>
    %dma_wait3A_240 = arith.constant 0 : i32
    %dma_wait3A_241 = arith.constant 0 : i32
    %dma_wait3A_242 = tpu.memref_slice %arg4[%dma_wait3A_240, %dma_wait3A_241] : memref<100000x128xf32, #tpu.memory_space<hbm>> -> memref<32x128xf32, #tpu.memory_space<hbm>>
    tpu.wait_dma2 semaphore(%arg35 : memref<!tpu.dma_semaphore, #tpu.memory_space<semaphore_mem>>) src(%dma_wait3A_242 : memref<32x128xf32, #tpu.memory_space<hbm>>) dst(%arg10 : memref<32x128xf32, #tpu.memory_space<vmem>>)
    %dma_wait3A_243 = arith.constant 0 : i32
    %dma_wait3A_244 = arith.constant 0 : i32
    %dma_wait3A_245 = tpu.memref_slice %arg4[%dma_wait3A_243, %dma_wait3A_244] : memref<100000x128xf32, #tpu.memory_space<hbm>> -> memref<32x128xf32, #tpu.memory_space<hbm>>
    %dma_wait3A_246 = arith.constant 0 : i32
    %dma_wait3A_247 = arith.constant 0 : i32
    %dma_wait3A_248 = tpu.memref_slice %arg4[%dma_wait3A_246, %dma_wait3A_247] : memref<100000x128xf32, #tpu.memory_space<hbm>> -> memref<32x128xf32, #tpu.memory_space<hbm>>
    tpu.wait_dma2 semaphore(%arg35 : memref<!tpu.dma_semaphore, #tpu.memory_space<semaphore_mem>>) src(%dma_wait3A_248 : memref<32x128xf32, #tpu.memory_space<hbm>>) dst(%arg11 : memref<32x128xf32, #tpu.memory_space<vmem>>)
    %dma_wait3A_249 = arith.constant 0 : i32
    %dma_wait3A_250 = arith.constant 0 : i32
    %dma_wait3A_251 = tpu.memref_slice %arg4[%dma_wait3A_249, %dma_wait3A_250] : memref<100000x128xf32, #tpu.memory_space<hbm>> -> memref<32x128xf32, #tpu.memory_space<hbm>>
    %dma_wait3A_252 = arith.constant 0 : i32
    %dma_wait3A_253 = arith.constant 0 : i32
    %dma_wait3A_254 = tpu.memref_slice %arg4[%dma_wait3A_252, %dma_wait3A_253] : memref<100000x128xf32, #tpu.memory_space<hbm>> -> memref<32x128xf32, #tpu.memory_space<hbm>>
    tpu.wait_dma2 semaphore(%arg35 : memref<!tpu.dma_semaphore, #tpu.memory_space<semaphore_mem>>) src(%dma_wait3A_254 : memref<32x128xf32, #tpu.memory_space<hbm>>) dst(%arg12 : memref<32x128xf32, #tpu.memory_space<vmem>>)
    %dma_wait3A_255 = arith.constant 0 : i32
    %dma_wait3A_256 = arith.constant 0 : i32
    %dma_wait3A_257 = tpu.memref_slice %arg4[%dma_wait3A_255, %dma_wait3A_256] : memref<100000x128xf32, #tpu.memory_space<hbm>> -> memref<32x128xf32, #tpu.memory_space<hbm>>
    %dma_wait3A_258 = arith.constant 0 : i32
    %dma_wait3A_259 = arith.constant 0 : i32
    %dma_wait3A_260 = tpu.memref_slice %arg4[%dma_wait3A_258, %dma_wait3A_259] : memref<100000x128xf32, #tpu.memory_space<hbm>> -> memref<32x128xf32, #tpu.memory_space<hbm>>
    tpu.wait_dma2 semaphore(%arg35 : memref<!tpu.dma_semaphore, #tpu.memory_space<semaphore_mem>>) src(%dma_wait3A_260 : memref<32x128xf32, #tpu.memory_space<hbm>>) dst(%arg13 : memref<32x128xf32, #tpu.memory_space<vmem>>)
    %dma_wait3A_261 = arith.constant 0 : i32
    %dma_wait3A_262 = arith.constant 0 : i32
    %dma_wait3A_263 = tpu.memref_slice %arg4[%dma_wait3A_261, %dma_wait3A_262] : memref<100000x128xf32, #tpu.memory_space<hbm>> -> memref<32x128xf32, #tpu.memory_space<hbm>>
    %dma_wait3A_264 = arith.constant 0 : i32
    %dma_wait3A_265 = arith.constant 0 : i32
    %dma_wait3A_266 = tpu.memref_slice %arg4[%dma_wait3A_264, %dma_wait3A_265] : memref<100000x128xf32, #tpu.memory_space<hbm>> -> memref<32x128xf32, #tpu.memory_space<hbm>>
    tpu.wait_dma2 semaphore(%arg35 : memref<!tpu.dma_semaphore, #tpu.memory_space<semaphore_mem>>) src(%dma_wait3A_266 : memref<32x128xf32, #tpu.memory_space<hbm>>) dst(%arg14 : memref<32x128xf32, #tpu.memory_space<vmem>>)
    %dma_wait3A_267 = arith.constant 0 : i32
    %dma_wait3A_268 = arith.constant 0 : i32
    %dma_wait3A_269 = tpu.memref_slice %arg4[%dma_wait3A_267, %dma_wait3A_268] : memref<100000x128xf32, #tpu.memory_space<hbm>> -> memref<32x128xf32, #tpu.memory_space<hbm>>
    %dma_wait3A_270 = arith.constant 0 : i32
    %dma_wait3A_271 = arith.constant 0 : i32
    %dma_wait3A_272 = tpu.memref_slice %arg4[%dma_wait3A_270, %dma_wait3A_271] : memref<100000x128xf32, #tpu.memory_space<hbm>> -> memref<32x128xf32, #tpu.memory_space<hbm>>
    tpu.wait_dma2 semaphore(%arg35 : memref<!tpu.dma_semaphore, #tpu.memory_space<semaphore_mem>>) src(%dma_wait3A_272 : memref<32x128xf32, #tpu.memory_space<hbm>>) dst(%arg15 : memref<32x128xf32, #tpu.memory_space<vmem>>)
    %dma_wait3A_273 = arith.constant 0 : i32
    %dma_wait3A_274 = arith.constant 0 : i32
    %dma_wait3A_275 = tpu.memref_slice %arg4[%dma_wait3A_273, %dma_wait3A_274] : memref<100000x128xf32, #tpu.memory_space<hbm>> -> memref<32x128xf32, #tpu.memory_space<hbm>>
    %dma_wait3A_276 = arith.constant 0 : i32
    %dma_wait3A_277 = arith.constant 0 : i32
    %dma_wait3A_278 = tpu.memref_slice %arg4[%dma_wait3A_276, %dma_wait3A_277] : memref<100000x128xf32, #tpu.memory_space<hbm>> -> memref<32x128xf32, #tpu.memory_space<hbm>>
    tpu.wait_dma2 semaphore(%arg35 : memref<!tpu.dma_semaphore, #tpu.memory_space<semaphore_mem>>) src(%dma_wait3A_278 : memref<32x128xf32, #tpu.memory_space<hbm>>) dst(%arg16 : memref<32x128xf32, #tpu.memory_space<vmem>>)
    %dma_wait3A_279 = arith.constant 0 : i32
    %dma_wait3A_280 = arith.constant 0 : i32
    %dma_wait3A_281 = tpu.memref_slice %arg4[%dma_wait3A_279, %dma_wait3A_280] : memref<100000x128xf32, #tpu.memory_space<hbm>> -> memref<32x128xf32, #tpu.memory_space<hbm>>
    %dma_wait3A_282 = arith.constant 0 : i32
    %dma_wait3A_283 = arith.constant 0 : i32
    %dma_wait3A_284 = tpu.memref_slice %arg4[%dma_wait3A_282, %dma_wait3A_283] : memref<100000x128xf32, #tpu.memory_space<hbm>> -> memref<32x128xf32, #tpu.memory_space<hbm>>
    tpu.wait_dma2 semaphore(%arg35 : memref<!tpu.dma_semaphore, #tpu.memory_space<semaphore_mem>>) src(%dma_wait3A_284 : memref<32x128xf32, #tpu.memory_space<hbm>>) dst(%arg17 : memref<32x128xf32, #tpu.memory_space<vmem>>)
    %dma_wait3A_285 = arith.constant 0 : i32
    %dma_wait3A_286 = arith.constant 0 : i32
    %dma_wait3A_287 = tpu.memref_slice %arg4[%dma_wait3A_285, %dma_wait3A_286] : memref<100000x128xf32, #tpu.memory_space<hbm>> -> memref<32x128xf32, #tpu.memory_space<hbm>>
    %dma_wait3A_288 = arith.constant 0 : i32
    %dma_wait3A_289 = arith.constant 0 : i32
    %dma_wait3A_290 = tpu.memref_slice %arg4[%dma_wait3A_288, %dma_wait3A_289] : memref<100000x128xf32, #tpu.memory_space<hbm>> -> memref<32x128xf32, #tpu.memory_space<hbm>>
    tpu.wait_dma2 semaphore(%arg35 : memref<!tpu.dma_semaphore, #tpu.memory_space<semaphore_mem>>) src(%dma_wait3A_290 : memref<32x128xf32, #tpu.memory_space<hbm>>) dst(%arg18 : memref<32x128xf32, #tpu.memory_space<vmem>>)
    %dma_wait3A_291 = arith.constant 0 : i32
    %dma_wait3A_292 = arith.constant 0 : i32
    %dma_wait3A_293 = tpu.memref_slice %arg4[%dma_wait3A_291, %dma_wait3A_292] : memref<100000x128xf32, #tpu.memory_space<hbm>> -> memref<32x128xf32, #tpu.memory_space<hbm>>
    %dma_wait3A_294 = arith.constant 0 : i32
    %dma_wait3A_295 = arith.constant 0 : i32
    %dma_wait3A_296 = tpu.memref_slice %arg4[%dma_wait3A_294, %dma_wait3A_295] : memref<100000x128xf32, #tpu.memory_space<hbm>> -> memref<32x128xf32, #tpu.memory_space<hbm>>
    tpu.wait_dma2 semaphore(%arg35 : memref<!tpu.dma_semaphore, #tpu.memory_space<semaphore_mem>>) src(%dma_wait3A_296 : memref<32x128xf32, #tpu.memory_space<hbm>>) dst(%arg19 : memref<32x128xf32, #tpu.memory_space<vmem>>)
    %dma_wait3A_297 = arith.constant 0 : i32
    %dma_wait3A_298 = arith.constant 0 : i32
    %dma_wait3A_299 = tpu.memref_slice %arg4[%dma_wait3A_297, %dma_wait3A_298] : memref<100000x128xf32, #tpu.memory_space<hbm>> -> memref<32x128xf32, #tpu.memory_space<hbm>>
    %dma_wait3A_300 = arith.constant 0 : i32
    %dma_wait3A_301 = arith.constant 0 : i32
    %dma_wait3A_302 = tpu.memref_slice %arg4[%dma_wait3A_300, %dma_wait3A_301] : memref<100000x128xf32, #tpu.memory_space<hbm>> -> memref<32x128xf32, #tpu.memory_space<hbm>>
    tpu.wait_dma2 semaphore(%arg35 : memref<!tpu.dma_semaphore, #tpu.memory_space<semaphore_mem>>) src(%dma_wait3A_302 : memref<32x128xf32, #tpu.memory_space<hbm>>) dst(%arg20 : memref<32x128xf32, #tpu.memory_space<vmem>>)
    %scan3A_303 = arith.constant 0 : i32
    %scan3A_304 = arith.constant 0 : i32
    %scan3A_305 = arith.constant 32 : i32
    %scan3A_306 = arith.addi %scan3A_304, %scan3A_305 : i32
    %scan3A_307 = arith.constant 1 : i32
    %scan3A_308 = scf.for %scan3A_333 = %scan3A_304 to %scan3A_306 step %scan3A_307 iter_args(%scan3A_334 = %scan3A_303) -> (i32)  : i32 {
      %get3A = arith.index_cast %scan3A_333 : i32 to index
      %get3A_335 = arith.constant 0 : index
      %get3A_336 = tpu.vector_load %arg9[%get3A, %get3A_335] {strides = array<i32>} : memref<32x128xf32, #tpu.memory_space<vmem>>, vector<1x16xf32>,
      %get3A_337 = vector.shape_cast %get3A_336 : vector<1x16xf32> to vector<16xf32>
      %get3A_338 = arith.index_cast %scan3A_333 : i32 to index
      %get3A_339 = arith.constant 0 : index
      %get3A_340 = tpu.vector_load %arg10[%get3A_338, %get3A_339] {strides = array<i32>} : memref<32x128xf32, #tpu.memory_space<vmem>>, vector<1x16xf32>,
      %get3A_341 = vector.shape_cast %get3A_340 : vector<1x16xf32> to vector<16xf32>
      %add3A_342 = arith.addf %get3A_337, %get3A_341 : vector<16xf32>
      %get3A_343 = arith.index_cast %scan3A_333 : i32 to index
      %get3A_344 = arith.constant 0 : index
      %get3A_345 = tpu.vector_load %arg11[%get3A_343, %get3A_344] {strides = array<i32>} : memref<32x128xf32, #tpu.memory_space<vmem>>, vector<1x16xf32>,
      %get3A_346 = vector.shape_cast %get3A_345 : vector<1x16xf32> to vector<16xf32>
      %add3A_347 = arith.addf %add3A_342, %get3A_346 : vector<16xf32>
      %get3A_348 = arith.index_cast %scan3A_333 : i32 to index
      %get3A_349 = arith.constant 0 : index
      %get3A_350 = tpu.vector_load %arg12[%get3A_348, %get3A_349] {strides = array<i32>} : memref<32x128xf32, #tpu.memory_space<vmem>>, vector<1x16xf32>,
      %get3A_351 = vector.shape_cast %get3A_350 : vector<1x16xf32> to vector<16xf32>
      %add3A_352 = arith.addf %add3A_347, %get3A_351 : vector<16xf32>
      %get3A_353 = arith.index_cast %scan3A_333 : i32 to index
      %get3A_354 = arith.constant 0 : index
      %get3A_355 = tpu.vector_load %arg13[%get3A_353, %get3A_354] {strides = array<i32>} : memref<32x128xf32, #tpu.memory_space<vmem>>, vector<1x16xf32>,
      %get3A_356 = vector.shape_cast %get3A_355 : vector<1x16xf32> to vector<16xf32>
      %add3A_357 = arith.addf %add3A_352, %get3A_356 : vector<16xf32>
      %get3A_358 = arith.index_cast %scan3A_333 : i32 to index
      %get3A_359 = arith.constant 0 : index
      %get3A_360 = tpu.vector_load %arg14[%get3A_358, %get3A_359] {strides = array<i32>} : memref<32x128xf32, #tpu.memory_space<vmem>>, vector<1x16xf32>,
      %get3A_361 = vector.shape_cast %get3A_360 : vector<1x16xf32> to vector<16xf32>
      %add3A_362 = arith.addf %add3A_357, %get3A_361 : vector<16xf32>
      %get3A_363 = arith.index_cast %scan3A_333 : i32 to index
      %get3A_364 = arith.constant 0 : index
      %get3A_365 = tpu.vector_load %arg15[%get3A_363, %get3A_364] {strides = array<i32>} : memref<32x128xf32, #tpu.memory_space<vmem>>, vector<1x16xf32>,
      %get3A_366 = vector.shape_cast %get3A_365 : vector<1x16xf32> to vector<16xf32>
      %add3A_367 = arith.addf %add3A_362, %get3A_366 : vector<16xf32>
      %get3A_368 = arith.index_cast %scan3A_333 : i32 to index
      %get3A_369 = arith.constant 0 : index
      %get3A_370 = tpu.vector_load %arg16[%get3A_368, %get3A_369] {strides = array<i32>} : memref<32x128xf32, #tpu.memory_space<vmem>>, vector<1x16xf32>,
      %get3A_371 = vector.shape_cast %get3A_370 : vector<1x16xf32> to vector<16xf32>
      %add3A_372 = arith.addf %add3A_367, %get3A_371 : vector<16xf32>
      %get3A_373 = arith.index_cast %scan3A_333 : i32 to index
      %get3A_374 = arith.constant 0 : index
      %get3A_375 = tpu.vector_load %arg17[%get3A_373, %get3A_374] {strides = array<i32>} : memref<32x128xf32, #tpu.memory_space<vmem>>, vector<1x16xf32>,
      %get3A_376 = vector.shape_cast %get3A_375 : vector<1x16xf32> to vector<16xf32>
      %add3A_377 = arith.addf %add3A_372, %get3A_376 : vector<16xf32>
      %get3A_378 = arith.index_cast %scan3A_333 : i32 to index
      %get3A_379 = arith.constant 0 : index
      %get3A_380 = tpu.vector_load %arg18[%get3A_378, %get3A_379] {strides = array<i32>} : memref<32x128xf32, #tpu.memory_space<vmem>>, vector<1x16xf32>,
      %get3A_381 = vector.shape_cast %get3A_380 : vector<1x16xf32> to vector<16xf32>
      %add3A_382 = arith.addf %add3A_377, %get3A_381 : vector<16xf32>
      %get3A_383 = arith.index_cast %scan3A_333 : i32 to index
      %get3A_384 = arith.constant 0 : index
      %get3A_385 = tpu.vector_load %arg19[%get3A_383, %get3A_384] {strides = array<i32>} : memref<32x128xf32, #tpu.memory_space<vmem>>, vector<1x16xf32>,
      %get3A_386 = vector.shape_cast %get3A_385 : vector<1x16xf32> to vector<16xf32>
      %add3A_387 = arith.addf %add3A_382, %get3A_386 : vector<16xf32>
      %get3A_388 = arith.index_cast %scan3A_333 : i32 to index
      %get3A_389 = arith.constant 0 : index
      %get3A_390 = tpu.vector_load %arg20[%get3A_388, %get3A_389] {strides = array<i32>} : memref<32x128xf32, #tpu.memory_space<vmem>>, vector<1x16xf32>,
      %get3A_391 = vector.shape_cast %get3A_390 : vector<1x16xf32> to vector<16xf32>
      %add3A_392 = arith.addf %add3A_387, %get3A_391 : vector<16xf32>
      %mul3A_393 = arith.constant 0.0833333358 : f32
      %mul3A_394 = vector.broadcast %mul3A_393 : f32 to vector<16xf32>
      %mul3A_395 = arith.mulf %add3A_392, %mul3A_394 : vector<16xf32>
      %swap3A = arith.index_cast %scan3A_333 : i32 to index
      %swap3A_396 = arith.constant 0 : index
      %swap3A_397 = tpu.vector_load %arg33[%swap3A, %swap3A_396] {strides = array<i32>} : memref<32x128xf32, #tpu.memory_space<vmem>>, vector<1x16xf32>,
      %swap3A_398 = vector.shape_cast %swap3A_397 : vector<1x16xf32> to vector<16xf32>
      %swap3A_399 = vector.shape_cast %mul3A_395 : vector<16xf32> to vector<1x16xf32>
      tpu.vector_store %arg33[%swap3A, %swap3A_396], %swap3A_399 {strides = array<i32>} : memref<32x128xf32, #tpu.memory_space<vmem>>, vector<1x16xf32>,
      %get3A_400 = arith.index_cast %scan3A_333 : i32 to index
      %get3A_401 = arith.constant 16 : index
      %get3A_402 = tpu.vector_load %arg9[%get3A_400, %get3A_401] {strides = array<i32>} : memref<32x128xf32, #tpu.memory_space<vmem>>, vector<1x16xf32>,
      %get3A_403 = vector.shape_cast %get3A_402 : vector<1x16xf32> to vector<16xf32>
      %get3A_404 = arith.index_cast %scan3A_333 : i32 to index
      %get3A_405 = arith.constant 16 : index
      %get3A_406 = tpu.vector_load %arg10[%get3A_404, %get3A_405] {strides = array<i32>} : memref<32x128xf32, #tpu.memory_space<vmem>>, vector<1x16xf32>,
      %get3A_407 = vector.shape_cast %get3A_406 : vector<1x16xf32> to vector<16xf32>
      %add3A_408 = arith.addf %get3A_403, %get3A_407 : vector<16xf32>
      %get3A_409 = arith.index_cast %scan3A_333 : i32 to index
      %get3A_410 = arith.constant 16 : index
      %get3A_411 = tpu.vector_load %arg11[%get3A_409, %get3A_410] {strides = array<i32>} : memref<32x128xf32, #tpu.memory_space<vmem>>, vector<1x16xf32>,
      %get3A_412 = vector.shape_cast %get3A_411 : vector<1x16xf32> to vector<16xf32>
      %add3A_413 = arith.addf %add3A_408, %get3A_412 : vector<16xf32>
      %get3A_414 = arith.index_cast %scan3A_333 : i32 to index
      %get3A_415 = arith.constant 16 : index
      %get3A_416 = tpu.vector_load %arg12[%get3A_414, %get3A_415] {strides = array<i32>} : memref<32x128xf32, #tpu.memory_space<vmem>>, vector<1x16xf32>,
      %get3A_417 = vector.shape_cast %get3A_416 : vector<1x16xf32> to vector<16xf32>
      %add3A_418 = arith.addf %add3A_413, %get3A_417 : vector<16xf32>
      %get3A_419 = arith.index_cast %scan3A_333 : i32 to index
      %get3A_420 = arith.constant 16 : index
      %get3A_421 = tpu.vector_load %arg13[%get3A_419, %get3A_420] {strides = array<i32>} : memref<32x128xf32, #tpu.memory_space<vmem>>, vector<1x16xf32>,
      %get3A_422 = vector.shape_cast %get3A_421 : vector<1x16xf32> to vector<16xf32>
      %add3A_423 = arith.addf %add3A_418, %get3A_422 : vector<16xf32>
      %get3A_424 = arith.index_cast %scan3A_333 : i32 to index
      %get3A_425 = arith.constant 16 : index
      %get3A_426 = tpu.vector_load %arg14[%get3A_424, %get3A_425] {strides = array<i32>} : memref<32x128xf32, #tpu.memory_space<vmem>>, vector<1x16xf32>,
      %get3A_427 = vector.shape_cast %get3A_426 : vector<1x16xf32> to vector<16xf32>
      %add3A_428 = arith.addf %add3A_423, %get3A_427 : vector<16xf32>
      %get3A_429 = arith.index_cast %scan3A_333 : i32 to index
      %get3A_430 = arith.constant 16 : index
      %get3A_431 = tpu.vector_load %arg15[%get3A_429, %get3A_430] {strides = array<i32>} : memref<32x128xf32, #tpu.memory_space<vmem>>, vector<1x16xf32>,
      %get3A_432 = vector.shape_cast %get3A_431 : vector<1x16xf32> to vector<16xf32>
      %add3A_433 = arith.addf %add3A_428, %get3A_432 : vector<16xf32>
      %get3A_434 = arith.index_cast %scan3A_333 : i32 to index
      %get3A_435 = arith.constant 16 : index
      %get3A_436 = tpu.vector_load %arg16[%get3A_434, %get3A_435] {strides = array<i32>} : memref<32x128xf32, #tpu.memory_space<vmem>>, vector<1x16xf32>,
      %get3A_437 = vector.shape_cast %get3A_436 : vector<1x16xf32> to vector<16xf32>
      %add3A_438 = arith.addf %add3A_433, %get3A_437 : vector<16xf32>
      %get3A_439 = arith.index_cast %scan3A_333 : i32 to index
      %get3A_440 = arith.constant 16 : index
      %get3A_441 = tpu.vector_load %arg17[%get3A_439, %get3A_440] {strides = array<i32>} : memref<32x128xf32, #tpu.memory_space<vmem>>, vector<1x16xf32>,
      %get3A_442 = vector.shape_cast %get3A_441 : vector<1x16xf32> to vector<16xf32>
      %add3A_443 = arith.addf %add3A_438, %get3A_442 : vector<16xf32>
      %get3A_444 = arith.index_cast %scan3A_333 : i32 to index
      %get3A_445 = arith.constant 16 : index
      %get3A_446 = tpu.vector_load %arg18[%get3A_444, %get3A_445] {strides = array<i32>} : memref<32x128xf32, #tpu.memory_space<vmem>>, vector<1x16xf32>,
      %get3A_447 = vector.shape_cast %get3A_446 : vector<1x16xf32> to vector<16xf32>
      %add3A_448 = arith.addf %add3A_443, %get3A_447 : vector<16xf32>
      %get3A_449 = arith.index_cast %scan3A_333 : i32 to index
      %get3A_450 = arith.constant 16 : index
      %get3A_451 = tpu.vector_load %arg19[%get3A_449, %get3A_450] {strides = array<i32>} : memref<32x128xf32, #tpu.memory_space<vmem>>, vector<1x16xf32>,
      %get3A_452 = vector.shape_cast %get3A_451 : vector<1x16xf32> to vector<16xf32>
      %add3A_453 = arith.addf %add3A_448, %get3A_452 : vector<16xf32>
      %get3A_454 = arith.index_cast %scan3A_333 : i32 to index
      %get3A_455 = arith.constant 16 : index
      %get3A_456 = tpu.vector_load %arg20[%get3A_454, %get3A_455] {strides = array<i32>} : memref<32x128xf32, #tpu.memory_space<vmem>>, vector<1x16xf32>,
      %get3A_457 = vector.shape_cast %get3A_456 : vector<1x16xf32> to vector<16xf32>
      %add3A_458 = arith.addf %add3A_453, %get3A_457 : vector<16xf32>
      %mul3A_459 = arith.constant 0.0833333358 : f32
      %mul3A_460 = vector.broadcast %mul3A_459 : f32 to vector<16xf32>
      %mul3A_461 = arith.mulf %add3A_458, %mul3A_460 : vector<16xf32>
      %swap3A_462 = arith.index_cast %scan3A_333 : i32 to index
      %swap3A_463 = arith.constant 16 : index
      %swap3A_464 = tpu.vector_load %arg33[%swap3A_462, %swap3A_463] {strides = array<i32>} : memref<32x128xf32, #tpu.memory_space<vmem>>, vector<1x16xf32>,
      %swap3A_465 = vector.shape_cast %swap3A_464 : vector<1x16xf32> to vector<16xf32>
      %swap3A_466 = vector.shape_cast %mul3A_461 : vector<16xf32> to vector<1x16xf32>
      tpu.vector_store %arg33[%swap3A_462, %swap3A_463], %swap3A_466 {strides = array<i32>} : memref<32x128xf32, #tpu.memory_space<vmem>>, vector<1x16xf32>,
      %get3A_467 = arith.index_cast %scan3A_333 : i32 to index
      %get3A_468 = arith.constant 32 : index
      %get3A_469 = tpu.vector_load %arg9[%get3A_467, %get3A_468] {strides = array<i32>} : memref<32x128xf32, #tpu.memory_space<vmem>>, vector<1x16xf32>,
      %get3A_470 = vector.shape_cast %get3A_469 : vector<1x16xf32> to vector<16xf32>
      %get3A_471 = arith.index_cast %scan3A_333 : i32 to index
      %get3A_472 = arith.constant 32 : index
      %get3A_473 = tpu.vector_load %arg10[%get3A_471, %get3A_472] {strides = array<i32>} : memref<32x128xf32, #tpu.memory_space<vmem>>, vector<1x16xf32>,
      %get3A_474 = vector.shape_cast %get3A_473 : vector<1x16xf32> to vector<16xf32>
      %add3A_475 = arith.addf %get3A_470, %get3A_474 : vector<16xf32>
      %get3A_476 = arith.index_cast %scan3A_333 : i32 to index
      %get3A_477 = arith.constant 32 : index
      %get3A_478 = tpu.vector_load %arg11[%get3A_476, %get3A_477] {strides = array<i32>} : memref<32x128xf32, #tpu.memory_space<vmem>>, vector<1x16xf32>,
      %get3A_479 = vector.shape_cast %get3A_478 : vector<1x16xf32> to vector<16xf32>
      %add3A_480 = arith.addf %add3A_475, %get3A_479 : vector<16xf32>
      %get3A_481 = arith.index_cast %scan3A_333 : i32 to index
      %get3A_482 = arith.constant 32 : index
      %get3A_483 = tpu.vector_load %arg12[%get3A_481, %get3A_482] {strides = array<i32>} : memref<32x128xf32, #tpu.memory_space<vmem>>, vector<1x16xf32>,
      %get3A_484 = vector.shape_cast %get3A_483 : vector<1x16xf32> to vector<16xf32>
      %add3A_485 = arith.addf %add3A_480, %get3A_484 : vector<16xf32>
      %get3A_486 = arith.index_cast %scan3A_333 : i32 to index
      %get3A_487 = arith.constant 32 : index
      %get3A_488 = tpu.vector_load %arg13[%get3A_486, %get3A_487] {strides = array<i32>} : memref<32x128xf32, #tpu.memory_space<vmem>>, vector<1x16xf32>,
      %get3A_489 = vector.shape_cast %get3A_488 : vector<1x16xf32> to vector<16xf32>
      %add3A_490 = arith.addf %add3A_485, %get3A_489 : vector<16xf32>
      %get3A_491 = arith.index_cast %scan3A_333 : i32 to index
      %get3A_492 = arith.constant 32 : index
      %get3A_493 = tpu.vector_load %arg14[%get3A_491, %get3A_492] {strides = array<i32>} : memref<32x128xf32, #tpu.memory_space<vmem>>, vector<1x16xf32>,
      %get3A_494 = vector.shape_cast %get3A_493 : vector<1x16xf32> to vector<16xf32>
      %add3A_495 = arith.addf %add3A_490, %get3A_494 : vector<16xf32>
      %get3A_496 = arith.index_cast %scan3A_333 : i32 to index
      %get3A_497 = arith.constant 32 : index
      %get3A_498 = tpu.vector_load %arg15[%get3A_496, %get3A_497] {strides = array<i32>} : memref<32x128xf32, #tpu.memory_space<vmem>>, vector<1x16xf32>,
      %get3A_499 = vector.shape_cast %get3A_498 : vector<1x16xf32> to vector<16xf32>
      %add3A_500 = arith.addf %add3A_495, %get3A_499 : vector<16xf32>
      %get3A_501 = arith.index_cast %scan3A_333 : i32 to index
      %get3A_502 = arith.constant 32 : index
      %get3A_503 = tpu.vector_load %arg16[%get3A_501, %get3A_502] {strides = array<i32>} : memref<32x128xf32, #tpu.memory_space<vmem>>, vector<1x16xf32>,
      %get3A_504 = vector.shape_cast %get3A_503 : vector<1x16xf32> to vector<16xf32>
      %add3A_505 = arith.addf %add3A_500, %get3A_504 : vector<16xf32>
      %get3A_506 = arith.index_cast %scan3A_333 : i32 to index
      %get3A_507 = arith.constant 32 : index
      %get3A_508 = tpu.vector_load %arg17[%get3A_506, %get3A_507] {strides = array<i32>} : memref<32x128xf32, #tpu.memory_space<vmem>>, vector<1x16xf32>,
      %get3A_509 = vector.shape_cast %get3A_508 : vector<1x16xf32> to vector<16xf32>
      %add3A_510 = arith.addf %add3A_505, %get3A_509 : vector<16xf32>
      %get3A_511 = arith.index_cast %scan3A_333 : i32 to index
      %get3A_512 = arith.constant 32 : index
      %get3A_513 = tpu.vector_load %arg18[%get3A_511, %get3A_512] {strides = array<i32>} : memref<32x128xf32, #tpu.memory_space<vmem>>, vector<1x16xf32>,
      %get3A_514 = vector.shape_cast %get3A_513 : vector<1x16xf32> to vector<16xf32>
      %add3A_515 = arith.addf %add3A_510, %get3A_514 : vector<16xf32>
      %get3A_516 = arith.index_cast %scan3A_333 : i32 to index
      %get3A_517 = arith.constant 32 : index
      %get3A_518 = tpu.vector_load %arg19[%get3A_516, %get3A_517] {strides = array<i32>} : memref<32x128xf32, #tpu.memory_space<vmem>>, vector<1x16xf32>,
      %get3A_519 = vector.shape_cast %get3A_518 : vector<1x16xf32> to vector<16xf32>
      %add3A_520 = arith.addf %add3A_515, %get3A_519 : vector<16xf32>
      %get3A_521 = arith.index_cast %scan3A_333 : i32 to index
      %get3A_522 = arith.constant 32 : index
      %get3A_523 = tpu.vector_load %arg20[%get3A_521, %get3A_522] {strides = array<i32>} : memref<32x128xf32, #tpu.memory_space<vmem>>, vector<1x16xf32>,
      %get3A_524 = vector.shape_cast %get3A_523 : vector<1x16xf32> to vector<16xf32>
      %add3A_525 = arith.addf %add3A_520, %get3A_524 : vector<16xf32>
      %mul3A_526 = arith.constant 0.0833333358 : f32
      %mul3A_527 = vector.broadcast %mul3A_526 : f32 to vector<16xf32>
      %mul3A_528 = arith.mulf %add3A_525, %mul3A_527 : vector<16xf32>
      %swap3A_529 = arith.index_cast %scan3A_333 : i32 to index
      %swap3A_530 = arith.constant 32 : index
      %swap3A_531 = tpu.vector_load %arg33[%swap3A_529, %swap3A_530] {strides = array<i32>} : memref<32x128xf32, #tpu.memory_space<vmem>>, vector<1x16xf32>,
      %swap3A_532 = vector.shape_cast %swap3A_531 : vector<1x16xf32> to vector<16xf32>
      %swap3A_533 = vector.shape_cast %mul3A_528 : vector<16xf32> to vector<1x16xf32>
      tpu.vector_store %arg33[%swap3A_529, %swap3A_530], %swap3A_533 {strides = array<i32>} : memref<32x128xf32, #tpu.memory_space<vmem>>, vector<1x16xf32>,
      %get3A_534 = arith.index_cast %scan3A_333 : i32 to index
      %get3A_535 = arith.constant 48 : index
      %get3A_536 = tpu.vector_load %arg9[%get3A_534, %get3A_535] {strides = array<i32>} : memref<32x128xf32, #tpu.memory_space<vmem>>, vector<1x16xf32>,
      %get3A_537 = vector.shape_cast %get3A_536 : vector<1x16xf32> to vector<16xf32>
      %get3A_538 = arith.index_cast %scan3A_333 : i32 to index
      %get3A_539 = arith.constant 48 : index
      %get3A_540 = tpu.vector_load %arg10[%get3A_538, %get3A_539] {strides = array<i32>} : memref<32x128xf32, #tpu.memory_space<vmem>>, vector<1x16xf32>,
      %get3A_541 = vector.shape_cast %get3A_540 : vector<1x16xf32> to vector<16xf32>
      %add3A_542 = arith.addf %get3A_537, %get3A_541 : vector<16xf32>
      %get3A_543 = arith.index_cast %scan3A_333 : i32 to index
      %get3A_544 = arith.constant 48 : index
      %get3A_545 = tpu.vector_load %arg11[%get3A_543, %get3A_544] {strides = array<i32>} : memref<32x128xf32, #tpu.memory_space<vmem>>, vector<1x16xf32>,
      %get3A_546 = vector.shape_cast %get3A_545 : vector<1x16xf32> to vector<16xf32>
      %add3A_547 = arith.addf %add3A_542, %get3A_546 : vector<16xf32>
      %get3A_548 = arith.index_cast %scan3A_333 : i32 to index
      %get3A_549 = arith.constant 48 : index
      %get3A_550 = tpu.vector_load %arg12[%get3A_548, %get3A_549] {strides = array<i32>} : memref<32x128xf32, #tpu.memory_space<vmem>>, vector<1x16xf32>,
      %get3A_551 = vector.shape_cast %get3A_550 : vector<1x16xf32> to vector<16xf32>
      %add3A_552 = arith.addf %add3A_547, %get3A_551 : vector<16xf32>
      %get3A_553 = arith.index_cast %scan3A_333 : i32 to index
      %get3A_554 = arith.constant 48 : index
      %get3A_555 = tpu.vector_load %arg13[%get3A_553, %get3A_554] {strides = array<i32>} : memref<32x128xf32, #tpu.memory_space<vmem>>, vector<1x16xf32>,
      %get3A_556 = vector.shape_cast %get3A_555 : vector<1x16xf32> to vector<16xf32>
      %add3A_557 = arith.addf %add3A_552, %get3A_556 : vector<16xf32>
      %get3A_558 = arith.index_cast %scan3A_333 : i32 to index
      %get3A_559 = arith.constant 48 : index
      %get3A_560 = tpu.vector_load %arg14[%get3A_558, %get3A_559] {strides = array<i32>} : memref<32x128xf32, #tpu.memory_space<vmem>>, vector<1x16xf32>,
      %get3A_561 = vector.shape_cast %get3A_560 : vector<1x16xf32> to vector<16xf32>
      %add3A_562 = arith.addf %add3A_557, %get3A_561 : vector<16xf32>
      %get3A_563 = arith.index_cast %scan3A_333 : i32 to index
      %get3A_564 = arith.constant 48 : index
      %get3A_565 = tpu.vector_load %arg15[%get3A_563, %get3A_564] {strides = array<i32>} : memref<32x128xf32, #tpu.memory_space<vmem>>, vector<1x16xf32>,
      %get3A_566 = vector.shape_cast %get3A_565 : vector<1x16xf32> to vector<16xf32>
      %add3A_567 = arith.addf %add3A_562, %get3A_566 : vector<16xf32>
      %get3A_568 = arith.index_cast %scan3A_333 : i32 to index
      %get3A_569 = arith.constant 48 : index
      %get3A_570 = tpu.vector_load %arg16[%get3A_568, %get3A_569] {strides = array<i32>} : memref<32x128xf32, #tpu.memory_space<vmem>>, vector<1x16xf32>,
      %get3A_571 = vector.shape_cast %get3A_570 : vector<1x16xf32> to vector<16xf32>
      %add3A_572 = arith.addf %add3A_567, %get3A_571 : vector<16xf32>
      %get3A_573 = arith.index_cast %scan3A_333 : i32 to index
      %get3A_574 = arith.constant 48 : index
      %get3A_575 = tpu.vector_load %arg17[%get3A_573, %get3A_574] {strides = array<i32>} : memref<32x128xf32, #tpu.memory_space<vmem>>, vector<1x16xf32>,
      %get3A_576 = vector.shape_cast %get3A_575 : vector<1x16xf32> to vector<16xf32>
      %add3A_577 = arith.addf %add3A_572, %get3A_576 : vector<16xf32>
      %get3A_578 = arith.index_cast %scan3A_333 : i32 to index
      %get3A_579 = arith.constant 48 : index
      %get3A_580 = tpu.vector_load %arg18[%get3A_578, %get3A_579] {strides = array<i32>} : memref<32x128xf32, #tpu.memory_space<vmem>>, vector<1x16xf32>,
      %get3A_581 = vector.shape_cast %get3A_580 : vector<1x16xf32> to vector<16xf32>
      %add3A_582 = arith.addf %add3A_577, %get3A_581 : vector<16xf32>
      %get3A_583 = arith.index_cast %scan3A_333 : i32 to index
      %get3A_584 = arith.constant 48 : index
      %get3A_585 = tpu.vector_load %arg19[%get3A_583, %get3A_584] {strides = array<i32>} : memref<32x128xf32, #tpu.memory_space<vmem>>, vector<1x16xf32>,
      %get3A_586 = vector.shape_cast %get3A_585 : vector<1x16xf32> to vector<16xf32>
      %add3A_587 = arith.addf %add3A_582, %get3A_586 : vector<16xf32>
      %get3A_588 = arith.index_cast %scan3A_333 : i32 to index
      %get3A_589 = arith.constant 48 : index
      %get3A_590 = tpu.vector_load %arg20[%get3A_588, %get3A_589] {strides = array<i32>} : memref<32x128xf32, #tpu.memory_space<vmem>>, vector<1x16xf32>,
      %get3A_591 = vector.shape_cast %get3A_590 : vector<1x16xf32> to vector<16xf32>
      %add3A_592 = arith.addf %add3A_587, %get3A_591 : vector<16xf32>
      %mul3A_593 = arith.constant 0.0833333358 : f32
      %mul3A_594 = vector.broadcast %mul3A_593 : f32 to vector<16xf32>
      %mul3A_595 = arith.mulf %add3A_592, %mul3A_594 : vector<16xf32>
      %swap3A_596 = arith.index_cast %scan3A_333 : i32 to index
      %swap3A_597 = arith.constant 48 : index
      %swap3A_598 = tpu.vector_load %arg33[%swap3A_596, %swap3A_597] {strides = array<i32>} : memref<32x128xf32, #tpu.memory_space<vmem>>, vector<1x16xf32>,
      %swap3A_599 = vector.shape_cast %swap3A_598 : vector<1x16xf32> to vector<16xf32>
      %swap3A_600 = vector.shape_cast %mul3A_595 : vector<16xf32> to vector<1x16xf32>
      tpu.vector_store %arg33[%swap3A_596, %swap3A_597], %swap3A_600 {strides = array<i32>} : memref<32x128xf32, #tpu.memory_space<vmem>>, vector<1x16xf32>,
      %get3A_601 = arith.index_cast %scan3A_333 : i32 to index
      %get3A_602 = arith.constant 64 : index
      %get3A_603 = tpu.vector_load %arg9[%get3A_601, %get3A_602] {strides = array<i32>} : memref<32x128xf32, #tpu.memory_space<vmem>>, vector<1x16xf32>,
      %get3A_604 = vector.shape_cast %get3A_603 : vector<1x16xf32> to vector<16xf32>
      %get3A_605 = arith.index_cast %scan3A_333 : i32 to index
      %get3A_606 = arith.constant 64 : index
      %get3A_607 = tpu.vector_load %arg10[%get3A_605, %get3A_606] {strides = array<i32>} : memref<32x128xf32, #tpu.memory_space<vmem>>, vector<1x16xf32>,
      %get3A_608 = vector.shape_cast %get3A_607 : vector<1x16xf32> to vector<16xf32>
      %add3A_609 = arith.addf %get3A_604, %get3A_608 : vector<16xf32>
      %get3A_610 = arith.index_cast %scan3A_333 : i32 to index
      %get3A_611 = arith.constant 64 : index
      %get3A_612 = tpu.vector_load %arg11[%get3A_610, %get3A_611] {strides = array<i32>} : memref<32x128xf32, #tpu.memory_space<vmem>>, vector<1x16xf32>,
      %get3A_613 = vector.shape_cast %get3A_612 : vector<1x16xf32> to vector<16xf32>
      %add3A_614 = arith.addf %add3A_609, %get3A_613 : vector<16xf32>
      %get3A_615 = arith.index_cast %scan3A_333 : i32 to index
      %get3A_616 = arith.constant 64 : index
      %get3A_617 = tpu.vector_load %arg12[%get3A_615, %get3A_616] {strides = array<i32>} : memref<32x128xf32, #tpu.memory_space<vmem>>, vector<1x16xf32>,
      %get3A_618 = vector.shape_cast %get3A_617 : vector<1x16xf32> to vector<16xf32>
      %add3A_619 = arith.addf %add3A_614, %get3A_618 : vector<16xf32>
      %get3A_620 = arith.index_cast %scan3A_333 : i32 to index
      %get3A_621 = arith.constant 64 : index
      %get3A_622 = tpu.vector_load %arg13[%get3A_620, %get3A_621] {strides = array<i32>} : memref<32x128xf32, #tpu.memory_space<vmem>>, vector<1x16xf32>,
      %get3A_623 = vector.shape_cast %get3A_622 : vector<1x16xf32> to vector<16xf32>
      %add3A_624 = arith.addf %add3A_619, %get3A_623 : vector<16xf32>
      %get3A_625 = arith.index_cast %scan3A_333 : i32 to index
      %get3A_626 = arith.constant 64 : index
      %get3A_627 = tpu.vector_load %arg14[%get3A_625, %get3A_626] {strides = array<i32>} : memref<32x128xf32, #tpu.memory_space<vmem>>, vector<1x16xf32>,
      %get3A_628 = vector.shape_cast %get3A_627 : vector<1x16xf32> to vector<16xf32>
      %add3A_629 = arith.addf %add3A_624, %get3A_628 : vector<16xf32>
      %get3A_630 = arith.index_cast %scan3A_333 : i32 to index
      %get3A_631 = arith.constant 64 : index
      %get3A_632 = tpu.vector_load %arg15[%get3A_630, %get3A_631] {strides = array<i32>} : memref<32x128xf32, #tpu.memory_space<vmem>>, vector<1x16xf32>,
      %get3A_633 = vector.shape_cast %get3A_632 : vector<1x16xf32> to vector<16xf32>
      %add3A_634 = arith.addf %add3A_629, %get3A_633 : vector<16xf32>
      %get3A_635 = arith.index_cast %scan3A_333 : i32 to index
      %get3A_636 = arith.constant 64 : index
      %get3A_637 = tpu.vector_load %arg16[%get3A_635, %get3A_636] {strides = array<i32>} : memref<32x128xf32, #tpu.memory_space<vmem>>, vector<1x16xf32>,
      %get3A_638 = vector.shape_cast %get3A_637 : vector<1x16xf32> to vector<16xf32>
      %add3A_639 = arith.addf %add3A_634, %get3A_638 : vector<16xf32>
      %get3A_640 = arith.index_cast %scan3A_333 : i32 to index
      %get3A_641 = arith.constant 64 : index
      %get3A_642 = tpu.vector_load %arg17[%get3A_640, %get3A_641] {strides = array<i32>} : memref<32x128xf32, #tpu.memory_space<vmem>>, vector<1x16xf32>,
      %get3A_643 = vector.shape_cast %get3A_642 : vector<1x16xf32> to vector<16xf32>
      %add3A_644 = arith.addf %add3A_639, %get3A_643 : vector<16xf32>
      %get3A_645 = arith.index_cast %scan3A_333 : i32 to index
      %get3A_646 = arith.constant 64 : index
      %get3A_647 = tpu.vector_load %arg18[%get3A_645, %get3A_646] {strides = array<i32>} : memref<32x128xf32, #tpu.memory_space<vmem>>, vector<1x16xf32>,
      %get3A_648 = vector.shape_cast %get3A_647 : vector<1x16xf32> to vector<16xf32>
      %add3A_649 = arith.addf %add3A_644, %get3A_648 : vector<16xf32>
      %get3A_650 = arith.index_cast %scan3A_333 : i32 to index
      %get3A_651 = arith.constant 64 : index
      %get3A_652 = tpu.vector_load %arg19[%get3A_650, %get3A_651] {strides = array<i32>} : memref<32x128xf32, #tpu.memory_space<vmem>>, vector<1x16xf32>,
      %get3A_653 = vector.shape_cast %get3A_652 : vector<1x16xf32> to vector<16xf32>
      %add3A_654 = arith.addf %add3A_649, %get3A_653 : vector<16xf32>
      %get3A_655 = arith.index_cast %scan3A_333 : i32 to index
      %get3A_656 = arith.constant 64 : index
      %get3A_657 = tpu.vector_load %arg20[%get3A_655, %get3A_656] {strides = array<i32>} : memref<32x128xf32, #tpu.memory_space<vmem>>, vector<1x16xf32>,
      %get3A_658 = vector.shape_cast %get3A_657 : vector<1x16xf32> to vector<16xf32>
      %add3A_659 = arith.addf %add3A_654, %get3A_658 : vector<16xf32>
      %mul3A_660 = arith.constant 0.0833333358 : f32
      %mul3A_661 = vector.broadcast %mul3A_660 : f32 to vector<16xf32>
      %mul3A_662 = arith.mulf %add3A_659, %mul3A_661 : vector<16xf32>
      %swap3A_663 = arith.index_cast %scan3A_333 : i32 to index
      %swap3A_664 = arith.constant 64 : index
      %swap3A_665 = tpu.vector_load %arg33[%swap3A_663, %swap3A_664] {strides = array<i32>} : memref<32x128xf32, #tpu.memory_space<vmem>>, vector<1x16xf32>,
      %swap3A_666 = vector.shape_cast %swap3A_665 : vector<1x16xf32> to vector<16xf32>
      %swap3A_667 = vector.shape_cast %mul3A_662 : vector<16xf32> to vector<1x16xf32>
      tpu.vector_store %arg33[%swap3A_663, %swap3A_664], %swap3A_667 {strides = array<i32>} : memref<32x128xf32, #tpu.memory_space<vmem>>, vector<1x16xf32>,
      %get3A_668 = arith.index_cast %scan3A_333 : i32 to index
      %get3A_669 = arith.constant 80 : index
      %get3A_670 = tpu.vector_load %arg9[%get3A_668, %get3A_669] {strides = array<i32>} : memref<32x128xf32, #tpu.memory_space<vmem>>, vector<1x16xf32>,
      %get3A_671 = vector.shape_cast %get3A_670 : vector<1x16xf32> to vector<16xf32>
      %get3A_672 = arith.index_cast %scan3A_333 : i32 to index
      %get3A_673 = arith.constant 80 : index
      %get3A_674 = tpu.vector_load %arg10[%get3A_672, %get3A_673] {strides = array<i32>} : memref<32x128xf32, #tpu.memory_space<vmem>>, vector<1x16xf32>,
      %get3A_675 = vector.shape_cast %get3A_674 : vector<1x16xf32> to vector<16xf32>
      %add3A_676 = arith.addf %get3A_671, %get3A_675 : vector<16xf32>
      %get3A_677 = arith.index_cast %scan3A_333 : i32 to index
      %get3A_678 = arith.constant 80 : index
      %get3A_679 = tpu.vector_load %arg11[%get3A_677, %get3A_678] {strides = array<i32>} : memref<32x128xf32, #tpu.memory_space<vmem>>, vector<1x16xf32>,
      %get3A_680 = vector.shape_cast %get3A_679 : vector<1x16xf32> to vector<16xf32>
      %add3A_681 = arith.addf %add3A_676, %get3A_680 : vector<16xf32>
      %get3A_682 = arith.index_cast %scan3A_333 : i32 to index
      %get3A_683 = arith.constant 80 : index
      %get3A_684 = tpu.vector_load %arg12[%get3A_682, %get3A_683] {strides = array<i32>} : memref<32x128xf32, #tpu.memory_space<vmem>>, vector<1x16xf32>,
      %get3A_685 = vector.shape_cast %get3A_684 : vector<1x16xf32> to vector<16xf32>
      %add3A_686 = arith.addf %add3A_681, %get3A_685 : vector<16xf32>
      %get3A_687 = arith.index_cast %scan3A_333 : i32 to index
      %get3A_688 = arith.constant 80 : index
      %get3A_689 = tpu.vector_load %arg13[%get3A_687, %get3A_688] {strides = array<i32>} : memref<32x128xf32, #tpu.memory_space<vmem>>, vector<1x16xf32>,
      %get3A_690 = vector.shape_cast %get3A_689 : vector<1x16xf32> to vector<16xf32>
      %add3A_691 = arith.addf %add3A_686, %get3A_690 : vector<16xf32>
      %get3A_692 = arith.index_cast %scan3A_333 : i32 to index
      %get3A_693 = arith.constant 80 : index
      %get3A_694 = tpu.vector_load %arg14[%get3A_692, %get3A_693] {strides = array<i32>} : memref<32x128xf32, #tpu.memory_space<vmem>>, vector<1x16xf32>,
      %get3A_695 = vector.shape_cast %get3A_694 : vector<1x16xf32> to vector<16xf32>
      %add3A_696 = arith.addf %add3A_691, %get3A_695 : vector<16xf32>
      %get3A_697 = arith.index_cast %scan3A_333 : i32 to index
      %get3A_698 = arith.constant 80 : index
      %get3A_699 = tpu.vector_load %arg15[%get3A_697, %get3A_698] {strides = array<i32>} : memref<32x128xf32, #tpu.memory_space<vmem>>, vector<1x16xf32>,
      %get3A_700 = vector.shape_cast %get3A_699 : vector<1x16xf32> to vector<16xf32>
      %add3A_701 = arith.addf %add3A_696, %get3A_700 : vector<16xf32>
      %get3A_702 = arith.index_cast %scan3A_333 : i32 to index
      %get3A_703 = arith.constant 80 : index
      %get3A_704 = tpu.vector_load %arg16[%get3A_702, %get3A_703] {strides = array<i32>} : memref<32x128xf32, #tpu.memory_space<vmem>>, vector<1x16xf32>,
      %get3A_705 = vector.shape_cast %get3A_704 : vector<1x16xf32> to vector<16xf32>
      %add3A_706 = arith.addf %add3A_701, %get3A_705 : vector<16xf32>
      %get3A_707 = arith.index_cast %scan3A_333 : i32 to index
      %get3A_708 = arith.constant 80 : index
      %get3A_709 = tpu.vector_load %arg17[%get3A_707, %get3A_708] {strides = array<i32>} : memref<32x128xf32, #tpu.memory_space<vmem>>, vector<1x16xf32>,
      %get3A_710 = vector.shape_cast %get3A_709 : vector<1x16xf32> to vector<16xf32>
      %add3A_711 = arith.addf %add3A_706, %get3A_710 : vector<16xf32>
      %get3A_712 = arith.index_cast %scan3A_333 : i32 to index
      %get3A_713 = arith.constant 80 : index
      %get3A_714 = tpu.vector_load %arg18[%get3A_712, %get3A_713] {strides = array<i32>} : memref<32x128xf32, #tpu.memory_space<vmem>>, vector<1x16xf32>,
      %get3A_715 = vector.shape_cast %get3A_714 : vector<1x16xf32> to vector<16xf32>
      %add3A_716 = arith.addf %add3A_711, %get3A_715 : vector<16xf32>
      %get3A_717 = arith.index_cast %scan3A_333 : i32 to index
      %get3A_718 = arith.constant 80 : index
      %get3A_719 = tpu.vector_load %arg19[%get3A_717, %get3A_718] {strides = array<i32>} : memref<32x128xf32, #tpu.memory_space<vmem>>, vector<1x16xf32>,
      %get3A_720 = vector.shape_cast %get3A_719 : vector<1x16xf32> to vector<16xf32>
      %add3A_721 = arith.addf %add3A_716, %get3A_720 : vector<16xf32>
      %get3A_722 = arith.index_cast %scan3A_333 : i32 to index
      %get3A_723 = arith.constant 80 : index
      %get3A_724 = tpu.vector_load %arg20[%get3A_722, %get3A_723] {strides = array<i32>} : memref<32x128xf32, #tpu.memory_space<vmem>>, vector<1x16xf32>,
      %get3A_725 = vector.shape_cast %get3A_724 : vector<1x16xf32> to vector<16xf32>
      %add3A_726 = arith.addf %add3A_721, %get3A_725 : vector<16xf32>
      %mul3A_727 = arith.constant 0.0833333358 : f32
      %mul3A_728 = vector.broadcast %mul3A_727 : f32 to vector<16xf32>
      %mul3A_729 = arith.mulf %add3A_726, %mul3A_728 : vector<16xf32>
      %swap3A_730 = arith.index_cast %scan3A_333 : i32 to index
      %swap3A_731 = arith.constant 80 : index
      %swap3A_732 = tpu.vector_load %arg33[%swap3A_730, %swap3A_731] {strides = array<i32>} : memref<32x128xf32, #tpu.memory_space<vmem>>, vector<1x16xf32>,
      %swap3A_733 = vector.shape_cast %swap3A_732 : vector<1x16xf32> to vector<16xf32>
      %swap3A_734 = vector.shape_cast %mul3A_729 : vector<16xf32> to vector<1x16xf32>
      tpu.vector_store %arg33[%swap3A_730, %swap3A_731], %swap3A_734 {strides = array<i32>} : memref<32x128xf32, #tpu.memory_space<vmem>>, vector<1x16xf32>,
      %get3A_735 = arith.index_cast %scan3A_333 : i32 to index
      %get3A_736 = arith.constant 96 : index
      %get3A_737 = tpu.vector_load %arg9[%get3A_735, %get3A_736] {strides = array<i32>} : memref<32x128xf32, #tpu.memory_space<vmem>>, vector<1x16xf32>,
      %get3A_738 = vector.shape_cast %get3A_737 : vector<1x16xf32> to vector<16xf32>
      %get3A_739 = arith.index_cast %scan3A_333 : i32 to index
      %get3A_740 = arith.constant 96 : index
      %get3A_741 = tpu.vector_load %arg10[%get3A_739, %get3A_740] {strides = array<i32>} : memref<32x128xf32, #tpu.memory_space<vmem>>, vector<1x16xf32>,
      %get3A_742 = vector.shape_cast %get3A_741 : vector<1x16xf32> to vector<16xf32>
      %add3A_743 = arith.addf %get3A_738, %get3A_742 : vector<16xf32>
      %get3A_744 = arith.index_cast %scan3A_333 : i32 to index
      %get3A_745 = arith.constant 96 : index
      %get3A_746 = tpu.vector_load %arg11[%get3A_744, %get3A_745] {strides = array<i32>} : memref<32x128xf32, #tpu.memory_space<vmem>>, vector<1x16xf32>,
      %get3A_747 = vector.shape_cast %get3A_746 : vector<1x16xf32> to vector<16xf32>
      %add3A_748 = arith.addf %add3A_743, %get3A_747 : vector<16xf32>
      %get3A_749 = arith.index_cast %scan3A_333 : i32 to index
      %get3A_750 = arith.constant 96 : index
      %get3A_751 = tpu.vector_load %arg12[%get3A_749, %get3A_750] {strides = array<i32>} : memref<32x128xf32, #tpu.memory_space<vmem>>, vector<1x16xf32>,
      %get3A_752 = vector.shape_cast %get3A_751 : vector<1x16xf32> to vector<16xf32>
      %add3A_753 = arith.addf %add3A_748, %get3A_752 : vector<16xf32>
      %get3A_754 = arith.index_cast %scan3A_333 : i32 to index
      %get3A_755 = arith.constant 96 : index
      %get3A_756 = tpu.vector_load %arg13[%get3A_754, %get3A_755] {strides = array<i32>} : memref<32x128xf32, #tpu.memory_space<vmem>>, vector<1x16xf32>,
      %get3A_757 = vector.shape_cast %get3A_756 : vector<1x16xf32> to vector<16xf32>
      %add3A_758 = arith.addf %add3A_753, %get3A_757 : vector<16xf32>
      %get3A_759 = arith.index_cast %scan3A_333 : i32 to index
      %get3A_760 = arith.constant 96 : index
      %get3A_761 = tpu.vector_load %arg14[%get3A_759, %get3A_760] {strides = array<i32>} : memref<32x128xf32, #tpu.memory_space<vmem>>, vector<1x16xf32>,
      %get3A_762 = vector.shape_cast %get3A_761 : vector<1x16xf32> to vector<16xf32>
      %add3A_763 = arith.addf %add3A_758, %get3A_762 : vector<16xf32>
      %get3A_764 = arith.index_cast %scan3A_333 : i32 to index
      %get3A_765 = arith.constant 96 : index
      %get3A_766 = tpu.vector_load %arg15[%get3A_764, %get3A_765] {strides = array<i32>} : memref<32x128xf32, #tpu.memory_space<vmem>>, vector<1x16xf32>,
      %get3A_767 = vector.shape_cast %get3A_766 : vector<1x16xf32> to vector<16xf32>
      %add3A_768 = arith.addf %add3A_763, %get3A_767 : vector<16xf32>
      %get3A_769 = arith.index_cast %scan3A_333 : i32 to index
      %get3A_770 = arith.constant 96 : index
      %get3A_771 = tpu.vector_load %arg16[%get3A_769, %get3A_770] {strides = array<i32>} : memref<32x128xf32, #tpu.memory_space<vmem>>, vector<1x16xf32>,
      %get3A_772 = vector.shape_cast %get3A_771 : vector<1x16xf32> to vector<16xf32>
      %add3A_773 = arith.addf %add3A_768, %get3A_772 : vector<16xf32>
      %get3A_774 = arith.index_cast %scan3A_333 : i32 to index
      %get3A_775 = arith.constant 96 : index
      %get3A_776 = tpu.vector_load %arg17[%get3A_774, %get3A_775] {strides = array<i32>} : memref<32x128xf32, #tpu.memory_space<vmem>>, vector<1x16xf32>,
      %get3A_777 = vector.shape_cast %get3A_776 : vector<1x16xf32> to vector<16xf32>
      %add3A_778 = arith.addf %add3A_773, %get3A_777 : vector<16xf32>
      %get3A_779 = arith.index_cast %scan3A_333 : i32 to index
      %get3A_780 = arith.constant 96 : index
      %get3A_781 = tpu.vector_load %arg18[%get3A_779, %get3A_780] {strides = array<i32>} : memref<32x128xf32, #tpu.memory_space<vmem>>, vector<1x16xf32>,
      %get3A_782 = vector.shape_cast %get3A_781 : vector<1x16xf32> to vector<16xf32>
      %add3A_783 = arith.addf %add3A_778, %get3A_782 : vector<16xf32>
      %get3A_784 = arith.index_cast %scan3A_333 : i32 to index
      %get3A_785 = arith.constant 96 : index
      %get3A_786 = tpu.vector_load %arg19[%get3A_784, %get3A_785] {strides = array<i32>} : memref<32x128xf32, #tpu.memory_space<vmem>>, vector<1x16xf32>,
      %get3A_787 = vector.shape_cast %get3A_786 : vector<1x16xf32> to vector<16xf32>
      %add3A_788 = arith.addf %add3A_783, %get3A_787 : vector<16xf32>
      %get3A_789 = arith.index_cast %scan3A_333 : i32 to index
      %get3A_790 = arith.constant 96 : index
      %get3A_791 = tpu.vector_load %arg20[%get3A_789, %get3A_790] {strides = array<i32>} : memref<32x128xf32, #tpu.memory_space<vmem>>, vector<1x16xf32>,
      %get3A_792 = vector.shape_cast %get3A_791 : vector<1x16xf32> to vector<16xf32>
      %add3A_793 = arith.addf %add3A_788, %get3A_792 : vector<16xf32>
      %mul3A_794 = arith.constant 0.0833333358 : f32
      %mul3A_795 = vector.broadcast %mul3A_794 : f32 to vector<16xf32>
      %mul3A_796 = arith.mulf %add3A_793, %mul3A_795 : vector<16xf32>
      %swap3A_797 = arith.index_cast %scan3A_333 : i32 to index
      %swap3A_798 = arith.constant 96 : index
      %swap3A_799 = tpu.vector_load %arg33[%swap3A_797, %swap3A_798] {strides = array<i32>} : memref<32x128xf32, #tpu.memory_space<vmem>>, vector<1x16xf32>,
      %swap3A_800 = vector.shape_cast %swap3A_799 : vector<1x16xf32> to vector<16xf32>
      %swap3A_801 = vector.shape_cast %mul3A_796 : vector<16xf32> to vector<1x16xf32>
      tpu.vector_store %arg33[%swap3A_797, %swap3A_798], %swap3A_801 {strides = array<i32>} : memref<32x128xf32, #tpu.memory_space<vmem>>, vector<1x16xf32>,
      %get3A_802 = arith.index_cast %scan3A_333 : i32 to index
      %get3A_803 = arith.constant 112 : index
      %get3A_804 = tpu.vector_load %arg9[%get3A_802, %get3A_803] {strides = array<i32>} : memref<32x128xf32, #tpu.memory_space<vmem>>, vector<1x16xf32>,
      %get3A_805 = vector.shape_cast %get3A_804 : vector<1x16xf32> to vector<16xf32>
      %get3A_806 = arith.index_cast %scan3A_333 : i32 to index
      %get3A_807 = arith.constant 112 : index
      %get3A_808 = tpu.vector_load %arg10[%get3A_806, %get3A_807] {strides = array<i32>} : memref<32x128xf32, #tpu.memory_space<vmem>>, vector<1x16xf32>,
      %get3A_809 = vector.shape_cast %get3A_808 : vector<1x16xf32> to vector<16xf32>
      %add3A_810 = arith.addf %get3A_805, %get3A_809 : vector<16xf32>
      %get3A_811 = arith.index_cast %scan3A_333 : i32 to index
      %get3A_812 = arith.constant 112 : index
      %get3A_813 = tpu.vector_load %arg11[%get3A_811, %get3A_812] {strides = array<i32>} : memref<32x128xf32, #tpu.memory_space<vmem>>, vector<1x16xf32>,
      %get3A_814 = vector.shape_cast %get3A_813 : vector<1x16xf32> to vector<16xf32>
      %add3A_815 = arith.addf %add3A_810, %get3A_814 : vector<16xf32>
      %get3A_816 = arith.index_cast %scan3A_333 : i32 to index
      %get3A_817 = arith.constant 112 : index
      %get3A_818 = tpu.vector_load %arg12[%get3A_816, %get3A_817] {strides = array<i32>} : memref<32x128xf32, #tpu.memory_space<vmem>>, vector<1x16xf32>,
      %get3A_819 = vector.shape_cast %get3A_818 : vector<1x16xf32> to vector<16xf32>
      %add3A_820 = arith.addf %add3A_815, %get3A_819 : vector<16xf32>
      %get3A_821 = arith.index_cast %scan3A_333 : i32 to index
      %get3A_822 = arith.constant 112 : index
      %get3A_823 = tpu.vector_load %arg13[%get3A_821, %get3A_822] {strides = array<i32>} : memref<32x128xf32, #tpu.memory_space<vmem>>, vector<1x16xf32>,
      %get3A_824 = vector.shape_cast %get3A_823 : vector<1x16xf32> to vector<16xf32>
      %add3A_825 = arith.addf %add3A_820, %get3A_824 : vector<16xf32>
      %get3A_826 = arith.index_cast %scan3A_333 : i32 to index
      %get3A_827 = arith.constant 112 : index
      %get3A_828 = tpu.vector_load %arg14[%get3A_826, %get3A_827] {strides = array<i32>} : memref<32x128xf32, #tpu.memory_space<vmem>>, vector<1x16xf32>,
      %get3A_829 = vector.shape_cast %get3A_828 : vector<1x16xf32> to vector<16xf32>
      %add3A_830 = arith.addf %add3A_825, %get3A_829 : vector<16xf32>
      %get3A_831 = arith.index_cast %scan3A_333 : i32 to index
      %get3A_832 = arith.constant 112 : index
      %get3A_833 = tpu.vector_load %arg15[%get3A_831, %get3A_832] {strides = array<i32>} : memref<32x128xf32, #tpu.memory_space<vmem>>, vector<1x16xf32>,
      %get3A_834 = vector.shape_cast %get3A_833 : vector<1x16xf32> to vector<16xf32>
      %add3A_835 = arith.addf %add3A_830, %get3A_834 : vector<16xf32>
      %get3A_836 = arith.index_cast %scan3A_333 : i32 to index
      %get3A_837 = arith.constant 112 : index
      %get3A_838 = tpu.vector_load %arg16[%get3A_836, %get3A_837] {strides = array<i32>} : memref<32x128xf32, #tpu.memory_space<vmem>>, vector<1x16xf32>,
      %get3A_839 = vector.shape_cast %get3A_838 : vector<1x16xf32> to vector<16xf32>
      %add3A_840 = arith.addf %add3A_835, %get3A_839 : vector<16xf32>
      %get3A_841 = arith.index_cast %scan3A_333 : i32 to index
      %get3A_842 = arith.constant 112 : index
      %get3A_843 = tpu.vector_load %arg17[%get3A_841, %get3A_842] {strides = array<i32>} : memref<32x128xf32, #tpu.memory_space<vmem>>, vector<1x16xf32>,
      %get3A_844 = vector.shape_cast %get3A_843 : vector<1x16xf32> to vector<16xf32>
      %add3A_845 = arith.addf %add3A_840, %get3A_844 : vector<16xf32>
      %get3A_846 = arith.index_cast %scan3A_333 : i32 to index
      %get3A_847 = arith.constant 112 : index
      %get3A_848 = tpu.vector_load %arg18[%get3A_846, %get3A_847] {strides = array<i32>} : memref<32x128xf32, #tpu.memory_space<vmem>>, vector<1x16xf32>,
      %get3A_849 = vector.shape_cast %get3A_848 : vector<1x16xf32> to vector<16xf32>
      %add3A_850 = arith.addf %add3A_845, %get3A_849 : vector<16xf32>
      %get3A_851 = arith.index_cast %scan3A_333 : i32 to index
      %get3A_852 = arith.constant 112 : index
      %get3A_853 = tpu.vector_load %arg19[%get3A_851, %get3A_852] {strides = array<i32>} : memref<32x128xf32, #tpu.memory_space<vmem>>, vector<1x16xf32>,
      %get3A_854 = vector.shape_cast %get3A_853 : vector<1x16xf32> to vector<16xf32>
      %add3A_855 = arith.addf %add3A_850, %get3A_854 : vector<16xf32>
      %get3A_856 = arith.index_cast %scan3A_333 : i32 to index
      %get3A_857 = arith.constant 112 : index
      %get3A_858 = tpu.vector_load %arg20[%get3A_856, %get3A_857] {strides = array<i32>} : memref<32x128xf32, #tpu.memory_space<vmem>>, vector<1x16xf32>,
      %get3A_859 = vector.shape_cast %get3A_858 : vector<1x16xf32> to vector<16xf32>
      %add3A_860 = arith.addf %add3A_855, %get3A_859 : vector<16xf32>
      %mul3A_861 = arith.constant 0.0833333358 : f32
      %mul3A_862 = vector.broadcast %mul3A_861 : f32 to vector<16xf32>
      %mul3A_863 = arith.mulf %add3A_860, %mul3A_862 : vector<16xf32>
      %swap3A_864 = arith.index_cast %scan3A_333 : i32 to index
      %swap3A_865 = arith.constant 112 : index
      %swap3A_866 = tpu.vector_load %arg33[%swap3A_864, %swap3A_865] {strides = array<i32>} : memref<32x128xf32, #tpu.memory_space<vmem>>, vector<1x16xf32>,
      %swap3A_867 = vector.shape_cast %swap3A_866 : vector<1x16xf32> to vector<16xf32>
      %swap3A_868 = vector.shape_cast %mul3A_863 : vector<16xf32> to vector<1x16xf32>
      tpu.vector_store %arg33[%swap3A_864, %swap3A_865], %swap3A_868 {strides = array<i32>} : memref<32x128xf32, #tpu.memory_space<vmem>>, vector<1x16xf32>,
      %scan3A_869 = arith.constant 0 : i32
      scf.yield %scan3A_869 : i32
    }
    %scan3A_309 = arith.constant 32 : i32
    %dma_start3A_310 = arith.constant 0 : i32
    %dma_start3A_311 = tpu.memref_slice %arg5[%mul3A_2, %dma_start3A_310] : memref<1024x128xf32, #tpu.memory_space<hbm>> -> memref<32x128xf32, #tpu.memory_space<hbm>>
    %dma_start3A_312 = arith.constant 0 : i32
    %dma_start3A_313 = tpu.memref_slice %arg5[%mul3A_2, %dma_start3A_312] : memref<1024x128xf32, #tpu.memory_space<hbm>> -> memref<32x128xf32, #tpu.memory_space<hbm>>
    tpu.enqueue_dma source(%arg33 : memref<32x128xf32, #tpu.memory_space<vmem>>) target(%dma_start3A_313 : memref<32x128xf32, #tpu.memory_space<hbm>>) target_semaphore(%arg37 : memref<!tpu.dma_semaphore, #tpu.memory_space<semaphore_mem>>)
    %scan3A_314 = arith.constant 0 : i32
    %scan3A_315 = arith.constant 0 : i32
    %scan3A_316 = arith.constant 10 : i32
    %scan3A_317 = arith.addi %scan3A_315, %scan3A_316 : i32
    %scan3A_318 = arith.constant 1 : i32
    %scan3A_319 = scf.for %scan3A_333 = %scan3A_315 to %scan3A_317 step %scan3A_318 iter_args(%scan3A_334 = %scan3A_314) -> (i32)  : i32 {
      %mul3A_335 = arith.constant 2 : i32
      %mul3A_336 = arith.muli %mul3A_335, %scan3A_333 : i32
      %add3A_337 = arith.constant 1 : i32
      %add3A_338 = arith.addi %mul3A_336, %add3A_337 : i32
      %mul3A_339 = arith.constant 12 : i32
      %mul3A_340 = arith.muli %add3A_338, %mul3A_339 : i32
      %add3A_341 = arith.constant 0 : i32
      %add3A_342 = arith.addi %mul3A_340, %add3A_341 : i32
      %mul3A_343 = arith.constant 32 : i32
      %mul3A_344 = arith.muli %add3A_342, %mul3A_343 : i32
      %dma_start3A_345 = tpu.memref_slice %arg8[%mul3A_344] : memref<7680xi32, #tpu.memory_space<vmem>> -> memref<32xi32, #tpu.memory_space<vmem>>
      %dma_start3A_346 = arith.constant 0 : i32
      %dma_start3A_347 = arith.constant 0 : i32
      %dma_start3A_348 = tpu.memref_slice %arg4[%dma_start3A_346, %dma_start3A_347] : memref<100000x128xf32, #tpu.memory_space<hbm>> -> memref<100000x128xf32, #tpu.memory_space<hbm>>
      tpu.enqueue_indirect_dma source(%dma_start3A_348 : memref<100000x128xf32, #tpu.memory_space<hbm>>) target(%arg9 : memref<32x128xf32, #tpu.memory_space<vmem>>) offsets(%dma_start3A_345 : memref<32xi32, #tpu.memory_space<vmem>>) semaphore(%arg35 : memref<!tpu.dma_semaphore, #tpu.memory_space<semaphore_mem>>)
      %mul3A_349 = arith.constant 12 : i32
      %mul3A_350 = arith.muli %add3A_338, %mul3A_349 : i32
      %add3A_351 = arith.constant 1 : i32
      %add3A_352 = arith.addi %mul3A_350, %add3A_351 : i32
      %mul3A_353 = arith.constant 32 : i32
      %mul3A_354 = arith.muli %add3A_352, %mul3A_353 : i32
      %dma_start3A_355 = tpu.memref_slice %arg8[%mul3A_354] : memref<7680xi32, #tpu.memory_space<vmem>> -> memref<32xi32, #tpu.memory_space<vmem>>
      %dma_start3A_356 = arith.constant 0 : i32
      %dma_start3A_357 = arith.constant 0 : i32
      %dma_start3A_358 = tpu.memref_slice %arg4[%dma_start3A_356, %dma_start3A_357] : memref<100000x128xf32, #tpu.memory_space<hbm>> -> memref<100000x128xf32, #tpu.memory_space<hbm>>
      tpu.enqueue_indirect_dma source(%dma_start3A_358 : memref<100000x128xf32, #tpu.memory_space<hbm>>) target(%arg10 : memref<32x128xf32, #tpu.memory_space<vmem>>) offsets(%dma_start3A_355 : memref<32xi32, #tpu.memory_space<vmem>>) semaphore(%arg35 : memref<!tpu.dma_semaphore, #tpu.memory_space<semaphore_mem>>)
      %mul3A_359 = arith.constant 12 : i32
      %mul3A_360 = arith.muli %add3A_338, %mul3A_359 : i32
      %add3A_361 = arith.constant 2 : i32
      %add3A_362 = arith.addi %mul3A_360, %add3A_361 : i32
      %mul3A_363 = arith.constant 32 : i32
      %mul3A_364 = arith.muli %add3A_362, %mul3A_363 : i32
      %dma_start3A_365 = tpu.memref_slice %arg8[%mul3A_364] : memref<7680xi32, #tpu.memory_space<vmem>> -> memref<32xi32, #tpu.memory_space<vmem>>
      %dma_start3A_366 = arith.constant 0 : i32
      %dma_start3A_367 = arith.constant 0 : i32
      %dma_start3A_368 = tpu.memref_slice %arg4[%dma_start3A_366, %dma_start3A_367] : memref<100000x128xf32, #tpu.memory_space<hbm>> -> memref<100000x128xf32, #tpu.memory_space<hbm>>
      tpu.enqueue_indirect_dma source(%dma_start3A_368 : memref<100000x128xf32, #tpu.memory_space<hbm>>) target(%arg11 : memref<32x128xf32, #tpu.memory_space<vmem>>) offsets(%dma_start3A_365 : memref<32xi32, #tpu.memory_space<vmem>>) semaphore(%arg35 : memref<!tpu.dma_semaphore, #tpu.memory_space<semaphore_mem>>)
      %mul3A_369 = arith.constant 12 : i32
      %mul3A_370 = arith.muli %add3A_338, %mul3A_369 : i32
      %add3A_371 = arith.constant 3 : i32
      %add3A_372 = arith.addi %mul3A_370, %add3A_371 : i32
      %mul3A_373 = arith.constant 32 : i32
      %mul3A_374 = arith.muli %add3A_372, %mul3A_373 : i32
      %dma_start3A_375 = tpu.memref_slice %arg8[%mul3A_374] : memref<7680xi32, #tpu.memory_space<vmem>> -> memref<32xi32, #tpu.memory_space<vmem>>
      %dma_start3A_376 = arith.constant 0 : i32
      %dma_start3A_377 = arith.constant 0 : i32
      %dma_start3A_378 = tpu.memref_slice %arg4[%dma_start3A_376, %dma_start3A_377] : memref<100000x128xf32, #tpu.memory_space<hbm>> -> memref<100000x128xf32, #tpu.memory_space<hbm>>
      tpu.enqueue_indirect_dma source(%dma_start3A_378 : memref<100000x128xf32, #tpu.memory_space<hbm>>) target(%arg12 : memref<32x128xf32, #tpu.memory_space<vmem>>) offsets(%dma_start3A_375 : memref<32xi32, #tpu.memory_space<vmem>>) semaphore(%arg35 : memref<!tpu.dma_semaphore, #tpu.memory_space<semaphore_mem>>)
      %mul3A_379 = arith.constant 12 : i32
      %mul3A_380 = arith.muli %add3A_338, %mul3A_379 : i32
      %add3A_381 = arith.constant 4 : i32
      %add3A_382 = arith.addi %mul3A_380, %add3A_381 : i32
      %mul3A_383 = arith.constant 32 : i32
      %mul3A_384 = arith.muli %add3A_382, %mul3A_383 : i32
      %dma_start3A_385 = tpu.memref_slice %arg8[%mul3A_384] : memref<7680xi32, #tpu.memory_space<vmem>> -> memref<32xi32, #tpu.memory_space<vmem>>
      %dma_start3A_386 = arith.constant 0 : i32
      %dma_start3A_387 = arith.constant 0 : i32
      %dma_start3A_388 = tpu.memref_slice %arg4[%dma_start3A_386, %dma_start3A_387] : memref<100000x128xf32, #tpu.memory_space<hbm>> -> memref<100000x128xf32, #tpu.memory_space<hbm>>
      tpu.enqueue_indirect_dma source(%dma_start3A_388 : memref<100000x128xf32, #tpu.memory_space<hbm>>) target(%arg13 : memref<32x128xf32, #tpu.memory_space<vmem>>) offsets(%dma_start3A_385 : memref<32xi32, #tpu.memory_space<vmem>>) semaphore(%arg35 : memref<!tpu.dma_semaphore, #tpu.memory_space<semaphore_mem>>)
      %mul3A_389 = arith.constant 12 : i32
      %mul3A_390 = arith.muli %add3A_338, %mul3A_389 : i32
      %add3A_391 = arith.constant 5 : i32
      %add3A_392 = arith.addi %mul3A_390, %add3A_391 : i32
      %mul3A_393 = arith.constant 32 : i32
      %mul3A_394 = arith.muli %add3A_392, %mul3A_393 : i32
      %dma_start3A_395 = tpu.memref_slice %arg8[%mul3A_394] : memref<7680xi32, #tpu.memory_space<vmem>> -> memref<32xi32, #tpu.memory_space<vmem>>
      %dma_start3A_396 = arith.constant 0 : i32
      %dma_start3A_397 = arith.constant 0 : i32
      %dma_start3A_398 = tpu.memref_slice %arg4[%dma_start3A_396, %dma_start3A_397] : memref<100000x128xf32, #tpu.memory_space<hbm>> -> memref<100000x128xf32, #tpu.memory_space<hbm>>
      tpu.enqueue_indirect_dma source(%dma_start3A_398 : memref<100000x128xf32, #tpu.memory_space<hbm>>) target(%arg14 : memref<32x128xf32, #tpu.memory_space<vmem>>) offsets(%dma_start3A_395 : memref<32xi32, #tpu.memory_space<vmem>>) semaphore(%arg35 : memref<!tpu.dma_semaphore, #tpu.memory_space<semaphore_mem>>)
      %mul3A_399 = arith.constant 12 : i32
      %mul3A_400 = arith.muli %add3A_338, %mul3A_399 : i32
      %add3A_401 = arith.constant 6 : i32
      %add3A_402 = arith.addi %mul3A_400, %add3A_401 : i32
      %mul3A_403 = arith.constant 32 : i32
      %mul3A_404 = arith.muli %add3A_402, %mul3A_403 : i32
      %dma_start3A_405 = tpu.memref_slice %arg8[%mul3A_404] : memref<7680xi32, #tpu.memory_space<vmem>> -> memref<32xi32, #tpu.memory_space<vmem>>
      %dma_start3A_406 = arith.constant 0 : i32
      %dma_start3A_407 = arith.constant 0 : i32
      %dma_start3A_408 = tpu.memref_slice %arg4[%dma_start3A_406, %dma_start3A_407] : memref<100000x128xf32, #tpu.memory_space<hbm>> -> memref<100000x128xf32, #tpu.memory_space<hbm>>
      tpu.enqueue_indirect_dma source(%dma_start3A_408 : memref<100000x128xf32, #tpu.memory_space<hbm>>) target(%arg15 : memref<32x128xf32, #tpu.memory_space<vmem>>) offsets(%dma_start3A_405 : memref<32xi32, #tpu.memory_space<vmem>>) semaphore(%arg35 : memref<!tpu.dma_semaphore, #tpu.memory_space<semaphore_mem>>)
      %mul3A_409 = arith.constant 12 : i32
      %mul3A_410 = arith.muli %add3A_338, %mul3A_409 : i32
      %add3A_411 = arith.constant 7 : i32
      %add3A_412 = arith.addi %mul3A_410, %add3A_411 : i32
      %mul3A_413 = arith.constant 32 : i32
      %mul3A_414 = arith.muli %add3A_412, %mul3A_413 : i32
      %dma_start3A_415 = tpu.memref_slice %arg8[%mul3A_414] : memref<7680xi32, #tpu.memory_space<vmem>> -> memref<32xi32, #tpu.memory_space<vmem>>
      %dma_start3A_416 = arith.constant 0 : i32
      %dma_start3A_417 = arith.constant 0 : i32
      %dma_start3A_418 = tpu.memref_slice %arg4[%dma_start3A_416, %dma_start3A_417] : memref<100000x128xf32, #tpu.memory_space<hbm>> -> memref<100000x128xf32, #tpu.memory_space<hbm>>
      tpu.enqueue_indirect_dma source(%dma_start3A_418 : memref<100000x128xf32, #tpu.memory_space<hbm>>) target(%arg16 : memref<32x128xf32, #tpu.memory_space<vmem>>) offsets(%dma_start3A_415 : memref<32xi32, #tpu.memory_space<vmem>>) semaphore(%arg35 : memref<!tpu.dma_semaphore, #tpu.memory_space<semaphore_mem>>)
      %mul3A_419 = arith.constant 12 : i32
      %mul3A_420 = arith.muli %add3A_338, %mul3A_419 : i32
      %add3A_421 = arith.constant 8 : i32
      %add3A_422 = arith.addi %mul3A_420, %add3A_421 : i32
      %mul3A_423 = arith.constant 32 : i32
      %mul3A_424 = arith.muli %add3A_422, %mul3A_423 : i32
      %dma_start3A_425 = tpu.memref_slice %arg8[%mul3A_424] : memref<7680xi32, #tpu.memory_space<vmem>> -> memref<32xi32, #tpu.memory_space<vmem>>
      %dma_start3A_426 = arith.constant 0 : i32
      %dma_start3A_427 = arith.constant 0 : i32
      %dma_start3A_428 = tpu.memref_slice %arg4[%dma_start3A_426, %dma_start3A_427] : memref<100000x128xf32, #tpu.memory_space<hbm>> -> memref<100000x128xf32, #tpu.memory_space<hbm>>
      tpu.enqueue_indirect_dma source(%dma_start3A_428 : memref<100000x128xf32, #tpu.memory_space<hbm>>) target(%arg17 : memref<32x128xf32, #tpu.memory_space<vmem>>) offsets(%dma_start3A_425 : memref<32xi32, #tpu.memory_space<vmem>>) semaphore(%arg35 : memref<!tpu.dma_semaphore, #tpu.memory_space<semaphore_mem>>)
      %mul3A_429 = arith.constant 12 : i32
      %mul3A_430 = arith.muli %add3A_338, %mul3A_429 : i32
      %add3A_431 = arith.constant 9 : i32
      %add3A_432 = arith.addi %mul3A_430, %add3A_431 : i32
      %mul3A_433 = arith.constant 32 : i32
      %mul3A_434 = arith.muli %add3A_432, %mul3A_433 : i32
      %dma_start3A_435 = tpu.memref_slice %arg8[%mul3A_434] : memref<7680xi32, #tpu.memory_space<vmem>> -> memref<32xi32, #tpu.memory_space<vmem>>
      %dma_start3A_436 = arith.constant 0 : i32
      %dma_start3A_437 = arith.constant 0 : i32
      %dma_start3A_438 = tpu.memref_slice %arg4[%dma_start3A_436, %dma_start3A_437] : memref<100000x128xf32, #tpu.memory_space<hbm>> -> memref<100000x128xf32, #tpu.memory_space<hbm>>
      tpu.enqueue_indirect_dma source(%dma_start3A_438 : memref<100000x128xf32, #tpu.memory_space<hbm>>) target(%arg18 : memref<32x128xf32, #tpu.memory_space<vmem>>) offsets(%dma_start3A_435 : memref<32xi32, #tpu.memory_space<vmem>>) semaphore(%arg35 : memref<!tpu.dma_semaphore, #tpu.memory_space<semaphore_mem>>)
      %mul3A_439 = arith.constant 12 : i32
      %mul3A_440 = arith.muli %add3A_338, %mul3A_439 : i32
      %add3A_441 = arith.constant 10 : i32
      %add3A_442 = arith.addi %mul3A_440, %add3A_441 : i32
      %mul3A_443 = arith.constant 32 : i32
      %mul3A_444 = arith.muli %add3A_442, %mul3A_443 : i32
      %dma_start3A_445 = tpu.memref_slice %arg8[%mul3A_444] : memref<7680xi32, #tpu.memory_space<vmem>> -> memref<32xi32, #tpu.memory_space<vmem>>
      %dma_start3A_446 = arith.constant 0 : i32
      %dma_start3A_447 = arith.constant 0 : i32
      %dma_start3A_448 = tpu.memref_slice %arg4[%dma_start3A_446, %dma_start3A_447] : memref<100000x128xf32, #tpu.memory_space<hbm>> -> memref<100000x128xf32, #tpu.memory_space<hbm>>
      tpu.enqueue_indirect_dma source(%dma_start3A_448 : memref<100000x128xf32, #tpu.memory_space<hbm>>) target(%arg19 : memref<32x128xf32, #tpu.memory_space<vmem>>) offsets(%dma_start3A_445 : memref<32xi32, #tpu.memory_space<vmem>>) semaphore(%arg35 : memref<!tpu.dma_semaphore, #tpu.memory_space<semaphore_mem>>)
      %mul3A_449 = arith.constant 12 : i32
      %mul3A_450 = arith.muli %add3A_338, %mul3A_449 : i32
      %add3A_451 = arith.constant 11 : i32
      %add3A_452 = arith.addi %mul3A_450, %add3A_451 : i32
      %mul3A_453 = arith.constant 32 : i32
      %mul3A_454 = arith.muli %add3A_452, %mul3A_453 : i32
      %dma_start3A_455 = tpu.memref_slice %arg8[%mul3A_454] : memref<7680xi32, #tpu.memory_space<vmem>> -> memref<32xi32, #tpu.memory_space<vmem>>
      %dma_start3A_456 = arith.constant 0 : i32
      %dma_start3A_457 = arith.constant 0 : i32
      %dma_start3A_458 = tpu.memref_slice %arg4[%dma_start3A_456, %dma_start3A_457] : memref<100000x128xf32, #tpu.memory_space<hbm>> -> memref<100000x128xf32, #tpu.memory_space<hbm>>
      tpu.enqueue_indirect_dma source(%dma_start3A_458 : memref<100000x128xf32, #tpu.memory_space<hbm>>) target(%arg20 : memref<32x128xf32, #tpu.memory_space<vmem>>) offsets(%dma_start3A_455 : memref<32xi32, #tpu.memory_space<vmem>>) semaphore(%arg35 : memref<!tpu.dma_semaphore, #tpu.memory_space<semaphore_mem>>)
      %dma_wait3A_459 = arith.constant 0 : i32
      %dma_wait3A_460 = arith.constant 0 : i32
      %dma_wait3A_461 = tpu.memref_slice %arg4[%dma_wait3A_459, %dma_wait3A_460] : memref<100000x128xf32, #tpu.memory_space<hbm>> -> memref<32x128xf32, #tpu.memory_space<hbm>>
      %dma_wait3A_462 = arith.constant 0 : i32
      %dma_wait3A_463 = arith.constant 0 : i32
      %dma_wait3A_464 = tpu.memref_slice %arg4[%dma_wait3A_462, %dma_wait3A_463] : memref<100000x128xf32, #tpu.memory_space<hbm>> -> memref<32x128xf32, #tpu.memory_space<hbm>>
      tpu.wait_dma2 semaphore(%arg36 : memref<!tpu.dma_semaphore, #tpu.memory_space<semaphore_mem>>) src(%dma_wait3A_464 : memref<32x128xf32, #tpu.memory_space<hbm>>) dst(%arg21 : memref<32x128xf32, #tpu.memory_space<vmem>>)
      %dma_wait3A_465 = arith.constant 0 : i32
      %dma_wait3A_466 = arith.constant 0 : i32
      %dma_wait3A_467 = tpu.memref_slice %arg4[%dma_wait3A_465, %dma_wait3A_466] : memref<100000x128xf32, #tpu.memory_space<hbm>> -> memref<32x128xf32, #tpu.memory_space<hbm>>
      %dma_wait3A_468 = arith.constant 0 : i32
      %dma_wait3A_469 = arith.constant 0 : i32
      %dma_wait3A_470 = tpu.memref_slice %arg4[%dma_wait3A_468, %dma_wait3A_469] : memref<100000x128xf32, #tpu.memory_space<hbm>> -> memref<32x128xf32, #tpu.memory_space<hbm>>
      tpu.wait_dma2 semaphore(%arg36 : memref<!tpu.dma_semaphore, #tpu.memory_space<semaphore_mem>>) src(%dma_wait3A_470 : memref<32x128xf32, #tpu.memory_space<hbm>>) dst(%arg22 : memref<32x128xf32, #tpu.memory_space<vmem>>)
      %dma_wait3A_471 = arith.constant 0 : i32
      %dma_wait3A_472 = arith.constant 0 : i32
      %dma_wait3A_473 = tpu.memref_slice %arg4[%dma_wait3A_471, %dma_wait3A_472] : memref<100000x128xf32, #tpu.memory_space<hbm>> -> memref<32x128xf32, #tpu.memory_space<hbm>>
      %dma_wait3A_474 = arith.constant 0 : i32
      %dma_wait3A_475 = arith.constant 0 : i32
      %dma_wait3A_476 = tpu.memref_slice %arg4[%dma_wait3A_474, %dma_wait3A_475] : memref<100000x128xf32, #tpu.memory_space<hbm>> -> memref<32x128xf32, #tpu.memory_space<hbm>>
      tpu.wait_dma2 semaphore(%arg36 : memref<!tpu.dma_semaphore, #tpu.memory_space<semaphore_mem>>) src(%dma_wait3A_476 : memref<32x128xf32, #tpu.memory_space<hbm>>) dst(%arg23 : memref<32x128xf32, #tpu.memory_space<vmem>>)
      %dma_wait3A_477 = arith.constant 0 : i32
      %dma_wait3A_478 = arith.constant 0 : i32
      %dma_wait3A_479 = tpu.memref_slice %arg4[%dma_wait3A_477, %dma_wait3A_478] : memref<100000x128xf32, #tpu.memory_space<hbm>> -> memref<32x128xf32, #tpu.memory_space<hbm>>
      %dma_wait3A_480 = arith.constant 0 : i32
      %dma_wait3A_481 = arith.constant 0 : i32
      %dma_wait3A_482 = tpu.memref_slice %arg4[%dma_wait3A_480, %dma_wait3A_481] : memref<100000x128xf32, #tpu.memory_space<hbm>> -> memref<32x128xf32, #tpu.memory_space<hbm>>
      tpu.wait_dma2 semaphore(%arg36 : memref<!tpu.dma_semaphore, #tpu.memory_space<semaphore_mem>>) src(%dma_wait3A_482 : memref<32x128xf32, #tpu.memory_space<hbm>>) dst(%arg24 : memref<32x128xf32, #tpu.memory_space<vmem>>)
      %dma_wait3A_483 = arith.constant 0 : i32
      %dma_wait3A_484 = arith.constant 0 : i32
      %dma_wait3A_485 = tpu.memref_slice %arg4[%dma_wait3A_483, %dma_wait3A_484] : memref<100000x128xf32, #tpu.memory_space<hbm>> -> memref<32x128xf32, #tpu.memory_space<hbm>>
      %dma_wait3A_486 = arith.constant 0 : i32
      %dma_wait3A_487 = arith.constant 0 : i32
      %dma_wait3A_488 = tpu.memref_slice %arg4[%dma_wait3A_486, %dma_wait3A_487] : memref<100000x128xf32, #tpu.memory_space<hbm>> -> memref<32x128xf32, #tpu.memory_space<hbm>>
      tpu.wait_dma2 semaphore(%arg36 : memref<!tpu.dma_semaphore, #tpu.memory_space<semaphore_mem>>) src(%dma_wait3A_488 : memref<32x128xf32, #tpu.memory_space<hbm>>) dst(%arg25 : memref<32x128xf32, #tpu.memory_space<vmem>>)
      %dma_wait3A_489 = arith.constant 0 : i32
      %dma_wait3A_490 = arith.constant 0 : i32
      %dma_wait3A_491 = tpu.memref_slice %arg4[%dma_wait3A_489, %dma_wait3A_490] : memref<100000x128xf32, #tpu.memory_space<hbm>> -> memref<32x128xf32, #tpu.memory_space<hbm>>
      %dma_wait3A_492 = arith.constant 0 : i32
      %dma_wait3A_493 = arith.constant 0 : i32
      %dma_wait3A_494 = tpu.memref_slice %arg4[%dma_wait3A_492, %dma_wait3A_493] : memref<100000x128xf32, #tpu.memory_space<hbm>> -> memref<32x128xf32, #tpu.memory_space<hbm>>
      tpu.wait_dma2 semaphore(%arg36 : memref<!tpu.dma_semaphore, #tpu.memory_space<semaphore_mem>>) src(%dma_wait3A_494 : memref<32x128xf32, #tpu.memory_space<hbm>>) dst(%arg26 : memref<32x128xf32, #tpu.memory_space<vmem>>)
      %dma_wait3A_495 = arith.constant 0 : i32
      %dma_wait3A_496 = arith.constant 0 : i32
      %dma_wait3A_497 = tpu.memref_slice %arg4[%dma_wait3A_495, %dma_wait3A_496] : memref<100000x128xf32, #tpu.memory_space<hbm>> -> memref<32x128xf32, #tpu.memory_space<hbm>>
      %dma_wait3A_498 = arith.constant 0 : i32
      %dma_wait3A_499 = arith.constant 0 : i32
      %dma_wait3A_500 = tpu.memref_slice %arg4[%dma_wait3A_498, %dma_wait3A_499] : memref<100000x128xf32, #tpu.memory_space<hbm>> -> memref<32x128xf32, #tpu.memory_space<hbm>>
      tpu.wait_dma2 semaphore(%arg36 : memref<!tpu.dma_semaphore, #tpu.memory_space<semaphore_mem>>) src(%dma_wait3A_500 : memref<32x128xf32, #tpu.memory_space<hbm>>) dst(%arg27 : memref<32x128xf32, #tpu.memory_space<vmem>>)
      %dma_wait3A_501 = arith.constant 0 : i32
      %dma_wait3A_502 = arith.constant 0 : i32
      %dma_wait3A_503 = tpu.memref_slice %arg4[%dma_wait3A_501, %dma_wait3A_502] : memref<100000x128xf32, #tpu.memory_space<hbm>> -> memref<32x128xf32, #tpu.memory_space<hbm>>
      %dma_wait3A_504 = arith.constant 0 : i32
      %dma_wait3A_505 = arith.constant 0 : i32
      %dma_wait3A_506 = tpu.memref_slice %arg4[%dma_wait3A_504, %dma_wait3A_505] : memref<100000x128xf32, #tpu.memory_space<hbm>> -> memref<32x128xf32, #tpu.memory_space<hbm>>
      tpu.wait_dma2 semaphore(%arg36 : memref<!tpu.dma_semaphore, #tpu.memory_space<semaphore_mem>>) src(%dma_wait3A_506 : memref<32x128xf32, #tpu.memory_space<hbm>>) dst(%arg28 : memref<32x128xf32, #tpu.memory_space<vmem>>)
      %dma_wait3A_507 = arith.constant 0 : i32
      %dma_wait3A_508 = arith.constant 0 : i32
      %dma_wait3A_509 = tpu.memref_slice %arg4[%dma_wait3A_507, %dma_wait3A_508] : memref<100000x128xf32, #tpu.memory_space<hbm>> -> memref<32x128xf32, #tpu.memory_space<hbm>>
      %dma_wait3A_510 = arith.constant 0 : i32
      %dma_wait3A_511 = arith.constant 0 : i32
      %dma_wait3A_512 = tpu.memref_slice %arg4[%dma_wait3A_510, %dma_wait3A_511] : memref<100000x128xf32, #tpu.memory_space<hbm>> -> memref<32x128xf32, #tpu.memory_space<hbm>>
      tpu.wait_dma2 semaphore(%arg36 : memref<!tpu.dma_semaphore, #tpu.memory_space<semaphore_mem>>) src(%dma_wait3A_512 : memref<32x128xf32, #tpu.memory_space<hbm>>) dst(%arg29 : memref<32x128xf32, #tpu.memory_space<vmem>>)
      %dma_wait3A_513 = arith.constant 0 : i32
      %dma_wait3A_514 = arith.constant 0 : i32
      %dma_wait3A_515 = tpu.memref_slice %arg4[%dma_wait3A_513, %dma_wait3A_514] : memref<100000x128xf32, #tpu.memory_space<hbm>> -> memref<32x128xf32, #tpu.memory_space<hbm>>
      %dma_wait3A_516 = arith.constant 0 : i32
      %dma_wait3A_517 = arith.constant 0 : i32
      %dma_wait3A_518 = tpu.memref_slice %arg4[%dma_wait3A_516, %dma_wait3A_517] : memref<100000x128xf32, #tpu.memory_space<hbm>> -> memref<32x128xf32, #tpu.memory_space<hbm>>
      tpu.wait_dma2 semaphore(%arg36 : memref<!tpu.dma_semaphore, #tpu.memory_space<semaphore_mem>>) src(%dma_wait3A_518 : memref<32x128xf32, #tpu.memory_space<hbm>>) dst(%arg30 : memref<32x128xf32, #tpu.memory_space<vmem>>)
      %dma_wait3A_519 = arith.constant 0 : i32
      %dma_wait3A_520 = arith.constant 0 : i32
      %dma_wait3A_521 = tpu.memref_slice %arg4[%dma_wait3A_519, %dma_wait3A_520] : memref<100000x128xf32, #tpu.memory_space<hbm>> -> memref<32x128xf32, #tpu.memory_space<hbm>>
      %dma_wait3A_522 = arith.constant 0 : i32
      %dma_wait3A_523 = arith.constant 0 : i32
      %dma_wait3A_524 = tpu.memref_slice %arg4[%dma_wait3A_522, %dma_wait3A_523] : memref<100000x128xf32, #tpu.memory_space<hbm>> -> memref<32x128xf32, #tpu.memory_space<hbm>>
      tpu.wait_dma2 semaphore(%arg36 : memref<!tpu.dma_semaphore, #tpu.memory_space<semaphore_mem>>) src(%dma_wait3A_524 : memref<32x128xf32, #tpu.memory_space<hbm>>) dst(%arg31 : memref<32x128xf32, #tpu.memory_space<vmem>>)
      %dma_wait3A_525 = arith.constant 0 : i32
      %dma_wait3A_526 = arith.constant 0 : i32
      %dma_wait3A_527 = tpu.memref_slice %arg4[%dma_wait3A_525, %dma_wait3A_526] : memref<100000x128xf32, #tpu.memory_space<hbm>> -> memref<32x128xf32, #tpu.memory_space<hbm>>
      %dma_wait3A_528 = arith.constant 0 : i32
      %dma_wait3A_529 = arith.constant 0 : i32
      %dma_wait3A_530 = tpu.memref_slice %arg4[%dma_wait3A_528, %dma_wait3A_529] : memref<100000x128xf32, #tpu.memory_space<hbm>> -> memref<32x128xf32, #tpu.memory_space<hbm>>
      tpu.wait_dma2 semaphore(%arg36 : memref<!tpu.dma_semaphore, #tpu.memory_space<semaphore_mem>>) src(%dma_wait3A_530 : memref<32x128xf32, #tpu.memory_space<hbm>>) dst(%arg32 : memref<32x128xf32, #tpu.memory_space<vmem>>)
      %gt3A = arith.constant 0 : i32
      %gt3A_531 = arith.cmpi sgt, %scan3A_333, %gt3A : i32
      %convert_element_type3A = arith.extui %gt3A_531 : i1 to i32
      %cond3A = arith.constant 0 : i32
      %cond3A_532 = arith.cmpi ne, %convert_element_type3A, %cond3A : i32
      scf.if %cond3A_532 {
        %dma_wait3A_648 = arith.constant 0 : i32
        %dma_wait3A_649 = arith.constant 0 : i32
        %dma_wait3A_650 = tpu.memref_slice %arg4[%dma_wait3A_648, %dma_wait3A_649] : memref<100000x128xf32, #tpu.memory_space<hbm>> -> memref<32x128xf32, #tpu.memory_space<hbm>>
        %dma_wait3A_651 = arith.constant 0 : i32
        %dma_wait3A_652 = arith.constant 0 : i32
        %dma_wait3A_653 = tpu.memref_slice %arg4[%dma_wait3A_651, %dma_wait3A_652] : memref<100000x128xf32, #tpu.memory_space<hbm>> -> memref<32x128xf32, #tpu.memory_space<hbm>>
        tpu.wait_dma2 semaphore(%arg38 : memref<!tpu.dma_semaphore, #tpu.memory_space<semaphore_mem>>) src(%dma_wait3A_653 : memref<32x128xf32, #tpu.memory_space<hbm>>) dst(%arg34 : memref<32x128xf32, #tpu.memory_space<vmem>>)
      } else {
      }
      %mul3A_533 = arith.constant 1024 : i32
      %mul3A_534 = arith.muli %mul3A_336, %mul3A_533 : i32
      %add3A_535 = arith.addi %mul3A_534, %mul3A_2 : i32
      %scan3A_536 = arith.constant 0 : i32
      %scan3A_537 = arith.constant 0 : i32
      %scan3A_538 = arith.constant 32 : i32
      %scan3A_539 = arith.addi %scan3A_537, %scan3A_538 : i32
      %scan3A_540 = arith.constant 1 : i32
      %scan3A_541 = scf.for %scan3A_648 = %scan3A_537 to %scan3A_539 step %scan3A_540 iter_args(%scan3A_649 = %scan3A_536) -> (i32)  : i32 {
        %get3A = arith.index_cast %scan3A_648 : i32 to index
        %get3A_650 = arith.constant 0 : index
        %get3A_651 = tpu.vector_load %arg21[%get3A, %get3A_650] {strides = array<i32>} : memref<32x128xf32, #tpu.memory_space<vmem>>, vector<1x16xf32>,
        %get3A_652 = vector.shape_cast %get3A_651 : vector<1x16xf32> to vector<16xf32>
        %get3A_653 = arith.index_cast %scan3A_648 : i32 to index
        %get3A_654 = arith.constant 0 : index
        %get3A_655 = tpu.vector_load %arg22[%get3A_653, %get3A_654] {strides = array<i32>} : memref<32x128xf32, #tpu.memory_space<vmem>>, vector<1x16xf32>,
        %get3A_656 = vector.shape_cast %get3A_655 : vector<1x16xf32> to vector<16xf32>
        %add3A_657 = arith.addf %get3A_652, %get3A_656 : vector<16xf32>
        %get3A_658 = arith.index_cast %scan3A_648 : i32 to index
        %get3A_659 = arith.constant 0 : index
        %get3A_660 = tpu.vector_load %arg23[%get3A_658, %get3A_659] {strides = array<i32>} : memref<32x128xf32, #tpu.memory_space<vmem>>, vector<1x16xf32>,
        %get3A_661 = vector.shape_cast %get3A_660 : vector<1x16xf32> to vector<16xf32>
        %add3A_662 = arith.addf %add3A_657, %get3A_661 : vector<16xf32>
        %get3A_663 = arith.index_cast %scan3A_648 : i32 to index
        %get3A_664 = arith.constant 0 : index
        %get3A_665 = tpu.vector_load %arg24[%get3A_663, %get3A_664] {strides = array<i32>} : memref<32x128xf32, #tpu.memory_space<vmem>>, vector<1x16xf32>,
        %get3A_666 = vector.shape_cast %get3A_665 : vector<1x16xf32> to vector<16xf32>
        %add3A_667 = arith.addf %add3A_662, %get3A_666 : vector<16xf32>
        %get3A_668 = arith.index_cast %scan3A_648 : i32 to index
        %get3A_669 = arith.constant 0 : index
        %get3A_670 = tpu.vector_load %arg25[%get3A_668, %get3A_669] {strides = array<i32>} : memref<32x128xf32, #tpu.memory_space<vmem>>, vector<1x16xf32>,
        %get3A_671 = vector.shape_cast %get3A_670 : vector<1x16xf32> to vector<16xf32>
        %add3A_672 = arith.addf %add3A_667, %get3A_671 : vector<16xf32>
        %get3A_673 = arith.index_cast %scan3A_648 : i32 to index
        %get3A_674 = arith.constant 0 : index
        %get3A_675 = tpu.vector_load %arg26[%get3A_673, %get3A_674] {strides = array<i32>} : memref<32x128xf32, #tpu.memory_space<vmem>>, vector<1x16xf32>,
        %get3A_676 = vector.shape_cast %get3A_675 : vector<1x16xf32> to vector<16xf32>
        %add3A_677 = arith.addf %add3A_672, %get3A_676 : vector<16xf32>
        %get3A_678 = arith.index_cast %scan3A_648 : i32 to index
        %get3A_679 = arith.constant 0 : index
        %get3A_680 = tpu.vector_load %arg27[%get3A_678, %get3A_679] {strides = array<i32>} : memref<32x128xf32, #tpu.memory_space<vmem>>, vector<1x16xf32>,
        %get3A_681 = vector.shape_cast %get3A_680 : vector<1x16xf32> to vector<16xf32>
        %add3A_682 = arith.addf %add3A_677, %get3A_681 : vector<16xf32>
        %get3A_683 = arith.index_cast %scan3A_648 : i32 to index
        %get3A_684 = arith.constant 0 : index
        %get3A_685 = tpu.vector_load %arg28[%get3A_683, %get3A_684] {strides = array<i32>} : memref<32x128xf32, #tpu.memory_space<vmem>>, vector<1x16xf32>,
        %get3A_686 = vector.shape_cast %get3A_685 : vector<1x16xf32> to vector<16xf32>
        %add3A_687 = arith.addf %add3A_682, %get3A_686 : vector<16xf32>
        %get3A_688 = arith.index_cast %scan3A_648 : i32 to index
        %get3A_689 = arith.constant 0 : index
        %get3A_690 = tpu.vector_load %arg29[%get3A_688, %get3A_689] {strides = array<i32>} : memref<32x128xf32, #tpu.memory_space<vmem>>, vector<1x16xf32>,
        %get3A_691 = vector.shape_cast %get3A_690 : vector<1x16xf32> to vector<16xf32>
        %add3A_692 = arith.addf %add3A_687, %get3A_691 : vector<16xf32>
        %get3A_693 = arith.index_cast %scan3A_648 : i32 to index
        %get3A_694 = arith.constant 0 : index
        %get3A_695 = tpu.vector_load %arg30[%get3A_693, %get3A_694] {strides = array<i32>} : memref<32x128xf32, #tpu.memory_space<vmem>>, vector<1x16xf32>,
        %get3A_696 = vector.shape_cast %get3A_695 : vector<1x16xf32> to vector<16xf32>
        %add3A_697 = arith.addf %add3A_692, %get3A_696 : vector<16xf32>
        %get3A_698 = arith.index_cast %scan3A_648 : i32 to index
        %get3A_699 = arith.constant 0 : index
        %get3A_700 = tpu.vector_load %arg31[%get3A_698, %get3A_699] {strides = array<i32>} : memref<32x128xf32, #tpu.memory_space<vmem>>, vector<1x16xf32>,
        %get3A_701 = vector.shape_cast %get3A_700 : vector<1x16xf32> to vector<16xf32>
        %add3A_702 = arith.addf %add3A_697, %get3A_701 : vector<16xf32>
        %get3A_703 = arith.index_cast %scan3A_648 : i32 to index
        %get3A_704 = arith.constant 0 : index
        %get3A_705 = tpu.vector_load %arg32[%get3A_703, %get3A_704] {strides = array<i32>} : memref<32x128xf32, #tpu.memory_space<vmem>>, vector<1x16xf32>,
        %get3A_706 = vector.shape_cast %get3A_705 : vector<1x16xf32> to vector<16xf32>
        %add3A_707 = arith.addf %add3A_702, %get3A_706 : vector<16xf32>
        %mul3A_708 = arith.constant 0.0833333358 : f32
        %mul3A_709 = vector.broadcast %mul3A_708 : f32 to vector<16xf32>
        %mul3A_710 = arith.mulf %add3A_707, %mul3A_709 : vector<16xf32>
        %swap3A = arith.index_cast %scan3A_648 : i32 to index
        %swap3A_711 = arith.constant 0 : index
        %swap3A_712 = tpu.vector_load %arg34[%swap3A, %swap3A_711] {strides = array<i32>} : memref<32x128xf32, #tpu.memory_space<vmem>>, vector<1x16xf32>,
        %swap3A_713 = vector.shape_cast %swap3A_712 : vector<1x16xf32> to vector<16xf32>
        %swap3A_714 = vector.shape_cast %mul3A_710 : vector<16xf32> to vector<1x16xf32>
        tpu.vector_store %arg34[%swap3A, %swap3A_711], %swap3A_714 {strides = array<i32>} : memref<32x128xf32, #tpu.memory_space<vmem>>, vector<1x16xf32>,
        %get3A_715 = arith.index_cast %scan3A_648 : i32 to index
        %get3A_716 = arith.constant 16 : index
        %get3A_717 = tpu.vector_load %arg21[%get3A_715, %get3A_716] {strides = array<i32>} : memref<32x128xf32, #tpu.memory_space<vmem>>, vector<1x16xf32>,
        %get3A_718 = vector.shape_cast %get3A_717 : vector<1x16xf32> to vector<16xf32>
        %get3A_719 = arith.index_cast %scan3A_648 : i32 to index
        %get3A_720 = arith.constant 16 : index
        %get3A_721 = tpu.vector_load %arg22[%get3A_719, %get3A_720] {strides = array<i32>} : memref<32x128xf32, #tpu.memory_space<vmem>>, vector<1x16xf32>,
        %get3A_722 = vector.shape_cast %get3A_721 : vector<1x16xf32> to vector<16xf32>
        %add3A_723 = arith.addf %get3A_718, %get3A_722 : vector<16xf32>
        %get3A_724 = arith.index_cast %scan3A_648 : i32 to index
        %get3A_725 = arith.constant 16 : index
        %get3A_726 = tpu.vector_load %arg23[%get3A_724, %get3A_725] {strides = array<i32>} : memref<32x128xf32, #tpu.memory_space<vmem>>, vector<1x16xf32>,
        %get3A_727 = vector.shape_cast %get3A_726 : vector<1x16xf32> to vector<16xf32>
        %add3A_728 = arith.addf %add3A_723, %get3A_727 : vector<16xf32>
        %get3A_729 = arith.index_cast %scan3A_648 : i32 to index
        %get3A_730 = arith.constant 16 : index
        %get3A_731 = tpu.vector_load %arg24[%get3A_729, %get3A_730] {strides = array<i32>} : memref<32x128xf32, #tpu.memory_space<vmem>>, vector<1x16xf32>,
        %get3A_732 = vector.shape_cast %get3A_731 : vector<1x16xf32> to vector<16xf32>
        %add3A_733 = arith.addf %add3A_728, %get3A_732 : vector<16xf32>
        %get3A_734 = arith.index_cast %scan3A_648 : i32 to index
        %get3A_735 = arith.constant 16 : index
        %get3A_736 = tpu.vector_load %arg25[%get3A_734, %get3A_735] {strides = array<i32>} : memref<32x128xf32, #tpu.memory_space<vmem>>, vector<1x16xf32>,
        %get3A_737 = vector.shape_cast %get3A_736 : vector<1x16xf32> to vector<16xf32>
        %add3A_738 = arith.addf %add3A_733, %get3A_737 : vector<16xf32>
        %get3A_739 = arith.index_cast %scan3A_648 : i32 to index
        %get3A_740 = arith.constant 16 : index
        %get3A_741 = tpu.vector_load %arg26[%get3A_739, %get3A_740] {strides = array<i32>} : memref<32x128xf32, #tpu.memory_space<vmem>>, vector<1x16xf32>,
        %get3A_742 = vector.shape_cast %get3A_741 : vector<1x16xf32> to vector<16xf32>
        %add3A_743 = arith.addf %add3A_738, %get3A_742 : vector<16xf32>
        %get3A_744 = arith.index_cast %scan3A_648 : i32 to index
        %get3A_745 = arith.constant 16 : index
        %get3A_746 = tpu.vector_load %arg27[%get3A_744, %get3A_745] {strides = array<i32>} : memref<32x128xf32, #tpu.memory_space<vmem>>, vector<1x16xf32>,
        %get3A_747 = vector.shape_cast %get3A_746 : vector<1x16xf32> to vector<16xf32>
        %add3A_748 = arith.addf %add3A_743, %get3A_747 : vector<16xf32>
        %get3A_749 = arith.index_cast %scan3A_648 : i32 to index
        %get3A_750 = arith.constant 16 : index
        %get3A_751 = tpu.vector_load %arg28[%get3A_749, %get3A_750] {strides = array<i32>} : memref<32x128xf32, #tpu.memory_space<vmem>>, vector<1x16xf32>,
        %get3A_752 = vector.shape_cast %get3A_751 : vector<1x16xf32> to vector<16xf32>
        %add3A_753 = arith.addf %add3A_748, %get3A_752 : vector<16xf32>
        %get3A_754 = arith.index_cast %scan3A_648 : i32 to index
        %get3A_755 = arith.constant 16 : index
        %get3A_756 = tpu.vector_load %arg29[%get3A_754, %get3A_755] {strides = array<i32>} : memref<32x128xf32, #tpu.memory_space<vmem>>, vector<1x16xf32>,
        %get3A_757 = vector.shape_cast %get3A_756 : vector<1x16xf32> to vector<16xf32>
        %add3A_758 = arith.addf %add3A_753, %get3A_757 : vector<16xf32>
        %get3A_759 = arith.index_cast %scan3A_648 : i32 to index
        %get3A_760 = arith.constant 16 : index
        %get3A_761 = tpu.vector_load %arg30[%get3A_759, %get3A_760] {strides = array<i32>} : memref<32x128xf32, #tpu.memory_space<vmem>>, vector<1x16xf32>,
        %get3A_762 = vector.shape_cast %get3A_761 : vector<1x16xf32> to vector<16xf32>
        %add3A_763 = arith.addf %add3A_758, %get3A_762 : vector<16xf32>
        %get3A_764 = arith.index_cast %scan3A_648 : i32 to index
        %get3A_765 = arith.constant 16 : index
        %get3A_766 = tpu.vector_load %arg31[%get3A_764, %get3A_765] {strides = array<i32>} : memref<32x128xf32, #tpu.memory_space<vmem>>, vector<1x16xf32>,
        %get3A_767 = vector.shape_cast %get3A_766 : vector<1x16xf32> to vector<16xf32>
        %add3A_768 = arith.addf %add3A_763, %get3A_767 : vector<16xf32>
        %get3A_769 = arith.index_cast %scan3A_648 : i32 to index
        %get3A_770 = arith.constant 16 : index
        %get3A_771 = tpu.vector_load %arg32[%get3A_769, %get3A_770] {strides = array<i32>} : memref<32x128xf32, #tpu.memory_space<vmem>>, vector<1x16xf32>,
        %get3A_772 = vector.shape_cast %get3A_771 : vector<1x16xf32> to vector<16xf32>
        %add3A_773 = arith.addf %add3A_768, %get3A_772 : vector<16xf32>
        %mul3A_774 = arith.constant 0.0833333358 : f32
        %mul3A_775 = vector.broadcast %mul3A_774 : f32 to vector<16xf32>
        %mul3A_776 = arith.mulf %add3A_773, %mul3A_775 : vector<16xf32>
        %swap3A_777 = arith.index_cast %scan3A_648 : i32 to index
        %swap3A_778 = arith.constant 16 : index
        %swap3A_779 = tpu.vector_load %arg34[%swap3A_777, %swap3A_778] {strides = array<i32>} : memref<32x128xf32, #tpu.memory_space<vmem>>, vector<1x16xf32>,
        %swap3A_780 = vector.shape_cast %swap3A_779 : vector<1x16xf32> to vector<16xf32>
        %swap3A_781 = vector.shape_cast %mul3A_776 : vector<16xf32> to vector<1x16xf32>
        tpu.vector_store %arg34[%swap3A_777, %swap3A_778], %swap3A_781 {strides = array<i32>} : memref<32x128xf32, #tpu.memory_space<vmem>>, vector<1x16xf32>,
        %get3A_782 = arith.index_cast %scan3A_648 : i32 to index
        %get3A_783 = arith.constant 32 : index
        %get3A_784 = tpu.vector_load %arg21[%get3A_782, %get3A_783] {strides = array<i32>} : memref<32x128xf32, #tpu.memory_space<vmem>>, vector<1x16xf32>,
        %get3A_785 = vector.shape_cast %get3A_784 : vector<1x16xf32> to vector<16xf32>
        %get3A_786 = arith.index_cast %scan3A_648 : i32 to index
        %get3A_787 = arith.constant 32 : index
        %get3A_788 = tpu.vector_load %arg22[%get3A_786, %get3A_787] {strides = array<i32>} : memref<32x128xf32, #tpu.memory_space<vmem>>, vector<1x16xf32>,
        %get3A_789 = vector.shape_cast %get3A_788 : vector<1x16xf32> to vector<16xf32>
        %add3A_790 = arith.addf %get3A_785, %get3A_789 : vector<16xf32>
        %get3A_791 = arith.index_cast %scan3A_648 : i32 to index
        %get3A_792 = arith.constant 32 : index
        %get3A_793 = tpu.vector_load %arg23[%get3A_791, %get3A_792] {strides = array<i32>} : memref<32x128xf32, #tpu.memory_space<vmem>>, vector<1x16xf32>,
        %get3A_794 = vector.shape_cast %get3A_793 : vector<1x16xf32> to vector<16xf32>
        %add3A_795 = arith.addf %add3A_790, %get3A_794 : vector<16xf32>
        %get3A_796 = arith.index_cast %scan3A_648 : i32 to index
        %get3A_797 = arith.constant 32 : index
        %get3A_798 = tpu.vector_load %arg24[%get3A_796, %get3A_797] {strides = array<i32>} : memref<32x128xf32, #tpu.memory_space<vmem>>, vector<1x16xf32>,
        %get3A_799 = vector.shape_cast %get3A_798 : vector<1x16xf32> to vector<16xf32>
        %add3A_800 = arith.addf %add3A_795, %get3A_799 : vector<16xf32>
        %get3A_801 = arith.index_cast %scan3A_648 : i32 to index
        %get3A_802 = arith.constant 32 : index
        %get3A_803 = tpu.vector_load %arg25[%get3A_801, %get3A_802] {strides = array<i32>} : memref<32x128xf32, #tpu.memory_space<vmem>>, vector<1x16xf32>,
        %get3A_804 = vector.shape_cast %get3A_803 : vector<1x16xf32> to vector<16xf32>
        %add3A_805 = arith.addf %add3A_800, %get3A_804 : vector<16xf32>
        %get3A_806 = arith.index_cast %scan3A_648 : i32 to index
        %get3A_807 = arith.constant 32 : index
        %get3A_808 = tpu.vector_load %arg26[%get3A_806, %get3A_807] {strides = array<i32>} : memref<32x128xf32, #tpu.memory_space<vmem>>, vector<1x16xf32>,
        %get3A_809 = vector.shape_cast %get3A_808 : vector<1x16xf32> to vector<16xf32>
        %add3A_810 = arith.addf %add3A_805, %get3A_809 : vector<16xf32>
        %get3A_811 = arith.index_cast %scan3A_648 : i32 to index
        %get3A_812 = arith.constant 32 : index
        %get3A_813 = tpu.vector_load %arg27[%get3A_811, %get3A_812] {strides = array<i32>} : memref<32x128xf32, #tpu.memory_space<vmem>>, vector<1x16xf32>,
        %get3A_814 = vector.shape_cast %get3A_813 : vector<1x16xf32> to vector<16xf32>
        %add3A_815 = arith.addf %add3A_810, %get3A_814 : vector<16xf32>
        %get3A_816 = arith.index_cast %scan3A_648 : i32 to index
        %get3A_817 = arith.constant 32 : index
        %get3A_818 = tpu.vector_load %arg28[%get3A_816, %get3A_817] {strides = array<i32>} : memref<32x128xf32, #tpu.memory_space<vmem>>, vector<1x16xf32>,
        %get3A_819 = vector.shape_cast %get3A_818 : vector<1x16xf32> to vector<16xf32>
        %add3A_820 = arith.addf %add3A_815, %get3A_819 : vector<16xf32>
        %get3A_821 = arith.index_cast %scan3A_648 : i32 to index
        %get3A_822 = arith.constant 32 : index
        %get3A_823 = tpu.vector_load %arg29[%get3A_821, %get3A_822] {strides = array<i32>} : memref<32x128xf32, #tpu.memory_space<vmem>>, vector<1x16xf32>,
        %get3A_824 = vector.shape_cast %get3A_823 : vector<1x16xf32> to vector<16xf32>
        %add3A_825 = arith.addf %add3A_820, %get3A_824 : vector<16xf32>
        %get3A_826 = arith.index_cast %scan3A_648 : i32 to index
        %get3A_827 = arith.constant 32 : index
        %get3A_828 = tpu.vector_load %arg30[%get3A_826, %get3A_827] {strides = array<i32>} : memref<32x128xf32, #tpu.memory_space<vmem>>, vector<1x16xf32>,
        %get3A_829 = vector.shape_cast %get3A_828 : vector<1x16xf32> to vector<16xf32>
        %add3A_830 = arith.addf %add3A_825, %get3A_829 : vector<16xf32>
        %get3A_831 = arith.index_cast %scan3A_648 : i32 to index
        %get3A_832 = arith.constant 32 : index
        %get3A_833 = tpu.vector_load %arg31[%get3A_831, %get3A_832] {strides = array<i32>} : memref<32x128xf32, #tpu.memory_space<vmem>>, vector<1x16xf32>,
        %get3A_834 = vector.shape_cast %get3A_833 : vector<1x16xf32> to vector<16xf32>
        %add3A_835 = arith.addf %add3A_830, %get3A_834 : vector<16xf32>
        %get3A_836 = arith.index_cast %scan3A_648 : i32 to index
        %get3A_837 = arith.constant 32 : index
        %get3A_838 = tpu.vector_load %arg32[%get3A_836, %get3A_837] {strides = array<i32>} : memref<32x128xf32, #tpu.memory_space<vmem>>, vector<1x16xf32>,
        %get3A_839 = vector.shape_cast %get3A_838 : vector<1x16xf32> to vector<16xf32>
        %add3A_840 = arith.addf %add3A_835, %get3A_839 : vector<16xf32>
        %mul3A_841 = arith.constant 0.0833333358 : f32
        %mul3A_842 = vector.broadcast %mul3A_841 : f32 to vector<16xf32>
        %mul3A_843 = arith.mulf %add3A_840, %mul3A_842 : vector<16xf32>
        %swap3A_844 = arith.index_cast %scan3A_648 : i32 to index
        %swap3A_845 = arith.constant 32 : index
        %swap3A_846 = tpu.vector_load %arg34[%swap3A_844, %swap3A_845] {strides = array<i32>} : memref<32x128xf32, #tpu.memory_space<vmem>>, vector<1x16xf32>,
        %swap3A_847 = vector.shape_cast %swap3A_846 : vector<1x16xf32> to vector<16xf32>
        %swap3A_848 = vector.shape_cast %mul3A_843 : vector<16xf32> to vector<1x16xf32>
        tpu.vector_store %arg34[%swap3A_844, %swap3A_845], %swap3A_848 {strides = array<i32>} : memref<32x128xf32, #tpu.memory_space<vmem>>, vector<1x16xf32>,
        %get3A_849 = arith.index_cast %scan3A_648 : i32 to index
        %get3A_850 = arith.constant 48 : index
        %get3A_851 = tpu.vector_load %arg21[%get3A_849, %get3A_850] {strides = array<i32>} : memref<32x128xf32, #tpu.memory_space<vmem>>, vector<1x16xf32>,
        %get3A_852 = vector.shape_cast %get3A_851 : vector<1x16xf32> to vector<16xf32>
        %get3A_853 = arith.index_cast %scan3A_648 : i32 to index
        %get3A_854 = arith.constant 48 : index
        %get3A_855 = tpu.vector_load %arg22[%get3A_853, %get3A_854] {strides = array<i32>} : memref<32x128xf32, #tpu.memory_space<vmem>>, vector<1x16xf32>,
        %get3A_856 = vector.shape_cast %get3A_855 : vector<1x16xf32> to vector<16xf32>
        %add3A_857 = arith.addf %get3A_852, %get3A_856 : vector<16xf32>
        %get3A_858 = arith.index_cast %scan3A_648 : i32 to index
        %get3A_859 = arith.constant 48 : index
        %get3A_860 = tpu.vector_load %arg23[%get3A_858, %get3A_859] {strides = array<i32>} : memref<32x128xf32, #tpu.memory_space<vmem>>, vector<1x16xf32>,
        %get3A_861 = vector.shape_cast %get3A_860 : vector<1x16xf32> to vector<16xf32>
        %add3A_862 = arith.addf %add3A_857, %get3A_861 : vector<16xf32>
        %get3A_863 = arith.index_cast %scan3A_648 : i32 to index
        %get3A_864 = arith.constant 48 : index
        %get3A_865 = tpu.vector_load %arg24[%get3A_863, %get3A_864] {strides = array<i32>} : memref<32x128xf32, #tpu.memory_space<vmem>>, vector<1x16xf32>,
        %get3A_866 = vector.shape_cast %get3A_865 : vector<1x16xf32> to vector<16xf32>
        %add3A_867 = arith.addf %add3A_862, %get3A_866 : vector<16xf32>
        %get3A_868 = arith.index_cast %scan3A_648 : i32 to index
        %get3A_869 = arith.constant 48 : index
        %get3A_870 = tpu.vector_load %arg25[%get3A_868, %get3A_869] {strides = array<i32>} : memref<32x128xf32, #tpu.memory_space<vmem>>, vector<1x16xf32>,
        %get3A_871 = vector.shape_cast %get3A_870 : vector<1x16xf32> to vector<16xf32>
        %add3A_872 = arith.addf %add3A_867, %get3A_871 : vector<16xf32>
        %get3A_873 = arith.index_cast %scan3A_648 : i32 to index
        %get3A_874 = arith.constant 48 : index
        %get3A_875 = tpu.vector_load %arg26[%get3A_873, %get3A_874] {strides = array<i32>} : memref<32x128xf32, #tpu.memory_space<vmem>>, vector<1x16xf32>,
        %get3A_876 = vector.shape_cast %get3A_875 : vector<1x16xf32> to vector<16xf32>
        %add3A_877 = arith.addf %add3A_872, %get3A_876 : vector<16xf32>
        %get3A_878 = arith.index_cast %scan3A_648 : i32 to index
        %get3A_879 = arith.constant 48 : index
        %get3A_880 = tpu.vector_load %arg27[%get3A_878, %get3A_879] {strides = array<i32>} : memref<32x128xf32, #tpu.memory_space<vmem>>, vector<1x16xf32>,
        %get3A_881 = vector.shape_cast %get3A_880 : vector<1x16xf32> to vector<16xf32>
        %add3A_882 = arith.addf %add3A_877, %get3A_881 : vector<16xf32>
        %get3A_883 = arith.index_cast %scan3A_648 : i32 to index
        %get3A_884 = arith.constant 48 : index
        %get3A_885 = tpu.vector_load %arg28[%get3A_883, %get3A_884] {strides = array<i32>} : memref<32x128xf32, #tpu.memory_space<vmem>>, vector<1x16xf32>,
        %get3A_886 = vector.shape_cast %get3A_885 : vector<1x16xf32> to vector<16xf32>
        %add3A_887 = arith.addf %add3A_882, %get3A_886 : vector<16xf32>
        %get3A_888 = arith.index_cast %scan3A_648 : i32 to index
        %get3A_889 = arith.constant 48 : index
        %get3A_890 = tpu.vector_load %arg29[%get3A_888, %get3A_889] {strides = array<i32>} : memref<32x128xf32, #tpu.memory_space<vmem>>, vector<1x16xf32>,
        %get3A_891 = vector.shape_cast %get3A_890 : vector<1x16xf32> to vector<16xf32>
        %add3A_892 = arith.addf %add3A_887, %get3A_891 : vector<16xf32>
        %get3A_893 = arith.index_cast %scan3A_648 : i32 to index
        %get3A_894 = arith.constant 48 : index
        %get3A_895 = tpu.vector_load %arg30[%get3A_893, %get3A_894] {strides = array<i32>} : memref<32x128xf32, #tpu.memory_space<vmem>>, vector<1x16xf32>,
        %get3A_896 = vector.shape_cast %get3A_895 : vector<1x16xf32> to vector<16xf32>
        %add3A_897 = arith.addf %add3A_892, %get3A_896 : vector<16xf32>
        %get3A_898 = arith.index_cast %scan3A_648 : i32 to index
        %get3A_899 = arith.constant 48 : index
        %get3A_900 = tpu.vector_load %arg31[%get3A_898, %get3A_899] {strides = array<i32>} : memref<32x128xf32, #tpu.memory_space<vmem>>, vector<1x16xf32>,
        %get3A_901 = vector.shape_cast %get3A_900 : vector<1x16xf32> to vector<16xf32>
        %add3A_902 = arith.addf %add3A_897, %get3A_901 : vector<16xf32>
        %get3A_903 = arith.index_cast %scan3A_648 : i32 to index
        %get3A_904 = arith.constant 48 : index
        %get3A_905 = tpu.vector_load %arg32[%get3A_903, %get3A_904] {strides = array<i32>} : memref<32x128xf32, #tpu.memory_space<vmem>>, vector<1x16xf32>,
        %get3A_906 = vector.shape_cast %get3A_905 : vector<1x16xf32> to vector<16xf32>
        %add3A_907 = arith.addf %add3A_902, %get3A_906 : vector<16xf32>
        %mul3A_908 = arith.constant 0.0833333358 : f32
        %mul3A_909 = vector.broadcast %mul3A_908 : f32 to vector<16xf32>
        %mul3A_910 = arith.mulf %add3A_907, %mul3A_909 : vector<16xf32>
        %swap3A_911 = arith.index_cast %scan3A_648 : i32 to index
        %swap3A_912 = arith.constant 48 : index
        %swap3A_913 = tpu.vector_load %arg34[%swap3A_911, %swap3A_912] {strides = array<i32>} : memref<32x128xf32, #tpu.memory_space<vmem>>, vector<1x16xf32>,
        %swap3A_914 = vector.shape_cast %swap3A_913 : vector<1x16xf32> to vector<16xf32>
        %swap3A_915 = vector.shape_cast %mul3A_910 : vector<16xf32> to vector<1x16xf32>
        tpu.vector_store %arg34[%swap3A_911, %swap3A_912], %swap3A_915 {strides = array<i32>} : memref<32x128xf32, #tpu.memory_space<vmem>>, vector<1x16xf32>,
        %get3A_916 = arith.index_cast %scan3A_648 : i32 to index
        %get3A_917 = arith.constant 64 : index
        %get3A_918 = tpu.vector_load %arg21[%get3A_916, %get3A_917] {strides = array<i32>} : memref<32x128xf32, #tpu.memory_space<vmem>>, vector<1x16xf32>,
        %get3A_919 = vector.shape_cast %get3A_918 : vector<1x16xf32> to vector<16xf32>
        %get3A_920 = arith.index_cast %scan3A_648 : i32 to index
        %get3A_921 = arith.constant 64 : index
        %get3A_922 = tpu.vector_load %arg22[%get3A_920, %get3A_921] {strides = array<i32>} : memref<32x128xf32, #tpu.memory_space<vmem>>, vector<1x16xf32>,
        %get3A_923 = vector.shape_cast %get3A_922 : vector<1x16xf32> to vector<16xf32>
        %add3A_924 = arith.addf %get3A_919, %get3A_923 : vector<16xf32>
        %get3A_925 = arith.index_cast %scan3A_648 : i32 to index
        %get3A_926 = arith.constant 64 : index
        %get3A_927 = tpu.vector_load %arg23[%get3A_925, %get3A_926] {strides = array<i32>} : memref<32x128xf32, #tpu.memory_space<vmem>>, vector<1x16xf32>,
        %get3A_928 = vector.shape_cast %get3A_927 : vector<1x16xf32> to vector<16xf32>
        %add3A_929 = arith.addf %add3A_924, %get3A_928 : vector<16xf32>
        %get3A_930 = arith.index_cast %scan3A_648 : i32 to index
        %get3A_931 = arith.constant 64 : index
        %get3A_932 = tpu.vector_load %arg24[%get3A_930, %get3A_931] {strides = array<i32>} : memref<32x128xf32, #tpu.memory_space<vmem>>, vector<1x16xf32>,
        %get3A_933 = vector.shape_cast %get3A_932 : vector<1x16xf32> to vector<16xf32>
        %add3A_934 = arith.addf %add3A_929, %get3A_933 : vector<16xf32>
        %get3A_935 = arith.index_cast %scan3A_648 : i32 to index
        %get3A_936 = arith.constant 64 : index
        %get3A_937 = tpu.vector_load %arg25[%get3A_935, %get3A_936] {strides = array<i32>} : memref<32x128xf32, #tpu.memory_space<vmem>>, vector<1x16xf32>,
        %get3A_938 = vector.shape_cast %get3A_937 : vector<1x16xf32> to vector<16xf32>
        %add3A_939 = arith.addf %add3A_934, %get3A_938 : vector<16xf32>
        %get3A_940 = arith.index_cast %scan3A_648 : i32 to index
        %get3A_941 = arith.constant 64 : index
        %get3A_942 = tpu.vector_load %arg26[%get3A_940, %get3A_941] {strides = array<i32>} : memref<32x128xf32, #tpu.memory_space<vmem>>, vector<1x16xf32>,
        %get3A_943 = vector.shape_cast %get3A_942 : vector<1x16xf32> to vector<16xf32>
        %add3A_944 = arith.addf %add3A_939, %get3A_943 : vector<16xf32>
        %get3A_945 = arith.index_cast %scan3A_648 : i32 to index
        %get3A_946 = arith.constant 64 : index
        %get3A_947 = tpu.vector_load %arg27[%get3A_945, %get3A_946] {strides = array<i32>} : memref<32x128xf32, #tpu.memory_space<vmem>>, vector<1x16xf32>,
        %get3A_948 = vector.shape_cast %get3A_947 : vector<1x16xf32> to vector<16xf32>
        %add3A_949 = arith.addf %add3A_944, %get3A_948 : vector<16xf32>
        %get3A_950 = arith.index_cast %scan3A_648 : i32 to index
        %get3A_951 = arith.constant 64 : index
        %get3A_952 = tpu.vector_load %arg28[%get3A_950, %get3A_951] {strides = array<i32>} : memref<32x128xf32, #tpu.memory_space<vmem>>, vector<1x16xf32>,
        %get3A_953 = vector.shape_cast %get3A_952 : vector<1x16xf32> to vector<16xf32>
        %add3A_954 = arith.addf %add3A_949, %get3A_953 : vector<16xf32>
        %get3A_955 = arith.index_cast %scan3A_648 : i32 to index
        %get3A_956 = arith.constant 64 : index
        %get3A_957 = tpu.vector_load %arg29[%get3A_955, %get3A_956] {strides = array<i32>} : memref<32x128xf32, #tpu.memory_space<vmem>>, vector<1x16xf32>,
        %get3A_958 = vector.shape_cast %get3A_957 : vector<1x16xf32> to vector<16xf32>
        %add3A_959 = arith.addf %add3A_954, %get3A_958 : vector<16xf32>
        %get3A_960 = arith.index_cast %scan3A_648 : i32 to index
        %get3A_961 = arith.constant 64 : index
        %get3A_962 = tpu.vector_load %arg30[%get3A_960, %get3A_961] {strides = array<i32>} : memref<32x128xf32, #tpu.memory_space<vmem>>, vector<1x16xf32>,
        %get3A_963 = vector.shape_cast %get3A_962 : vector<1x16xf32> to vector<16xf32>
        %add3A_964 = arith.addf %add3A_959, %get3A_963 : vector<16xf32>
        %get3A_965 = arith.index_cast %scan3A_648 : i32 to index
        %get3A_966 = arith.constant 64 : index
        %get3A_967 = tpu.vector_load %arg31[%get3A_965, %get3A_966] {strides = array<i32>} : memref<32x128xf32, #tpu.memory_space<vmem>>, vector<1x16xf32>,
        %get3A_968 = vector.shape_cast %get3A_967 : vector<1x16xf32> to vector<16xf32>
        %add3A_969 = arith.addf %add3A_964, %get3A_968 : vector<16xf32>
        %get3A_970 = arith.index_cast %scan3A_648 : i32 to index
        %get3A_971 = arith.constant 64 : index
        %get3A_972 = tpu.vector_load %arg32[%get3A_970, %get3A_971] {strides = array<i32>} : memref<32x128xf32, #tpu.memory_space<vmem>>, vector<1x16xf32>,
        %get3A_973 = vector.shape_cast %get3A_972 : vector<1x16xf32> to vector<16xf32>
        %add3A_974 = arith.addf %add3A_969, %get3A_973 : vector<16xf32>
        %mul3A_975 = arith.constant 0.0833333358 : f32
        %mul3A_976 = vector.broadcast %mul3A_975 : f32 to vector<16xf32>
        %mul3A_977 = arith.mulf %add3A_974, %mul3A_976 : vector<16xf32>
        %swap3A_978 = arith.index_cast %scan3A_648 : i32 to index
        %swap3A_979 = arith.constant 64 : index
        %swap3A_980 = tpu.vector_load %arg34[%swap3A_978, %swap3A_979] {strides = array<i32>} : memref<32x128xf32, #tpu.memory_space<vmem>>, vector<1x16xf32>,
        %swap3A_981 = vector.shape_cast %swap3A_980 : vector<1x16xf32> to vector<16xf32>
        %swap3A_982 = vector.shape_cast %mul3A_977 : vector<16xf32> to vector<1x16xf32>
        tpu.vector_store %arg34[%swap3A_978, %swap3A_979], %swap3A_982 {strides = array<i32>} : memref<32x128xf32, #tpu.memory_space<vmem>>, vector<1x16xf32>,
        %get3A_983 = arith.index_cast %scan3A_648 : i32 to index
        %get3A_984 = arith.constant 80 : index
        %get3A_985 = tpu.vector_load %arg21[%get3A_983, %get3A_984] {strides = array<i32>} : memref<32x128xf32, #tpu.memory_space<vmem>>, vector<1x16xf32>,
        %get3A_986 = vector.shape_cast %get3A_985 : vector<1x16xf32> to vector<16xf32>
        %get3A_987 = arith.index_cast %scan3A_648 : i32 to index
        %get3A_988 = arith.constant 80 : index
        %get3A_989 = tpu.vector_load %arg22[%get3A_987, %get3A_988] {strides = array<i32>} : memref<32x128xf32, #tpu.memory_space<vmem>>, vector<1x16xf32>,
        %get3A_990 = vector.shape_cast %get3A_989 : vector<1x16xf32> to vector<16xf32>
        %add3A_991 = arith.addf %get3A_986, %get3A_990 : vector<16xf32>
        %get3A_992 = arith.index_cast %scan3A_648 : i32 to index
        %get3A_993 = arith.constant 80 : index
        %get3A_994 = tpu.vector_load %arg23[%get3A_992, %get3A_993] {strides = array<i32>} : memref<32x128xf32, #tpu.memory_space<vmem>>, vector<1x16xf32>,
        %get3A_995 = vector.shape_cast %get3A_994 : vector<1x16xf32> to vector<16xf32>
        %add3A_996 = arith.addf %add3A_991, %get3A_995 : vector<16xf32>
        %get3A_997 = arith.index_cast %scan3A_648 : i32 to index
        %get3A_998 = arith.constant 80 : index
        %get3A_999 = tpu.vector_load %arg24[%get3A_997, %get3A_998] {strides = array<i32>} : memref<32x128xf32, #tpu.memory_space<vmem>>, vector<1x16xf32>,
        %get3A_1000 = vector.shape_cast %get3A_999 : vector<1x16xf32> to vector<16xf32>
        %add3A_1001 = arith.addf %add3A_996, %get3A_1000 : vector<16xf32>
        %get3A_1002 = arith.index_cast %scan3A_648 : i32 to index
        %get3A_1003 = arith.constant 80 : index
        %get3A_1004 = tpu.vector_load %arg25[%get3A_1002, %get3A_1003] {strides = array<i32>} : memref<32x128xf32, #tpu.memory_space<vmem>>, vector<1x16xf32>,
        %get3A_1005 = vector.shape_cast %get3A_1004 : vector<1x16xf32> to vector<16xf32>
        %add3A_1006 = arith.addf %add3A_1001, %get3A_1005 : vector<16xf32>
        %get3A_1007 = arith.index_cast %scan3A_648 : i32 to index
        %get3A_1008 = arith.constant 80 : index
        %get3A_1009 = tpu.vector_load %arg26[%get3A_1007, %get3A_1008] {strides = array<i32>} : memref<32x128xf32, #tpu.memory_space<vmem>>, vector<1x16xf32>,
        %get3A_1010 = vector.shape_cast %get3A_1009 : vector<1x16xf32> to vector<16xf32>
        %add3A_1011 = arith.addf %add3A_1006, %get3A_1010 : vector<16xf32>
        %get3A_1012 = arith.index_cast %scan3A_648 : i32 to index
        %get3A_1013 = arith.constant 80 : index
        %get3A_1014 = tpu.vector_load %arg27[%get3A_1012, %get3A_1013] {strides = array<i32>} : memref<32x128xf32, #tpu.memory_space<vmem>>, vector<1x16xf32>,
        %get3A_1015 = vector.shape_cast %get3A_1014 : vector<1x16xf32> to vector<16xf32>
        %add3A_1016 = arith.addf %add3A_1011, %get3A_1015 : vector<16xf32>
        %get3A_1017 = arith.index_cast %scan3A_648 : i32 to index
        %get3A_1018 = arith.constant 80 : index
        %get3A_1019 = tpu.vector_load %arg28[%get3A_1017, %get3A_1018] {strides = array<i32>} : memref<32x128xf32, #tpu.memory_space<vmem>>, vector<1x16xf32>,
        %get3A_1020 = vector.shape_cast %get3A_1019 : vector<1x16xf32> to vector<16xf32>
        %add3A_1021 = arith.addf %add3A_1016, %get3A_1020 : vector<16xf32>
        %get3A_1022 = arith.index_cast %scan3A_648 : i32 to index
        %get3A_1023 = arith.constant 80 : index
        %get3A_1024 = tpu.vector_load %arg29[%get3A_1022, %get3A_1023] {strides = array<i32>} : memref<32x128xf32, #tpu.memory_space<vmem>>, vector<1x16xf32>,
        %get3A_1025 = vector.shape_cast %get3A_1024 : vector<1x16xf32> to vector<16xf32>
        %add3A_1026 = arith.addf %add3A_1021, %get3A_1025 : vector<16xf32>
        %get3A_1027 = arith.index_cast %scan3A_648 : i32 to index
        %get3A_1028 = arith.constant 80 : index
        %get3A_1029 = tpu.vector_load %arg30[%get3A_1027, %get3A_1028] {strides = array<i32>} : memref<32x128xf32, #tpu.memory_space<vmem>>, vector<1x16xf32>,
        %get3A_1030 = vector.shape_cast %get3A_1029 : vector<1x16xf32> to vector<16xf32>
        %add3A_1031 = arith.addf %add3A_1026, %get3A_1030 : vector<16xf32>
        %get3A_1032 = arith.index_cast %scan3A_648 : i32 to index
        %get3A_1033 = arith.constant 80 : index
        %get3A_1034 = tpu.vector_load %arg31[%get3A_1032, %get3A_1033] {strides = array<i32>} : memref<32x128xf32, #tpu.memory_space<vmem>>, vector<1x16xf32>,
        %get3A_1035 = vector.shape_cast %get3A_1034 : vector<1x16xf32> to vector<16xf32>
        %add3A_1036 = arith.addf %add3A_1031, %get3A_1035 : vector<16xf32>
        %get3A_1037 = arith.index_cast %scan3A_648 : i32 to index
        %get3A_1038 = arith.constant 80 : index
        %get3A_1039 = tpu.vector_load %arg32[%get3A_1037, %get3A_1038] {strides = array<i32>} : memref<32x128xf32, #tpu.memory_space<vmem>>, vector<1x16xf32>,
        %get3A_1040 = vector.shape_cast %get3A_1039 : vector<1x16xf32> to vector<16xf32>
        %add3A_1041 = arith.addf %add3A_1036, %get3A_1040 : vector<16xf32>
        %mul3A_1042 = arith.constant 0.0833333358 : f32
        %mul3A_1043 = vector.broadcast %mul3A_1042 : f32 to vector<16xf32>
        %mul3A_1044 = arith.mulf %add3A_1041, %mul3A_1043 : vector<16xf32>
        %swap3A_1045 = arith.index_cast %scan3A_648 : i32 to index
        %swap3A_1046 = arith.constant 80 : index
        %swap3A_1047 = tpu.vector_load %arg34[%swap3A_1045, %swap3A_1046] {strides = array<i32>} : memref<32x128xf32, #tpu.memory_space<vmem>>, vector<1x16xf32>,
        %swap3A_1048 = vector.shape_cast %swap3A_1047 : vector<1x16xf32> to vector<16xf32>
        %swap3A_1049 = vector.shape_cast %mul3A_1044 : vector<16xf32> to vector<1x16xf32>
        tpu.vector_store %arg34[%swap3A_1045, %swap3A_1046], %swap3A_1049 {strides = array<i32>} : memref<32x128xf32, #tpu.memory_space<vmem>>, vector<1x16xf32>,
        %get3A_1050 = arith.index_cast %scan3A_648 : i32 to index
        %get3A_1051 = arith.constant 96 : index
        %get3A_1052 = tpu.vector_load %arg21[%get3A_1050, %get3A_1051] {strides = array<i32>} : memref<32x128xf32, #tpu.memory_space<vmem>>, vector<1x16xf32>,
        %get3A_1053 = vector.shape_cast %get3A_1052 : vector<1x16xf32> to vector<16xf32>
        %get3A_1054 = arith.index_cast %scan3A_648 : i32 to index
        %get3A_1055 = arith.constant 96 : index
        %get3A_1056 = tpu.vector_load %arg22[%get3A_1054, %get3A_1055] {strides = array<i32>} : memref<32x128xf32, #tpu.memory_space<vmem>>, vector<1x16xf32>,
        %get3A_1057 = vector.shape_cast %get3A_1056 : vector<1x16xf32> to vector<16xf32>
        %add3A_1058 = arith.addf %get3A_1053, %get3A_1057 : vector<16xf32>
        %get3A_1059 = arith.index_cast %scan3A_648 : i32 to index
        %get3A_1060 = arith.constant 96 : index
        %get3A_1061 = tpu.vector_load %arg23[%get3A_1059, %get3A_1060] {strides = array<i32>} : memref<32x128xf32, #tpu.memory_space<vmem>>, vector<1x16xf32>,
        %get3A_1062 = vector.shape_cast %get3A_1061 : vector<1x16xf32> to vector<16xf32>
        %add3A_1063 = arith.addf %add3A_1058, %get3A_1062 : vector<16xf32>
        %get3A_1064 = arith.index_cast %scan3A_648 : i32 to index
        %get3A_1065 = arith.constant 96 : index
        %get3A_1066 = tpu.vector_load %arg24[%get3A_1064, %get3A_1065] {strides = array<i32>} : memref<32x128xf32, #tpu.memory_space<vmem>>, vector<1x16xf32>,
        %get3A_1067 = vector.shape_cast %get3A_1066 : vector<1x16xf32> to vector<16xf32>
        %add3A_1068 = arith.addf %add3A_1063, %get3A_1067 : vector<16xf32>
        %get3A_1069 = arith.index_cast %scan3A_648 : i32 to index
        %get3A_1070 = arith.constant 96 : index
        %get3A_1071 = tpu.vector_load %arg25[%get3A_1069, %get3A_1070] {strides = array<i32>} : memref<32x128xf32, #tpu.memory_space<vmem>>, vector<1x16xf32>,
        %get3A_1072 = vector.shape_cast %get3A_1071 : vector<1x16xf32> to vector<16xf32>
        %add3A_1073 = arith.addf %add3A_1068, %get3A_1072 : vector<16xf32>
        %get3A_1074 = arith.index_cast %scan3A_648 : i32 to index
        %get3A_1075 = arith.constant 96 : index
        %get3A_1076 = tpu.vector_load %arg26[%get3A_1074, %get3A_1075] {strides = array<i32>} : memref<32x128xf32, #tpu.memory_space<vmem>>, vector<1x16xf32>,
        %get3A_1077 = vector.shape_cast %get3A_1076 : vector<1x16xf32> to vector<16xf32>
        %add3A_1078 = arith.addf %add3A_1073, %get3A_1077 : vector<16xf32>
        %get3A_1079 = arith.index_cast %scan3A_648 : i32 to index
        %get3A_1080 = arith.constant 96 : index
        %get3A_1081 = tpu.vector_load %arg27[%get3A_1079, %get3A_1080] {strides = array<i32>} : memref<32x128xf32, #tpu.memory_space<vmem>>, vector<1x16xf32>,
        %get3A_1082 = vector.shape_cast %get3A_1081 : vector<1x16xf32> to vector<16xf32>
        %add3A_1083 = arith.addf %add3A_1078, %get3A_1082 : vector<16xf32>
        %get3A_1084 = arith.index_cast %scan3A_648 : i32 to index
        %get3A_1085 = arith.constant 96 : index
        %get3A_1086 = tpu.vector_load %arg28[%get3A_1084, %get3A_1085] {strides = array<i32>} : memref<32x128xf32, #tpu.memory_space<vmem>>, vector<1x16xf32>,
        %get3A_1087 = vector.shape_cast %get3A_1086 : vector<1x16xf32> to vector<16xf32>
        %add3A_1088 = arith.addf %add3A_1083, %get3A_1087 : vector<16xf32>
        %get3A_1089 = arith.index_cast %scan3A_648 : i32 to index
        %get3A_1090 = arith.constant 96 : index
        %get3A_1091 = tpu.vector_load %arg29[%get3A_1089, %get3A_1090] {strides = array<i32>} : memref<32x128xf32, #tpu.memory_space<vmem>>, vector<1x16xf32>,
        %get3A_1092 = vector.shape_cast %get3A_1091 : vector<1x16xf32> to vector<16xf32>
        %add3A_1093 = arith.addf %add3A_1088, %get3A_1092 : vector<16xf32>
        %get3A_1094 = arith.index_cast %scan3A_648 : i32 to index
        %get3A_1095 = arith.constant 96 : index
        %get3A_1096 = tpu.vector_load %arg30[%get3A_1094, %get3A_1095] {strides = array<i32>} : memref<32x128xf32, #tpu.memory_space<vmem>>, vector<1x16xf32>,
        %get3A_1097 = vector.shape_cast %get3A_1096 : vector<1x16xf32> to vector<16xf32>
        %add3A_1098 = arith.addf %add3A_1093, %get3A_1097 : vector<16xf32>
        %get3A_1099 = arith.index_cast %scan3A_648 : i32 to index
        %get3A_1100 = arith.constant 96 : index
        %get3A_1101 = tpu.vector_load %arg31[%get3A_1099, %get3A_1100] {strides = array<i32>} : memref<32x128xf32, #tpu.memory_space<vmem>>, vector<1x16xf32>,
        %get3A_1102 = vector.shape_cast %get3A_1101 : vector<1x16xf32> to vector<16xf32>
        %add3A_1103 = arith.addf %add3A_1098, %get3A_1102 : vector<16xf32>
        %get3A_1104 = arith.index_cast %scan3A_648 : i32 to index
        %get3A_1105 = arith.constant 96 : index
        %get3A_1106 = tpu.vector_load %arg32[%get3A_1104, %get3A_1105] {strides = array<i32>} : memref<32x128xf32, #tpu.memory_space<vmem>>, vector<1x16xf32>,
        %get3A_1107 = vector.shape_cast %get3A_1106 : vector<1x16xf32> to vector<16xf32>
        %add3A_1108 = arith.addf %add3A_1103, %get3A_1107 : vector<16xf32>
        %mul3A_1109 = arith.constant 0.0833333358 : f32
        %mul3A_1110 = vector.broadcast %mul3A_1109 : f32 to vector<16xf32>
        %mul3A_1111 = arith.mulf %add3A_1108, %mul3A_1110 : vector<16xf32>
        %swap3A_1112 = arith.index_cast %scan3A_648 : i32 to index
        %swap3A_1113 = arith.constant 96 : index
        %swap3A_1114 = tpu.vector_load %arg34[%swap3A_1112, %swap3A_1113] {strides = array<i32>} : memref<32x128xf32, #tpu.memory_space<vmem>>, vector<1x16xf32>,
        %swap3A_1115 = vector.shape_cast %swap3A_1114 : vector<1x16xf32> to vector<16xf32>
        %swap3A_1116 = vector.shape_cast %mul3A_1111 : vector<16xf32> to vector<1x16xf32>
        tpu.vector_store %arg34[%swap3A_1112, %swap3A_1113], %swap3A_1116 {strides = array<i32>} : memref<32x128xf32, #tpu.memory_space<vmem>>, vector<1x16xf32>,
        %get3A_1117 = arith.index_cast %scan3A_648 : i32 to index
        %get3A_1118 = arith.constant 112 : index
        %get3A_1119 = tpu.vector_load %arg21[%get3A_1117, %get3A_1118] {strides = array<i32>} : memref<32x128xf32, #tpu.memory_space<vmem>>, vector<1x16xf32>,
        %get3A_1120 = vector.shape_cast %get3A_1119 : vector<1x16xf32> to vector<16xf32>
        %get3A_1121 = arith.index_cast %scan3A_648 : i32 to index
        %get3A_1122 = arith.constant 112 : index
        %get3A_1123 = tpu.vector_load %arg22[%get3A_1121, %get3A_1122] {strides = array<i32>} : memref<32x128xf32, #tpu.memory_space<vmem>>, vector<1x16xf32>,
        %get3A_1124 = vector.shape_cast %get3A_1123 : vector<1x16xf32> to vector<16xf32>
        %add3A_1125 = arith.addf %get3A_1120, %get3A_1124 : vector<16xf32>
        %get3A_1126 = arith.index_cast %scan3A_648 : i32 to index
        %get3A_1127 = arith.constant 112 : index
        %get3A_1128 = tpu.vector_load %arg23[%get3A_1126, %get3A_1127] {strides = array<i32>} : memref<32x128xf32, #tpu.memory_space<vmem>>, vector<1x16xf32>,
        %get3A_1129 = vector.shape_cast %get3A_1128 : vector<1x16xf32> to vector<16xf32>
        %add3A_1130 = arith.addf %add3A_1125, %get3A_1129 : vector<16xf32>
        %get3A_1131 = arith.index_cast %scan3A_648 : i32 to index
        %get3A_1132 = arith.constant 112 : index
        %get3A_1133 = tpu.vector_load %arg24[%get3A_1131, %get3A_1132] {strides = array<i32>} : memref<32x128xf32, #tpu.memory_space<vmem>>, vector<1x16xf32>,
        %get3A_1134 = vector.shape_cast %get3A_1133 : vector<1x16xf32> to vector<16xf32>
        %add3A_1135 = arith.addf %add3A_1130, %get3A_1134 : vector<16xf32>
        %get3A_1136 = arith.index_cast %scan3A_648 : i32 to index
        %get3A_1137 = arith.constant 112 : index
        %get3A_1138 = tpu.vector_load %arg25[%get3A_1136, %get3A_1137] {strides = array<i32>} : memref<32x128xf32, #tpu.memory_space<vmem>>, vector<1x16xf32>,
        %get3A_1139 = vector.shape_cast %get3A_1138 : vector<1x16xf32> to vector<16xf32>
        %add3A_1140 = arith.addf %add3A_1135, %get3A_1139 : vector<16xf32>
        %get3A_1141 = arith.index_cast %scan3A_648 : i32 to index
        %get3A_1142 = arith.constant 112 : index
        %get3A_1143 = tpu.vector_load %arg26[%get3A_1141, %get3A_1142] {strides = array<i32>} : memref<32x128xf32, #tpu.memory_space<vmem>>, vector<1x16xf32>,
        %get3A_1144 = vector.shape_cast %get3A_1143 : vector<1x16xf32> to vector<16xf32>
        %add3A_1145 = arith.addf %add3A_1140, %get3A_1144 : vector<16xf32>
        %get3A_1146 = arith.index_cast %scan3A_648 : i32 to index
        %get3A_1147 = arith.constant 112 : index
        %get3A_1148 = tpu.vector_load %arg27[%get3A_1146, %get3A_1147] {strides = array<i32>} : memref<32x128xf32, #tpu.memory_space<vmem>>, vector<1x16xf32>,
        %get3A_1149 = vector.shape_cast %get3A_1148 : vector<1x16xf32> to vector<16xf32>
        %add3A_1150 = arith.addf %add3A_1145, %get3A_1149 : vector<16xf32>
        %get3A_1151 = arith.index_cast %scan3A_648 : i32 to index
        %get3A_1152 = arith.constant 112 : index
        %get3A_1153 = tpu.vector_load %arg28[%get3A_1151, %get3A_1152] {strides = array<i32>} : memref<32x128xf32, #tpu.memory_space<vmem>>, vector<1x16xf32>,
        %get3A_1154 = vector.shape_cast %get3A_1153 : vector<1x16xf32> to vector<16xf32>
        %add3A_1155 = arith.addf %add3A_1150, %get3A_1154 : vector<16xf32>
        %get3A_1156 = arith.index_cast %scan3A_648 : i32 to index
        %get3A_1157 = arith.constant 112 : index
        %get3A_1158 = tpu.vector_load %arg29[%get3A_1156, %get3A_1157] {strides = array<i32>} : memref<32x128xf32, #tpu.memory_space<vmem>>, vector<1x16xf32>,
        %get3A_1159 = vector.shape_cast %get3A_1158 : vector<1x16xf32> to vector<16xf32>
        %add3A_1160 = arith.addf %add3A_1155, %get3A_1159 : vector<16xf32>
        %get3A_1161 = arith.index_cast %scan3A_648 : i32 to index
        %get3A_1162 = arith.constant 112 : index
        %get3A_1163 = tpu.vector_load %arg30[%get3A_1161, %get3A_1162] {strides = array<i32>} : memref<32x128xf32, #tpu.memory_space<vmem>>, vector<1x16xf32>,
        %get3A_1164 = vector.shape_cast %get3A_1163 : vector<1x16xf32> to vector<16xf32>
        %add3A_1165 = arith.addf %add3A_1160, %get3A_1164 : vector<16xf32>
        %get3A_1166 = arith.index_cast %scan3A_648 : i32 to index
        %get3A_1167 = arith.constant 112 : index
        %get3A_1168 = tpu.vector_load %arg31[%get3A_1166, %get3A_1167] {strides = array<i32>} : memref<32x128xf32, #tpu.memory_space<vmem>>, vector<1x16xf32>,
        %get3A_1169 = vector.shape_cast %get3A_1168 : vector<1x16xf32> to vector<16xf32>
        %add3A_1170 = arith.addf %add3A_1165, %get3A_1169 : vector<16xf32>
        %get3A_1171 = arith.index_cast %scan3A_648 : i32 to index
        %get3A_1172 = arith.constant 112 : index
        %get3A_1173 = tpu.vector_load %arg32[%get3A_1171, %get3A_1172] {strides = array<i32>} : memref<32x128xf32, #tpu.memory_space<vmem>>, vector<1x16xf32>,
        %get3A_1174 = vector.shape_cast %get3A_1173 : vector<1x16xf32> to vector<16xf32>
        %add3A_1175 = arith.addf %add3A_1170, %get3A_1174 : vector<16xf32>
        %mul3A_1176 = arith.constant 0.0833333358 : f32
        %mul3A_1177 = vector.broadcast %mul3A_1176 : f32 to vector<16xf32>
        %mul3A_1178 = arith.mulf %add3A_1175, %mul3A_1177 : vector<16xf32>
        %swap3A_1179 = arith.index_cast %scan3A_648 : i32 to index
        %swap3A_1180 = arith.constant 112 : index
        %swap3A_1181 = tpu.vector_load %arg34[%swap3A_1179, %swap3A_1180] {strides = array<i32>} : memref<32x128xf32, #tpu.memory_space<vmem>>, vector<1x16xf32>,
        %swap3A_1182 = vector.shape_cast %swap3A_1181 : vector<1x16xf32> to vector<16xf32>
        %swap3A_1183 = vector.shape_cast %mul3A_1178 : vector<16xf32> to vector<1x16xf32>
        tpu.vector_store %arg34[%swap3A_1179, %swap3A_1180], %swap3A_1183 {strides = array<i32>} : memref<32x128xf32, #tpu.memory_space<vmem>>, vector<1x16xf32>,
        %scan3A_1184 = arith.constant 0 : i32
        scf.yield %scan3A_1184 : i32
      }
      %scan3A_542 = arith.constant 32 : i32
      %dma_start3A_543 = arith.constant 0 : i32
      %dma_start3A_544 = tpu.memref_slice %arg6[%add3A_535, %dma_start3A_543] : memref<20480x128xf32, #tpu.memory_space<hbm>> -> memref<32x128xf32, #tpu.memory_space<hbm>>
      %dma_start3A_545 = arith.constant 0 : i32
      %dma_start3A_546 = tpu.memref_slice %arg6[%add3A_535, %dma_start3A_545] : memref<20480x128xf32, #tpu.memory_space<hbm>> -> memref<32x128xf32, #tpu.memory_space<hbm>>
      tpu.enqueue_dma source(%arg34 : memref<32x128xf32, #tpu.memory_space<vmem>>) target(%dma_start3A_546 : memref<32x128xf32, #tpu.memory_space<hbm>>) target_semaphore(%arg38 : memref<!tpu.dma_semaphore, #tpu.memory_space<semaphore_mem>>)
      %add3A_547 = arith.constant 2 : i32
      %add3A_548 = arith.addi %mul3A_336, %add3A_547 : i32
      %lt3A = arith.constant 20 : i32
      %lt3A_549 = arith.cmpi slt, %add3A_548, %lt3A : i32
      %convert_element_type3A_550 = arith.extui %lt3A_549 : i1 to i32
      %cond3A_551 = arith.constant 0 : i32
      %cond3A_552 = arith.cmpi ne, %convert_element_type3A_550, %cond3A_551 : i32
      scf.if %cond3A_552 {
        %add3A_648 = arith.constant 2 : i32
        %add3A_649 = arith.addi %mul3A_336, %add3A_648 : i32
        %mul3A_650 = arith.constant 12 : i32
        %mul3A_651 = arith.muli %add3A_649, %mul3A_650 : i32
        %add3A_652 = arith.constant 0 : i32
        %add3A_653 = arith.addi %mul3A_651, %add3A_652 : i32
        %mul3A_654 = arith.constant 32 : i32
        %mul3A_655 = arith.muli %add3A_653, %mul3A_654 : i32
        %dma_start3A_656 = tpu.memref_slice %arg8[%mul3A_655] : memref<7680xi32, #tpu.memory_space<vmem>> -> memref<32xi32, #tpu.memory_space<vmem>>
        %dma_start3A_657 = arith.constant 0 : i32
        %dma_start3A_658 = arith.constant 0 : i32
        %dma_start3A_659 = tpu.memref_slice %arg4[%dma_start3A_657, %dma_start3A_658] : memref<100000x128xf32, #tpu.memory_space<hbm>> -> memref<100000x128xf32, #tpu.memory_space<hbm>>
        tpu.enqueue_indirect_dma source(%dma_start3A_659 : memref<100000x128xf32, #tpu.memory_space<hbm>>) target(%arg21 : memref<32x128xf32, #tpu.memory_space<vmem>>) offsets(%dma_start3A_656 : memref<32xi32, #tpu.memory_space<vmem>>) semaphore(%arg36 : memref<!tpu.dma_semaphore, #tpu.memory_space<semaphore_mem>>)
        %mul3A_660 = arith.constant 12 : i32
        %mul3A_661 = arith.muli %add3A_649, %mul3A_660 : i32
        %add3A_662 = arith.constant 1 : i32
        %add3A_663 = arith.addi %mul3A_661, %add3A_662 : i32
        %mul3A_664 = arith.constant 32 : i32
        %mul3A_665 = arith.muli %add3A_663, %mul3A_664 : i32
        %dma_start3A_666 = tpu.memref_slice %arg8[%mul3A_665] : memref<7680xi32, #tpu.memory_space<vmem>> -> memref<32xi32, #tpu.memory_space<vmem>>
        %dma_start3A_667 = arith.constant 0 : i32
        %dma_start3A_668 = arith.constant 0 : i32
        %dma_start3A_669 = tpu.memref_slice %arg4[%dma_start3A_667, %dma_start3A_668] : memref<100000x128xf32, #tpu.memory_space<hbm>> -> memref<100000x128xf32, #tpu.memory_space<hbm>>
        tpu.enqueue_indirect_dma source(%dma_start3A_669 : memref<100000x128xf32, #tpu.memory_space<hbm>>) target(%arg22 : memref<32x128xf32, #tpu.memory_space<vmem>>) offsets(%dma_start3A_666 : memref<32xi32, #tpu.memory_space<vmem>>) semaphore(%arg36 : memref<!tpu.dma_semaphore, #tpu.memory_space<semaphore_mem>>)
        %mul3A_670 = arith.constant 12 : i32
        %mul3A_671 = arith.muli %add3A_649, %mul3A_670 : i32
        %add3A_672 = arith.constant 2 : i32
        %add3A_673 = arith.addi %mul3A_671, %add3A_672 : i32
        %mul3A_674 = arith.constant 32 : i32
        %mul3A_675 = arith.muli %add3A_673, %mul3A_674 : i32
        %dma_start3A_676 = tpu.memref_slice %arg8[%mul3A_675] : memref<7680xi32, #tpu.memory_space<vmem>> -> memref<32xi32, #tpu.memory_space<vmem>>
        %dma_start3A_677 = arith.constant 0 : i32
        %dma_start3A_678 = arith.constant 0 : i32
        %dma_start3A_679 = tpu.memref_slice %arg4[%dma_start3A_677, %dma_start3A_678] : memref<100000x128xf32, #tpu.memory_space<hbm>> -> memref<100000x128xf32, #tpu.memory_space<hbm>>
        tpu.enqueue_indirect_dma source(%dma_start3A_679 : memref<100000x128xf32, #tpu.memory_space<hbm>>) target(%arg23 : memref<32x128xf32, #tpu.memory_space<vmem>>) offsets(%dma_start3A_676 : memref<32xi32, #tpu.memory_space<vmem>>) semaphore(%arg36 : memref<!tpu.dma_semaphore, #tpu.memory_space<semaphore_mem>>)
        %mul3A_680 = arith.constant 12 : i32
        %mul3A_681 = arith.muli %add3A_649, %mul3A_680 : i32
        %add3A_682 = arith.constant 3 : i32
        %add3A_683 = arith.addi %mul3A_681, %add3A_682 : i32
        %mul3A_684 = arith.constant 32 : i32
        %mul3A_685 = arith.muli %add3A_683, %mul3A_684 : i32
        %dma_start3A_686 = tpu.memref_slice %arg8[%mul3A_685] : memref<7680xi32, #tpu.memory_space<vmem>> -> memref<32xi32, #tpu.memory_space<vmem>>
        %dma_start3A_687 = arith.constant 0 : i32
        %dma_start3A_688 = arith.constant 0 : i32
        %dma_start3A_689 = tpu.memref_slice %arg4[%dma_start3A_687, %dma_start3A_688] : memref<100000x128xf32, #tpu.memory_space<hbm>> -> memref<100000x128xf32, #tpu.memory_space<hbm>>
        tpu.enqueue_indirect_dma source(%dma_start3A_689 : memref<100000x128xf32, #tpu.memory_space<hbm>>) target(%arg24 : memref<32x128xf32, #tpu.memory_space<vmem>>) offsets(%dma_start3A_686 : memref<32xi32, #tpu.memory_space<vmem>>) semaphore(%arg36 : memref<!tpu.dma_semaphore, #tpu.memory_space<semaphore_mem>>)
        %mul3A_690 = arith.constant 12 : i32
        %mul3A_691 = arith.muli %add3A_649, %mul3A_690 : i32
        %add3A_692 = arith.constant 4 : i32
        %add3A_693 = arith.addi %mul3A_691, %add3A_692 : i32
        %mul3A_694 = arith.constant 32 : i32
        %mul3A_695 = arith.muli %add3A_693, %mul3A_694 : i32
        %dma_start3A_696 = tpu.memref_slice %arg8[%mul3A_695] : memref<7680xi32, #tpu.memory_space<vmem>> -> memref<32xi32, #tpu.memory_space<vmem>>
        %dma_start3A_697 = arith.constant 0 : i32
        %dma_start3A_698 = arith.constant 0 : i32
        %dma_start3A_699 = tpu.memref_slice %arg4[%dma_start3A_697, %dma_start3A_698] : memref<100000x128xf32, #tpu.memory_space<hbm>> -> memref<100000x128xf32, #tpu.memory_space<hbm>>
        tpu.enqueue_indirect_dma source(%dma_start3A_699 : memref<100000x128xf32, #tpu.memory_space<hbm>>) target(%arg25 : memref<32x128xf32, #tpu.memory_space<vmem>>) offsets(%dma_start3A_696 : memref<32xi32, #tpu.memory_space<vmem>>) semaphore(%arg36 : memref<!tpu.dma_semaphore, #tpu.memory_space<semaphore_mem>>)
        %mul3A_700 = arith.constant 12 : i32
        %mul3A_701 = arith.muli %add3A_649, %mul3A_700 : i32
        %add3A_702 = arith.constant 5 : i32
        %add3A_703 = arith.addi %mul3A_701, %add3A_702 : i32
        %mul3A_704 = arith.constant 32 : i32
        %mul3A_705 = arith.muli %add3A_703, %mul3A_704 : i32
        %dma_start3A_706 = tpu.memref_slice %arg8[%mul3A_705] : memref<7680xi32, #tpu.memory_space<vmem>> -> memref<32xi32, #tpu.memory_space<vmem>>
        %dma_start3A_707 = arith.constant 0 : i32
        %dma_start3A_708 = arith.constant 0 : i32
        %dma_start3A_709 = tpu.memref_slice %arg4[%dma_start3A_707, %dma_start3A_708] : memref<100000x128xf32, #tpu.memory_space<hbm>> -> memref<100000x128xf32, #tpu.memory_space<hbm>>
        tpu.enqueue_indirect_dma source(%dma_start3A_709 : memref<100000x128xf32, #tpu.memory_space<hbm>>) target(%arg26 : memref<32x128xf32, #tpu.memory_space<vmem>>) offsets(%dma_start3A_706 : memref<32xi32, #tpu.memory_space<vmem>>) semaphore(%arg36 : memref<!tpu.dma_semaphore, #tpu.memory_space<semaphore_mem>>)
        %mul3A_710 = arith.constant 12 : i32
        %mul3A_711 = arith.muli %add3A_649, %mul3A_710 : i32
        %add3A_712 = arith.constant 6 : i32
        %add3A_713 = arith.addi %mul3A_711, %add3A_712 : i32
        %mul3A_714 = arith.constant 32 : i32
        %mul3A_715 = arith.muli %add3A_713, %mul3A_714 : i32
        %dma_start3A_716 = tpu.memref_slice %arg8[%mul3A_715] : memref<7680xi32, #tpu.memory_space<vmem>> -> memref<32xi32, #tpu.memory_space<vmem>>
        %dma_start3A_717 = arith.constant 0 : i32
        %dma_start3A_718 = arith.constant 0 : i32
        %dma_start3A_719 = tpu.memref_slice %arg4[%dma_start3A_717, %dma_start3A_718] : memref<100000x128xf32, #tpu.memory_space<hbm>> -> memref<100000x128xf32, #tpu.memory_space<hbm>>
        tpu.enqueue_indirect_dma source(%dma_start3A_719 : memref<100000x128xf32, #tpu.memory_space<hbm>>) target(%arg27 : memref<32x128xf32, #tpu.memory_space<vmem>>) offsets(%dma_start3A_716 : memref<32xi32, #tpu.memory_space<vmem>>) semaphore(%arg36 : memref<!tpu.dma_semaphore, #tpu.memory_space<semaphore_mem>>)
        %mul3A_720 = arith.constant 12 : i32
        %mul3A_721 = arith.muli %add3A_649, %mul3A_720 : i32
        %add3A_722 = arith.constant 7 : i32
        %add3A_723 = arith.addi %mul3A_721, %add3A_722 : i32
        %mul3A_724 = arith.constant 32 : i32
        %mul3A_725 = arith.muli %add3A_723, %mul3A_724 : i32
        %dma_start3A_726 = tpu.memref_slice %arg8[%mul3A_725] : memref<7680xi32, #tpu.memory_space<vmem>> -> memref<32xi32, #tpu.memory_space<vmem>>
        %dma_start3A_727 = arith.constant 0 : i32
        %dma_start3A_728 = arith.constant 0 : i32
        %dma_start3A_729 = tpu.memref_slice %arg4[%dma_start3A_727, %dma_start3A_728] : memref<100000x128xf32, #tpu.memory_space<hbm>> -> memref<100000x128xf32, #tpu.memory_space<hbm>>
        tpu.enqueue_indirect_dma source(%dma_start3A_729 : memref<100000x128xf32, #tpu.memory_space<hbm>>) target(%arg28 : memref<32x128xf32, #tpu.memory_space<vmem>>) offsets(%dma_start3A_726 : memref<32xi32, #tpu.memory_space<vmem>>) semaphore(%arg36 : memref<!tpu.dma_semaphore, #tpu.memory_space<semaphore_mem>>)
        %mul3A_730 = arith.constant 12 : i32
        %mul3A_731 = arith.muli %add3A_649, %mul3A_730 : i32
        %add3A_732 = arith.constant 8 : i32
        %add3A_733 = arith.addi %mul3A_731, %add3A_732 : i32
        %mul3A_734 = arith.constant 32 : i32
        %mul3A_735 = arith.muli %add3A_733, %mul3A_734 : i32
        %dma_start3A_736 = tpu.memref_slice %arg8[%mul3A_735] : memref<7680xi32, #tpu.memory_space<vmem>> -> memref<32xi32, #tpu.memory_space<vmem>>
        %dma_start3A_737 = arith.constant 0 : i32
        %dma_start3A_738 = arith.constant 0 : i32
        %dma_start3A_739 = tpu.memref_slice %arg4[%dma_start3A_737, %dma_start3A_738] : memref<100000x128xf32, #tpu.memory_space<hbm>> -> memref<100000x128xf32, #tpu.memory_space<hbm>>
        tpu.enqueue_indirect_dma source(%dma_start3A_739 : memref<100000x128xf32, #tpu.memory_space<hbm>>) target(%arg29 : memref<32x128xf32, #tpu.memory_space<vmem>>) offsets(%dma_start3A_736 : memref<32xi32, #tpu.memory_space<vmem>>) semaphore(%arg36 : memref<!tpu.dma_semaphore, #tpu.memory_space<semaphore_mem>>)
        %mul3A_740 = arith.constant 12 : i32
        %mul3A_741 = arith.muli %add3A_649, %mul3A_740 : i32
        %add3A_742 = arith.constant 9 : i32
        %add3A_743 = arith.addi %mul3A_741, %add3A_742 : i32
        %mul3A_744 = arith.constant 32 : i32
        %mul3A_745 = arith.muli %add3A_743, %mul3A_744 : i32
        %dma_start3A_746 = tpu.memref_slice %arg8[%mul3A_745] : memref<7680xi32, #tpu.memory_space<vmem>> -> memref<32xi32, #tpu.memory_space<vmem>>
        %dma_start3A_747 = arith.constant 0 : i32
        %dma_start3A_748 = arith.constant 0 : i32
        %dma_start3A_749 = tpu.memref_slice %arg4[%dma_start3A_747, %dma_start3A_748] : memref<100000x128xf32, #tpu.memory_space<hbm>> -> memref<100000x128xf32, #tpu.memory_space<hbm>>
        tpu.enqueue_indirect_dma source(%dma_start3A_749 : memref<100000x128xf32, #tpu.memory_space<hbm>>) target(%arg30 : memref<32x128xf32, #tpu.memory_space<vmem>>) offsets(%dma_start3A_746 : memref<32xi32, #tpu.memory_space<vmem>>) semaphore(%arg36 : memref<!tpu.dma_semaphore, #tpu.memory_space<semaphore_mem>>)
        %mul3A_750 = arith.constant 12 : i32
        %mul3A_751 = arith.muli %add3A_649, %mul3A_750 : i32
        %add3A_752 = arith.constant 10 : i32
        %add3A_753 = arith.addi %mul3A_751, %add3A_752 : i32
        %mul3A_754 = arith.constant 32 : i32
        %mul3A_755 = arith.muli %add3A_753, %mul3A_754 : i32
        %dma_start3A_756 = tpu.memref_slice %arg8[%mul3A_755] : memref<7680xi32, #tpu.memory_space<vmem>> -> memref<32xi32, #tpu.memory_space<vmem>>
        %dma_start3A_757 = arith.constant 0 : i32
        %dma_start3A_758 = arith.constant 0 : i32
        %dma_start3A_759 = tpu.memref_slice %arg4[%dma_start3A_757, %dma_start3A_758] : memref<100000x128xf32, #tpu.memory_space<hbm>> -> memref<100000x128xf32, #tpu.memory_space<hbm>>
        tpu.enqueue_indirect_dma source(%dma_start3A_759 : memref<100000x128xf32, #tpu.memory_space<hbm>>) target(%arg31 : memref<32x128xf32, #tpu.memory_space<vmem>>) offsets(%dma_start3A_756 : memref<32xi32, #tpu.memory_space<vmem>>) semaphore(%arg36 : memref<!tpu.dma_semaphore, #tpu.memory_space<semaphore_mem>>)
        %mul3A_760 = arith.constant 12 : i32
        %mul3A_761 = arith.muli %add3A_649, %mul3A_760 : i32
        %add3A_762 = arith.constant 11 : i32
        %add3A_763 = arith.addi %mul3A_761, %add3A_762 : i32
        %mul3A_764 = arith.constant 32 : i32
        %mul3A_765 = arith.muli %add3A_763, %mul3A_764 : i32
        %dma_start3A_766 = tpu.memref_slice %arg8[%mul3A_765] : memref<7680xi32, #tpu.memory_space<vmem>> -> memref<32xi32, #tpu.memory_space<vmem>>
        %dma_start3A_767 = arith.constant 0 : i32
        %dma_start3A_768 = arith.constant 0 : i32
        %dma_start3A_769 = tpu.memref_slice %arg4[%dma_start3A_767, %dma_start3A_768] : memref<100000x128xf32, #tpu.memory_space<hbm>> -> memref<100000x128xf32, #tpu.memory_space<hbm>>
        tpu.enqueue_indirect_dma source(%dma_start3A_769 : memref<100000x128xf32, #tpu.memory_space<hbm>>) target(%arg32 : memref<32x128xf32, #tpu.memory_space<vmem>>) offsets(%dma_start3A_766 : memref<32xi32, #tpu.memory_space<vmem>>) semaphore(%arg36 : memref<!tpu.dma_semaphore, #tpu.memory_space<semaphore_mem>>)
      } else {
      }
      %dma_wait3A_553 = arith.constant 0 : i32
      %dma_wait3A_554 = arith.constant 0 : i32
      %dma_wait3A_555 = tpu.memref_slice %arg4[%dma_wait3A_553, %dma_wait3A_554] : memref<100000x128xf32, #tpu.memory_space<hbm>> -> memref<32x128xf32, #tpu.memory_space<hbm>>
      %dma_wait3A_556 = arith.constant 0 : i32
      %dma_wait3A_557 = arith.constant 0 : i32
      %dma_wait3A_558 = tpu.memref_slice %arg4[%dma_wait3A_556, %dma_wait3A_557] : memref<100000x128xf32, #tpu.memory_space<hbm>> -> memref<32x128xf32, #tpu.memory_space<hbm>>
      tpu.wait_dma2 semaphore(%arg35 : memref<!tpu.dma_semaphore, #tpu.memory_space<semaphore_mem>>) src(%dma_wait3A_558 : memref<32x128xf32, #tpu.memory_space<hbm>>) dst(%arg9 : memref<32x128xf32, #tpu.memory_space<vmem>>)
      %dma_wait3A_559 = arith.constant 0 : i32
      %dma_wait3A_560 = arith.constant 0 : i32
      %dma_wait3A_561 = tpu.memref_slice %arg4[%dma_wait3A_559, %dma_wait3A_560] : memref<100000x128xf32, #tpu.memory_space<hbm>> -> memref<32x128xf32, #tpu.memory_space<hbm>>
      %dma_wait3A_562 = arith.constant 0 : i32
      %dma_wait3A_563 = arith.constant 0 : i32
      %dma_wait3A_564 = tpu.memref_slice %arg4[%dma_wait3A_562, %dma_wait3A_563] : memref<100000x128xf32, #tpu.memory_space<hbm>> -> memref<32x128xf32, #tpu.memory_space<hbm>>
      tpu.wait_dma2 semaphore(%arg35 : memref<!tpu.dma_semaphore, #tpu.memory_space<semaphore_mem>>) src(%dma_wait3A_564 : memref<32x128xf32, #tpu.memory_space<hbm>>) dst(%arg10 : memref<32x128xf32, #tpu.memory_space<vmem>>)
      %dma_wait3A_565 = arith.constant 0 : i32
      %dma_wait3A_566 = arith.constant 0 : i32
      %dma_wait3A_567 = tpu.memref_slice %arg4[%dma_wait3A_565, %dma_wait3A_566] : memref<100000x128xf32, #tpu.memory_space<hbm>> -> memref<32x128xf32, #tpu.memory_space<hbm>>
      %dma_wait3A_568 = arith.constant 0 : i32
      %dma_wait3A_569 = arith.constant 0 : i32
      %dma_wait3A_570 = tpu.memref_slice %arg4[%dma_wait3A_568, %dma_wait3A_569] : memref<100000x128xf32, #tpu.memory_space<hbm>> -> memref<32x128xf32, #tpu.memory_space<hbm>>
      tpu.wait_dma2 semaphore(%arg35 : memref<!tpu.dma_semaphore, #tpu.memory_space<semaphore_mem>>) src(%dma_wait3A_570 : memref<32x128xf32, #tpu.memory_space<hbm>>) dst(%arg11 : memref<32x128xf32, #tpu.memory_space<vmem>>)
      %dma_wait3A_571 = arith.constant 0 : i32
      %dma_wait3A_572 = arith.constant 0 : i32
      %dma_wait3A_573 = tpu.memref_slice %arg4[%dma_wait3A_571, %dma_wait3A_572] : memref<100000x128xf32, #tpu.memory_space<hbm>> -> memref<32x128xf32, #tpu.memory_space<hbm>>
      %dma_wait3A_574 = arith.constant 0 : i32
      %dma_wait3A_575 = arith.constant 0 : i32
      %dma_wait3A_576 = tpu.memref_slice %arg4[%dma_wait3A_574, %dma_wait3A_575] : memref<100000x128xf32, #tpu.memory_space<hbm>> -> memref<32x128xf32, #tpu.memory_space<hbm>>
      tpu.wait_dma2 semaphore(%arg35 : memref<!tpu.dma_semaphore, #tpu.memory_space<semaphore_mem>>) src(%dma_wait3A_576 : memref<32x128xf32, #tpu.memory_space<hbm>>) dst(%arg12 : memref<32x128xf32, #tpu.memory_space<vmem>>)
      %dma_wait3A_577 = arith.constant 0 : i32
      %dma_wait3A_578 = arith.constant 0 : i32
      %dma_wait3A_579 = tpu.memref_slice %arg4[%dma_wait3A_577, %dma_wait3A_578] : memref<100000x128xf32, #tpu.memory_space<hbm>> -> memref<32x128xf32, #tpu.memory_space<hbm>>
      %dma_wait3A_580 = arith.constant 0 : i32
      %dma_wait3A_581 = arith.constant 0 : i32
      %dma_wait3A_582 = tpu.memref_slice %arg4[%dma_wait3A_580, %dma_wait3A_581] : memref<100000x128xf32, #tpu.memory_space<hbm>> -> memref<32x128xf32, #tpu.memory_space<hbm>>
      tpu.wait_dma2 semaphore(%arg35 : memref<!tpu.dma_semaphore, #tpu.memory_space<semaphore_mem>>) src(%dma_wait3A_582 : memref<32x128xf32, #tpu.memory_space<hbm>>) dst(%arg13 : memref<32x128xf32, #tpu.memory_space<vmem>>)
      %dma_wait3A_583 = arith.constant 0 : i32
      %dma_wait3A_584 = arith.constant 0 : i32
      %dma_wait3A_585 = tpu.memref_slice %arg4[%dma_wait3A_583, %dma_wait3A_584] : memref<100000x128xf32, #tpu.memory_space<hbm>> -> memref<32x128xf32, #tpu.memory_space<hbm>>
      %dma_wait3A_586 = arith.constant 0 : i32
      %dma_wait3A_587 = arith.constant 0 : i32
      %dma_wait3A_588 = tpu.memref_slice %arg4[%dma_wait3A_586, %dma_wait3A_587] : memref<100000x128xf32, #tpu.memory_space<hbm>> -> memref<32x128xf32, #tpu.memory_space<hbm>>
      tpu.wait_dma2 semaphore(%arg35 : memref<!tpu.dma_semaphore, #tpu.memory_space<semaphore_mem>>) src(%dma_wait3A_588 : memref<32x128xf32, #tpu.memory_space<hbm>>) dst(%arg14 : memref<32x128xf32, #tpu.memory_space<vmem>>)
      %dma_wait3A_589 = arith.constant 0 : i32
      %dma_wait3A_590 = arith.constant 0 : i32
      %dma_wait3A_591 = tpu.memref_slice %arg4[%dma_wait3A_589, %dma_wait3A_590] : memref<100000x128xf32, #tpu.memory_space<hbm>> -> memref<32x128xf32, #tpu.memory_space<hbm>>
      %dma_wait3A_592 = arith.constant 0 : i32
      %dma_wait3A_593 = arith.constant 0 : i32
      %dma_wait3A_594 = tpu.memref_slice %arg4[%dma_wait3A_592, %dma_wait3A_593] : memref<100000x128xf32, #tpu.memory_space<hbm>> -> memref<32x128xf32, #tpu.memory_space<hbm>>
      tpu.wait_dma2 semaphore(%arg35 : memref<!tpu.dma_semaphore, #tpu.memory_space<semaphore_mem>>) src(%dma_wait3A_594 : memref<32x128xf32, #tpu.memory_space<hbm>>) dst(%arg15 : memref<32x128xf32, #tpu.memory_space<vmem>>)
      %dma_wait3A_595 = arith.constant 0 : i32
      %dma_wait3A_596 = arith.constant 0 : i32
      %dma_wait3A_597 = tpu.memref_slice %arg4[%dma_wait3A_595, %dma_wait3A_596] : memref<100000x128xf32, #tpu.memory_space<hbm>> -> memref<32x128xf32, #tpu.memory_space<hbm>>
      %dma_wait3A_598 = arith.constant 0 : i32
      %dma_wait3A_599 = arith.constant 0 : i32
      %dma_wait3A_600 = tpu.memref_slice %arg4[%dma_wait3A_598, %dma_wait3A_599] : memref<100000x128xf32, #tpu.memory_space<hbm>> -> memref<32x128xf32, #tpu.memory_space<hbm>>
      tpu.wait_dma2 semaphore(%arg35 : memref<!tpu.dma_semaphore, #tpu.memory_space<semaphore_mem>>) src(%dma_wait3A_600 : memref<32x128xf32, #tpu.memory_space<hbm>>) dst(%arg16 : memref<32x128xf32, #tpu.memory_space<vmem>>)
      %dma_wait3A_601 = arith.constant 0 : i32
      %dma_wait3A_602 = arith.constant 0 : i32
      %dma_wait3A_603 = tpu.memref_slice %arg4[%dma_wait3A_601, %dma_wait3A_602] : memref<100000x128xf32, #tpu.memory_space<hbm>> -> memref<32x128xf32, #tpu.memory_space<hbm>>
      %dma_wait3A_604 = arith.constant 0 : i32
      %dma_wait3A_605 = arith.constant 0 : i32
      %dma_wait3A_606 = tpu.memref_slice %arg4[%dma_wait3A_604, %dma_wait3A_605] : memref<100000x128xf32, #tpu.memory_space<hbm>> -> memref<32x128xf32, #tpu.memory_space<hbm>>
      tpu.wait_dma2 semaphore(%arg35 : memref<!tpu.dma_semaphore, #tpu.memory_space<semaphore_mem>>) src(%dma_wait3A_606 : memref<32x128xf32, #tpu.memory_space<hbm>>) dst(%arg17 : memref<32x128xf32, #tpu.memory_space<vmem>>)
      %dma_wait3A_607 = arith.constant 0 : i32
      %dma_wait3A_608 = arith.constant 0 : i32
      %dma_wait3A_609 = tpu.memref_slice %arg4[%dma_wait3A_607, %dma_wait3A_608] : memref<100000x128xf32, #tpu.memory_space<hbm>> -> memref<32x128xf32, #tpu.memory_space<hbm>>
      %dma_wait3A_610 = arith.constant 0 : i32
      %dma_wait3A_611 = arith.constant 0 : i32
      %dma_wait3A_612 = tpu.memref_slice %arg4[%dma_wait3A_610, %dma_wait3A_611] : memref<100000x128xf32, #tpu.memory_space<hbm>> -> memref<32x128xf32, #tpu.memory_space<hbm>>
      tpu.wait_dma2 semaphore(%arg35 : memref<!tpu.dma_semaphore, #tpu.memory_space<semaphore_mem>>) src(%dma_wait3A_612 : memref<32x128xf32, #tpu.memory_space<hbm>>) dst(%arg18 : memref<32x128xf32, #tpu.memory_space<vmem>>)
      %dma_wait3A_613 = arith.constant 0 : i32
      %dma_wait3A_614 = arith.constant 0 : i32
      %dma_wait3A_615 = tpu.memref_slice %arg4[%dma_wait3A_613, %dma_wait3A_614] : memref<100000x128xf32, #tpu.memory_space<hbm>> -> memref<32x128xf32, #tpu.memory_space<hbm>>
      %dma_wait3A_616 = arith.constant 0 : i32
      %dma_wait3A_617 = arith.constant 0 : i32
      %dma_wait3A_618 = tpu.memref_slice %arg4[%dma_wait3A_616, %dma_wait3A_617] : memref<100000x128xf32, #tpu.memory_space<hbm>> -> memref<32x128xf32, #tpu.memory_space<hbm>>
      tpu.wait_dma2 semaphore(%arg35 : memref<!tpu.dma_semaphore, #tpu.memory_space<semaphore_mem>>) src(%dma_wait3A_618 : memref<32x128xf32, #tpu.memory_space<hbm>>) dst(%arg19 : memref<32x128xf32, #tpu.memory_space<vmem>>)
      %dma_wait3A_619 = arith.constant 0 : i32
      %dma_wait3A_620 = arith.constant 0 : i32
      %dma_wait3A_621 = tpu.memref_slice %arg4[%dma_wait3A_619, %dma_wait3A_620] : memref<100000x128xf32, #tpu.memory_space<hbm>> -> memref<32x128xf32, #tpu.memory_space<hbm>>
      %dma_wait3A_622 = arith.constant 0 : i32
      %dma_wait3A_623 = arith.constant 0 : i32
      %dma_wait3A_624 = tpu.memref_slice %arg4[%dma_wait3A_622, %dma_wait3A_623] : memref<100000x128xf32, #tpu.memory_space<hbm>> -> memref<32x128xf32, #tpu.memory_space<hbm>>
      tpu.wait_dma2 semaphore(%arg35 : memref<!tpu.dma_semaphore, #tpu.memory_space<semaphore_mem>>) src(%dma_wait3A_624 : memref<32x128xf32, #tpu.memory_space<hbm>>) dst(%arg20 : memref<32x128xf32, #tpu.memory_space<vmem>>)
      %dma_wait3A_625 = arith.constant 0 : i32
      %dma_wait3A_626 = arith.constant 0 : i32
      %dma_wait3A_627 = tpu.memref_slice %arg4[%dma_wait3A_625, %dma_wait3A_626] : memref<100000x128xf32, #tpu.memory_space<hbm>> -> memref<32x128xf32, #tpu.memory_space<hbm>>
      %dma_wait3A_628 = arith.constant 0 : i32
      %dma_wait3A_629 = arith.constant 0 : i32
      %dma_wait3A_630 = tpu.memref_slice %arg4[%dma_wait3A_628, %dma_wait3A_629] : memref<100000x128xf32, #tpu.memory_space<hbm>> -> memref<32x128xf32, #tpu.memory_space<hbm>>
      tpu.wait_dma2 semaphore(%arg37 : memref<!tpu.dma_semaphore, #tpu.memory_space<semaphore_mem>>) src(%dma_wait3A_630 : memref<32x128xf32, #tpu.memory_space<hbm>>) dst(%arg33 : memref<32x128xf32, #tpu.memory_space<vmem>>)
      %add3A_631 = arith.constant 1 : i32
      %add3A_632 = arith.addi %mul3A_336, %add3A_631 : i32
      %mul3A_633 = arith.constant 1024 : i32
      %mul3A_634 = arith.muli %add3A_632, %mul3A_633 : i32
      %add3A_635 = arith.addi %mul3A_634, %mul3A_2 : i32
      %scan3A_636 = arith.constant 0 : i32
      %scan3A_637 = arith.constant 0 : i32
      %scan3A_638 = arith.constant 32 : i32
      %scan3A_639 = arith.addi %scan3A_637, %scan3A_638 : i32
      %scan3A_640 = arith.constant 1 : i32
      %scan3A_641 = scf.for %scan3A_648 = %scan3A_637 to %scan3A_639 step %scan3A_640 iter_args(%scan3A_649 = %scan3A_636) -> (i32)  : i32 {
        %get3A = arith.index_cast %scan3A_648 : i32 to index
        %get3A_650 = arith.constant 0 : index
        %get3A_651 = tpu.vector_load %arg9[%get3A, %get3A_650] {strides = array<i32>} : memref<32x128xf32, #tpu.memory_space<vmem>>, vector<1x16xf32>,
        %get3A_652 = vector.shape_cast %get3A_651 : vector<1x16xf32> to vector<16xf32>
        %get3A_653 = arith.index_cast %scan3A_648 : i32 to index
        %get3A_654 = arith.constant 0 : index
        %get3A_655 = tpu.vector_load %arg10[%get3A_653, %get3A_654] {strides = array<i32>} : memref<32x128xf32, #tpu.memory_space<vmem>>, vector<1x16xf32>,
        %get3A_656 = vector.shape_cast %get3A_655 : vector<1x16xf32> to vector<16xf32>
        %add3A_657 = arith.addf %get3A_652, %get3A_656 : vector<16xf32>
        %get3A_658 = arith.index_cast %scan3A_648 : i32 to index
        %get3A_659 = arith.constant 0 : index
        %get3A_660 = tpu.vector_load %arg11[%get3A_658, %get3A_659] {strides = array<i32>} : memref<32x128xf32, #tpu.memory_space<vmem>>, vector<1x16xf32>,
        %get3A_661 = vector.shape_cast %get3A_660 : vector<1x16xf32> to vector<16xf32>
        %add3A_662 = arith.addf %add3A_657, %get3A_661 : vector<16xf32>
        %get3A_663 = arith.index_cast %scan3A_648 : i32 to index
        %get3A_664 = arith.constant 0 : index
        %get3A_665 = tpu.vector_load %arg12[%get3A_663, %get3A_664] {strides = array<i32>} : memref<32x128xf32, #tpu.memory_space<vmem>>, vector<1x16xf32>,
        %get3A_666 = vector.shape_cast %get3A_665 : vector<1x16xf32> to vector<16xf32>
        %add3A_667 = arith.addf %add3A_662, %get3A_666 : vector<16xf32>
        %get3A_668 = arith.index_cast %scan3A_648 : i32 to index
        %get3A_669 = arith.constant 0 : index
        %get3A_670 = tpu.vector_load %arg13[%get3A_668, %get3A_669] {strides = array<i32>} : memref<32x128xf32, #tpu.memory_space<vmem>>, vector<1x16xf32>,
        %get3A_671 = vector.shape_cast %get3A_670 : vector<1x16xf32> to vector<16xf32>
        %add3A_672 = arith.addf %add3A_667, %get3A_671 : vector<16xf32>
        %get3A_673 = arith.index_cast %scan3A_648 : i32 to index
        %get3A_674 = arith.constant 0 : index
        %get3A_675 = tpu.vector_load %arg14[%get3A_673, %get3A_674] {strides = array<i32>} : memref<32x128xf32, #tpu.memory_space<vmem>>, vector<1x16xf32>,
        %get3A_676 = vector.shape_cast %get3A_675 : vector<1x16xf32> to vector<16xf32>
        %add3A_677 = arith.addf %add3A_672, %get3A_676 : vector<16xf32>
        %get3A_678 = arith.index_cast %scan3A_648 : i32 to index
        %get3A_679 = arith.constant 0 : index
        %get3A_680 = tpu.vector_load %arg15[%get3A_678, %get3A_679] {strides = array<i32>} : memref<32x128xf32, #tpu.memory_space<vmem>>, vector<1x16xf32>,
        %get3A_681 = vector.shape_cast %get3A_680 : vector<1x16xf32> to vector<16xf32>
        %add3A_682 = arith.addf %add3A_677, %get3A_681 : vector<16xf32>
        %get3A_683 = arith.index_cast %scan3A_648 : i32 to index
        %get3A_684 = arith.constant 0 : index
        %get3A_685 = tpu.vector_load %arg16[%get3A_683, %get3A_684] {strides = array<i32>} : memref<32x128xf32, #tpu.memory_space<vmem>>, vector<1x16xf32>,
        %get3A_686 = vector.shape_cast %get3A_685 : vector<1x16xf32> to vector<16xf32>
        %add3A_687 = arith.addf %add3A_682, %get3A_686 : vector<16xf32>
        %get3A_688 = arith.index_cast %scan3A_648 : i32 to index
        %get3A_689 = arith.constant 0 : index
        %get3A_690 = tpu.vector_load %arg17[%get3A_688, %get3A_689] {strides = array<i32>} : memref<32x128xf32, #tpu.memory_space<vmem>>, vector<1x16xf32>,
        %get3A_691 = vector.shape_cast %get3A_690 : vector<1x16xf32> to vector<16xf32>
        %add3A_692 = arith.addf %add3A_687, %get3A_691 : vector<16xf32>
        %get3A_693 = arith.index_cast %scan3A_648 : i32 to index
        %get3A_694 = arith.constant 0 : index
        %get3A_695 = tpu.vector_load %arg18[%get3A_693, %get3A_694] {strides = array<i32>} : memref<32x128xf32, #tpu.memory_space<vmem>>, vector<1x16xf32>,
        %get3A_696 = vector.shape_cast %get3A_695 : vector<1x16xf32> to vector<16xf32>
        %add3A_697 = arith.addf %add3A_692, %get3A_696 : vector<16xf32>
        %get3A_698 = arith.index_cast %scan3A_648 : i32 to index
        %get3A_699 = arith.constant 0 : index
        %get3A_700 = tpu.vector_load %arg19[%get3A_698, %get3A_699] {strides = array<i32>} : memref<32x128xf32, #tpu.memory_space<vmem>>, vector<1x16xf32>,
        %get3A_701 = vector.shape_cast %get3A_700 : vector<1x16xf32> to vector<16xf32>
        %add3A_702 = arith.addf %add3A_697, %get3A_701 : vector<16xf32>
        %get3A_703 = arith.index_cast %scan3A_648 : i32 to index
        %get3A_704 = arith.constant 0 : index
        %get3A_705 = tpu.vector_load %arg20[%get3A_703, %get3A_704] {strides = array<i32>} : memref<32x128xf32, #tpu.memory_space<vmem>>, vector<1x16xf32>,
        %get3A_706 = vector.shape_cast %get3A_705 : vector<1x16xf32> to vector<16xf32>
        %add3A_707 = arith.addf %add3A_702, %get3A_706 : vector<16xf32>
        %mul3A_708 = arith.constant 0.0833333358 : f32
        %mul3A_709 = vector.broadcast %mul3A_708 : f32 to vector<16xf32>
        %mul3A_710 = arith.mulf %add3A_707, %mul3A_709 : vector<16xf32>
        %swap3A = arith.index_cast %scan3A_648 : i32 to index
        %swap3A_711 = arith.constant 0 : index
        %swap3A_712 = tpu.vector_load %arg33[%swap3A, %swap3A_711] {strides = array<i32>} : memref<32x128xf32, #tpu.memory_space<vmem>>, vector<1x16xf32>,
        %swap3A_713 = vector.shape_cast %swap3A_712 : vector<1x16xf32> to vector<16xf32>
        %swap3A_714 = vector.shape_cast %mul3A_710 : vector<16xf32> to vector<1x16xf32>
        tpu.vector_store %arg33[%swap3A, %swap3A_711], %swap3A_714 {strides = array<i32>} : memref<32x128xf32, #tpu.memory_space<vmem>>, vector<1x16xf32>,
        %get3A_715 = arith.index_cast %scan3A_648 : i32 to index
        %get3A_716 = arith.constant 16 : index
        %get3A_717 = tpu.vector_load %arg9[%get3A_715, %get3A_716] {strides = array<i32>} : memref<32x128xf32, #tpu.memory_space<vmem>>, vector<1x16xf32>,
        %get3A_718 = vector.shape_cast %get3A_717 : vector<1x16xf32> to vector<16xf32>
        %get3A_719 = arith.index_cast %scan3A_648 : i32 to index
        %get3A_720 = arith.constant 16 : index
        %get3A_721 = tpu.vector_load %arg10[%get3A_719, %get3A_720] {strides = array<i32>} : memref<32x128xf32, #tpu.memory_space<vmem>>, vector<1x16xf32>,
        %get3A_722 = vector.shape_cast %get3A_721 : vector<1x16xf32> to vector<16xf32>
        %add3A_723 = arith.addf %get3A_718, %get3A_722 : vector<16xf32>
        %get3A_724 = arith.index_cast %scan3A_648 : i32 to index
        %get3A_725 = arith.constant 16 : index
        %get3A_726 = tpu.vector_load %arg11[%get3A_724, %get3A_725] {strides = array<i32>} : memref<32x128xf32, #tpu.memory_space<vmem>>, vector<1x16xf32>,
        %get3A_727 = vector.shape_cast %get3A_726 : vector<1x16xf32> to vector<16xf32>
        %add3A_728 = arith.addf %add3A_723, %get3A_727 : vector<16xf32>
        %get3A_729 = arith.index_cast %scan3A_648 : i32 to index
        %get3A_730 = arith.constant 16 : index
        %get3A_731 = tpu.vector_load %arg12[%get3A_729, %get3A_730] {strides = array<i32>} : memref<32x128xf32, #tpu.memory_space<vmem>>, vector<1x16xf32>,
        %get3A_732 = vector.shape_cast %get3A_731 : vector<1x16xf32> to vector<16xf32>
        %add3A_733 = arith.addf %add3A_728, %get3A_732 : vector<16xf32>
        %get3A_734 = arith.index_cast %scan3A_648 : i32 to index
        %get3A_735 = arith.constant 16 : index
        %get3A_736 = tpu.vector_load %arg13[%get3A_734, %get3A_735] {strides = array<i32>} : memref<32x128xf32, #tpu.memory_space<vmem>>, vector<1x16xf32>,
        %get3A_737 = vector.shape_cast %get3A_736 : vector<1x16xf32> to vector<16xf32>
        %add3A_738 = arith.addf %add3A_733, %get3A_737 : vector<16xf32>
        %get3A_739 = arith.index_cast %scan3A_648 : i32 to index
        %get3A_740 = arith.constant 16 : index
        %get3A_741 = tpu.vector_load %arg14[%get3A_739, %get3A_740] {strides = array<i32>} : memref<32x128xf32, #tpu.memory_space<vmem>>, vector<1x16xf32>,
        %get3A_742 = vector.shape_cast %get3A_741 : vector<1x16xf32> to vector<16xf32>
        %add3A_743 = arith.addf %add3A_738, %get3A_742 : vector<16xf32>
        %get3A_744 = arith.index_cast %scan3A_648 : i32 to index
        %get3A_745 = arith.constant 16 : index
        %get3A_746 = tpu.vector_load %arg15[%get3A_744, %get3A_745] {strides = array<i32>} : memref<32x128xf32, #tpu.memory_space<vmem>>, vector<1x16xf32>,
        %get3A_747 = vector.shape_cast %get3A_746 : vector<1x16xf32> to vector<16xf32>
        %add3A_748 = arith.addf %add3A_743, %get3A_747 : vector<16xf32>
        %get3A_749 = arith.index_cast %scan3A_648 : i32 to index
        %get3A_750 = arith.constant 16 : index
        %get3A_751 = tpu.vector_load %arg16[%get3A_749, %get3A_750] {strides = array<i32>} : memref<32x128xf32, #tpu.memory_space<vmem>>, vector<1x16xf32>,
        %get3A_752 = vector.shape_cast %get3A_751 : vector<1x16xf32> to vector<16xf32>
        %add3A_753 = arith.addf %add3A_748, %get3A_752 : vector<16xf32>
        %get3A_754 = arith.index_cast %scan3A_648 : i32 to index
        %get3A_755 = arith.constant 16 : index
        %get3A_756 = tpu.vector_load %arg17[%get3A_754, %get3A_755] {strides = array<i32>} : memref<32x128xf32, #tpu.memory_space<vmem>>, vector<1x16xf32>,
        %get3A_757 = vector.shape_cast %get3A_756 : vector<1x16xf32> to vector<16xf32>
        %add3A_758 = arith.addf %add3A_753, %get3A_757 : vector<16xf32>
        %get3A_759 = arith.index_cast %scan3A_648 : i32 to index
        %get3A_760 = arith.constant 16 : index
        %get3A_761 = tpu.vector_load %arg18[%get3A_759, %get3A_760] {strides = array<i32>} : memref<32x128xf32, #tpu.memory_space<vmem>>, vector<1x16xf32>,
        %get3A_762 = vector.shape_cast %get3A_761 : vector<1x16xf32> to vector<16xf32>
        %add3A_763 = arith.addf %add3A_758, %get3A_762 : vector<16xf32>
        %get3A_764 = arith.index_cast %scan3A_648 : i32 to index
        %get3A_765 = arith.constant 16 : index
        %get3A_766 = tpu.vector_load %arg19[%get3A_764, %get3A_765] {strides = array<i32>} : memref<32x128xf32, #tpu.memory_space<vmem>>, vector<1x16xf32>,
        %get3A_767 = vector.shape_cast %get3A_766 : vector<1x16xf32> to vector<16xf32>
        %add3A_768 = arith.addf %add3A_763, %get3A_767 : vector<16xf32>
        %get3A_769 = arith.index_cast %scan3A_648 : i32 to index
        %get3A_770 = arith.constant 16 : index
        %get3A_771 = tpu.vector_load %arg20[%get3A_769, %get3A_770] {strides = array<i32>} : memref<32x128xf32, #tpu.memory_space<vmem>>, vector<1x16xf32>,
        %get3A_772 = vector.shape_cast %get3A_771 : vector<1x16xf32> to vector<16xf32>
        %add3A_773 = arith.addf %add3A_768, %get3A_772 : vector<16xf32>
        %mul3A_774 = arith.constant 0.0833333358 : f32
        %mul3A_775 = vector.broadcast %mul3A_774 : f32 to vector<16xf32>
        %mul3A_776 = arith.mulf %add3A_773, %mul3A_775 : vector<16xf32>
        %swap3A_777 = arith.index_cast %scan3A_648 : i32 to index
        %swap3A_778 = arith.constant 16 : index
        %swap3A_779 = tpu.vector_load %arg33[%swap3A_777, %swap3A_778] {strides = array<i32>} : memref<32x128xf32, #tpu.memory_space<vmem>>, vector<1x16xf32>,
        %swap3A_780 = vector.shape_cast %swap3A_779 : vector<1x16xf32> to vector<16xf32>
        %swap3A_781 = vector.shape_cast %mul3A_776 : vector<16xf32> to vector<1x16xf32>
        tpu.vector_store %arg33[%swap3A_777, %swap3A_778], %swap3A_781 {strides = array<i32>} : memref<32x128xf32, #tpu.memory_space<vmem>>, vector<1x16xf32>,
        %get3A_782 = arith.index_cast %scan3A_648 : i32 to index
        %get3A_783 = arith.constant 32 : index
        %get3A_784 = tpu.vector_load %arg9[%get3A_782, %get3A_783] {strides = array<i32>} : memref<32x128xf32, #tpu.memory_space<vmem>>, vector<1x16xf32>,
        %get3A_785 = vector.shape_cast %get3A_784 : vector<1x16xf32> to vector<16xf32>
        %get3A_786 = arith.index_cast %scan3A_648 : i32 to index
        %get3A_787 = arith.constant 32 : index
        %get3A_788 = tpu.vector_load %arg10[%get3A_786, %get3A_787] {strides = array<i32>} : memref<32x128xf32, #tpu.memory_space<vmem>>, vector<1x16xf32>,
        %get3A_789 = vector.shape_cast %get3A_788 : vector<1x16xf32> to vector<16xf32>
        %add3A_790 = arith.addf %get3A_785, %get3A_789 : vector<16xf32>
        %get3A_791 = arith.index_cast %scan3A_648 : i32 to index
        %get3A_792 = arith.constant 32 : index
        %get3A_793 = tpu.vector_load %arg11[%get3A_791, %get3A_792] {strides = array<i32>} : memref<32x128xf32, #tpu.memory_space<vmem>>, vector<1x16xf32>,
        %get3A_794 = vector.shape_cast %get3A_793 : vector<1x16xf32> to vector<16xf32>
        %add3A_795 = arith.addf %add3A_790, %get3A_794 : vector<16xf32>
        %get3A_796 = arith.index_cast %scan3A_648 : i32 to index
        %get3A_797 = arith.constant 32 : index
        %get3A_798 = tpu.vector_load %arg12[%get3A_796, %get3A_797] {strides = array<i32>} : memref<32x128xf32, #tpu.memory_space<vmem>>, vector<1x16xf32>,
        %get3A_799 = vector.shape_cast %get3A_798 : vector<1x16xf32> to vector<16xf32>
        %add3A_800 = arith.addf %add3A_795, %get3A_799 : vector<16xf32>
        %get3A_801 = arith.index_cast %scan3A_648 : i32 to index
        %get3A_802 = arith.constant 32 : index
        %get3A_803 = tpu.vector_load %arg13[%get3A_801, %get3A_802] {strides = array<i32>} : memref<32x128xf32, #tpu.memory_space<vmem>>, vector<1x16xf32>,
        %get3A_804 = vector.shape_cast %get3A_803 : vector<1x16xf32> to vector<16xf32>
        %add3A_805 = arith.addf %add3A_800, %get3A_804 : vector<16xf32>
        %get3A_806 = arith.index_cast %scan3A_648 : i32 to index
        %get3A_807 = arith.constant 32 : index
        %get3A_808 = tpu.vector_load %arg14[%get3A_806, %get3A_807] {strides = array<i32>} : memref<32x128xf32, #tpu.memory_space<vmem>>, vector<1x16xf32>,
        %get3A_809 = vector.shape_cast %get3A_808 : vector<1x16xf32> to vector<16xf32>
        %add3A_810 = arith.addf %add3A_805, %get3A_809 : vector<16xf32>
        %get3A_811 = arith.index_cast %scan3A_648 : i32 to index
        %get3A_812 = arith.constant 32 : index
        %get3A_813 = tpu.vector_load %arg15[%get3A_811, %get3A_812] {strides = array<i32>} : memref<32x128xf32, #tpu.memory_space<vmem>>, vector<1x16xf32>,
        %get3A_814 = vector.shape_cast %get3A_813 : vector<1x16xf32> to vector<16xf32>
        %add3A_815 = arith.addf %add3A_810, %get3A_814 : vector<16xf32>
        %get3A_816 = arith.index_cast %scan3A_648 : i32 to index
        %get3A_817 = arith.constant 32 : index
        %get3A_818 = tpu.vector_load %arg16[%get3A_816, %get3A_817] {strides = array<i32>} : memref<32x128xf32, #tpu.memory_space<vmem>>, vector<1x16xf32>,
        %get3A_819 = vector.shape_cast %get3A_818 : vector<1x16xf32> to vector<16xf32>
        %add3A_820 = arith.addf %add3A_815, %get3A_819 : vector<16xf32>
        %get3A_821 = arith.index_cast %scan3A_648 : i32 to index
        %get3A_822 = arith.constant 32 : index
        %get3A_823 = tpu.vector_load %arg17[%get3A_821, %get3A_822] {strides = array<i32>} : memref<32x128xf32, #tpu.memory_space<vmem>>, vector<1x16xf32>,
        %get3A_824 = vector.shape_cast %get3A_823 : vector<1x16xf32> to vector<16xf32>
        %add3A_825 = arith.addf %add3A_820, %get3A_824 : vector<16xf32>
        %get3A_826 = arith.index_cast %scan3A_648 : i32 to index
        %get3A_827 = arith.constant 32 : index
        %get3A_828 = tpu.vector_load %arg18[%get3A_826, %get3A_827] {strides = array<i32>} : memref<32x128xf32, #tpu.memory_space<vmem>>, vector<1x16xf32>,
        %get3A_829 = vector.shape_cast %get3A_828 : vector<1x16xf32> to vector<16xf32>
        %add3A_830 = arith.addf %add3A_825, %get3A_829 : vector<16xf32>
        %get3A_831 = arith.index_cast %scan3A_648 : i32 to index
        %get3A_832 = arith.constant 32 : index
        %get3A_833 = tpu.vector_load %arg19[%get3A_831, %get3A_832] {strides = array<i32>} : memref<32x128xf32, #tpu.memory_space<vmem>>, vector<1x16xf32>,
        %get3A_834 = vector.shape_cast %get3A_833 : vector<1x16xf32> to vector<16xf32>
        %add3A_835 = arith.addf %add3A_830, %get3A_834 : vector<16xf32>
        %get3A_836 = arith.index_cast %scan3A_648 : i32 to index
        %get3A_837 = arith.constant 32 : index
        %get3A_838 = tpu.vector_load %arg20[%get3A_836, %get3A_837] {strides = array<i32>} : memref<32x128xf32, #tpu.memory_space<vmem>>, vector<1x16xf32>,
        %get3A_839 = vector.shape_cast %get3A_838 : vector<1x16xf32> to vector<16xf32>
        %add3A_840 = arith.addf %add3A_835, %get3A_839 : vector<16xf32>
        %mul3A_841 = arith.constant 0.0833333358 : f32
        %mul3A_842 = vector.broadcast %mul3A_841 : f32 to vector<16xf32>
        %mul3A_843 = arith.mulf %add3A_840, %mul3A_842 : vector<16xf32>
        %swap3A_844 = arith.index_cast %scan3A_648 : i32 to index
        %swap3A_845 = arith.constant 32 : index
        %swap3A_846 = tpu.vector_load %arg33[%swap3A_844, %swap3A_845] {strides = array<i32>} : memref<32x128xf32, #tpu.memory_space<vmem>>, vector<1x16xf32>,
        %swap3A_847 = vector.shape_cast %swap3A_846 : vector<1x16xf32> to vector<16xf32>
        %swap3A_848 = vector.shape_cast %mul3A_843 : vector<16xf32> to vector<1x16xf32>
        tpu.vector_store %arg33[%swap3A_844, %swap3A_845], %swap3A_848 {strides = array<i32>} : memref<32x128xf32, #tpu.memory_space<vmem>>, vector<1x16xf32>,
        %get3A_849 = arith.index_cast %scan3A_648 : i32 to index
        %get3A_850 = arith.constant 48 : index
        %get3A_851 = tpu.vector_load %arg9[%get3A_849, %get3A_850] {strides = array<i32>} : memref<32x128xf32, #tpu.memory_space<vmem>>, vector<1x16xf32>,
        %get3A_852 = vector.shape_cast %get3A_851 : vector<1x16xf32> to vector<16xf32>
        %get3A_853 = arith.index_cast %scan3A_648 : i32 to index
        %get3A_854 = arith.constant 48 : index
        %get3A_855 = tpu.vector_load %arg10[%get3A_853, %get3A_854] {strides = array<i32>} : memref<32x128xf32, #tpu.memory_space<vmem>>, vector<1x16xf32>,
        %get3A_856 = vector.shape_cast %get3A_855 : vector<1x16xf32> to vector<16xf32>
        %add3A_857 = arith.addf %get3A_852, %get3A_856 : vector<16xf32>
        %get3A_858 = arith.index_cast %scan3A_648 : i32 to index
        %get3A_859 = arith.constant 48 : index
        %get3A_860 = tpu.vector_load %arg11[%get3A_858, %get3A_859] {strides = array<i32>} : memref<32x128xf32, #tpu.memory_space<vmem>>, vector<1x16xf32>,
        %get3A_861 = vector.shape_cast %get3A_860 : vector<1x16xf32> to vector<16xf32>
        %add3A_862 = arith.addf %add3A_857, %get3A_861 : vector<16xf32>
        %get3A_863 = arith.index_cast %scan3A_648 : i32 to index
        %get3A_864 = arith.constant 48 : index
        %get3A_865 = tpu.vector_load %arg12[%get3A_863, %get3A_864] {strides = array<i32>} : memref<32x128xf32, #tpu.memory_space<vmem>>, vector<1x16xf32>,
        %get3A_866 = vector.shape_cast %get3A_865 : vector<1x16xf32> to vector<16xf32>
        %add3A_867 = arith.addf %add3A_862, %get3A_866 : vector<16xf32>
        %get3A_868 = arith.index_cast %scan3A_648 : i32 to index
        %get3A_869 = arith.constant 48 : index
        %get3A_870 = tpu.vector_load %arg13[%get3A_868, %get3A_869] {strides = array<i32>} : memref<32x128xf32, #tpu.memory_space<vmem>>, vector<1x16xf32>,
        %get3A_871 = vector.shape_cast %get3A_870 : vector<1x16xf32> to vector<16xf32>
        %add3A_872 = arith.addf %add3A_867, %get3A_871 : vector<16xf32>
        %get3A_873 = arith.index_cast %scan3A_648 : i32 to index
        %get3A_874 = arith.constant 48 : index
        %get3A_875 = tpu.vector_load %arg14[%get3A_873, %get3A_874] {strides = array<i32>} : memref<32x128xf32, #tpu.memory_space<vmem>>, vector<1x16xf32>,
        %get3A_876 = vector.shape_cast %get3A_875 : vector<1x16xf32> to vector<16xf32>
        %add3A_877 = arith.addf %add3A_872, %get3A_876 : vector<16xf32>
        %get3A_878 = arith.index_cast %scan3A_648 : i32 to index
        %get3A_879 = arith.constant 48 : index
        %get3A_880 = tpu.vector_load %arg15[%get3A_878, %get3A_879] {strides = array<i32>} : memref<32x128xf32, #tpu.memory_space<vmem>>, vector<1x16xf32>,
        %get3A_881 = vector.shape_cast %get3A_880 : vector<1x16xf32> to vector<16xf32>
        %add3A_882 = arith.addf %add3A_877, %get3A_881 : vector<16xf32>
        %get3A_883 = arith.index_cast %scan3A_648 : i32 to index
        %get3A_884 = arith.constant 48 : index
        %get3A_885 = tpu.vector_load %arg16[%get3A_883, %get3A_884] {strides = array<i32>} : memref<32x128xf32, #tpu.memory_space<vmem>>, vector<1x16xf32>,
        %get3A_886 = vector.shape_cast %get3A_885 : vector<1x16xf32> to vector<16xf32>
        %add3A_887 = arith.addf %add3A_882, %get3A_886 : vector<16xf32>
        %get3A_888 = arith.index_cast %scan3A_648 : i32 to index
        %get3A_889 = arith.constant 48 : index
        %get3A_890 = tpu.vector_load %arg17[%get3A_888, %get3A_889] {strides = array<i32>} : memref<32x128xf32, #tpu.memory_space<vmem>>, vector<1x16xf32>,
        %get3A_891 = vector.shape_cast %get3A_890 : vector<1x16xf32> to vector<16xf32>
        %add3A_892 = arith.addf %add3A_887, %get3A_891 : vector<16xf32>
        %get3A_893 = arith.index_cast %scan3A_648 : i32 to index
        %get3A_894 = arith.constant 48 : index
        %get3A_895 = tpu.vector_load %arg18[%get3A_893, %get3A_894] {strides = array<i32>} : memref<32x128xf32, #tpu.memory_space<vmem>>, vector<1x16xf32>,
        %get3A_896 = vector.shape_cast %get3A_895 : vector<1x16xf32> to vector<16xf32>
        %add3A_897 = arith.addf %add3A_892, %get3A_896 : vector<16xf32>
        %get3A_898 = arith.index_cast %scan3A_648 : i32 to index
        %get3A_899 = arith.constant 48 : index
        %get3A_900 = tpu.vector_load %arg19[%get3A_898, %get3A_899] {strides = array<i32>} : memref<32x128xf32, #tpu.memory_space<vmem>>, vector<1x16xf32>,
        %get3A_901 = vector.shape_cast %get3A_900 : vector<1x16xf32> to vector<16xf32>
        %add3A_902 = arith.addf %add3A_897, %get3A_901 : vector<16xf32>
        %get3A_903 = arith.index_cast %scan3A_648 : i32 to index
        %get3A_904 = arith.constant 48 : index
        %get3A_905 = tpu.vector_load %arg20[%get3A_903, %get3A_904] {strides = array<i32>} : memref<32x128xf32, #tpu.memory_space<vmem>>, vector<1x16xf32>,
        %get3A_906 = vector.shape_cast %get3A_905 : vector<1x16xf32> to vector<16xf32>
        %add3A_907 = arith.addf %add3A_902, %get3A_906 : vector<16xf32>
        %mul3A_908 = arith.constant 0.0833333358 : f32
        %mul3A_909 = vector.broadcast %mul3A_908 : f32 to vector<16xf32>
        %mul3A_910 = arith.mulf %add3A_907, %mul3A_909 : vector<16xf32>
        %swap3A_911 = arith.index_cast %scan3A_648 : i32 to index
        %swap3A_912 = arith.constant 48 : index
        %swap3A_913 = tpu.vector_load %arg33[%swap3A_911, %swap3A_912] {strides = array<i32>} : memref<32x128xf32, #tpu.memory_space<vmem>>, vector<1x16xf32>,
        %swap3A_914 = vector.shape_cast %swap3A_913 : vector<1x16xf32> to vector<16xf32>
        %swap3A_915 = vector.shape_cast %mul3A_910 : vector<16xf32> to vector<1x16xf32>
        tpu.vector_store %arg33[%swap3A_911, %swap3A_912], %swap3A_915 {strides = array<i32>} : memref<32x128xf32, #tpu.memory_space<vmem>>, vector<1x16xf32>,
        %get3A_916 = arith.index_cast %scan3A_648 : i32 to index
        %get3A_917 = arith.constant 64 : index
        %get3A_918 = tpu.vector_load %arg9[%get3A_916, %get3A_917] {strides = array<i32>} : memref<32x128xf32, #tpu.memory_space<vmem>>, vector<1x16xf32>,
        %get3A_919 = vector.shape_cast %get3A_918 : vector<1x16xf32> to vector<16xf32>
        %get3A_920 = arith.index_cast %scan3A_648 : i32 to index
        %get3A_921 = arith.constant 64 : index
        %get3A_922 = tpu.vector_load %arg10[%get3A_920, %get3A_921] {strides = array<i32>} : memref<32x128xf32, #tpu.memory_space<vmem>>, vector<1x16xf32>,
        %get3A_923 = vector.shape_cast %get3A_922 : vector<1x16xf32> to vector<16xf32>
        %add3A_924 = arith.addf %get3A_919, %get3A_923 : vector<16xf32>
        %get3A_925 = arith.index_cast %scan3A_648 : i32 to index
        %get3A_926 = arith.constant 64 : index
        %get3A_927 = tpu.vector_load %arg11[%get3A_925, %get3A_926] {strides = array<i32>} : memref<32x128xf32, #tpu.memory_space<vmem>>, vector<1x16xf32>,
        %get3A_928 = vector.shape_cast %get3A_927 : vector<1x16xf32> to vector<16xf32>
        %add3A_929 = arith.addf %add3A_924, %get3A_928 : vector<16xf32>
        %get3A_930 = arith.index_cast %scan3A_648 : i32 to index
        %get3A_931 = arith.constant 64 : index
        %get3A_932 = tpu.vector_load %arg12[%get3A_930, %get3A_931] {strides = array<i32>} : memref<32x128xf32, #tpu.memory_space<vmem>>, vector<1x16xf32>,
        %get3A_933 = vector.shape_cast %get3A_932 : vector<1x16xf32> to vector<16xf32>
        %add3A_934 = arith.addf %add3A_929, %get3A_933 : vector<16xf32>
        %get3A_935 = arith.index_cast %scan3A_648 : i32 to index
        %get3A_936 = arith.constant 64 : index
        %get3A_937 = tpu.vector_load %arg13[%get3A_935, %get3A_936] {strides = array<i32>} : memref<32x128xf32, #tpu.memory_space<vmem>>, vector<1x16xf32>,
        %get3A_938 = vector.shape_cast %get3A_937 : vector<1x16xf32> to vector<16xf32>
        %add3A_939 = arith.addf %add3A_934, %get3A_938 : vector<16xf32>
        %get3A_940 = arith.index_cast %scan3A_648 : i32 to index
        %get3A_941 = arith.constant 64 : index
        %get3A_942 = tpu.vector_load %arg14[%get3A_940, %get3A_941] {strides = array<i32>} : memref<32x128xf32, #tpu.memory_space<vmem>>, vector<1x16xf32>,
        %get3A_943 = vector.shape_cast %get3A_942 : vector<1x16xf32> to vector<16xf32>
        %add3A_944 = arith.addf %add3A_939, %get3A_943 : vector<16xf32>
        %get3A_945 = arith.index_cast %scan3A_648 : i32 to index
        %get3A_946 = arith.constant 64 : index
        %get3A_947 = tpu.vector_load %arg15[%get3A_945, %get3A_946] {strides = array<i32>} : memref<32x128xf32, #tpu.memory_space<vmem>>, vector<1x16xf32>,
        %get3A_948 = vector.shape_cast %get3A_947 : vector<1x16xf32> to vector<16xf32>
        %add3A_949 = arith.addf %add3A_944, %get3A_948 : vector<16xf32>
        %get3A_950 = arith.index_cast %scan3A_648 : i32 to index
        %get3A_951 = arith.constant 64 : index
        %get3A_952 = tpu.vector_load %arg16[%get3A_950, %get3A_951] {strides = array<i32>} : memref<32x128xf32, #tpu.memory_space<vmem>>, vector<1x16xf32>,
        %get3A_953 = vector.shape_cast %get3A_952 : vector<1x16xf32> to vector<16xf32>
        %add3A_954 = arith.addf %add3A_949, %get3A_953 : vector<16xf32>
        %get3A_955 = arith.index_cast %scan3A_648 : i32 to index
        %get3A_956 = arith.constant 64 : index
        %get3A_957 = tpu.vector_load %arg17[%get3A_955, %get3A_956] {strides = array<i32>} : memref<32x128xf32, #tpu.memory_space<vmem>>, vector<1x16xf32>,
        %get3A_958 = vector.shape_cast %get3A_957 : vector<1x16xf32> to vector<16xf32>
        %add3A_959 = arith.addf %add3A_954, %get3A_958 : vector<16xf32>
        %get3A_960 = arith.index_cast %scan3A_648 : i32 to index
        %get3A_961 = arith.constant 64 : index
        %get3A_962 = tpu.vector_load %arg18[%get3A_960, %get3A_961] {strides = array<i32>} : memref<32x128xf32, #tpu.memory_space<vmem>>, vector<1x16xf32>,
        %get3A_963 = vector.shape_cast %get3A_962 : vector<1x16xf32> to vector<16xf32>
        %add3A_964 = arith.addf %add3A_959, %get3A_963 : vector<16xf32>
        %get3A_965 = arith.index_cast %scan3A_648 : i32 to index
        %get3A_966 = arith.constant 64 : index
        %get3A_967 = tpu.vector_load %arg19[%get3A_965, %get3A_966] {strides = array<i32>} : memref<32x128xf32, #tpu.memory_space<vmem>>, vector<1x16xf32>,
        %get3A_968 = vector.shape_cast %get3A_967 : vector<1x16xf32> to vector<16xf32>
        %add3A_969 = arith.addf %add3A_964, %get3A_968 : vector<16xf32>
        %get3A_970 = arith.index_cast %scan3A_648 : i32 to index
        %get3A_971 = arith.constant 64 : index
        %get3A_972 = tpu.vector_load %arg20[%get3A_970, %get3A_971] {strides = array<i32>} : memref<32x128xf32, #tpu.memory_space<vmem>>, vector<1x16xf32>,
        %get3A_973 = vector.shape_cast %get3A_972 : vector<1x16xf32> to vector<16xf32>
        %add3A_974 = arith.addf %add3A_969, %get3A_973 : vector<16xf32>
        %mul3A_975 = arith.constant 0.0833333358 : f32
        %mul3A_976 = vector.broadcast %mul3A_975 : f32 to vector<16xf32>
        %mul3A_977 = arith.mulf %add3A_974, %mul3A_976 : vector<16xf32>
        %swap3A_978 = arith.index_cast %scan3A_648 : i32 to index
        %swap3A_979 = arith.constant 64 : index
        %swap3A_980 = tpu.vector_load %arg33[%swap3A_978, %swap3A_979] {strides = array<i32>} : memref<32x128xf32, #tpu.memory_space<vmem>>, vector<1x16xf32>,
        %swap3A_981 = vector.shape_cast %swap3A_980 : vector<1x16xf32> to vector<16xf32>
        %swap3A_982 = vector.shape_cast %mul3A_977 : vector<16xf32> to vector<1x16xf32>
        tpu.vector_store %arg33[%swap3A_978, %swap3A_979], %swap3A_982 {strides = array<i32>} : memref<32x128xf32, #tpu.memory_space<vmem>>, vector<1x16xf32>,
        %get3A_983 = arith.index_cast %scan3A_648 : i32 to index
        %get3A_984 = arith.constant 80 : index
        %get3A_985 = tpu.vector_load %arg9[%get3A_983, %get3A_984] {strides = array<i32>} : memref<32x128xf32, #tpu.memory_space<vmem>>, vector<1x16xf32>,
        %get3A_986 = vector.shape_cast %get3A_985 : vector<1x16xf32> to vector<16xf32>
        %get3A_987 = arith.index_cast %scan3A_648 : i32 to index
        %get3A_988 = arith.constant 80 : index
        %get3A_989 = tpu.vector_load %arg10[%get3A_987, %get3A_988] {strides = array<i32>} : memref<32x128xf32, #tpu.memory_space<vmem>>, vector<1x16xf32>,
        %get3A_990 = vector.shape_cast %get3A_989 : vector<1x16xf32> to vector<16xf32>
        %add3A_991 = arith.addf %get3A_986, %get3A_990 : vector<16xf32>
        %get3A_992 = arith.index_cast %scan3A_648 : i32 to index
        %get3A_993 = arith.constant 80 : index
        %get3A_994 = tpu.vector_load %arg11[%get3A_992, %get3A_993] {strides = array<i32>} : memref<32x128xf32, #tpu.memory_space<vmem>>, vector<1x16xf32>,
        %get3A_995 = vector.shape_cast %get3A_994 : vector<1x16xf32> to vector<16xf32>
        %add3A_996 = arith.addf %add3A_991, %get3A_995 : vector<16xf32>
        %get3A_997 = arith.index_cast %scan3A_648 : i32 to index
        %get3A_998 = arith.constant 80 : index
        %get3A_999 = tpu.vector_load %arg12[%get3A_997, %get3A_998] {strides = array<i32>} : memref<32x128xf32, #tpu.memory_space<vmem>>, vector<1x16xf32>,
        %get3A_1000 = vector.shape_cast %get3A_999 : vector<1x16xf32> to vector<16xf32>
        %add3A_1001 = arith.addf %add3A_996, %get3A_1000 : vector<16xf32>
        %get3A_1002 = arith.index_cast %scan3A_648 : i32 to index
        %get3A_1003 = arith.constant 80 : index
        %get3A_1004 = tpu.vector_load %arg13[%get3A_1002, %get3A_1003] {strides = array<i32>} : memref<32x128xf32, #tpu.memory_space<vmem>>, vector<1x16xf32>,
        %get3A_1005 = vector.shape_cast %get3A_1004 : vector<1x16xf32> to vector<16xf32>
        %add3A_1006 = arith.addf %add3A_1001, %get3A_1005 : vector<16xf32>
        %get3A_1007 = arith.index_cast %scan3A_648 : i32 to index
        %get3A_1008 = arith.constant 80 : index
        %get3A_1009 = tpu.vector_load %arg14[%get3A_1007, %get3A_1008] {strides = array<i32>} : memref<32x128xf32, #tpu.memory_space<vmem>>, vector<1x16xf32>,
        %get3A_1010 = vector.shape_cast %get3A_1009 : vector<1x16xf32> to vector<16xf32>
        %add3A_1011 = arith.addf %add3A_1006, %get3A_1010 : vector<16xf32>
        %get3A_1012 = arith.index_cast %scan3A_648 : i32 to index
        %get3A_1013 = arith.constant 80 : index
        %get3A_1014 = tpu.vector_load %arg15[%get3A_1012, %get3A_1013] {strides = array<i32>} : memref<32x128xf32, #tpu.memory_space<vmem>>, vector<1x16xf32>,
        %get3A_1015 = vector.shape_cast %get3A_1014 : vector<1x16xf32> to vector<16xf32>
        %add3A_1016 = arith.addf %add3A_1011, %get3A_1015 : vector<16xf32>
        %get3A_1017 = arith.index_cast %scan3A_648 : i32 to index
        %get3A_1018 = arith.constant 80 : index
        %get3A_1019 = tpu.vector_load %arg16[%get3A_1017, %get3A_1018] {strides = array<i32>} : memref<32x128xf32, #tpu.memory_space<vmem>>, vector<1x16xf32>,
        %get3A_1020 = vector.shape_cast %get3A_1019 : vector<1x16xf32> to vector<16xf32>
        %add3A_1021 = arith.addf %add3A_1016, %get3A_1020 : vector<16xf32>
        %get3A_1022 = arith.index_cast %scan3A_648 : i32 to index
        %get3A_1023 = arith.constant 80 : index
        %get3A_1024 = tpu.vector_load %arg17[%get3A_1022, %get3A_1023] {strides = array<i32>} : memref<32x128xf32, #tpu.memory_space<vmem>>, vector<1x16xf32>,
        %get3A_1025 = vector.shape_cast %get3A_1024 : vector<1x16xf32> to vector<16xf32>
        %add3A_1026 = arith.addf %add3A_1021, %get3A_1025 : vector<16xf32>
        %get3A_1027 = arith.index_cast %scan3A_648 : i32 to index
        %get3A_1028 = arith.constant 80 : index
        %get3A_1029 = tpu.vector_load %arg18[%get3A_1027, %get3A_1028] {strides = array<i32>} : memref<32x128xf32, #tpu.memory_space<vmem>>, vector<1x16xf32>,
        %get3A_1030 = vector.shape_cast %get3A_1029 : vector<1x16xf32> to vector<16xf32>
        %add3A_1031 = arith.addf %add3A_1026, %get3A_1030 : vector<16xf32>
        %get3A_1032 = arith.index_cast %scan3A_648 : i32 to index
        %get3A_1033 = arith.constant 80 : index
        %get3A_1034 = tpu.vector_load %arg19[%get3A_1032, %get3A_1033] {strides = array<i32>} : memref<32x128xf32, #tpu.memory_space<vmem>>, vector<1x16xf32>,
        %get3A_1035 = vector.shape_cast %get3A_1034 : vector<1x16xf32> to vector<16xf32>
        %add3A_1036 = arith.addf %add3A_1031, %get3A_1035 : vector<16xf32>
        %get3A_1037 = arith.index_cast %scan3A_648 : i32 to index
        %get3A_1038 = arith.constant 80 : index
        %get3A_1039 = tpu.vector_load %arg20[%get3A_1037, %get3A_1038] {strides = array<i32>} : memref<32x128xf32, #tpu.memory_space<vmem>>, vector<1x16xf32>,
        %get3A_1040 = vector.shape_cast %get3A_1039 : vector<1x16xf32> to vector<16xf32>
        %add3A_1041 = arith.addf %add3A_1036, %get3A_1040 : vector<16xf32>
        %mul3A_1042 = arith.constant 0.0833333358 : f32
        %mul3A_1043 = vector.broadcast %mul3A_1042 : f32 to vector<16xf32>
        %mul3A_1044 = arith.mulf %add3A_1041, %mul3A_1043 : vector<16xf32>
        %swap3A_1045 = arith.index_cast %scan3A_648 : i32 to index
        %swap3A_1046 = arith.constant 80 : index
        %swap3A_1047 = tpu.vector_load %arg33[%swap3A_1045, %swap3A_1046] {strides = array<i32>} : memref<32x128xf32, #tpu.memory_space<vmem>>, vector<1x16xf32>,
        %swap3A_1048 = vector.shape_cast %swap3A_1047 : vector<1x16xf32> to vector<16xf32>
        %swap3A_1049 = vector.shape_cast %mul3A_1044 : vector<16xf32> to vector<1x16xf32>
        tpu.vector_store %arg33[%swap3A_1045, %swap3A_1046], %swap3A_1049 {strides = array<i32>} : memref<32x128xf32, #tpu.memory_space<vmem>>, vector<1x16xf32>,
        %get3A_1050 = arith.index_cast %scan3A_648 : i32 to index
        %get3A_1051 = arith.constant 96 : index
        %get3A_1052 = tpu.vector_load %arg9[%get3A_1050, %get3A_1051] {strides = array<i32>} : memref<32x128xf32, #tpu.memory_space<vmem>>, vector<1x16xf32>,
        %get3A_1053 = vector.shape_cast %get3A_1052 : vector<1x16xf32> to vector<16xf32>
        %get3A_1054 = arith.index_cast %scan3A_648 : i32 to index
        %get3A_1055 = arith.constant 96 : index
        %get3A_1056 = tpu.vector_load %arg10[%get3A_1054, %get3A_1055] {strides = array<i32>} : memref<32x128xf32, #tpu.memory_space<vmem>>, vector<1x16xf32>,
        %get3A_1057 = vector.shape_cast %get3A_1056 : vector<1x16xf32> to vector<16xf32>
        %add3A_1058 = arith.addf %get3A_1053, %get3A_1057 : vector<16xf32>
        %get3A_1059 = arith.index_cast %scan3A_648 : i32 to index
        %get3A_1060 = arith.constant 96 : index
        %get3A_1061 = tpu.vector_load %arg11[%get3A_1059, %get3A_1060] {strides = array<i32>} : memref<32x128xf32, #tpu.memory_space<vmem>>, vector<1x16xf32>,
        %get3A_1062 = vector.shape_cast %get3A_1061 : vector<1x16xf32> to vector<16xf32>
        %add3A_1063 = arith.addf %add3A_1058, %get3A_1062 : vector<16xf32>
        %get3A_1064 = arith.index_cast %scan3A_648 : i32 to index
        %get3A_1065 = arith.constant 96 : index
        %get3A_1066 = tpu.vector_load %arg12[%get3A_1064, %get3A_1065] {strides = array<i32>} : memref<32x128xf32, #tpu.memory_space<vmem>>, vector<1x16xf32>,
        %get3A_1067 = vector.shape_cast %get3A_1066 : vector<1x16xf32> to vector<16xf32>
        %add3A_1068 = arith.addf %add3A_1063, %get3A_1067 : vector<16xf32>
        %get3A_1069 = arith.index_cast %scan3A_648 : i32 to index
        %get3A_1070 = arith.constant 96 : index
        %get3A_1071 = tpu.vector_load %arg13[%get3A_1069, %get3A_1070] {strides = array<i32>} : memref<32x128xf32, #tpu.memory_space<vmem>>, vector<1x16xf32>,
        %get3A_1072 = vector.shape_cast %get3A_1071 : vector<1x16xf32> to vector<16xf32>
        %add3A_1073 = arith.addf %add3A_1068, %get3A_1072 : vector<16xf32>
        %get3A_1074 = arith.index_cast %scan3A_648 : i32 to index
        %get3A_1075 = arith.constant 96 : index
        %get3A_1076 = tpu.vector_load %arg14[%get3A_1074, %get3A_1075] {strides = array<i32>} : memref<32x128xf32, #tpu.memory_space<vmem>>, vector<1x16xf32>,
        %get3A_1077 = vector.shape_cast %get3A_1076 : vector<1x16xf32> to vector<16xf32>
        %add3A_1078 = arith.addf %add3A_1073, %get3A_1077 : vector<16xf32>
        %get3A_1079 = arith.index_cast %scan3A_648 : i32 to index
        %get3A_1080 = arith.constant 96 : index
        %get3A_1081 = tpu.vector_load %arg15[%get3A_1079, %get3A_1080] {strides = array<i32>} : memref<32x128xf32, #tpu.memory_space<vmem>>, vector<1x16xf32>,
        %get3A_1082 = vector.shape_cast %get3A_1081 : vector<1x16xf32> to vector<16xf32>
        %add3A_1083 = arith.addf %add3A_1078, %get3A_1082 : vector<16xf32>
        %get3A_1084 = arith.index_cast %scan3A_648 : i32 to index
        %get3A_1085 = arith.constant 96 : index
        %get3A_1086 = tpu.vector_load %arg16[%get3A_1084, %get3A_1085] {strides = array<i32>} : memref<32x128xf32, #tpu.memory_space<vmem>>, vector<1x16xf32>,
        %get3A_1087 = vector.shape_cast %get3A_1086 : vector<1x16xf32> to vector<16xf32>
        %add3A_1088 = arith.addf %add3A_1083, %get3A_1087 : vector<16xf32>
        %get3A_1089 = arith.index_cast %scan3A_648 : i32 to index
        %get3A_1090 = arith.constant 96 : index
        %get3A_1091 = tpu.vector_load %arg17[%get3A_1089, %get3A_1090] {strides = array<i32>} : memref<32x128xf32, #tpu.memory_space<vmem>>, vector<1x16xf32>,
        %get3A_1092 = vector.shape_cast %get3A_1091 : vector<1x16xf32> to vector<16xf32>
        %add3A_1093 = arith.addf %add3A_1088, %get3A_1092 : vector<16xf32>
        %get3A_1094 = arith.index_cast %scan3A_648 : i32 to index
        %get3A_1095 = arith.constant 96 : index
        %get3A_1096 = tpu.vector_load %arg18[%get3A_1094, %get3A_1095] {strides = array<i32>} : memref<32x128xf32, #tpu.memory_space<vmem>>, vector<1x16xf32>,
        %get3A_1097 = vector.shape_cast %get3A_1096 : vector<1x16xf32> to vector<16xf32>
        %add3A_1098 = arith.addf %add3A_1093, %get3A_1097 : vector<16xf32>
        %get3A_1099 = arith.index_cast %scan3A_648 : i32 to index
        %get3A_1100 = arith.constant 96 : index
        %get3A_1101 = tpu.vector_load %arg19[%get3A_1099, %get3A_1100] {strides = array<i32>} : memref<32x128xf32, #tpu.memory_space<vmem>>, vector<1x16xf32>,
        %get3A_1102 = vector.shape_cast %get3A_1101 : vector<1x16xf32> to vector<16xf32>
        %add3A_1103 = arith.addf %add3A_1098, %get3A_1102 : vector<16xf32>
        %get3A_1104 = arith.index_cast %scan3A_648 : i32 to index
        %get3A_1105 = arith.constant 96 : index
        %get3A_1106 = tpu.vector_load %arg20[%get3A_1104, %get3A_1105] {strides = array<i32>} : memref<32x128xf32, #tpu.memory_space<vmem>>, vector<1x16xf32>,
        %get3A_1107 = vector.shape_cast %get3A_1106 : vector<1x16xf32> to vector<16xf32>
        %add3A_1108 = arith.addf %add3A_1103, %get3A_1107 : vector<16xf32>
        %mul3A_1109 = arith.constant 0.0833333358 : f32
        %mul3A_1110 = vector.broadcast %mul3A_1109 : f32 to vector<16xf32>
        %mul3A_1111 = arith.mulf %add3A_1108, %mul3A_1110 : vector<16xf32>
        %swap3A_1112 = arith.index_cast %scan3A_648 : i32 to index
        %swap3A_1113 = arith.constant 96 : index
        %swap3A_1114 = tpu.vector_load %arg33[%swap3A_1112, %swap3A_1113] {strides = array<i32>} : memref<32x128xf32, #tpu.memory_space<vmem>>, vector<1x16xf32>,
        %swap3A_1115 = vector.shape_cast %swap3A_1114 : vector<1x16xf32> to vector<16xf32>
        %swap3A_1116 = vector.shape_cast %mul3A_1111 : vector<16xf32> to vector<1x16xf32>
        tpu.vector_store %arg33[%swap3A_1112, %swap3A_1113], %swap3A_1116 {strides = array<i32>} : memref<32x128xf32, #tpu.memory_space<vmem>>, vector<1x16xf32>,
        %get3A_1117 = arith.index_cast %scan3A_648 : i32 to index
        %get3A_1118 = arith.constant 112 : index
        %get3A_1119 = tpu.vector_load %arg9[%get3A_1117, %get3A_1118] {strides = array<i32>} : memref<32x128xf32, #tpu.memory_space<vmem>>, vector<1x16xf32>,
        %get3A_1120 = vector.shape_cast %get3A_1119 : vector<1x16xf32> to vector<16xf32>
        %get3A_1121 = arith.index_cast %scan3A_648 : i32 to index
        %get3A_1122 = arith.constant 112 : index
        %get3A_1123 = tpu.vector_load %arg10[%get3A_1121, %get3A_1122] {strides = array<i32>} : memref<32x128xf32, #tpu.memory_space<vmem>>, vector<1x16xf32>,
        %get3A_1124 = vector.shape_cast %get3A_1123 : vector<1x16xf32> to vector<16xf32>
        %add3A_1125 = arith.addf %get3A_1120, %get3A_1124 : vector<16xf32>
        %get3A_1126 = arith.index_cast %scan3A_648 : i32 to index
        %get3A_1127 = arith.constant 112 : index
        %get3A_1128 = tpu.vector_load %arg11[%get3A_1126, %get3A_1127] {strides = array<i32>} : memref<32x128xf32, #tpu.memory_space<vmem>>, vector<1x16xf32>,
        %get3A_1129 = vector.shape_cast %get3A_1128 : vector<1x16xf32> to vector<16xf32>
        %add3A_1130 = arith.addf %add3A_1125, %get3A_1129 : vector<16xf32>
        %get3A_1131 = arith.index_cast %scan3A_648 : i32 to index
        %get3A_1132 = arith.constant 112 : index
        %get3A_1133 = tpu.vector_load %arg12[%get3A_1131, %get3A_1132] {strides = array<i32>} : memref<32x128xf32, #tpu.memory_space<vmem>>, vector<1x16xf32>,
        %get3A_1134 = vector.shape_cast %get3A_1133 : vector<1x16xf32> to vector<16xf32>
        %add3A_1135 = arith.addf %add3A_1130, %get3A_1134 : vector<16xf32>
        %get3A_1136 = arith.index_cast %scan3A_648 : i32 to index
        %get3A_1137 = arith.constant 112 : index
        %get3A_1138 = tpu.vector_load %arg13[%get3A_1136, %get3A_1137] {strides = array<i32>} : memref<32x128xf32, #tpu.memory_space<vmem>>, vector<1x16xf32>,
        %get3A_1139 = vector.shape_cast %get3A_1138 : vector<1x16xf32> to vector<16xf32>
        %add3A_1140 = arith.addf %add3A_1135, %get3A_1139 : vector<16xf32>
        %get3A_1141 = arith.index_cast %scan3A_648 : i32 to index
        %get3A_1142 = arith.constant 112 : index
        %get3A_1143 = tpu.vector_load %arg14[%get3A_1141, %get3A_1142] {strides = array<i32>} : memref<32x128xf32, #tpu.memory_space<vmem>>, vector<1x16xf32>,
        %get3A_1144 = vector.shape_cast %get3A_1143 : vector<1x16xf32> to vector<16xf32>
        %add3A_1145 = arith.addf %add3A_1140, %get3A_1144 : vector<16xf32>
        %get3A_1146 = arith.index_cast %scan3A_648 : i32 to index
        %get3A_1147 = arith.constant 112 : index
        %get3A_1148 = tpu.vector_load %arg15[%get3A_1146, %get3A_1147] {strides = array<i32>} : memref<32x128xf32, #tpu.memory_space<vmem>>, vector<1x16xf32>,
        %get3A_1149 = vector.shape_cast %get3A_1148 : vector<1x16xf32> to vector<16xf32>
        %add3A_1150 = arith.addf %add3A_1145, %get3A_1149 : vector<16xf32>
        %get3A_1151 = arith.index_cast %scan3A_648 : i32 to index
        %get3A_1152 = arith.constant 112 : index
        %get3A_1153 = tpu.vector_load %arg16[%get3A_1151, %get3A_1152] {strides = array<i32>} : memref<32x128xf32, #tpu.memory_space<vmem>>, vector<1x16xf32>,
        %get3A_1154 = vector.shape_cast %get3A_1153 : vector<1x16xf32> to vector<16xf32>
        %add3A_1155 = arith.addf %add3A_1150, %get3A_1154 : vector<16xf32>
        %get3A_1156 = arith.index_cast %scan3A_648 : i32 to index
        %get3A_1157 = arith.constant 112 : index
        %get3A_1158 = tpu.vector_load %arg17[%get3A_1156, %get3A_1157] {strides = array<i32>} : memref<32x128xf32, #tpu.memory_space<vmem>>, vector<1x16xf32>,
        %get3A_1159 = vector.shape_cast %get3A_1158 : vector<1x16xf32> to vector<16xf32>
        %add3A_1160 = arith.addf %add3A_1155, %get3A_1159 : vector<16xf32>
        %get3A_1161 = arith.index_cast %scan3A_648 : i32 to index
        %get3A_1162 = arith.constant 112 : index
        %get3A_1163 = tpu.vector_load %arg18[%get3A_1161, %get3A_1162] {strides = array<i32>} : memref<32x128xf32, #tpu.memory_space<vmem>>, vector<1x16xf32>,
        %get3A_1164 = vector.shape_cast %get3A_1163 : vector<1x16xf32> to vector<16xf32>
        %add3A_1165 = arith.addf %add3A_1160, %get3A_1164 : vector<16xf32>
        %get3A_1166 = arith.index_cast %scan3A_648 : i32 to index
        %get3A_1167 = arith.constant 112 : index
        %get3A_1168 = tpu.vector_load %arg19[%get3A_1166, %get3A_1167] {strides = array<i32>} : memref<32x128xf32, #tpu.memory_space<vmem>>, vector<1x16xf32>,
        %get3A_1169 = vector.shape_cast %get3A_1168 : vector<1x16xf32> to vector<16xf32>
        %add3A_1170 = arith.addf %add3A_1165, %get3A_1169 : vector<16xf32>
        %get3A_1171 = arith.index_cast %scan3A_648 : i32 to index
        %get3A_1172 = arith.constant 112 : index
        %get3A_1173 = tpu.vector_load %arg20[%get3A_1171, %get3A_1172] {strides = array<i32>} : memref<32x128xf32, #tpu.memory_space<vmem>>, vector<1x16xf32>,
        %get3A_1174 = vector.shape_cast %get3A_1173 : vector<1x16xf32> to vector<16xf32>
        %add3A_1175 = arith.addf %add3A_1170, %get3A_1174 : vector<16xf32>
        %mul3A_1176 = arith.constant 0.0833333358 : f32
        %mul3A_1177 = vector.broadcast %mul3A_1176 : f32 to vector<16xf32>
        %mul3A_1178 = arith.mulf %add3A_1175, %mul3A_1177 : vector<16xf32>
        %swap3A_1179 = arith.index_cast %scan3A_648 : i32 to index
        %swap3A_1180 = arith.constant 112 : index
        %swap3A_1181 = tpu.vector_load %arg33[%swap3A_1179, %swap3A_1180] {strides = array<i32>} : memref<32x128xf32, #tpu.memory_space<vmem>>, vector<1x16xf32>,
        %swap3A_1182 = vector.shape_cast %swap3A_1181 : vector<1x16xf32> to vector<16xf32>
        %swap3A_1183 = vector.shape_cast %mul3A_1178 : vector<16xf32> to vector<1x16xf32>
        tpu.vector_store %arg33[%swap3A_1179, %swap3A_1180], %swap3A_1183 {strides = array<i32>} : memref<32x128xf32, #tpu.memory_space<vmem>>, vector<1x16xf32>,
        %scan3A_1184 = arith.constant 0 : i32
        scf.yield %scan3A_1184 : i32
      }
      %scan3A_642 = arith.constant 32 : i32
      %dma_start3A_643 = arith.constant 0 : i32
      %dma_start3A_644 = tpu.memref_slice %arg6[%add3A_635, %dma_start3A_643] : memref<20480x128xf32, #tpu.memory_space<hbm>> -> memref<32x128xf32, #tpu.memory_space<hbm>>
      %dma_start3A_645 = arith.constant 0 : i32
      %dma_start3A_646 = tpu.memref_slice %arg6[%add3A_635, %dma_start3A_645] : memref<20480x128xf32, #tpu.memory_space<hbm>> -> memref<32x128xf32, #tpu.memory_space<hbm>>
      tpu.enqueue_dma source(%arg33 : memref<32x128xf32, #tpu.memory_space<vmem>>) target(%dma_start3A_646 : memref<32x128xf32, #tpu.memory_space<hbm>>) target_semaphore(%arg37 : memref<!tpu.dma_semaphore, #tpu.memory_space<semaphore_mem>>)
      %scan3A_647 = arith.constant 0 : i32
      scf.yield %scan3A_647 : i32
    }
    %scan3A_320 = arith.constant 10 : i32
    %dma_wait3A_321 = arith.constant 0 : i32
    %dma_wait3A_322 = arith.constant 0 : i32
    %dma_wait3A_323 = tpu.memref_slice %arg4[%dma_wait3A_321, %dma_wait3A_322] : memref<100000x128xf32, #tpu.memory_space<hbm>> -> memref<32x128xf32, #tpu.memory_space<hbm>>
    %dma_wait3A_324 = arith.constant 0 : i32
    %dma_wait3A_325 = arith.constant 0 : i32
    %dma_wait3A_326 = tpu.memref_slice %arg4[%dma_wait3A_324, %dma_wait3A_325] : memref<100000x128xf32, #tpu.memory_space<hbm>> -> memref<32x128xf32, #tpu.memory_space<hbm>>
    tpu.wait_dma2 semaphore(%arg37 : memref<!tpu.dma_semaphore, #tpu.memory_space<semaphore_mem>>) src(%dma_wait3A_326 : memref<32x128xf32, #tpu.memory_space<hbm>>) dst(%arg33 : memref<32x128xf32, #tpu.memory_space<vmem>>)
    %dma_wait3A_327 = arith.constant 0 : i32
    %dma_wait3A_328 = arith.constant 0 : i32
    %dma_wait3A_329 = tpu.memref_slice %arg4[%dma_wait3A_327, %dma_wait3A_328] : memref<100000x128xf32, #tpu.memory_space<hbm>> -> memref<32x128xf32, #tpu.memory_space<hbm>>
    %dma_wait3A_330 = arith.constant 0 : i32
    %dma_wait3A_331 = arith.constant 0 : i32
    %dma_wait3A_332 = tpu.memref_slice %arg4[%dma_wait3A_330, %dma_wait3A_331] : memref<100000x128xf32, #tpu.memory_space<hbm>> -> memref<32x128xf32, #tpu.memory_space<hbm>>
    tpu.wait_dma2 semaphore(%arg38 : memref<!tpu.dma_semaphore, #tpu.memory_space<semaphore_mem>>) src(%dma_wait3A_332 : memref<32x128xf32, #tpu.memory_space<hbm>>) dst(%arg34 : memref<32x128xf32, #tpu.memory_space<vmem>>)
    return
  }
}

</mosaic_0001>

<sc_bundles>
// kernel: kernel.3.cloned.1.call-start
scs
__scs_entry_jumppad:
0x0: {  	(pc) =	sbr.rel $0x88, $3  }
0x1: {  	(tag) =	ssettag $0x0;
	lr =	simm.s32 $0x1  }
0x2: {  	[smem:$0x3F9D] =	sst lr;
	_ =	strace $0xD0000000  }
0x3: {  	_ = 	snop  }
0x4: {  	_ = 	snop  }
0x5: {  	_ = 	snop  }
0x6: {  	_ = 	snop  }
0x7: {  	_ = 	snop  }
__scs_overlays_trampoline_lowered:
0x8: {  	[smem:$0x3FAC] =	sst s0  }
0x9: {  	[smem:$0x3FAD] =	sst s1  }
0xa: {  	[smem:$0x3FAE] =	sst s2  }
0xb: {  	[smem:$0x3FAF] =	sst s3  }
0xc: {  	[smem:$0x3FB0] =	sst s4  }
0xd: {  	[smem:$0x3FB1] =	sst s5  }
0xe: {  	[smem:$0x3FB2] =	sst s6  }
0xf: {  	[smem:$0x3FB3] =	sst s7  }
0x10: {  	[smem:$0x3FB4] =	sst s8  }
0x11: {  	[smem:$0x3FB5] =	sst s9;
	s0 =	simm.s32 @!p0 $0x0  }
0x12: {  	s1 =	sld [smem:$0x3F9B];
	s0 =	simm.s32 @p0 $0x1  }
0x13: {  	[smem:$0x3FB6] =	sst s0;
	s0 =	simm.s32 @!p1 $0x0  }
0x14: {  	s2 =	sld [smem:$0x3F9A];
	s0 =	simm.s32 @p1 $0x1  }
0x15: {  	[smem:$0x3FB7] =	sst s0;
	s0 =	simm.s32 @!p2 $0x0  }
0x16: {  	s3 =	sld [smem:$0x3FDB];
	s0 =	simm.s32 @p2 $0x1  }
0x17: {  	s4 =	simm.s32 $0x1BF5;
	[smem:$0x3FB9] =	sst s0  }
0x18: {  	s0 =	sld [smem:$0x3F9C];
	_ =	swait.ge [sflag:s4], $0x0  }
0x19: {  	s7 =	sld [smem:$0x3F9D]  }
0x1a: {  	s8 =	sadd.s32 $0xFFFFE003, lr  }
0x1b: {  	s9 =	sadd.s32 $0xFFFFFEF7, lr;
	s5 =	simm.s32 $0xFFFFFFFF;
	p2 =	slt.u32 s8, $0xFFFFF086  }
0x1c: {  	p1 =	slt.u32 s9, $0xF7A;
	s5 =	simm.s32 @!p2 $0x0  }
0x1d: {  	s5 =	simm.s32 @p1 $0x1;
	p0 =	seq.s32 s7, s2  }
0x1e: {  	s7 =	smul.u32 @!p0 $0xF7A, s2;
	p2 =	seq.s32 @!p0 s5, $0x0  }
0x1f: {  	s9 =	smul.u32 $0xF7A, s1;
	s8 =	simm.s32 @!p0 $0x1BF5;
	p2 =	por !p2, p0  }
0x20: {  	[sflag:s8] =	ssyncset.s32 @!p0 $0xFFFFF086;
	s6 =	sadd.s32 @!p0 s3, s7;
	s7 =	simm.s32 @!p0 $0x108  }
0x21: {  	s3 =	sadd.s32 s3, s9;
	s6 =	sadd.s32 @!p0 $0x88, s6;
	s7 =	simm.s32 @p2 $0x1082  }
0x22: {  	[simem:s7], [sflag:s8] =	dma.local @!p0 [hbm:s6], $0xF7A  }
0x23: {  	s9 =	sor.u32 $0xD0000000, s2;
	s6 =	simm.s32 $0x108;
	_ =	swait.ge @!p0 [sflag:s8], $0x0  }
0x24: {  	s3 =	sadd.s32 $0x88, s3;
	s6 =	simm.s32 @!p1 $0x1082;
	[sflag:s4] =	ssyncset.s32 $0xFFFFF086  }
0x25: {  	[simem:s6], [sflag:s4] =	dma.local [hbm:s3], $0xF7A  }
0x26: {  	[smem:$0x3F9D] =	sst s1;
	(tag) =	ssettag s2;
	_ =	strace s9  }
0x27: {  	s1 =	sld [smem:$0x3FAD]  }
0x28: {  	s2 =	sld [smem:$0x3FAE]  }
0x29: {  	s4 =	sld [smem:$0x3FB0]  }
0x2a: {  	p0 =	seq.s32 s5, $0x0;
	s5 =	sld [smem:$0x3FB1]  }
0x2b: {  	s6 =	sld [smem:$0x3FB2]  }
0x2c: {  	s7 =	sld [smem:$0x3FB3]  }
0x2d: {  	s3 =	simm.s32 $0x108;
	s8 =	sld [smem:$0x3FB4]  }
0x2e: {  	s3 =	simm.s32 @!p0 $0x1082;
	s9 =	sld [smem:$0x3FB5]  }
0x2f: {  	lr =	sadd.s32 s0, s3;
	s0 =	sld [smem:$0x3FAC]  }
0x30: {  	s3 =	sld [smem:$0x3FAF]  }
0x31: {  	[smem:$0x3FB8] =	sst s10  }
0x32: {  	s10 =	sld [smem:$0x3FB6];
	_ =	sdelay $0x3  }
0x33: {  	p0 =	seq.s32 s10, $0x1;
	s10 =	sld [smem:$0x3FB8];
	_ =	sdelay $0x3  }
0x34: {  	[smem:$0x3FB8] =	sst s10  }
0x35: {  	s10 =	sld [smem:$0x3FB7];
	_ =	sdelay $0x3  }
0x36: {  	p1 =	seq.s32 s10, $0x1;
	s10 =	sld [smem:$0x3FB8];
	_ =	sdelay $0x3  }
0x37: {  	[smem:$0x3FB8] =	sst s10  }
0x38: {  	s10 =	sld [smem:$0x3FB9]  }
0x39: {  	_ = 	snop;
	(pc) =	sbr.ind lr, $3  }
0x3a: {  	_ = 	snop  }
0x3b: {  	_ = 	snop  }
0x3c: {  	p2 =	seq.s32 s10, $0x1;
	s10 =	sld [smem:$0x3FB8]  }
0x3d: {  	_ =	shalt  }
0x3e: {  	_ =	shalt  }
0x3f: {  	_ =	shalt  }
0x40: {  	_ =	shalt  }
0x41: {  	_ =	shalt  }
0x42: {  	_ =	shalt  }
0x43: {  	_ =	shalt  }
0x44: {  	_ =	shalt  }
0x45: {  	_ =	shalt  }
0x46: {  	_ =	shalt  }
0x47: {  	_ =	shalt  }
0x48: {  	_ =	shalt  }
0x49: {  	_ =	shalt  }
0x4a: {  	_ =	shalt  }
0x4b: {  	_ =	shalt  }
0x4c: {  	_ =	shalt  }
0x4d: {  	_ =	shalt  }
0x4e: {  	_ =	shalt  }
0x4f: {  	_ =	shalt  }
0x50: {  	_ =	shalt  }
0x51: {  	_ =	shalt  }
0x52: {  	_ =	shalt  }
0x53: {  	_ =	shalt  }
0x54: {  	_ =	shalt  }
0x55: {  	_ =	shalt  }
0x56: {  	_ =	shalt  }
0x57: {  	_ =	shalt  }
0x58: {  	_ =	shalt  }
0x59: {  	_ =	shalt  }
0x5a: {  	_ =	shalt  }
0x5b: {  	_ =	shalt  }
0x5c: {  	_ =	shalt  }
0x5d: {  	_ =	shalt  }
0x5e: {  	_ =	shalt  }
0x5f: {  	_ =	shalt  }
0x60: {  	_ =	shalt  }
0x61: {  	_ =	shalt  }
0x62: {  	_ =	shalt  }
0x63: {  	_ =	shalt  }
0x64: {  	_ =	shalt  }
0x65: {  	_ =	shalt  }
0x66: {  	_ =	shalt  }
0x67: {  	_ =	shalt  }
0x68: {  	_ =	shalt  }
0x69: {  	_ =	shalt  }
0x6a: {  	_ =	shalt  }
0x6b: {  	_ =	shalt  }
0x6c: {  	_ =	shalt  }
0x6d: {  	_ =	shalt  }
0x6e: {  	_ =	shalt  }
0x6f: {  	_ =	shalt  }
0x70: {  	_ =	shalt  }
0x71: {  	_ =	shalt  }
0x72: {  	_ =	shalt  }
0x73: {  	_ =	shalt  }
0x74: {  	_ =	shalt  }
0x75: {  	_ =	shalt  }
0x76: {  	_ =	shalt  }
0x77: {  	_ =	shalt  }
0x78: {  	_ =	shalt  }
0x79: {  	_ =	shalt  }
0x7a: {  	_ =	shalt  }
0x7b: {  	_ =	shalt  }
0x7c: {  	_ =	shalt  }
0x7d: {  	_ =	shalt  }
0x7e: {  	_ =	shalt  }
0x7f: {  	_ =	shalt  }
0x80: {  	_ =	shalt  }
0x81: {  	_ =	shalt  }
0x82: {  	_ =	shalt  }
0x83: {  	_ =	shalt  }
0x84: {  	_ =	shalt  }
0x85: {  	_ =	shalt  }
0x86: {  	_ =	shalt  }
0x87: {  	_ =	shalt  }
.Lfunc_end0:
.L_simem_size_0:
called_computation_lowered:
.L_overlay_start_0:
0x88: {  	s2 =	sld [smem:$0x3FD9]  }
0x89: {  	s3 =	sld [smem:$0x3FFE];
	_ =	sdelay $0x1  }
0x8a: {  	s1 =	srdreg.scid  }
0x8b: {  	s0 =	sand.u32 $0x1, s1  }
0x8c: {  	s14 =	sshll.u32 s0, $0xA;
	s2 =	sadd.s32 s3, s2  }
0x8d: {  	s2 =	sadd.s32 s2, s14  }
0x8e: {  	[smem:$0x3FC4] =	sst s2  }
0x8f: {  	_ = 	snop  }
0x90: {  	s2 =	sld [smem:$0x3FD0];
	_ =	sdelay $0x2  }
0x91: {  	s4 =	simm.s32 $0xA;
	s5 =	simm.s32 $0x10;
	s15 =	sld [smem:$0x3FC6]  }
0x92: {  	[smem:s5], [sflag:s4] =	dma.local [hbm:s2], $0x1  }
0x93: {  	_ =	swait.eq [sflag:s4], $0x1  }
0x94: {  	[sflag:s4] =	ssyncset.done $0x0  }
0x95: {  	s16 =	sld [smem:$0x10];
	[sflag:s4] =	ssyncadd.s32 $0xFFFFFFFF  }
0x96: {  	s17 =	sld [smem:$0x11];
	(tm) =	ssettm $0x1  }
0x97: {  	s18 =	sld [smem:$0x3FFB];
	_ =	sdelay $0x3  }
0x98: {  	_ =	strace s18  }
0x99: {  	s5 =	sld [smem:$0x3FFC];
	_ =	sdelay $0x3  }
0x9a: {  	_ =	strace s5  }
0x9b: {  	s5 =	sld [smem:$0x3FFD];
	_ =	sdelay $0x3  }
0x9c: {  	_ =	strace s5  }
0x9d: {  	_ =	strace $0x8FFFFFFF  }
0x9e: {  	s19 =	sld [smem:$0x3FDB];
	_ =	sdelay $0x1  }
0x9f: {  	s6 =	simm.s32 $_scs_section_size  }
0xa0: {  	s7 =	simm.s32 $_size__tile_overlayer_lowered;
	s8 =	simm.s32 $_tile_overlayer_lowered  }
0xa1: {  	s22 =	simm.s32 $0x1BFF;
	s21 =	sshll.u32 s8, $0x1;
	s5 =	sadd.s32 s6, s19  }
0xa2: {  	s9 =	simm.s32 $0x0;
	s20 =	sshll.u32 s7, $0x1;
	s7 =	sadd.s32 s21, s5  }
0xa3: {  	[timem:s9], [sflag:s22] =	dma.local [hbm:s7], s20  }
0xa4: {  	_ =	swait.ge [sflag:s22], s20  }
0xa5: {  	s6 =	ssub.s32 $0x0, s20;
	[sflag:s22] =	ssyncset.done $0x0  }
0xa6: {  	[sflag:s22] =	ssyncadd.s32 s6;
	_ =	sdelay $0x1  }
0xa7: {  	s23 =	simm.s32 $0x1B8B  }
0xa8: {  	_ =	swait.ge [sflag:s23], $0x1  }
0xa9: {  	[sflag:s23] =	ssyncset.done $0x0  }
0xaa: {  	s25 =	simm.s32 $0x1B8E;
	s24 =	sld [smem:$0x3FFE];
	[sflag:s23] =	ssyncadd.s32 $0xFFFFFFFF  }
0xab: {  	s26 =	simm.s32 $execute0_lowered;
	[smem:$0x3FD2] =	sst s25  }
0xac: {  	s7 =	sshll.u32 s26, $0x1;
	_ =	strace $0x80000046;
	[dreg:$0x1] =	wrdreg $0xFFFFFFFF  }
0xad: {  	s28 =	simm.s32 $_size_execute0_lowered;
	s5 =	sadd.s32 s5, s7;
	[dreg:$0x0] =	wrdreg $0x0  }
0xae: {  	s7 =	sshll.u32 s28, $0x1;
	[dreg:$0x2] =	wrdreg s5  }
0xaf: {  	[dreg:$0x3] =	wrdreg s7  }
0xb0: {  	[dreg:$0x4] =	wrdreg $0xC0  }
0xb1: {  	_ =	task [dreg:s9], $0x5FFFF  }
0xb2: {  	[dreg:$0x1] =	wrdreg $0xFFFFFFFF  }
0xb3: {  	[dreg:$0x0] =	wrdreg $0x60  }
0xb4: {  	[dreg:$0x2] =	wrdreg s24  }
0xb5: {  	[dreg:$0x3] =	wrdreg s15  }
0xb6: {  	[dreg:$0x4] =	wrdreg s16  }
0xb7: {  	[dreg:$0x5] =	wrdreg s17  }
0xb8: {  	[dreg:$0x6] =	wrdreg $0x9  }
0xb9: {  	_ =	task.clear_ibuf [dreg:s9], $0x7FFFF;
	_ =	strace $0x90000046  }
0xba: {  	s29 =	simm.s32 $0x9;
	_ =	strace $0x80000048  }
0xbb: {  	_ =	swait.ge [sflag:s29], $0x1  }
0xbc: {  	[sflag:s29] =	ssyncadd.s32 $0xFFFFFFFF  }
0xbd: {  	_ =	strace $0x90000048  }
0xbe: {  	_ =	sfence  }
0xbf: {  	s30 =	sld [smem:$0x0];
	_ =	sdelay $0x2  }
0xc0: {  	s31 =	sshll.u32 s1, $0xD;
	s1 =	sshrl.u32 s1, $0x2  }
0xc1: {  	s3 =	sand.u32 $0x4000, s31;
	s1 =	sadd.s32 s1, s30  }
0xc2: {  	s0 =	sor.u32 s3, s0;
	s1 =	sshll.u32 s1, $0x11  }
0xc3: {  	s0 =	sor.u32 s1, s0  }
0xc4: {  	s0 =	sadd.s32 $0x8F2B, s0  }
0xc5: {  	[sflag:s0] =	ssyncadd.remote.s32 $0x1  }
0xc6: {  	_ =	sfence.sel $0xFFFF  }
0xc7: {  	[dreg:$0x0] =	wrdreg $0xFFFFFFFF;
	(pc) =	sbr.abs _section_cstart, $3  }
0xc8: {  	[dreg:$0x1] =	wrdreg $0xFFFFFFFF  }
0xc9: {  	_ =	task.clear_ibuf [dreg:s9], $0x2FFFF;
	_ =	strace $0x9FFFFFFF  }
0xca: {  	(tm) =	ssettm $0x7FFFFFFF  }
0xcb: {  	_ =	shalt  }
tec
execute0_lowered:
.L_overlay_start_1:
0x0: {  	(tag) =	ssettag $0x1  }
0x1: {  	s0 =	rddreg [dreg:$0x0]  }
0x2: {  	s2 =	rddreg [dreg:$0x1]  }
0x3: {  	s1 =	rddreg [dreg:$0x2];
	s3 =	srdreg.scid  }
0x4: {  	s4 =	rddreg [dreg:$0x3];
	s6 =	stileid.u32;
	s5 =	sand.u32 $0x1, s3  }
0x5: {  	s6 =	sshll.u32 s6, $0x6;
	s3 =	simm.s32 $0x0;
	s7 =	sshll.u32 s5, $0x5  }
0x6: {  	s5 =	ssub.s32 $0x2, s5;
	[smem:$0x7FF] =	sst s3;
	s6 =	sor.u32 s7, s6  }
0x7: {  	s8 =	sshrl.u32 s5, $0x1;
	s7 =	sshrl.u32 s6, $0x3;
	s6 =	sshll.u32 s6, $0x4  }
0x8: {  	_ =	strace $0x80000047;
	s5 =	ssub.s32 s5, s8;
	s1 =	sadd.s32 s1, s6  }
0x9: {  	s0 =	sadd.s32 s7, s0;
	s26 =	smax.u32 s5, $0x1;
	[dreg:$0x11] =	wrdreg s1  }
0xa: {  	s7 =	sadd.s32 $0x8200, s0;
	[dreg:$0x12] =	wrdreg s26  }
0xb: {  	s15 =	sadd.s32 $0x8280, s0;
	[dreg:$0x5] =	wrdreg s7  }
0xc: {  	s28 =	simm.s32 $0x8F80;
	s16 =	sadd.s32 $0x8300, s0;
	[dreg:$0x6] =	wrdreg s15  }
0xd: {  	s29 =	simm.s32 $0x9F80;
	s17 =	sadd.s32 $0x8380, s0;
	[dreg:$0x7] =	wrdreg s16  }
0xe: {  	s30 =	simm.s32 $0xAF80;
	s18 =	sadd.s32 $0x8400, s0;
	[dreg:$0x8] =	wrdreg s17  }
0xf: {  	s31 =	simm.s32 $0xBF80;
	s19 =	sadd.s32 $0x8480, s0;
	[dreg:$0x9] =	wrdreg s18  }
0x10: {  	s9 =	simm.s32 $0x3;
	s20 =	sadd.s32 $0x8500, s0;
	[dreg:$0xa] =	wrdreg s19  }
0x11: {  	s10 =	simm.s32 $0xE0;
	s21 =	sadd.s32 $0x8580, s0;
	[dreg:$0xb] =	wrdreg s20  }
0x12: {  	s11 =	simm.s32 $0x120;
	s22 =	sadd.s32 $0x8600, s0;
	[dreg:$0xc] =	wrdreg s21  }
0x13: {  	s8 =	simm.s32 $0x140;
	s23 =	sadd.s32 $0x8680, s0;
	[dreg:$0xd] =	wrdreg s22  }
0x14: {  	s5 =	simm.s32 $0x1;
	s24 =	sadd.s32 $0x8700, s0;
	[dreg:$0xe] =	wrdreg s23  }
0x15: {  	s25 =	sadd.s32 $0x8780, s0;
	s26 =	simm.s32 $0x7F80;
	[dreg:$0xf] =	wrdreg s24  }
0x16: {  	s1 =	simm.s32 $0x0;
	[dreg:$0x10] =	wrdreg s25;
	s17 =	sadd.s32 s4, s6  }
0x17: {  	s19 =	sadd.s32 $0xA00, s0;
	s20 =	simm.s32 $0x20;
	s22 =	simm.s32 $0x3F80  }
0x18: {  	s23 =	simm.s32 $0x4F80;
	s24 =	simm.s32 $0x5F80;
	s25 =	simm.s32 $0x6F80  }
0x19: {  	s4 =	simm.s32 $0xCF80;
	s6 =	simm.s32 $0x19F80;
	s7 =	simm.s32 $0x2  }
.LBB2_1:
0x1a: {  	[dreg:$0x13] =	wrdreg s1  }
0x1b: {  	s12 =	rddreg [dreg:$0x5]  }
0x1c: {  	[tilespmem:s3], [sflag:$0x5] =	stream.linear.gather [hbm4b:s12+s3], $0x20, $0x38;
	[tilespmem:$0x1BF80] =	vst v63  }
0x1d: {  	s13 =	rddreg [dreg:$0x6]  }
0x1e: {  	[tilespmem:s20], [sflag:$0x5] =	stream.linear.gather [hbm4b:s13+s3], $0x20, $0x38;
	[tilespmem:$0x1BF80] =	vst v63  }
0x1f: {  	s14 =	rddreg [dreg:$0x7];
	s13 =	simm.s32 $0x40  }
0x20: {  	[tilespmem:s13], [sflag:$0x5] =	stream.linear.gather [hbm4b:s14+s3], $0x20, $0x38;
	[tilespmem:$0x1BF80] =	vst v63  }
0x21: {  	s15 =	rddreg [dreg:$0x8];
	s14 =	simm.s32 $0x60  }
0x22: {  	[tilespmem:s14], [sflag:$0x5] =	stream.linear.gather [hbm4b:s15+s3], $0x20, $0x38;
	[tilespmem:$0x1BF80] =	vst v63  }
0x23: {  	s16 =	rddreg [dreg:$0x9];
	s15 =	simm.s32 $0x80  }
0x24: {  	[tilespmem:s15], [sflag:$0x5] =	stream.linear.gather [hbm4b:s16+s3], $0x20, $0x38;
	[tilespmem:$0x1BF80] =	vst v63  }
0x25: {  	s18 =	rddreg [dreg:$0xa];
	s16 =	simm.s32 $0xA0  }
0x26: {  	[tilespmem:s16], [sflag:$0x5] =	stream.linear.gather [hbm4b:s18+s3], $0x20, $0x38;
	[tilespmem:$0x1BF80] =	vst v63  }
0x27: {  	s21 =	rddreg [dreg:$0xb];
	s18 =	simm.s32 $0xC0  }
0x28: {  	[tilespmem:s18], [sflag:$0x5] =	stream.linear.gather [hbm4b:s21+s3], $0x20, $0x38;
	[tilespmem:$0x1BF80] =	vst v63  }
0x29: {  	s0 =	rddreg [dreg:$0xc]  }
0x2a: {  	[tilespmem:s10], [sflag:$0x5] =	stream.linear.gather [hbm4b:s0+s3], $0x20, $0x38;
	[tilespmem:$0x1BF80] =	vst v63  }
0x2b: {  	s1 =	rddreg [dreg:$0xd];
	s0 =	simm.s32 $0x100  }
0x2c: {  	[tilespmem:s0], [sflag:$0x5] =	stream.linear.gather [hbm4b:s1+s3], $0x20, $0x38;
	[tilespmem:$0x1BF80] =	vst v63  }
0x2d: {  	s1 =	rddreg [dreg:$0xe]  }
0x2e: {  	[tilespmem:s11], [sflag:$0x5] =	stream.linear.gather [hbm4b:s1+s3], $0x20, $0x38;
	[tilespmem:$0x1BF80] =	vst v63  }
0x2f: {  	s1 =	rddreg [dreg:$0xf]  }
0x30: {  	[tilespmem:s8], [sflag:$0x5] =	stream.linear.gather [hbm4b:s1+s3], $0x20, $0x38;
	[tilespmem:$0x1BF80] =	vst v63  }
0x31: {  	s12 =	rddreg [dreg:$0x10];
	s1 =	simm.s32 $0x160  }
0x32: {  	[tilespmem:s1], [sflag:$0x5] =	stream.linear.gather [hbm4b:s12+s3], $0x20, $0x38;
	[tilespmem:$0x1BF80] =	vst v63  }
0x33: {  	s12 =	simm.s32 $0x5  }
0x34: {  	_ =	swait.ge [sflag:s12], $0x180  }
0x35: {  	[sflag:s12] =	ssyncset.done $0x0  }
0x36: {  	s21 =	simm.s32 $0x1F80;
	[sflag:s12] =	ssyncadd.s32 $0xFFFFFE80  }
0x37: {  	[tilespmem:s21], [sflag:$0x1] =	stream.indirect.gather [hbm4b:s2+s20], $0x80, s3, s20, $0xb8;
	[tilespmem:$0x1BF80] =	vst v63  }
0x38: {  	s21 =	simm.s32 $0x2F80  }
0x39: {  	[tilespmem:s21], [sflag:$0x1] =	stream.indirect.gather [hbm4b:s2+s20], $0x80, s20, s20, $0xb8;
	[tilespmem:$0x1BF80] =	vst v63  }
0x3a: {  	_ = 	snop  }
0x3b: {  	[tilespmem:s22], [sflag:$0x1] =	stream.indirect.gather [hbm4b:s2+s20], $0x80, s13, s20, $0xb8;
	[tilespmem:$0x1BF80] =	vst v63  }
0x3c: {  	_ = 	snop  }
0x3d: {  	[tilespmem:s23], [sflag:$0x1] =	stream.indirect.gather [hbm4b:s2+s20], $0x80, s14, s20, $0xb8;
	[tilespmem:$0x1BF80] =	vst v63  }
0x3e: {  	_ = 	snop  }
0x3f: {  	[tilespmem:s24], [sflag:$0x1] =	stream.indirect.gather [hbm4b:s2+s20], $0x80, s15, s20, $0xb8;
	[tilespmem:$0x1BF80] =	vst v63  }
0x40: {  	_ = 	snop  }
0x41: {  	[tilespmem:s25], [sflag:$0x1] =	stream.indirect.gather [hbm4b:s2+s20], $0x80, s16, s20, $0xb8;
	[tilespmem:$0x1BF80] =	vst v63  }
0x42: {  	_ = 	snop  }
0x43: {  	[tilespmem:s26], [sflag:$0x1] =	stream.indirect.gather [hbm4b:s2+s20], $0x80, s18, s20, $0xb8;
	[tilespmem:$0x1BF80] =	vst v63  }
0x44: {  	_ = 	snop  }
0x45: {  	[tilespmem:s28], [sflag:$0x1] =	stream.indirect.gather [hbm4b:s2+s20], $0x80, s10, s20, $0xb8;
	[tilespmem:$0x1BF80] =	vst v63  }
0x46: {  	_ = 	snop  }
0x47: {  	[tilespmem:s29], [sflag:$0x1] =	stream.indirect.gather [hbm4b:s2+s20], $0x80, s0, s20, $0xb8;
	[tilespmem:$0x1BF80] =	vst v63  }
0x48: {  	_ = 	snop  }
0x49: {  	[tilespmem:s30], [sflag:$0x1] =	stream.indirect.gather [hbm4b:s2+s20], $0x80, s11, s20, $0xb8;
	[tilespmem:$0x1BF80] =	vst v63  }
0x4a: {  	_ = 	snop  }
0x4b: {  	[tilespmem:s31], [sflag:$0x1] =	stream.indirect.gather [hbm4b:s2+s20], $0x80, s8, s20, $0xb8;
	[tilespmem:$0x1BF80] =	vst v63  }
0x4c: {  	s12 =	simm.s32 $0x80;
	s13 =	simm.s32 $0x180;
	s14 =	sadd.s32 $0x0, s19  }
0x4d: {  	[tilespmem:s4], [sflag:$0x1] =	stream.indirect.gather [hbm4b:s2+s20], $0x80, s1, s20, $0xb8;
	[tilespmem:$0x1BF80] =	vst v63  }
.LBB2_2:
0x4e: {  	[tilespmem:s13], [sflag:$0x5] =	stream.linear.gather [hbm4b:s14+s3], $0x20, $0x38;
	[tilespmem:$0x1BF80] =	vst v63  }
0x4f: {  	s14 =	smov.u32 s12;
	p0 =	sne.s32 s12, $0x7780  }
.Ltmp0:
0x50: {  	s12 =	sadd.s32 $0x80, s12;
	(pc) =	sbr.rel @p0 .LBB2_2-.Ltmp0, $3  }
0x51: {  	_ =	sdelay $0x1  }
0x52: {  	s13 =	sshra.s32 s14, $0x2  }
0x53: {  	s14 =	sadd.s32 s14, s19;
	s13 =	sadd.s32 $0x180, s13  }
0x54: {  	[tilespmem:s13], [sflag:$0x5] =	stream.linear.gather [hbm4b:s14+s3], $0x20, $0x38;
	[tilespmem:$0x1BF80] =	vst v63  }
0x55: {  	s0 =	simm.s32 $0x5  }
0x56: {  	_ =	swait.ge [sflag:s0], $0x1E00  }
0x57: {  	[sflag:s0] =	ssyncset.done $0x0  }
0x58: {  	s13 =	simm.s32 $0x180;
	s1 =	simm.s32 $0xDF80;
	[sflag:s0] =	ssyncadd.s32 $0xFFFFE200  }
0x59: {  	[tilespmem:s1], [sflag:$0x2] =	stream.indirect.gather [hbm4b:s2+s20], $0x80, s13, s20, $0xb8;
	[tilespmem:$0x1BF80] =	vst v63  }
0x5a: {  	s14 =	simm.s32 $0x1A0;
	s15 =	simm.s32 $0xEF80  }
0x5b: {  	[tilespmem:s15], [sflag:$0x2] =	stream.indirect.gather [hbm4b:s2+s20], $0x80, s14, s20, $0xb8;
	[tilespmem:$0x1BF80] =	vst v63  }
0x5c: {  	s16 =	simm.s32 $0x1C0;
	s18 =	simm.s32 $0xFF80  }
0x5d: {  	[tilespmem:s18], [sflag:$0x2] =	stream.indirect.gather [hbm4b:s2+s20], $0x80, s16, s20, $0xb8;
	[tilespmem:$0x1BF80] =	vst v63  }
0x5e: {  	s12 =	simm.s32 $0x1E0;
	s13 =	simm.s32 $0x10F80  }
0x5f: {  	[tilespmem:s13], [sflag:$0x2] =	stream.indirect.gather [hbm4b:s2+s20], $0x80, s12, s20, $0xb8;
	[tilespmem:$0x1BF80] =	vst v63  }
0x60: {  	s14 =	simm.s32 $0x200;
	s15 =	simm.s32 $0x11F80  }
0x61: {  	[tilespmem:s15], [sflag:$0x2] =	stream.indirect.gather [hbm4b:s2+s20], $0x80, s14, s20, $0xb8;
	[tilespmem:$0x1BF80] =	vst v63  }
0x62: {  	s16 =	simm.s32 $0x220;
	s18 =	simm.s32 $0x12F80  }
0x63: {  	[tilespmem:s18], [sflag:$0x2] =	stream.indirect.gather [hbm4b:s2+s20], $0x80, s16, s20, $0xb8;
	[tilespmem:$0x1BF80] =	vst v63  }
0x64: {  	s12 =	simm.s32 $0x240;
	s13 =	simm.s32 $0x13F80  }
0x65: {  	[tilespmem:s13], [sflag:$0x2] =	stream.indirect.gather [hbm4b:s2+s20], $0x80, s12, s20, $0xb8;
	[tilespmem:$0x1BF80] =	vst v63  }
0x66: {  	s14 =	simm.s32 $0x260;
	s15 =	simm.s32 $0x14F80  }
0x67: {  	[tilespmem:s15], [sflag:$0x2] =	stream.indirect.gather [hbm4b:s2+s20], $0x80, s14, s20, $0xb8;
	[tilespmem:$0x1BF80] =	vst v63  }
0x68: {  	s16 =	simm.s32 $0x280;
	s18 =	simm.s32 $0x15F80  }
0x69: {  	[tilespmem:s18], [sflag:$0x2] =	stream.indirect.gather [hbm4b:s2+s20], $0x80, s16, s20, $0xb8;
	[tilespmem:$0x1BF80] =	vst v63  }
0x6a: {  	s12 =	simm.s32 $0x2A0;
	s13 =	simm.s32 $0x16F80  }
0x6b: {  	[tilespmem:s13], [sflag:$0x2] =	stream.indirect.gather [hbm4b:s2+s20], $0x80, s12, s20, $0xb8;
	[tilespmem:$0x1BF80] =	vst v63  }
0x6c: {  	s14 =	simm.s32 $0x2C0;
	s15 =	simm.s32 $0x17F80  }
0x6d: {  	[tilespmem:s15], [sflag:$0x2] =	stream.indirect.gather [hbm4b:s2+s20], $0x80, s14, s20, $0xb8;
	[tilespmem:$0x1BF80] =	vst v63  }
0x6e: {  	s16 =	simm.s32 $0x2E0;
	s18 =	simm.s32 $0x18F80  }
0x6f: {  	[tilespmem:s18], [sflag:$0x2] =	stream.indirect.gather [hbm4b:s2+s20], $0x80, s16, s20, $0xb8;
	[tilespmem:$0x1BF80] =	vst v63  }
0x70: {  	_ =	swait.ge [sflag:s5], $0x1000  }
0x71: {  	[sflag:s5] =	ssyncset.done $0x0  }
0x72: {  	[sflag:s5] =	ssyncadd.s32 $0xFFFFF000  }
0x73: {  	_ =	swait.ge [sflag:s5], $0x1000  }
0x74: {  	[sflag:s5] =	ssyncset.done $0x0  }
0x75: {  	[sflag:s5] =	ssyncadd.s32 $0xFFFFF000  }
0x76: {  	_ =	swait.ge [sflag:s5], $0x1000  }
0x77: {  	[sflag:s5] =	ssyncset.done $0x0  }
0x78: {  	[sflag:s5] =	ssyncadd.s32 $0xFFFFF000  }
0x79: {  	_ =	swait.ge [sflag:s5], $0x1000  }
0x7a: {  	[sflag:s5] =	ssyncset.done $0x0  }
0x7b: {  	[sflag:s5] =	ssyncadd.s32 $0xFFFFF000  }
0x7c: {  	_ =	swait.ge [sflag:s5], $0x1000  }
0x7d: {  	[sflag:s5] =	ssyncset.done $0x0  }
0x7e: {  	[sflag:s5] =	ssyncadd.s32 $0xFFFFF000  }
0x7f: {  	_ =	swait.ge [sflag:s5], $0x1000  }
0x80: {  	[sflag:s5] =	ssyncset.done $0x0  }
0x81: {  	[sflag:s5] =	ssyncadd.s32 $0xFFFFF000  }
0x82: {  	_ =	swait.ge [sflag:s5], $0x1000  }
0x83: {  	[sflag:s5] =	ssyncset.done $0x0  }
0x84: {  	[sflag:s5] =	ssyncadd.s32 $0xFFFFF000  }
0x85: {  	_ =	swait.ge [sflag:s5], $0x1000  }
0x86: {  	[sflag:s5] =	ssyncset.done $0x0  }
0x87: {  	[sflag:s5] =	ssyncadd.s32 $0xFFFFF000  }
0x88: {  	_ =	swait.ge [sflag:s5], $0x1000  }
0x89: {  	[sflag:s5] =	ssyncset.done $0x0  }
0x8a: {  	[sflag:s5] =	ssyncadd.s32 $0xFFFFF000  }
0x8b: {  	_ =	swait.ge [sflag:s5], $0x1000  }
0x8c: {  	[sflag:s5] =	ssyncset.done $0x0  }
0x8d: {  	[sflag:s5] =	ssyncadd.s32 $0xFFFFF000  }
0x8e: {  	_ =	swait.ge [sflag:s5], $0x1000  }
0x8f: {  	[sflag:s5] =	ssyncset.done $0x0  }
0x90: {  	[sflag:s5] =	ssyncadd.s32 $0xFFFFF000  }
0x91: {  	_ =	swait.ge [sflag:s5], $0x1000  }
0x92: {  	[sflag:s5] =	ssyncset.done $0x0  }
0x93: {  	s12 =	simm.s32 $0x0;
	[sflag:s5] =	ssyncadd.s32 $0xFFFFF000  }
0x94: {  	v0 =	vld [tilespmem:s12+$0x1FF0]  }
0x95: {  	v1 =	vld [tilespmem:s12+$0x2FF0]  }
0x96: {  	v2 =	vld [tilespmem:s12+$0x1F80]  }
0x97: {  	v3 =	vld [tilespmem:s12+$0x3FF0]  }
0x98: {  	v4 =	vld [tilespmem:s12+$0x2F80]  }
0x99: {  	v5 =	vld [tilespmem:s12+$0x4FF0]  }
0x9a: {  	v6 =	vld [tilespmem:s12+$0x1F90]  }
0x9b: {  	v7 =	vld [tilespmem:s12+$0x2F90]  }
0x9c: {  	v8 =	vld [tilespmem:s12+$0x1FA0]  }
0x9d: {  	v9 =	vld [tilespmem:s12+$0x2FA0]  }
0x9e: {  	v10 =	vld [tilespmem:s12+$0x1FB0]  }
0x9f: {  	v11 =	vld [tilespmem:s12+$0x2FB0]  }
0xa0: {  	v12 =	vld [tilespmem:s12+$0x1FC0]  }
0xa1: {  	v13 =	vld [tilespmem:s12+$0x2FC0]  }
0xa2: {  	v14 =	vld [tilespmem:s12+$0x1FD0]  }
0xa3: {  	v15 =	vld [tilespmem:s12+$0x1FE0]  }
0xa4: {  	v16 =	vld [tilespmem:s12+$0x3F80]  }
0xa5: {  	v17 =	vld [tilespmem:s12+$0x3FA0]  }
0xa6: {  	v18 =	vld [tilespmem:s12+$0x3FB0]  }
0xa7: {  	v19 =	vld [tilespmem:s12+$0x3FC0]  }
0xa8: {  	v20 =	vld [tilespmem:s12+$0x3FE0]  }
0xa9: {  	v21 =	vld [tilespmem:s12+$0x4F80]  }
0xaa: {  	v22 =	vld [tilespmem:s12+$0x4F90]  }
0xab: {  	v23 =	vld [tilespmem:s12+$0x4FA0]  }
0xac: {  	v24 =	vld [tilespmem:s12+$0x4FB0]  }
0xad: {  	v25 =	vld [tilespmem:s12+$0x4FC0]  }
0xae: {  	v26 =	vld [tilespmem:s12+$0x4FD0]  }
0xaf: {  	v27 =	vld [tilespmem:s12+$0x4FE0]  }
0xb0: {  	v28 =	vld [tilespmem:s12+$0x5F80]  }
0xb1: {  	v29 =	vld [tilespmem:s12+$0x5F90]  }
0xb2: {  	v30 =	vld [tilespmem:s12+$0x5FA0]  }
0xb3: {  	v31 =	vld [tilespmem:s12+$0x5FB0]  }
0xb4: {  	v32 =	vld [tilespmem:s12+$0x5FC0]  }
0xb5: {  	v33 =	vld [tilespmem:s12+$0x5FD0]  }
0xb6: {  	v34 =	vld [tilespmem:s12+$0x5FE0]  }
0xb7: {  	v35 =	vld [tilespmem:s12+$0x6F80]  }
0xb8: {  	v36 =	vld [tilespmem:s12+$0x6F90]  }
0xb9: {  	v37 =	vld [tilespmem:s12+$0x6FA0]  }
0xba: {  	v38 =	vld [tilespmem:s12+$0x6FB0]  }
0xbb: {  	v39 =	vld [tilespmem:s12+$0x6FC0]  }
0xbc: {  	v40 =	vld [tilespmem:s12+$0x6FD0]  }
0xbd: {  	v41 =	vld [tilespmem:s12+$0x6FE0]  }
0xbe: {  	v42 =	vld [tilespmem:s12+$0x7F80]  }
0xbf: {  	v43 =	vld [tilespmem:s12+$0x7F90]  }
0xc0: {  	v44 =	vld [tilespmem:s12+$0x7FA0]  }
0xc1: {  	v45 =	vld [tilespmem:s12+$0x7FB0]  }
0xc2: {  	v46 =	vld [tilespmem:s12+$0x7FC0]  }
0xc3: {  	v47 =	vld [tilespmem:s12+$0x7FD0]  }
0xc4: {  	v57 =	vld [tilespmem:s12+$0x8FA0]  }
0xc5: {  	v58 =	vld [tilespmem:s12+$0x8FC0];
	v0 =	vadd.f32 v1, v0  }
0xc6: {  	v1 =	vld [tilespmem:s12+$0x5FF0]  }
0xc7: {  	v59 =	vld [tilespmem:s12+$0x8FE0];
	v0 =	vadd.f32 v3, v0  }
0xc8: {  	v3 =	vld [tilespmem:s12+$0x6FF0]  }
0xc9: {  	v60 =	vld [tilespmem:s12+$0x9F80];
	v0 =	vadd.f32 v5, v0  }
0xca: {  	v5 =	vld [tilespmem:s12+$0x7FF0]  }
0xcb: {  	v61 =	vld [tilespmem:s12+$0x9F90];
	v0 =	vadd.f32 v1, v0  }
0xcc: {  	v1 =	vld [tilespmem:s12+$0x8FF0]  }
0xcd: {  	v62 =	vld [tilespmem:s12+$0x9FA0];
	v2 =	vadd.f32 v4, v2;
	v0 =	vadd.f32 v3, v0  }
0xce: {  	v6 =	vadd.f32 v7, v6;
	v7 =	vadd.f32 v9, v8;
	v3 =	vld [tilespmem:s12+$0x9FF0]  }
0xcf: {  	v63 =	vld [tilespmem:s12+$0x9FB0];
	v9 =	vadd.f32 v11, v10;
	v0 =	vadd.f32 v5, v0  }
0xd0: {  	v10 =	vadd.f32 v13, v12;
	v2 =	vadd.f32 v16, v2;
	v5 =	vld [tilespmem:s12+$0xAFF0]  }
0xd1: {  	v48 =	vld [tilespmem:s12+$0x9FC0];
	v7 =	vadd.f32 v17, v7;
	v0 =	vadd.f32 v1, v0  }
0xd2: {  	v9 =	vadd.f32 v18, v9;
	v10 =	vadd.f32 v19, v10;
	v1 =	vld [tilespmem:s12+$0xBFF0]  }
0xd3: {  	v49 =	vld [tilespmem:s12+$0x9FD0];
	v2 =	vadd.f32 v21, v2;
	v0 =	vadd.f32 v3, v0  }
0xd4: {  	v7 =	vadd.f32 v23, v7;
	v9 =	vadd.f32 v24, v9;
	v3 =	vld [tilespmem:s12+$0xCFF0]  }
0xd5: {  	v50 =	vld [tilespmem:s12+$0x9FE0];
	v2 =	vadd.f32 v28, v2;
	v0 =	vadd.f32 v5, v0  }
0xd6: {  	v8 =	vld [tilespmem:s12+$0x8F80];
	v10 =	vadd.f32 v25, v10;
	v7 =	vadd.f32 v30, v7  }
0xd7: {  	v51 =	vld [tilespmem:s12+$0xAF80];
	v2 =	vadd.f32 v35, v2;
	v0 =	vadd.f32 v1, v0  }
0xd8: {  	v52 =	vld [tilespmem:s12+$0xAF90];
	v9 =	vadd.f32 v31, v9;
	v7 =	vadd.f32 v37, v7  }
0xd9: {  	v2 =	vadd.f32 v42, v2;
	v5 =	vld [tilespmem:s12+$0x2FD0];
	v0 =	vadd.f32 v3, v0  }
0xda: {  	v10 =	vadd.f32 v32, v10;
	v7 =	vadd.f32 v44, v7;
	v1 =	vld [tilespmem:s12+$0x2FE0]  }
0xdb: {  	v9 =	vadd.f32 v38, v9;
	v2 =	vadd.f32 v8, v2;
	v3 =	vld [tilespmem:s12+$0x3F90];
	v0 =	vmul.f32 $8.333333580e-02, v0  }
0xdc: {  	v53 =	vld [tilespmem:s12+$0xAFA0];
	v10 =	vadd.f32 v39, v10;
	v7 =	vadd.f32 v57, v7  }
0xdd: {  	v9 =	vadd.f32 v45, v9;
	v2 =	vadd.f32 v60, v2;
	[tilespmem:s12+$0x19FF0] =	vst v0;
	v0 =	vld [tilespmem:s12+$0x3FD0]  }
0xde: {  	v10 =	vadd.f32 v46, v10;
	v8 =	vld [tilespmem:s12+$0xBF80];
	v7 =	vadd.f32 v62, v7  }
0xdf: {  	v54 =	vld [tilespmem:s12+$0xAFB0];
	v2 =	vadd.f32 v51, v2;
	v1 =	vadd.f32 v1, v15  }
0xe0: {  	v5 =	vadd.f32 v5, v14;
	v3 =	vadd.f32 v3, v6;
	v6 =	vld [tilespmem:s12+$0x8FB0]  }
0xe1: {  	v55 =	vld [tilespmem:s12+$0xAFC0];
	v7 =	vadd.f32 v53, v7;
	v1 =	vadd.f32 v20, v1  }
0xe2: {  	v56 =	vld [tilespmem:s12+$0xAFD0];
	v3 =	vadd.f32 v22, v3;
	v0 =	vadd.f32 v0, v5  }
0xe3: {  	v4 =	vld [tilespmem:s12+$0x7FE0];
	v2 =	vadd.f32 v8, v2;
	v1 =	vadd.f32 v27, v1  }
0xe4: {  	v11 =	vld [tilespmem:s12+$0x8F90];
	v3 =	vadd.f32 v29, v3;
	v0 =	vadd.f32 v26, v0  }
0xe5: {  	v57 =	vld [tilespmem:s12+$0xBFC0];
	v1 =	vadd.f32 v34, v1;
	v6 =	vadd.f32 v6, v9  }
0xe6: {  	v60 =	vld [tilespmem:s12+$0xCF80];
	v3 =	vadd.f32 v36, v3;
	v0 =	vadd.f32 v33, v0  }
0xe7: {  	v5 =	vld [tilespmem:s12+$0x8FD0];
	v9 =	vadd.f32 v58, v10;
	v1 =	vadd.f32 v41, v1  }
0xe8: {  	v62 =	vld [tilespmem:s12+$0xCFA0];
	v3 =	vadd.f32 v43, v3;
	v0 =	vadd.f32 v40, v0  }
0xe9: {  	v10 =	vld [tilespmem:s12+$0xBF90];
	v6 =	vadd.f32 v63, v6;
	v1 =	vadd.f32 v4, v1  }
0xea: {  	v4 =	vld [tilespmem:s12+$0xAFE0];
	v3 =	vadd.f32 v11, v3;
	v0 =	vadd.f32 v47, v0  }
0xeb: {  	v9 =	vadd.f32 v48, v9;
	v1 =	vadd.f32 v59, v1;
	v11 =	vld [tilespmem:s12+$0xBFB0]  }
0xec: {  	v3 =	vadd.f32 v61, v3;
	v0 =	vadd.f32 v5, v0;
	v5 =	vld [tilespmem:s12+$0xBFA0]  }
0xed: {  	v58 =	vld [tilespmem:s12+$0xBFD0];
	v6 =	vadd.f32 v54, v6;
	v1 =	vadd.f32 v50, v1  }
0xee: {  	v9 =	vadd.f32 v55, v9;
	v61 =	vld [tilespmem:s12+$0xCF90];
	v3 =	vadd.f32 v52, v3  }
0xef: {  	v59 =	vld [tilespmem:s12+$0xBFE0];
	v1 =	vadd.f32 v4, v1;
	v0 =	vadd.f32 v49, v0  }
0xf0: {  	v8 =	vld [tilespmem:s12+$0xCFB0];
	v6 =	vadd.f32 v11, v6;
	v10 =	vadd.f32 v10, v3  }
0xf1: {  	v0 =	vadd.f32 v56, v0;
	v63 =	vadd.f32 v5, v7;
	v7 =	vld [tilespmem:s12+$0xCFC0]  }
0xf2: {  	v11 =	vadd.f32 v60, v2;
	v3 =	vadd.f32 v57, v9;
	v5 =	vld [tilespmem:s12+$0xCFD0]  }
0xf3: {  	s14 =	simm.s32 $0x80;
	v4 =	vld [tilespmem:s12+$0xCFE0];
	v9 =	vadd.f32 v61, v10;
	v2 =	vadd.f32 v58, v0  }
0xf4: {  	s13 =	simm.s32 $0x400;
	v11 =	vmul.f32 $8.333333580e-02, v11;
	v0 =	vadd.f32 v59, v1;
	v1 =	vld [tilespmem:s14+$0x1FF0];
	v10 =	vadd.f32 v62, v63  }
.LBB2_4:
0xf5: {  	p0 =	sne.s32 s13, $0x3E00;
	v12 =	vld [tilespmem:s14+$0x2FF0];
	v9 =	vmul.f32 $8.333333580e-02, v9;
	v6 =	vadd.f32 v8, v6  }
0xf6: {  	v8 =	vld [tilespmem:s14+$0x1F80];
	[tilespmem:s12+$0x19F80] =	vst v11;
	v10 =	vmul.f32 $8.333333580e-02, v10;
	v3 =	vadd.f32 v7, v3  }
0xf7: {  	v7 =	vld [tilespmem:s14+$0x3FF0];
	[tilespmem:s12+$0x19F90] =	vst v9;
	v6 =	vmul.f32 $8.333333580e-02, v6;
	v2 =	vadd.f32 v5, v2  }
0xf8: {  	v5 =	vld [tilespmem:s14+$0x2F80];
	[tilespmem:s12+$0x19FA0] =	vst v10;
	v3 =	vmul.f32 $8.333333580e-02, v3;
	v0 =	vadd.f32 v4, v0  }
0xf9: {  	v4 =	vld [tilespmem:s14+$0x4FF0];
	[tilespmem:s12+$0x19FB0] =	vst v6;
	v2 =	vmul.f32 $8.333333580e-02, v2  }
0xfa: {  	v6 =	vld [tilespmem:s14+$0x1F90];
	v1 =	vadd.f32 v12, v1;
	[tilespmem:s12+$0x19FC0] =	vst v3;
	v0 =	vmul.f32 $8.333333580e-02, v0  }
0xfb: {  	v3 =	vld [tilespmem:s14+$0x5FF0];
	[tilespmem:s12+$0x19FD0] =	vst v2  }
0xfc: {  	v2 =	vld [tilespmem:s14+$0x2F90];
	v1 =	vadd.f32 v7, v1;
	[tilespmem:s12+$0x19FE0] =	vst v0;
	s12 =	smov.u32 s14  }
0xfd: {  	v0 =	vadd.f32 v5, v8;
	v5 =	vld [tilespmem:s12+$0x6FF0]  }
0xfe: {  	v7 =	vld [tilespmem:s12+$0x1FA0];
	v1 =	vadd.f32 v4, v1  }
0xff: {  	v4 =	vld [tilespmem:s12+$0x7FF0]  }
0x100: {  	v8 =	vld [tilespmem:s12+$0x2FA0];
	v1 =	vadd.f32 v3, v1  }
0x101: {  	v2 =	vadd.f32 v2, v6;
	v3 =	vld [tilespmem:s12+$0x8FF0]  }
0x102: {  	v6 =	vld [tilespmem:s12+$0x1FB0];
	v1 =	vadd.f32 v5, v1  }
0x103: {  	v5 =	vld [tilespmem:s12+$0x9FF0]  }
0x104: {  	v9 =	vld [tilespmem:s12+$0x2FB0];
	v1 =	vadd.f32 v4, v1  }
0x105: {  	v4 =	vadd.f32 v8, v7;
	v7 =	vld [tilespmem:s12+$0xAFF0]  }
0x106: {  	v8 =	vld [tilespmem:s12+$0x1FC0];
	v1 =	vadd.f32 v3, v1  }
0x107: {  	v3 =	vld [tilespmem:s12+$0xBFF0]  }
0x108: {  	v10 =	vld [tilespmem:s12+$0x2FC0];
	v1 =	vadd.f32 v5, v1  }
0x109: {  	v5 =	vadd.f32 v9, v6;
	v6 =	vld [tilespmem:s12+$0xCFF0]  }
0x10a: {  	v9 =	vld [tilespmem:s12+$0x1FD0];
	v1 =	vadd.f32 v7, v1  }
0x10b: {  	v7 =	vld [tilespmem:s12+$0x2FD0]  }
0x10c: {  	v11 =	vld [tilespmem:s12+$0x1FE0];
	v1 =	vadd.f32 v3, v1  }
0x10d: {  	v3 =	vadd.f32 v10, v8;
	v8 =	vld [tilespmem:s12+$0x2FE0]  }
0x10e: {  	v10 =	vld [tilespmem:s12+$0x3F80];
	v1 =	vadd.f32 v6, v1  }
0x10f: {  	v6 =	vld [tilespmem:s12+$0x3F90]  }
0x110: {  	v12 =	vld [tilespmem:s12+$0x3FA0];
	v7 =	vadd.f32 v7, v9;
	v1 =	vmul.f32 $8.333333580e-02, v1  }
0x111: {  	v9 =	vld [tilespmem:s12+$0x3FB0]  }
0x112: {  	v13 =	vld [tilespmem:s12+$0x3FC0];
	v8 =	vadd.f32 v8, v11;
	[tilespmem:s12+$0x19FF0] =	vst v1  }
0x113: {  	v0 =	vadd.f32 v10, v0;
	v1 =	vld [tilespmem:s12+$0x3FD0]  }
0x114: {  	v2 =	vadd.f32 v6, v2;
	v6 =	vld [tilespmem:s12+$0x3FE0]  }
0x115: {  	v10 =	vld [tilespmem:s12+$0x4F80];
	v4 =	vadd.f32 v12, v4  }
0x116: {  	v11 =	vld [tilespmem:s12+$0x4F90];
	v5 =	vadd.f32 v9, v5  }
0x117: {  	v9 =	vld [tilespmem:s12+$0x4FA0];
	v3 =	vadd.f32 v13, v3  }
0x118: {  	v12 =	vld [tilespmem:s12+$0x4FB0];
	v1 =	vadd.f32 v1, v7  }
0x119: {  	v7 =	vld [tilespmem:s12+$0x4FC0];
	v6 =	vadd.f32 v6, v8  }
0x11a: {  	v0 =	vadd.f32 v10, v0;
	v8 =	vld [tilespmem:s12+$0x4FD0]  }
0x11b: {  	v2 =	vadd.f32 v11, v2;
	v10 =	vld [tilespmem:s12+$0x4FE0]  }
0x11c: {  	v11 =	vld [tilespmem:s12+$0x5F80];
	v4 =	vadd.f32 v9, v4  }
0x11d: {  	v9 =	vld [tilespmem:s12+$0x5F90];
	v5 =	vadd.f32 v12, v5  }
0x11e: {  	v12 =	vld [tilespmem:s12+$0x5FA0];
	v3 =	vadd.f32 v7, v3  }
0x11f: {  	v7 =	vld [tilespmem:s12+$0x5FB0];
	v1 =	vadd.f32 v8, v1  }
0x120: {  	v8 =	vld [tilespmem:s12+$0x5FC0];
	v6 =	vadd.f32 v10, v6  }
0x121: {  	v0 =	vadd.f32 v11, v0;
	v10 =	vld [tilespmem:s12+$0x5FD0]  }
0x122: {  	v2 =	vadd.f32 v9, v2;
	v9 =	vld [tilespmem:s12+$0x5FE0]  }
0x123: {  	v11 =	vld [tilespmem:s12+$0x6F80];
	v4 =	vadd.f32 v12, v4  }
0x124: {  	v12 =	vld [tilespmem:s12+$0x6F90];
	v5 =	vadd.f32 v7, v5  }
0x125: {  	v7 =	vld [tilespmem:s12+$0x6FA0];
	v3 =	vadd.f32 v8, v3  }
0x126: {  	v8 =	vld [tilespmem:s12+$0x6FB0];
	v1 =	vadd.f32 v10, v1  }
0x127: {  	v10 =	vld [tilespmem:s12+$0x6FC0];
	v6 =	vadd.f32 v9, v6  }
0x128: {  	v0 =	vadd.f32 v11, v0;
	v9 =	vld [tilespmem:s12+$0x6FD0]  }
0x129: {  	v2 =	vadd.f32 v12, v2;
	v11 =	vld [tilespmem:s12+$0x6FE0]  }
0x12a: {  	v12 =	vld [tilespmem:s12+$0x7F80];
	v4 =	vadd.f32 v7, v4  }
0x12b: {  	v7 =	vld [tilespmem:s12+$0x7F90];
	v5 =	vadd.f32 v8, v5  }
0x12c: {  	v8 =	vld [tilespmem:s12+$0x7FA0];
	v3 =	vadd.f32 v10, v3  }
0x12d: {  	v10 =	vld [tilespmem:s12+$0x7FB0];
	v1 =	vadd.f32 v9, v1  }
0x12e: {  	v9 =	vld [tilespmem:s12+$0x7FC0];
	v6 =	vadd.f32 v11, v6  }
0x12f: {  	v0 =	vadd.f32 v12, v0;
	v11 =	vld [tilespmem:s12+$0x7FD0]  }
0x130: {  	v2 =	vadd.f32 v7, v2;
	v7 =	vld [tilespmem:s12+$0x7FE0]  }
0x131: {  	v12 =	vld [tilespmem:s12+$0x8F80];
	v4 =	vadd.f32 v8, v4  }
0x132: {  	v8 =	vld [tilespmem:s12+$0x8F90];
	v5 =	vadd.f32 v10, v5  }
0x133: {  	v10 =	vld [tilespmem:s12+$0x8FA0];
	v3 =	vadd.f32 v9, v3  }
0x134: {  	v9 =	vld [tilespmem:s12+$0x8FB0];
	v1 =	vadd.f32 v11, v1  }
0x135: {  	v11 =	vld [tilespmem:s12+$0x8FC0];
	v6 =	vadd.f32 v7, v6  }
0x136: {  	v0 =	vadd.f32 v12, v0;
	v7 =	vld [tilespmem:s12+$0x8FD0]  }
0x137: {  	v2 =	vadd.f32 v8, v2;
	v8 =	vld [tilespmem:s12+$0x8FE0]  }
0x138: {  	v12 =	vld [tilespmem:s12+$0x9F80];
	v4 =	vadd.f32 v10, v4  }
0x139: {  	v10 =	vld [tilespmem:s12+$0x9F90];
	v5 =	vadd.f32 v9, v5  }
0x13a: {  	v9 =	vld [tilespmem:s12+$0x9FA0];
	v3 =	vadd.f32 v11, v3  }
0x13b: {  	v11 =	vld [tilespmem:s12+$0x9FB0];
	v1 =	vadd.f32 v7, v1  }
0x13c: {  	v7 =	vld [tilespmem:s12+$0x9FC0];
	v6 =	vadd.f32 v8, v6  }
0x13d: {  	v0 =	vadd.f32 v12, v0;
	v8 =	vld [tilespmem:s12+$0x9FD0]  }
0x13e: {  	v2 =	vadd.f32 v10, v2;
	v10 =	vld [tilespmem:s12+$0x9FE0]  }
0x13f: {  	v12 =	vld [tilespmem:s12+$0xAF80];
	v4 =	vadd.f32 v9, v4  }
0x140: {  	v9 =	vld [tilespmem:s12+$0xAF90];
	v5 =	vadd.f32 v11, v5  }
0x141: {  	v11 =	vld [tilespmem:s12+$0xAFA0];
	v3 =	vadd.f32 v7, v3  }
0x142: {  	v7 =	vld [tilespmem:s12+$0xAFB0];
	v1 =	vadd.f32 v8, v1  }
0x143: {  	v8 =	vld [tilespmem:s12+$0xAFC0];
	v6 =	vadd.f32 v10, v6  }
0x144: {  	v0 =	vadd.f32 v12, v0;
	v10 =	vld [tilespmem:s12+$0xAFD0]  }
0x145: {  	v2 =	vadd.f32 v9, v2;
	v9 =	vld [tilespmem:s12+$0xAFE0]  }
0x146: {  	v12 =	vld [tilespmem:s12+$0xBF80];
	v4 =	vadd.f32 v11, v4  }
0x147: {  	v11 =	vld [tilespmem:s12+$0xBF90];
	v5 =	vadd.f32 v7, v5  }
0x148: {  	v7 =	vld [tilespmem:s12+$0xBFA0];
	v3 =	vadd.f32 v8, v3  }
0x149: {  	v8 =	vld [tilespmem:s12+$0xBFB0];
	v1 =	vadd.f32 v10, v1  }
0x14a: {  	v10 =	vld [tilespmem:s12+$0xBFC0];
	v9 =	vadd.f32 v9, v6  }
0x14b: {  	v12 =	vadd.f32 v12, v0;
	v0 =	vld [tilespmem:s12+$0xBFD0]  }
0x14c: {  	v11 =	vadd.f32 v11, v2;
	v13 =	vld [tilespmem:s12+$0xBFE0]  }
0x14d: {  	v14 =	vld [tilespmem:s12+$0xCF80];
	v15 =	vadd.f32 v7, v4  }
0x14e: {  	v4 =	vld [tilespmem:s12+$0xCF90];
	v6 =	vadd.f32 v8, v5  }
0x14f: {  	v16 =	vld [tilespmem:s12+$0xCFA0];
	v3 =	vadd.f32 v10, v3  }
.Ltmp1:
0x150: {  	v8 =	vld [tilespmem:s12+$0xCFB0];
	v2 =	vadd.f32 v0, v1;
	(pc) =	sbr.rel @p0 .LBB2_4-.Ltmp1, $4  }
0x151: {  	v7 =	vld [tilespmem:s12+$0xCFC0];
	v0 =	vadd.f32 v13, v9  }
0x152: {  	v10 =	vadd.f32 v14, v12;
	v5 =	vld [tilespmem:s12+$0xCFD0]  }
0x153: {  	s14 =	sshra.s32 s13, $0x2;
	v9 =	vadd.f32 v4, v11;
	v4 =	vld [tilespmem:s12+$0xCFE0]  }
0x154: {  	s13 =	sadd.s32 $0x200, s13;
	v1 =	vld [tilespmem:s14+$0x1FF0];
	v11 =	vmul.f32 $8.333333580e-02, v10;
	v10 =	vadd.f32 v16, v15  }
0x155: {  	v12 =	vld [tilespmem:s14+$0x2FF0];
	v9 =	vmul.f32 $8.333333580e-02, v9;
	v6 =	vadd.f32 v8, v6  }
0x156: {  	v13 =	vld [tilespmem:s14+$0x1F80];
	[tilespmem:s12+$0x19F80] =	vst v11;
	v48 =	vmul.f32 $8.333333580e-02, v10;
	v3 =	vadd.f32 v7, v3  }
0x157: {  	v11 =	vld [tilespmem:s14+$0x3FF0];
	[tilespmem:s12+$0x19F90] =	vst v9;
	v6 =	vmul.f32 $8.333333580e-02, v6;
	v2 =	vadd.f32 v5, v2  }
0x158: {  	v9 =	vld [tilespmem:s14+$0x2F80];
	[tilespmem:s12+$0x19FA0] =	vst v48;
	v3 =	vmul.f32 $8.333333580e-02, v3;
	v0 =	vadd.f32 v4, v0  }
0x159: {  	v49 =	vld [tilespmem:s14+$0x4FF0];
	[tilespmem:s12+$0x19FB0] =	vst v6;
	v2 =	vmul.f32 $8.333333580e-02, v2  }
0x15a: {  	v5 =	vld [tilespmem:s14+$0x1F90];
	[tilespmem:s12+$0x19FC0] =	vst v3;
	v0 =	vmul.f32 $8.333333580e-02, v0  }
0x15b: {  	v3 =	vld [tilespmem:s14+$0x5FF0];
	[tilespmem:s12+$0x19FD0] =	vst v2  }
0x15c: {  	v2 =	vld [tilespmem:s14+$0x2F90];
	[tilespmem:s12+$0x19FE0] =	vst v0  }
0x15d: {  	v51 =	vld [tilespmem:s14+$0x6FF0]  }
0x15e: {  	v4 =	vld [tilespmem:s14+$0x1FA0]  }
0x15f: {  	v6 =	vld [tilespmem:s14+$0x7FF0]  }
0x160: {  	v7 =	vld [tilespmem:s14+$0x2FA0]  }
0x161: {  	v52 =	vld [tilespmem:s14+$0x8FF0]  }
0x162: {  	v8 =	vld [tilespmem:s14+$0x1FB0]  }
0x163: {  	v53 =	vld [tilespmem:s14+$0x9FF0]  }
0x164: {  	v54 =	vld [tilespmem:s14+$0x2FB0]  }
0x165: {  	v55 =	vld [tilespmem:s14+$0xAFF0]  }
0x166: {  	v56 =	vld [tilespmem:s14+$0x1FC0]  }
0x167: {  	v57 =	vld [tilespmem:s14+$0xBFF0]  }
0x168: {  	v58 =	vld [tilespmem:s14+$0x2FC0]  }
0x169: {  	v59 =	vld [tilespmem:s14+$0xCFF0]  }
0x16a: {  	v14 =	vld [tilespmem:s14+$0x1FD0]  }
0x16b: {  	v60 =	vld [tilespmem:s14+$0x2FD0]  }
0x16c: {  	v15 =	vld [tilespmem:s14+$0x1FE0]  }
0x16d: {  	v61 =	vld [tilespmem:s14+$0x2FE0]  }
0x16e: {  	v16 =	vld [tilespmem:s14+$0x3F80]  }
0x16f: {  	v62 =	vld [tilespmem:s14+$0x3F90]  }
0x170: {  	v17 =	vld [tilespmem:s14+$0x3FA0]  }
0x171: {  	v18 =	vld [tilespmem:s14+$0x3FB0]  }
0x172: {  	v19 =	vld [tilespmem:s14+$0x3FC0]  }
0x173: {  	v63 =	vld [tilespmem:s14+$0x3FD0]  }
0x174: {  	v20 =	vld [tilespmem:s14+$0x3FE0]  }
0x175: {  	v21 =	vld [tilespmem:s14+$0x4F80]  }
0x176: {  	v22 =	vld [tilespmem:s14+$0x4F90]  }
0x177: {  	v23 =	vld [tilespmem:s14+$0x4FA0]  }
0x178: {  	v24 =	vld [tilespmem:s14+$0x4FB0]  }
0x179: {  	v25 =	vld [tilespmem:s14+$0x4FC0]  }
0x17a: {  	v26 =	vld [tilespmem:s14+$0x4FD0]  }
0x17b: {  	v27 =	vld [tilespmem:s14+$0x4FE0]  }
0x17c: {  	v28 =	vld [tilespmem:s14+$0x5F80]  }
0x17d: {  	v29 =	vld [tilespmem:s14+$0x5F90]  }
0x17e: {  	v30 =	vld [tilespmem:s14+$0x5FA0]  }
0x17f: {  	v31 =	vld [tilespmem:s14+$0x5FB0]  }
0x180: {  	v32 =	vld [tilespmem:s14+$0x5FC0]  }
0x181: {  	v33 =	vld [tilespmem:s14+$0x5FD0]  }
0x182: {  	v34 =	vld [tilespmem:s14+$0x5FE0]  }
0x183: {  	v35 =	vld [tilespmem:s14+$0x6F80]  }
0x184: {  	v36 =	vld [tilespmem:s14+$0x6F90]  }
0x185: {  	v37 =	vld [tilespmem:s14+$0x6FA0]  }
0x186: {  	v38 =	vld [tilespmem:s14+$0x6FB0]  }
0x187: {  	v1 =	vadd.f32 v12, v1;
	v39 =	vld [tilespmem:s14+$0x6FC0]  }
0x188: {  	v40 =	vld [tilespmem:s14+$0x6FD0]  }
0x189: {  	v50 =	vadd.f32 v11, v1;
	v41 =	vld [tilespmem:s14+$0x6FE0]  }
0x18a: {  	v42 =	vld [tilespmem:s14+$0x7F80]  }
0x18b: {  	v43 =	vld [tilespmem:s14+$0x7F90];
	v0 =	vadd.f32 v49, v50  }
0x18c: {  	v44 =	vld [tilespmem:s14+$0x7FA0]  }
0x18d: {  	v45 =	vld [tilespmem:s14+$0x7FB0];
	v0 =	vadd.f32 v3, v0  }
0x18e: {  	v46 =	vld [tilespmem:s14+$0x7FC0];
	v9 =	vadd.f32 v9, v13;
	v2 =	vadd.f32 v2, v5  }
0x18f: {  	v47 =	vld [tilespmem:s14+$0x7FD0];
	v0 =	vadd.f32 v51, v0;
	v4 =	vadd.f32 v7, v4  }
0x190: {  	v48 =	vld [tilespmem:s14+$0x7FE0];
	v3 =	vadd.f32 v61, v15;
	v9 =	vadd.f32 v16, v9  }
0x191: {  	v50 =	vld [tilespmem:s14+$0x8F80];
	v1 =	vadd.f32 v62, v2;
	v0 =	vadd.f32 v6, v0  }
0x192: {  	v49 =	vld [tilespmem:s14+$0xBFA0];
	v6 =	vadd.f32 v60, v14;
	v4 =	vadd.f32 v17, v4  }
0x193: {  	v51 =	vld [tilespmem:s14+$0x8F90];
	v3 =	vadd.f32 v20, v3;
	v9 =	vadd.f32 v21, v9  }
0x194: {  	v61 =	vld [tilespmem:s14+$0x9FA0];
	v1 =	vadd.f32 v22, v1;
	v0 =	vadd.f32 v52, v0  }
0x195: {  	v62 =	vld [tilespmem:s14+$0x9FB0];
	v52 =	vadd.f32 v54, v8;
	v4 =	vadd.f32 v23, v4  }
0x196: {  	v60 =	vld [tilespmem:s14+$0x9F90];
	v3 =	vadd.f32 v27, v3;
	v9 =	vadd.f32 v28, v9  }
0x197: {  	v54 =	vld [tilespmem:s14+$0x8FA0];
	v1 =	vadd.f32 v29, v1;
	v0 =	vadd.f32 v53, v0  }
0x198: {  	v53 =	vadd.f32 v58, v56;
	v56 =	vld [tilespmem:s14+$0x8FC0];
	v7 =	vadd.f32 v18, v52  }
0x199: {  	v58 =	vld [tilespmem:s14+$0x8FE0];
	v4 =	vadd.f32 v30, v4;
	v3 =	vadd.f32 v34, v3  }
0x19a: {  	v9 =	vadd.f32 v35, v9;
	v35 =	vld [tilespmem:s14+$0xAF80];
	v1 =	vadd.f32 v36, v1  }
0x19b: {  	v52 =	vld [tilespmem:s14+$0xBFD0];
	v0 =	vadd.f32 v55, v0;
	v8 =	vadd.f32 v19, v53  }
0x19c: {  	v55 =	vld [tilespmem:s14+$0x8FB0];
	v7 =	vadd.f32 v24, v7;
	v4 =	vadd.f32 v37, v4  }
0x19d: {  	v37 =	vld [tilespmem:s14+$0xAF90];
	v3 =	vadd.f32 v41, v3;
	v9 =	vadd.f32 v42, v9  }
0x19e: {  	v41 =	vld [tilespmem:s14+$0xAFB0];
	v1 =	vadd.f32 v43, v1;
	v0 =	vadd.f32 v57, v0  }
0x19f: {  	v53 =	vld [tilespmem:s14+$0xBFE0];
	v8 =	vadd.f32 v25, v8;
	v7 =	vadd.f32 v31, v7  }
0x1a0: {  	v43 =	vld [tilespmem:s14+$0xAFC0];
	v4 =	vadd.f32 v44, v4;
	v3 =	vadd.f32 v48, v3  }
0x1a1: {  	v57 =	vld [tilespmem:s14+$0x8FD0];
	v9 =	vadd.f32 v50, v9;
	v1 =	vadd.f32 v51, v1  }
0x1a2: {  	v31 =	vld [tilespmem:s14+$0x9FD0];
	v0 =	vadd.f32 v59, v0;
	v8 =	vadd.f32 v32, v8  }
0x1a3: {  	v48 =	vld [tilespmem:s14+$0xBF90];
	v7 =	vadd.f32 v38, v7;
	v4 =	vadd.f32 v54, v4  }
0x1a4: {  	v59 =	vld [tilespmem:s14+$0x9F80];
	v3 =	vadd.f32 v58, v3;
	v1 =	vadd.f32 v60, v1;
	v0 =	vmul.f32 $8.333333580e-02, v0  }
0x1a5: {  	v50 =	vld [tilespmem:s14+$0xBFB0];
	v8 =	vadd.f32 v39, v8;
	v7 =	vadd.f32 v45, v7  }
0x1a6: {  	v51 =	vld [tilespmem:s14+$0xBFC0];
	v4 =	vadd.f32 v61, v4;
	[tilespmem:s14+$0x19FF0] =	vst v0;
	v0 =	vadd.f32 v63, v6  }
0x1a7: {  	v39 =	vld [tilespmem:s14+$0xAFA0];
	v1 =	vadd.f32 v37, v1;
	v8 =	vadd.f32 v46, v8  }
0x1a8: {  	v63 =	vld [tilespmem:s14+$0x9FC0];
	v7 =	vadd.f32 v55, v7;
	v0 =	vadd.f32 v26, v0  }
0x1a9: {  	v58 =	vld [tilespmem:s14+$0xCFC0];
	v9 =	vadd.f32 v59, v9;
	v1 =	vadd.f32 v48, v1  }
0x1aa: {  	v55 =	vld [tilespmem:s14+$0xCF90];
	v2 =	vadd.f32 v56, v8;
	v0 =	vadd.f32 v33, v0  }
0x1ab: {  	v7 =	vadd.f32 v62, v7;
	v56 =	vld [tilespmem:s14+$0xCFA0];
	v9 =	vadd.f32 v35, v9  }
0x1ac: {  	v4 =	vadd.f32 v39, v4;
	v33 =	vld [tilespmem:s14+$0x9FE0];
	v0 =	vadd.f32 v40, v0  }
0x1ad: {  	v46 =	vld [tilespmem:s14+$0xAFE0];
	v7 =	vadd.f32 v41, v7;
	v2 =	vadd.f32 v63, v2  }
0x1ae: {  	v4 =	vadd.f32 v49, v4;
	v0 =	vadd.f32 v47, v0;
	v47 =	vld [tilespmem:s14+$0xBF80]  }
0x1af: {  	v45 =	vld [tilespmem:s14+$0xAFD0];
	v1 =	vadd.f32 v55, v1;
	v6 =	vadd.f32 v50, v7  }
0x1b0: {  	v54 =	vld [tilespmem:s14+$0xCF80];
	v2 =	vadd.f32 v43, v2;
	v0 =	vadd.f32 v57, v0  }
0x1b1: {  	v4 =	vadd.f32 v56, v4;
	v3 =	vadd.f32 v33, v3;
	v57 =	vld [tilespmem:s14+$0xCFB0]  }
0x1b2: {  	v61 =	vld [tilespmem:s14+$0xCFE0];
	v2 =	vadd.f32 v51, v2;
	v0 =	vadd.f32 v31, v0  }
0x1b3: {  	v60 =	vld [tilespmem:s14+$0xCFD0];
	v3 =	vadd.f32 v46, v3;
	v9 =	vadd.f32 v47, v9  }
0x1b4: {  	v1 =	vmul.f32 $8.333333580e-02, v1;
	v2 =	vadd.f32 v58, v2;
	v0 =	vadd.f32 v45, v0  }
0x1b5: {  	v4 =	vmul.f32 $8.333333580e-02, v4;
	v3 =	vadd.f32 v53, v3;
	v59 =	vadd.f32 v54, v9  }
0x1b6: {  	[tilespmem:s14+$0x19F90] =	vst v1;
	v2 =	vmul.f32 $8.333333580e-02, v2;
	v6 =	vadd.f32 v57, v6;
	v0 =	vadd.f32 v52, v0  }
0x1b7: {  	[tilespmem:s14+$0x19FA0] =	vst v4;
	v3 =	vadd.f32 v61, v3;
	v8 =	vmul.f32 $8.333333580e-02, v59  }
0x1b8: {  	[tilespmem:s14+$0x19FC0] =	vst v2;
	v62 =	vmul.f32 $8.333333580e-02, v6;
	v0 =	vadd.f32 v60, v0  }
0x1b9: {  	v63 =	vmul.f32 $8.333333580e-02, v3;
	[tilespmem:s14+$0x19F80] =	vst v8  }
0x1ba: {  	[tilespmem:s14+$0x19FB0] =	vst v62;
	v0 =	vmul.f32 $8.333333580e-02, v0  }
0x1bb: {  	s13 =	rddreg [dreg:$0x11];
	[tilespmem:s14+$0x19FE0] =	vst v63  }
0x1bc: {  	s0 =	simm.s32 $0x1F80;
	s1 =	simm.s32 $0x1AF80;
	s12 =	simm.s32 $0x0;
	[tilespmem:s14+$0x19FD0] =	vst v0  }
0x1bd: {  	[hbm4b:s13+s12] =	stream.linear.scatter [tilespmem:s6], [sflag:$0x3], $0x1000, $0x38;
	[tilespmem:$0x1BF80] =	vst v63  }
.LBB2_6:
0x1be: {  	s13 =	sshllo.u32 s12, $0x1  }
0x1bf: {  	s14 =	smul.u32 $0x600, s13;
	_ =	sdelay $0x1  }
0x1c0: {  	s14 =	sshra.s32 s14, $0x2  }
0x1c1: {  	s15 =	sadd.s32 $0x180, s14  }
0x1c2: {  	[tilespmem:s0], [sflag:$0x1] =	stream.indirect.gather [hbm4b:s2+s20], $0x80, s15, s20, $0xb8;
	[tilespmem:$0x1BF80] =	vst v63  }
0x1c3: {  	s16 =	sadd.s32 $0x1A0, s14  }
0x1c4: {  	[tilespmem:s21], [sflag:$0x1] =	stream.indirect.gather [hbm4b:s2+s20], $0x80, s16, s20, $0xb8;
	[tilespmem:$0x1BF80] =	vst v63  }
0x1c5: {  	s18 =	sadd.s32 $0x1C0, s14  }
0x1c6: {  	[tilespmem:s22], [sflag:$0x1] =	stream.indirect.gather [hbm4b:s2+s20], $0x80, s18, s20, $0xb8;
	[tilespmem:$0x1BF80] =	vst v63  }
0x1c7: {  	s16 =	sadd.s32 $0x1E0, s14  }
0x1c8: {  	[tilespmem:s23], [sflag:$0x1] =	stream.indirect.gather [hbm4b:s2+s20], $0x80, s16, s20, $0xb8;
	[tilespmem:$0x1BF80] =	vst v63  }
0x1c9: {  	s18 =	sadd.s32 $0x200, s14  }
0x1ca: {  	[tilespmem:s24], [sflag:$0x1] =	stream.indirect.gather [hbm4b:s2+s20], $0x80, s18, s20, $0xb8;
	[tilespmem:$0x1BF80] =	vst v63  }
0x1cb: {  	s16 =	sadd.s32 $0x220, s14  }
0x1cc: {  	[tilespmem:s25], [sflag:$0x1] =	stream.indirect.gather [hbm4b:s2+s20], $0x80, s16, s20, $0xb8;
	[tilespmem:$0x1BF80] =	vst v63  }
0x1cd: {  	s18 =	sadd.s32 $0x240, s14  }
0x1ce: {  	[tilespmem:s26], [sflag:$0x1] =	stream.indirect.gather [hbm4b:s2+s20], $0x80, s18, s20, $0xb8;
	[tilespmem:$0x1BF80] =	vst v63  }
0x1cf: {  	s16 =	sadd.s32 $0x260, s14  }
0x1d0: {  	[tilespmem:s28], [sflag:$0x1] =	stream.indirect.gather [hbm4b:s2+s20], $0x80, s16, s20, $0xb8;
	[tilespmem:$0x1BF80] =	vst v63  }
0x1d1: {  	s18 =	sadd.s32 $0x280, s14  }
0x1d2: {  	[tilespmem:s29], [sflag:$0x1] =	stream.indirect.gather [hbm4b:s2+s20], $0x80, s18, s20, $0xb8;
	[tilespmem:$0x1BF80] =	vst v63  }
0x1d3: {  	s16 =	sadd.s32 $0x2A0, s14  }
0x1d4: {  	[tilespmem:s30], [sflag:$0x1] =	stream.indirect.gather [hbm4b:s2+s20], $0x80, s16, s20, $0xb8;
	[tilespmem:$0x1BF80] =	vst v63  }
0x1d5: {  	s18 =	sadd.s32 $0x2C0, s14  }
0x1d6: {  	[tilespmem:s31], [sflag:$0x1] =	stream.indirect.gather [hbm4b:s2+s20], $0x80, s18, s20, $0xb8;
	[tilespmem:$0x1BF80] =	vst v63  }
0x1d7: {  	s14 =	sadd.s32 $0x2E0, s14  }
0x1d8: {  	[tilespmem:s4], [sflag:$0x1] =	stream.indirect.gather [hbm4b:s2+s20], $0x80, s14, s20, $0xb8;
	[tilespmem:$0x1BF80] =	vst v63  }
0x1d9: {  	_ =	swait.ge [sflag:s7], $0x1000  }
0x1da: {  	[sflag:s7] =	ssyncset.done $0x0  }
0x1db: {  	[sflag:s7] =	ssyncadd.s32 $0xFFFFF000  }
0x1dc: {  	_ =	swait.ge [sflag:s7], $0x1000  }
0x1dd: {  	[sflag:s7] =	ssyncset.done $0x0  }
0x1de: {  	[sflag:s7] =	ssyncadd.s32 $0xFFFFF000  }
0x1df: {  	_ =	swait.ge [sflag:s7], $0x1000  }
0x1e0: {  	[sflag:s7] =	ssyncset.done $0x0  }
0x1e1: {  	[sflag:s7] =	ssyncadd.s32 $0xFFFFF000  }
0x1e2: {  	_ =	swait.ge [sflag:s7], $0x1000  }
0x1e3: {  	[sflag:s7] =	ssyncset.done $0x0  }
0x1e4: {  	[sflag:s7] =	ssyncadd.s32 $0xFFFFF000  }
0x1e5: {  	_ =	swait.ge [sflag:s7], $0x1000  }
0x1e6: {  	[sflag:s7] =	ssyncset.done $0x0  }
0x1e7: {  	[sflag:s7] =	ssyncadd.s32 $0xFFFFF000  }
0x1e8: {  	_ =	swait.ge [sflag:s7], $0x1000  }
0x1e9: {  	[sflag:s7] =	ssyncset.done $0x0  }
0x1ea: {  	[sflag:s7] =	ssyncadd.s32 $0xFFFFF000  }
0x1eb: {  	_ =	swait.ge [sflag:s7], $0x1000  }
0x1ec: {  	[sflag:s7] =	ssyncset.done $0x0  }
0x1ed: {  	[sflag:s7] =	ssyncadd.s32 $0xFFFFF000  }
0x1ee: {  	_ =	swait.ge [sflag:s7], $0x1000  }
0x1ef: {  	[sflag:s7] =	ssyncset.done $0x0  }
0x1f0: {  	[sflag:s7] =	ssyncadd.s32 $0xFFFFF000  }
0x1f1: {  	_ =	swait.ge [sflag:s7], $0x1000  }
0x1f2: {  	[sflag:s7] =	ssyncset.done $0x0  }
0x1f3: {  	[sflag:s7] =	ssyncadd.s32 $0xFFFFF000  }
0x1f4: {  	_ =	swait.ge [sflag:s7], $0x1000  }
0x1f5: {  	[sflag:s7] =	ssyncset.done $0x0  }
0x1f6: {  	[sflag:s7] =	ssyncadd.s32 $0xFFFFF000  }
0x1f7: {  	_ =	swait.ge [sflag:s7], $0x1000  }
0x1f8: {  	[sflag:s7] =	ssyncset.done $0x0  }
0x1f9: {  	[sflag:s7] =	ssyncadd.s32 $0xFFFFF000  }
0x1fa: {  	_ =	swait.ge [sflag:s7], $0x1000  }
0x1fb: {  	p0 =	seq.s32 s12, $0x0;
	[sflag:s7] =	ssyncset.done $0x0  }
0x1fc: {  	s14 =	simm.s32 @!p0 $0x4;
	[sflag:s7] =	ssyncadd.s32 $0xFFFFF000  }
0x1fd: {  	_ =	swait.ge @!p0 [sflag:s14], $0x1000  }
0x1fe: {  	[sflag:s14] =	ssyncset.done @!p0 $0x0  }
0x1ff: {  	[sflag:s14] =	ssyncadd.s32 @!p0 $0xFFFFF000;
	s14 =	simm.s32 $0x0  }
0x200: {  	v0 =	vld [tilespmem:s14+$0xDFF0]  }
0x201: {  	v1 =	vld [tilespmem:s14+$0xEFF0]  }
0x202: {  	v2 =	vld [tilespmem:s14+$0xDF80]  }
0x203: {  	v3 =	vld [tilespmem:s14+$0xFFF0]  }
0x204: {  	v4 =	vld [tilespmem:s14+$0xEF80]  }
0x205: {  	v5 =	vld [tilespmem:s14+$0x10FF0]  }
0x206: {  	v6 =	vld [tilespmem:s14+$0xDF90]  }
0x207: {  	v7 =	vld [tilespmem:s14+$0xEF90]  }
0x208: {  	v8 =	vld [tilespmem:s14+$0xDFA0]  }
0x209: {  	v9 =	vld [tilespmem:s14+$0xEFA0]  }
0x20a: {  	v10 =	vld [tilespmem:s14+$0xDFB0]  }
0x20b: {  	v11 =	vld [tilespmem:s14+$0xEFB0]  }
0x20c: {  	v12 =	vld [tilespmem:s14+$0xDFC0]  }
0x20d: {  	v13 =	vld [tilespmem:s14+$0xEFC0]  }
0x20e: {  	v14 =	vld [tilespmem:s14+$0xDFD0]  }
0x20f: {  	v15 =	vld [tilespmem:s14+$0xDFE0]  }
0x210: {  	v16 =	vld [tilespmem:s14+$0xFF80]  }
0x211: {  	v17 =	vld [tilespmem:s14+$0xFFA0]  }
0x212: {  	v18 =	vld [tilespmem:s14+$0xFFB0]  }
0x213: {  	v19 =	vld [tilespmem:s14+$0xFFC0]  }
0x214: {  	v20 =	vld [tilespmem:s14+$0xFFE0]  }
0x215: {  	v21 =	vld [tilespmem:s14+$0x10F80]  }
0x216: {  	v22 =	vld [tilespmem:s14+$0x10F90]  }
0x217: {  	v23 =	vld [tilespmem:s14+$0x10FA0]  }
0x218: {  	v24 =	vld [tilespmem:s14+$0x10FB0]  }
0x219: {  	v25 =	vld [tilespmem:s14+$0x10FC0]  }
0x21a: {  	v26 =	vld [tilespmem:s14+$0x10FD0]  }
0x21b: {  	v27 =	vld [tilespmem:s14+$0x10FE0]  }
0x21c: {  	v28 =	vld [tilespmem:s14+$0x11F80]  }
0x21d: {  	v29 =	vld [tilespmem:s14+$0x11F90]  }
0x21e: {  	v30 =	vld [tilespmem:s14+$0x11FA0]  }
0x21f: {  	v31 =	vld [tilespmem:s14+$0x11FB0]  }
0x220: {  	v32 =	vld [tilespmem:s14+$0x11FC0]  }
0x221: {  	v33 =	vld [tilespmem:s14+$0x11FD0]  }
0x222: {  	v34 =	vld [tilespmem:s14+$0x11FE0]  }
0x223: {  	v35 =	vld [tilespmem:s14+$0x12F80]  }
0x224: {  	v36 =	vld [tilespmem:s14+$0x12F90]  }
0x225: {  	v37 =	vld [tilespmem:s14+$0x12FA0]  }
0x226: {  	v38 =	vld [tilespmem:s14+$0x12FB0]  }
0x227: {  	v39 =	vld [tilespmem:s14+$0x12FC0]  }
0x228: {  	v40 =	vld [tilespmem:s14+$0x12FD0]  }
0x229: {  	v41 =	vld [tilespmem:s14+$0x12FE0]  }
0x22a: {  	v42 =	vld [tilespmem:s14+$0x13F80]  }
0x22b: {  	v43 =	vld [tilespmem:s14+$0x13F90]  }
0x22c: {  	v44 =	vld [tilespmem:s14+$0x13FA0]  }
0x22d: {  	v45 =	vld [tilespmem:s14+$0x13FB0]  }
0x22e: {  	v46 =	vld [tilespmem:s14+$0x13FC0]  }
0x22f: {  	v47 =	vld [tilespmem:s14+$0x13FD0]  }
0x230: {  	v57 =	vld [tilespmem:s14+$0x14FA0]  }
0x231: {  	v58 =	vld [tilespmem:s14+$0x14FC0];
	v0 =	vadd.f32 v1, v0  }
0x232: {  	v1 =	vld [tilespmem:s14+$0x11FF0]  }
0x233: {  	v59 =	vld [tilespmem:s14+$0x14FE0];
	v0 =	vadd.f32 v3, v0  }
0x234: {  	v3 =	vld [tilespmem:s14+$0x12FF0]  }
0x235: {  	v60 =	vld [tilespmem:s14+$0x15F80];
	v0 =	vadd.f32 v5, v0  }
0x236: {  	v5 =	vld [tilespmem:s14+$0x13FF0]  }
0x237: {  	v61 =	vld [tilespmem:s14+$0x15F90];
	v0 =	vadd.f32 v1, v0  }
0x238: {  	v1 =	vld [tilespmem:s14+$0x14FF0]  }
0x239: {  	v62 =	vld [tilespmem:s14+$0x15FA0];
	v2 =	vadd.f32 v4, v2;
	v0 =	vadd.f32 v3, v0  }
0x23a: {  	v6 =	vadd.f32 v7, v6;
	v7 =	vadd.f32 v9, v8;
	v3 =	vld [tilespmem:s14+$0x15FF0]  }
0x23b: {  	v63 =	vld [tilespmem:s14+$0x15FB0];
	v9 =	vadd.f32 v11, v10;
	v0 =	vadd.f32 v5, v0  }
0x23c: {  	v10 =	vadd.f32 v13, v12;
	v2 =	vadd.f32 v16, v2;
	v5 =	vld [tilespmem:s14+$0x16FF0]  }
0x23d: {  	v48 =	vld [tilespmem:s14+$0x15FC0];
	v7 =	vadd.f32 v17, v7;
	v0 =	vadd.f32 v1, v0  }
0x23e: {  	v9 =	vadd.f32 v18, v9;
	v10 =	vadd.f32 v19, v10;
	v1 =	vld [tilespmem:s14+$0x17FF0]  }
0x23f: {  	v49 =	vld [tilespmem:s14+$0x15FD0];
	v2 =	vadd.f32 v21, v2;
	v0 =	vadd.f32 v3, v0  }
0x240: {  	v7 =	vadd.f32 v23, v7;
	v9 =	vadd.f32 v24, v9;
	v3 =	vld [tilespmem:s14+$0x18FF0]  }
0x241: {  	v50 =	vld [tilespmem:s14+$0x15FE0];
	v2 =	vadd.f32 v28, v2;
	v0 =	vadd.f32 v5, v0  }
0x242: {  	v8 =	vld [tilespmem:s14+$0x14F80];
	v10 =	vadd.f32 v25, v10;
	v7 =	vadd.f32 v30, v7  }
0x243: {  	v51 =	vld [tilespmem:s14+$0x16F80];
	v2 =	vadd.f32 v35, v2;
	v0 =	vadd.f32 v1, v0  }
0x244: {  	v52 =	vld [tilespmem:s14+$0x16F90];
	v9 =	vadd.f32 v31, v9;
	v7 =	vadd.f32 v37, v7  }
0x245: {  	v2 =	vadd.f32 v42, v2;
	v5 =	vld [tilespmem:s14+$0xEFD0];
	v0 =	vadd.f32 v3, v0  }
0x246: {  	v10 =	vadd.f32 v32, v10;
	v7 =	vadd.f32 v44, v7;
	v1 =	vld [tilespmem:s14+$0xEFE0]  }
0x247: {  	v9 =	vadd.f32 v38, v9;
	v2 =	vadd.f32 v8, v2;
	v3 =	vld [tilespmem:s14+$0xFF90];
	v0 =	vmul.f32 $8.333333580e-02, v0  }
0x248: {  	v53 =	vld [tilespmem:s14+$0x16FA0];
	v10 =	vadd.f32 v39, v10;
	v7 =	vadd.f32 v57, v7  }
0x249: {  	v9 =	vadd.f32 v45, v9;
	v2 =	vadd.f32 v60, v2;
	[tilespmem:s14+$0x1AFF0] =	vst v0;
	v0 =	vld [tilespmem:s14+$0xFFD0]  }
0x24a: {  	v10 =	vadd.f32 v46, v10;
	v8 =	vld [tilespmem:s14+$0x17F80];
	v7 =	vadd.f32 v62, v7  }
0x24b: {  	v54 =	vld [tilespmem:s14+$0x16FB0];
	v2 =	vadd.f32 v51, v2;
	v1 =	vadd.f32 v1, v15  }
0x24c: {  	v5 =	vadd.f32 v5, v14;
	v3 =	vadd.f32 v3, v6;
	v6 =	vld [tilespmem:s14+$0x14FB0]  }
0x24d: {  	v55 =	vld [tilespmem:s14+$0x16FC0];
	v7 =	vadd.f32 v53, v7;
	v1 =	vadd.f32 v20, v1  }
0x24e: {  	v56 =	vld [tilespmem:s14+$0x16FD0];
	v3 =	vadd.f32 v22, v3;
	v0 =	vadd.f32 v0, v5  }
0x24f: {  	v4 =	vld [tilespmem:s14+$0x13FE0];
	v2 =	vadd.f32 v8, v2;
	v1 =	vadd.f32 v27, v1  }
0x250: {  	v11 =	vld [tilespmem:s14+$0x14F90];
	v3 =	vadd.f32 v29, v3;
	v0 =	vadd.f32 v26, v0  }
0x251: {  	v57 =	vld [tilespmem:s14+$0x17FC0];
	v1 =	vadd.f32 v34, v1;
	v6 =	vadd.f32 v6, v9  }
0x252: {  	v60 =	vld [tilespmem:s14+$0x18F80];
	v3 =	vadd.f32 v36, v3;
	v0 =	vadd.f32 v33, v0  }
0x253: {  	v5 =	vld [tilespmem:s14+$0x14FD0];
	v9 =	vadd.f32 v58, v10;
	v1 =	vadd.f32 v41, v1  }
0x254: {  	v62 =	vld [tilespmem:s14+$0x18FA0];
	v3 =	vadd.f32 v43, v3;
	v0 =	vadd.f32 v40, v0  }
0x255: {  	v10 =	vld [tilespmem:s14+$0x17F90];
	v6 =	vadd.f32 v63, v6;
	v1 =	vadd.f32 v4, v1  }
0x256: {  	v4 =	vld [tilespmem:s14+$0x16FE0];
	v3 =	vadd.f32 v11, v3;
	v0 =	vadd.f32 v47, v0  }
0x257: {  	v9 =	vadd.f32 v48, v9;
	v1 =	vadd.f32 v59, v1;
	v11 =	vld [tilespmem:s14+$0x17FB0]  }
0x258: {  	v3 =	vadd.f32 v61, v3;
	v0 =	vadd.f32 v5, v0;
	v5 =	vld [tilespmem:s14+$0x17FA0]  }
0x259: {  	v58 =	vld [tilespmem:s14+$0x17FD0];
	v6 =	vadd.f32 v54, v6;
	v1 =	vadd.f32 v50, v1  }
0x25a: {  	v9 =	vadd.f32 v55, v9;
	v61 =	vld [tilespmem:s14+$0x18F90];
	v3 =	vadd.f32 v52, v3  }
0x25b: {  	v59 =	vld [tilespmem:s14+$0x17FE0];
	v1 =	vadd.f32 v4, v1;
	v0 =	vadd.f32 v49, v0  }
0x25c: {  	v8 =	vld [tilespmem:s14+$0x18FB0];
	v6 =	vadd.f32 v11, v6;
	v10 =	vadd.f32 v10, v3  }
0x25d: {  	v0 =	vadd.f32 v56, v0;
	v63 =	vadd.f32 v5, v7;
	v7 =	vld [tilespmem:s14+$0x18FC0]  }
0x25e: {  	v11 =	vadd.f32 v60, v2;
	v3 =	vadd.f32 v57, v9;
	v5 =	vld [tilespmem:s14+$0x18FD0]  }
0x25f: {  	s16 =	simm.s32 $0x80;
	v4 =	vld [tilespmem:s14+$0x18FE0];
	v9 =	vadd.f32 v61, v10;
	v2 =	vadd.f32 v58, v0  }
0x260: {  	s15 =	simm.s32 $0x400;
	v11 =	vmul.f32 $8.333333580e-02, v11;
	v0 =	vadd.f32 v59, v1;
	v1 =	vld [tilespmem:s16+$0xDFF0];
	v10 =	vadd.f32 v62, v63  }
.LBB2_7:
0x261: {  	p0 =	sne.s32 s15, $0x3E00;
	v12 =	vld [tilespmem:s16+$0xEFF0];
	v9 =	vmul.f32 $8.333333580e-02, v9;
	v6 =	vadd.f32 v8, v6  }
0x262: {  	v8 =	vld [tilespmem:s16+$0xDF80];
	[tilespmem:s14+$0x1AF80] =	vst v11;
	v10 =	vmul.f32 $8.333333580e-02, v10;
	v3 =	vadd.f32 v7, v3  }
0x263: {  	v7 =	vld [tilespmem:s16+$0xFFF0];
	[tilespmem:s14+$0x1AF90] =	vst v9;
	v6 =	vmul.f32 $8.333333580e-02, v6;
	v2 =	vadd.f32 v5, v2  }
0x264: {  	v5 =	vld [tilespmem:s16+$0xEF80];
	[tilespmem:s14+$0x1AFA0] =	vst v10;
	v3 =	vmul.f32 $8.333333580e-02, v3;
	v0 =	vadd.f32 v4, v0  }
0x265: {  	v4 =	vld [tilespmem:s16+$0x10FF0];
	[tilespmem:s14+$0x1AFB0] =	vst v6;
	v2 =	vmul.f32 $8.333333580e-02, v2  }
0x266: {  	v6 =	vld [tilespmem:s16+$0xDF90];
	v1 =	vadd.f32 v12, v1;
	[tilespmem:s14+$0x1AFC0] =	vst v3;
	v0 =	vmul.f32 $8.333333580e-02, v0  }
0x267: {  	v3 =	vld [tilespmem:s16+$0x11FF0];
	[tilespmem:s14+$0x1AFD0] =	vst v2  }
0x268: {  	v2 =	vld [tilespmem:s16+$0xEF90];
	v1 =	vadd.f32 v7, v1;
	[tilespmem:s14+$0x1AFE0] =	vst v0;
	s14 =	smov.u32 s16  }
0x269: {  	v0 =	vadd.f32 v5, v8;
	v5 =	vld [tilespmem:s14+$0x12FF0]  }
0x26a: {  	v7 =	vld [tilespmem:s14+$0xDFA0];
	v1 =	vadd.f32 v4, v1  }
0x26b: {  	v4 =	vld [tilespmem:s14+$0x13FF0]  }
0x26c: {  	v8 =	vld [tilespmem:s14+$0xEFA0];
	v1 =	vadd.f32 v3, v1  }
0x26d: {  	v2 =	vadd.f32 v2, v6;
	v3 =	vld [tilespmem:s14+$0x14FF0]  }
0x26e: {  	v6 =	vld [tilespmem:s14+$0xDFB0];
	v1 =	vadd.f32 v5, v1  }
0x26f: {  	v5 =	vld [tilespmem:s14+$0x15FF0]  }
0x270: {  	v9 =	vld [tilespmem:s14+$0xEFB0];
	v1 =	vadd.f32 v4, v1  }
0x271: {  	v4 =	vadd.f32 v8, v7;
	v7 =	vld [tilespmem:s14+$0x16FF0]  }
0x272: {  	v8 =	vld [tilespmem:s14+$0xDFC0];
	v1 =	vadd.f32 v3, v1  }
0x273: {  	v3 =	vld [tilespmem:s14+$0x17FF0]  }
0x274: {  	v10 =	vld [tilespmem:s14+$0xEFC0];
	v1 =	vadd.f32 v5, v1  }
0x275: {  	v5 =	vadd.f32 v9, v6;
	v6 =	vld [tilespmem:s14+$0x18FF0]  }
0x276: {  	v9 =	vld [tilespmem:s14+$0xDFD0];
	v1 =	vadd.f32 v7, v1  }
0x277: {  	v7 =	vld [tilespmem:s14+$0xEFD0]  }
0x278: {  	v11 =	vld [tilespmem:s14+$0xDFE0];
	v1 =	vadd.f32 v3, v1  }
0x279: {  	v3 =	vadd.f32 v10, v8;
	v8 =	vld [tilespmem:s14+$0xEFE0]  }
0x27a: {  	v10 =	vld [tilespmem:s14+$0xFF80];
	v1 =	vadd.f32 v6, v1  }
0x27b: {  	v6 =	vld [tilespmem:s14+$0xFF90]  }
0x27c: {  	v12 =	vld [tilespmem:s14+$0xFFA0];
	v7 =	vadd.f32 v7, v9;
	v1 =	vmul.f32 $8.333333580e-02, v1  }
0x27d: {  	v9 =	vld [tilespmem:s14+$0xFFB0]  }
0x27e: {  	v13 =	vld [tilespmem:s14+$0xFFC0];
	v8 =	vadd.f32 v8, v11;
	[tilespmem:s14+$0x1AFF0] =	vst v1  }
0x27f: {  	v0 =	vadd.f32 v10, v0;
	v1 =	vld [tilespmem:s14+$0xFFD0]  }
0x280: {  	v2 =	vadd.f32 v6, v2;
	v6 =	vld [tilespmem:s14+$0xFFE0]  }
0x281: {  	v10 =	vld [tilespmem:s14+$0x10F80];
	v4 =	vadd.f32 v12, v4  }
0x282: {  	v11 =	vld [tilespmem:s14+$0x10F90];
	v5 =	vadd.f32 v9, v5  }
0x283: {  	v9 =	vld [tilespmem:s14+$0x10FA0];
	v3 =	vadd.f32 v13, v3  }
0x284: {  	v12 =	vld [tilespmem:s14+$0x10FB0];
	v1 =	vadd.f32 v1, v7  }
0x285: {  	v7 =	vld [tilespmem:s14+$0x10FC0];
	v6 =	vadd.f32 v6, v8  }
0x286: {  	v0 =	vadd.f32 v10, v0;
	v8 =	vld [tilespmem:s14+$0x10FD0]  }
0x287: {  	v2 =	vadd.f32 v11, v2;
	v10 =	vld [tilespmem:s14+$0x10FE0]  }
0x288: {  	v11 =	vld [tilespmem:s14+$0x11F80];
	v4 =	vadd.f32 v9, v4  }
0x289: {  	v9 =	vld [tilespmem:s14+$0x11F90];
	v5 =	vadd.f32 v12, v5  }
0x28a: {  	v12 =	vld [tilespmem:s14+$0x11FA0];
	v3 =	vadd.f32 v7, v3  }
0x28b: {  	v7 =	vld [tilespmem:s14+$0x11FB0];
	v1 =	vadd.f32 v8, v1  }
0x28c: {  	v8 =	vld [tilespmem:s14+$0x11FC0];
	v6 =	vadd.f32 v10, v6  }
0x28d: {  	v0 =	vadd.f32 v11, v0;
	v10 =	vld [tilespmem:s14+$0x11FD0]  }
0x28e: {  	v2 =	vadd.f32 v9, v2;
	v9 =	vld [tilespmem:s14+$0x11FE0]  }
0x28f: {  	v11 =	vld [tilespmem:s14+$0x12F80];
	v4 =	vadd.f32 v12, v4  }
0x290: {  	v12 =	vld [tilespmem:s14+$0x12F90];
	v5 =	vadd.f32 v7, v5  }
0x291: {  	v7 =	vld [tilespmem:s14+$0x12FA0];
	v3 =	vadd.f32 v8, v3  }
0x292: {  	v8 =	vld [tilespmem:s14+$0x12FB0];
	v1 =	vadd.f32 v10, v1  }
0x293: {  	v10 =	vld [tilespmem:s14+$0x12FC0];
	v6 =	vadd.f32 v9, v6  }
0x294: {  	v0 =	vadd.f32 v11, v0;
	v9 =	vld [tilespmem:s14+$0x12FD0]  }
0x295: {  	v2 =	vadd.f32 v12, v2;
	v11 =	vld [tilespmem:s14+$0x12FE0]  }
0x296: {  	v12 =	vld [tilespmem:s14+$0x13F80];
	v4 =	vadd.f32 v7, v4  }
0x297: {  	v7 =	vld [tilespmem:s14+$0x13F90];
	v5 =	vadd.f32 v8, v5  }
0x298: {  	v8 =	vld [tilespmem:s14+$0x13FA0];
	v3 =	vadd.f32 v10, v3  }
0x299: {  	v10 =	vld [tilespmem:s14+$0x13FB0];
	v1 =	vadd.f32 v9, v1  }
0x29a: {  	v9 =	vld [tilespmem:s14+$0x13FC0];
	v6 =	vadd.f32 v11, v6  }
0x29b: {  	v0 =	vadd.f32 v12, v0;
	v11 =	vld [tilespmem:s14+$0x13FD0]  }
0x29c: {  	v2 =	vadd.f32 v7, v2;
	v7 =	vld [tilespmem:s14+$0x13FE0]  }
0x29d: {  	v12 =	vld [tilespmem:s14+$0x14F80];
	v4 =	vadd.f32 v8, v4  }
0x29e: {  	v8 =	vld [tilespmem:s14+$0x14F90];
	v5 =	vadd.f32 v10, v5  }
0x29f: {  	v10 =	vld [tilespmem:s14+$0x14FA0];
	v3 =	vadd.f32 v9, v3  }
0x2a0: {  	v9 =	vld [tilespmem:s14+$0x14FB0];
	v1 =	vadd.f32 v11, v1  }
0x2a1: {  	v11 =	vld [tilespmem:s14+$0x14FC0];
	v6 =	vadd.f32 v7, v6  }
0x2a2: {  	v0 =	vadd.f32 v12, v0;
	v7 =	vld [tilespmem:s14+$0x14FD0]  }
0x2a3: {  	v2 =	vadd.f32 v8, v2;
	v8 =	vld [tilespmem:s14+$0x14FE0]  }
0x2a4: {  	v12 =	vld [tilespmem:s14+$0x15F80];
	v4 =	vadd.f32 v10, v4  }
0x2a5: {  	v10 =	vld [tilespmem:s14+$0x15F90];
	v5 =	vadd.f32 v9, v5  }
0x2a6: {  	v9 =	vld [tilespmem:s14+$0x15FA0];
	v3 =	vadd.f32 v11, v3  }
0x2a7: {  	v11 =	vld [tilespmem:s14+$0x15FB0];
	v1 =	vadd.f32 v7, v1  }
0x2a8: {  	v7 =	vld [tilespmem:s14+$0x15FC0];
	v6 =	vadd.f32 v8, v6  }
0x2a9: {  	v0 =	vadd.f32 v12, v0;
	v8 =	vld [tilespmem:s14+$0x15FD0]  }
0x2aa: {  	v2 =	vadd.f32 v10, v2;
	v10 =	vld [tilespmem:s14+$0x15FE0]  }
0x2ab: {  	v12 =	vld [tilespmem:s14+$0x16F80];
	v4 =	vadd.f32 v9, v4  }
0x2ac: {  	v9 =	vld [tilespmem:s14+$0x16F90];
	v5 =	vadd.f32 v11, v5  }
0x2ad: {  	v11 =	vld [tilespmem:s14+$0x16FA0];
	v3 =	vadd.f32 v7, v3  }
0x2ae: {  	v7 =	vld [tilespmem:s14+$0x16FB0];
	v1 =	vadd.f32 v8, v1  }
0x2af: {  	v8 =	vld [tilespmem:s14+$0x16FC0];
	v6 =	vadd.f32 v10, v6  }
0x2b0: {  	v0 =	vadd.f32 v12, v0;
	v10 =	vld [tilespmem:s14+$0x16FD0]  }
0x2b1: {  	v2 =	vadd.f32 v9, v2;
	v9 =	vld [tilespmem:s14+$0x16FE0]  }
0x2b2: {  	v12 =	vld [tilespmem:s14+$0x17F80];
	v4 =	vadd.f32 v11, v4  }
0x2b3: {  	v11 =	vld [tilespmem:s14+$0x17F90];
	v5 =	vadd.f32 v7, v5  }
0x2b4: {  	v7 =	vld [tilespmem:s14+$0x17FA0];
	v3 =	vadd.f32 v8, v3  }
0x2b5: {  	v8 =	vld [tilespmem:s14+$0x17FB0];
	v1 =	vadd.f32 v10, v1  }
0x2b6: {  	v10 =	vld [tilespmem:s14+$0x17FC0];
	v9 =	vadd.f32 v9, v6  }
0x2b7: {  	v12 =	vadd.f32 v12, v0;
	v0 =	vld [tilespmem:s14+$0x17FD0]  }
0x2b8: {  	v11 =	vadd.f32 v11, v2;
	v13 =	vld [tilespmem:s14+$0x17FE0]  }
0x2b9: {  	v14 =	vld [tilespmem:s14+$0x18F80];
	v15 =	vadd.f32 v7, v4  }
0x2ba: {  	v4 =	vld [tilespmem:s14+$0x18F90];
	v6 =	vadd.f32 v8, v5  }
0x2bb: {  	v16 =	vld [tilespmem:s14+$0x18FA0];
	v3 =	vadd.f32 v10, v3  }
.Ltmp2:
0x2bc: {  	v8 =	vld [tilespmem:s14+$0x18FB0];
	v2 =	vadd.f32 v0, v1;
	(pc) =	sbr.rel @p0 .LBB2_7-.Ltmp2, $4  }
0x2bd: {  	v7 =	vld [tilespmem:s14+$0x18FC0];
	v0 =	vadd.f32 v13, v9  }
0x2be: {  	v10 =	vadd.f32 v14, v12;
	v5 =	vld [tilespmem:s14+$0x18FD0]  }
0x2bf: {  	s16 =	sshra.s32 s15, $0x2;
	v9 =	vadd.f32 v4, v11;
	v4 =	vld [tilespmem:s14+$0x18FE0]  }
0x2c0: {  	s15 =	sadd.s32 $0x200, s15;
	v1 =	vld [tilespmem:s16+$0xDFF0];
	v11 =	vmul.f32 $8.333333580e-02, v10;
	v10 =	vadd.f32 v16, v15  }
0x2c1: {  	v12 =	vld [tilespmem:s16+$0xEFF0];
	v9 =	vmul.f32 $8.333333580e-02, v9;
	v6 =	vadd.f32 v8, v6  }
0x2c2: {  	v13 =	vld [tilespmem:s16+$0xDF80];
	[tilespmem:s14+$0x1AF80] =	vst v11;
	v8 =	vmul.f32 $8.333333580e-02, v10;
	v3 =	vadd.f32 v7, v3  }
0x2c3: {  	v11 =	vld [tilespmem:s16+$0xFFF0];
	[tilespmem:s14+$0x1AF90] =	vst v9;
	v6 =	vmul.f32 $8.333333580e-02, v6;
	v2 =	vadd.f32 v5, v2  }
0x2c4: {  	v9 =	vld [tilespmem:s16+$0xEF80];
	[tilespmem:s14+$0x1AFA0] =	vst v8;
	v3 =	vmul.f32 $8.333333580e-02, v3;
	v0 =	vadd.f32 v4, v0  }
0x2c5: {  	v7 =	vld [tilespmem:s16+$0x10FF0];
	[tilespmem:s14+$0x1AFB0] =	vst v6;
	v2 =	vmul.f32 $8.333333580e-02, v2  }
0x2c6: {  	v5 =	vld [tilespmem:s16+$0xDF90];
	[tilespmem:s14+$0x1AFC0] =	vst v3;
	v0 =	vmul.f32 $8.333333580e-02, v0  }
0x2c7: {  	v1 =	vadd.f32 v12, v1;
	v3 =	vld [tilespmem:s16+$0x11FF0];
	[tilespmem:s14+$0x1AFD0] =	vst v2  }
0x2c8: {  	v2 =	vld [tilespmem:s16+$0xEF90];
	[tilespmem:s14+$0x1AFE0] =	vst v0  }
0x2c9: {  	v0 =	vadd.f32 v11, v1;
	v1 =	vld [tilespmem:s16+$0x12FF0]  }
0x2ca: {  	v4 =	vld [tilespmem:s16+$0xDFA0]  }
0x2cb: {  	v6 =	vld [tilespmem:s16+$0x13FF0]  }
0x2cc: {  	v8 =	vld [tilespmem:s16+$0xDFB0]  }
0x2cd: {  	v10 =	vld [tilespmem:s16+$0xEFB0]  }
0x2ce: {  	v11 =	vld [tilespmem:s16+$0xDFC0]  }
0x2cf: {  	v56 =	vld [tilespmem:s16+$0xEFC0]  }
0x2d0: {  	v14 =	vld [tilespmem:s16+$0xDFD0]  }
0x2d1: {  	v15 =	vld [tilespmem:s16+$0xDFE0]  }
0x2d2: {  	v16 =	vld [tilespmem:s16+$0xFF80]  }
0x2d3: {  	v17 =	vld [tilespmem:s16+$0xFFA0]  }
0x2d4: {  	v18 =	vld [tilespmem:s16+$0xFFB0]  }
0x2d5: {  	v19 =	vld [tilespmem:s16+$0xFFC0]  }
0x2d6: {  	v20 =	vld [tilespmem:s16+$0xFFE0]  }
0x2d7: {  	v21 =	vld [tilespmem:s16+$0x10F80]  }
0x2d8: {  	v22 =	vld [tilespmem:s16+$0x10F90]  }
0x2d9: {  	v23 =	vld [tilespmem:s16+$0x10FA0]  }
0x2da: {  	v24 =	vld [tilespmem:s16+$0x10FB0]  }
0x2db: {  	v25 =	vld [tilespmem:s16+$0x10FC0]  }
0x2dc: {  	v26 =	vld [tilespmem:s16+$0x10FD0]  }
0x2dd: {  	v27 =	vld [tilespmem:s16+$0x10FE0]  }
0x2de: {  	v28 =	vld [tilespmem:s16+$0x11F80]  }
0x2df: {  	v29 =	vld [tilespmem:s16+$0x11F90]  }
0x2e0: {  	v30 =	vld [tilespmem:s16+$0x11FA0]  }
0x2e1: {  	v31 =	vld [tilespmem:s16+$0x11FB0]  }
0x2e2: {  	v32 =	vld [tilespmem:s16+$0x11FC0]  }
0x2e3: {  	v33 =	vld [tilespmem:s16+$0x11FD0]  }
0x2e4: {  	v34 =	vld [tilespmem:s16+$0x11FE0]  }
0x2e5: {  	v35 =	vld [tilespmem:s16+$0x12F80]  }
0x2e6: {  	v36 =	vld [tilespmem:s16+$0x12F90]  }
0x2e7: {  	v37 =	vld [tilespmem:s16+$0x12FA0]  }
0x2e8: {  	v38 =	vld [tilespmem:s16+$0x12FB0]  }
0x2e9: {  	v39 =	vld [tilespmem:s16+$0x12FC0]  }
0x2ea: {  	v40 =	vld [tilespmem:s16+$0x12FD0]  }
0x2eb: {  	v41 =	vld [tilespmem:s16+$0x12FE0]  }
0x2ec: {  	v42 =	vld [tilespmem:s16+$0x13F80]  }
0x2ed: {  	v43 =	vld [tilespmem:s16+$0x13F90]  }
0x2ee: {  	v44 =	vld [tilespmem:s16+$0x13FA0]  }
0x2ef: {  	v45 =	vld [tilespmem:s16+$0x13FB0]  }
0x2f0: {  	v46 =	vld [tilespmem:s16+$0x13FC0]  }
0x2f1: {  	v47 =	vld [tilespmem:s16+$0x13FD0]  }
0x2f2: {  	v48 =	vld [tilespmem:s16+$0x13FE0]  }
0x2f3: {  	v57 =	vld [tilespmem:s16+$0x14F80]  }
0x2f4: {  	v58 =	vld [tilespmem:s16+$0x14FD0]  }
0x2f5: {  	v59 =	vld [tilespmem:s16+$0x15F80]  }
0x2f6: {  	v60 =	vld [tilespmem:s16+$0x15F90]  }
0x2f7: {  	v0 =	vadd.f32 v7, v0;
	v7 =	vld [tilespmem:s16+$0xEFA0]  }
0x2f8: {  	v61 =	vld [tilespmem:s16+$0x15FA0]  }
0x2f9: {  	v9 =	vadd.f32 v9, v13;
	v62 =	vld [tilespmem:s16+$0x15FB0];
	v0 =	vadd.f32 v3, v0  }
0x2fa: {  	v63 =	vld [tilespmem:s16+$0x15FC0];
	v2 =	vadd.f32 v2, v5  }
0x2fb: {  	v3 =	vld [tilespmem:s16+$0x14FF0];
	v0 =	vadd.f32 v1, v0;
	v9 =	vadd.f32 v16, v9  }
0x2fc: {  	v49 =	vld [tilespmem:s16+$0x16FD0];
	v4 =	vadd.f32 v7, v4;
	v7 =	vadd.f32 v10, v8  }
0x2fd: {  	v1 =	vld [tilespmem:s16+$0x15FF0];
	v8 =	vadd.f32 v56, v11;
	v0 =	vadd.f32 v6, v0  }
0x2fe: {  	v50 =	vld [tilespmem:s16+$0x16FE0];
	v9 =	vadd.f32 v21, v9;
	v4 =	vadd.f32 v17, v4  }
0x2ff: {  	v6 =	vld [tilespmem:s16+$0x16FF0];
	v7 =	vadd.f32 v18, v7;
	v8 =	vadd.f32 v19, v8  }
0x300: {  	v51 =	vld [tilespmem:s16+$0x17F80];
	v0 =	vadd.f32 v3, v0;
	v9 =	vadd.f32 v28, v9  }
0x301: {  	v3 =	vld [tilespmem:s16+$0x17FF0];
	v4 =	vadd.f32 v23, v4;
	v7 =	vadd.f32 v24, v7  }
0x302: {  	v10 =	vld [tilespmem:s16+$0x14FA0];
	v8 =	vadd.f32 v25, v8;
	v0 =	vadd.f32 v1, v0  }
0x303: {  	v1 =	vld [tilespmem:s16+$0x18FF0];
	v9 =	vadd.f32 v35, v9;
	v4 =	vadd.f32 v30, v4  }
0x304: {  	v11 =	vld [tilespmem:s16+$0x14FB0];
	v7 =	vadd.f32 v31, v7;
	v0 =	vadd.f32 v6, v0  }
0x305: {  	v35 =	vld [tilespmem:s16+$0x16F80];
	v8 =	vadd.f32 v32, v8;
	v9 =	vadd.f32 v42, v9  }
0x306: {  	v6 =	vld [tilespmem:s16+$0xEFD0];
	v4 =	vadd.f32 v37, v4;
	v0 =	vadd.f32 v3, v0  }
0x307: {  	v7 =	vadd.f32 v38, v7;
	v8 =	vadd.f32 v39, v8;
	v3 =	vld [tilespmem:s16+$0xEFE0]  }
0x308: {  	v9 =	vadd.f32 v57, v9;
	v0 =	vadd.f32 v1, v0;
	v1 =	vld [tilespmem:s16+$0xFF90]  }
0x309: {  	v52 =	vld [tilespmem:s16+$0x17FE0];
	v4 =	vadd.f32 v44, v4;
	v7 =	vadd.f32 v45, v7  }
0x30a: {  	v53 =	vld [tilespmem:s16+$0x18F80];
	v8 =	vadd.f32 v46, v8;
	v9 =	vadd.f32 v59, v9;
	v0 =	vmul.f32 $8.333333580e-02, v0  }
0x30b: {  	v54 =	vld [tilespmem:s16+$0x18F90];
	v6 =	vadd.f32 v6, v14;
	v4 =	vadd.f32 v10, v4  }
0x30c: {  	v7 =	vadd.f32 v11, v7;
	v3 =	vadd.f32 v3, v15;
	[tilespmem:s16+$0x1AFF0] =	vst v0;
	v0 =	vld [tilespmem:s16+$0xFFD0]  }
0x30d: {  	v9 =	vadd.f32 v35, v9;
	v1 =	vadd.f32 v1, v2;
	v2 =	vld [tilespmem:s16+$0x14FC0]  }
0x30e: {  	v55 =	vld [tilespmem:s16+$0x18FA0];
	v4 =	vadd.f32 v61, v4;
	v3 =	vadd.f32 v20, v3  }
0x30f: {  	v39 =	vld [tilespmem:s16+$0x16FA0];
	v7 =	vadd.f32 v62, v7;
	v1 =	vadd.f32 v22, v1  }
0x310: {  	v5 =	vld [tilespmem:s16+$0x14F90];
	v9 =	vadd.f32 v51, v9;
	v3 =	vadd.f32 v27, v3  }
0x311: {  	v31 =	vld [tilespmem:s16+$0x15FD0];
	v0 =	vadd.f32 v0, v6;
	v1 =	vadd.f32 v29, v1  }
0x312: {  	v6 =	vld [tilespmem:s16+$0x14FE0];
	v3 =	vadd.f32 v34, v3;
	v2 =	vadd.f32 v2, v8  }
0x313: {  	v8 =	vld [tilespmem:s16+$0x17FA0];
	v0 =	vadd.f32 v26, v0;
	v1 =	vadd.f32 v36, v1  }
0x314: {  	v37 =	vld [tilespmem:s16+$0x16F90];
	v4 =	vadd.f32 v39, v4;
	v3 =	vadd.f32 v41, v3  }
0x315: {  	v41 =	vld [tilespmem:s16+$0x16FB0];
	v0 =	vadd.f32 v33, v0;
	v1 =	vadd.f32 v43, v1  }
0x316: {  	v2 =	vadd.f32 v63, v2;
	v33 =	vld [tilespmem:s16+$0x15FE0];
	v3 =	vadd.f32 v48, v3  }
0x317: {  	v43 =	vld [tilespmem:s16+$0x16FC0];
	v0 =	vadd.f32 v40, v0;
	v1 =	vadd.f32 v5, v1  }
0x318: {  	v5 =	vld [tilespmem:s16+$0x17F90];
	v3 =	vadd.f32 v6, v3;
	v4 =	vadd.f32 v8, v4  }
0x319: {  	v6 =	vld [tilespmem:s16+$0x17FB0];
	v0 =	vadd.f32 v47, v0;
	v1 =	vadd.f32 v60, v1  }
0x31a: {  	v56 =	vld [tilespmem:s16+$0x18FB0];
	v8 =	vadd.f32 v53, v9;
	v7 =	vadd.f32 v41, v7  }
0x31b: {  	v10 =	vld [tilespmem:s16+$0x17FC0];
	v0 =	vadd.f32 v58, v0;
	v1 =	vadd.f32 v37, v1  }
0x31c: {  	v11 =	vld [tilespmem:s16+$0x17FD0];
	v4 =	vadd.f32 v55, v4;
	v3 =	vadd.f32 v33, v3  }
0x31d: {  	v0 =	vadd.f32 v31, v0;
	v1 =	vadd.f32 v5, v1;
	v5 =	vld [tilespmem:s16+$0x18FC0]  }
0x31e: {  	v9 =	vld [tilespmem:s16+$0x18FD0];
	v2 =	vadd.f32 v43, v2;
	v6 =	vadd.f32 v6, v7  }
0x31f: {  	v7 =	vld [tilespmem:s16+$0x18FE0];
	v0 =	vadd.f32 v49, v0;
	v1 =	vadd.f32 v54, v1  }
0x320: {  	v8 =	vmul.f32 $8.333333580e-02, v8;
	v3 =	vadd.f32 v50, v3;
	v2 =	vadd.f32 v10, v2  }
0x321: {  	v6 =	vadd.f32 v56, v6;
	v0 =	vadd.f32 v11, v0;
	v1 =	vmul.f32 $8.333333580e-02, v1  }
0x322: {  	[tilespmem:s16+$0x1AF80] =	vst v8;
	v4 =	vmul.f32 $8.333333580e-02, v4;
	v3 =	vadd.f32 v52, v3;
	v2 =	vadd.f32 v5, v2  }
0x323: {  	[tilespmem:s16+$0x1AF90] =	vst v1;
	v1 =	vmul.f32 $8.333333580e-02, v6;
	v0 =	vadd.f32 v9, v0  }
0x324: {  	[tilespmem:s16+$0x1AFA0] =	vst v4;
	v3 =	vadd.f32 v7, v3;
	v2 =	vmul.f32 $8.333333580e-02, v2  }
0x325: {  	[tilespmem:s16+$0x1AFB0] =	vst v1;
	v0 =	vmul.f32 $8.333333580e-02, v0  }
0x326: {  	v1 =	vmul.f32 $8.333333580e-02, v3;
	[tilespmem:s16+$0x1AFC0] =	vst v2  }
0x327: {  	s18 =	sshll.u32 s12, $0xF;
	p0 =	seq.s32 s12, $0x9;
	[tilespmem:s16+$0x1AFD0] =	vst v0  }
0x328: {  	s15 =	smul.u32 @!p0 $0xC00, s12;
	s14 =	sadd.s32 s18, s17;
	[tilespmem:s16+$0x1AFE0] =	vst v1  }
0x329: {  	[hbm4b:s14+s3] =	stream.linear.scatter [tilespmem:s1], [sflag:$0x4], $0x1000, $0x38;
	[tilespmem:$0x1BF80] =	vst v63  }
0x32a: {  	s14 =	sshra.s32 @!p0 s15, $0x2  }
0x32b: {  	s18 =	simm.s32 @!p0 $0xDF80;
	s16 =	simm.s32 @!p0 $0x20;
	s15 =	sadd.s32 @!p0 $0x480, s14  }
0x32c: {  	[tilespmem:s18], [sflag:$0x2] =	stream.indirect.gather @!p0 [hbm4b:s2+s16], $0x80, s15, s16, $0xb8;
	[tilespmem:$0x1BF80] =	vst v63  }
0x32d: {  	s15 =	sadd.s32 @!p0 $0x4A0, s14;
	s18 =	simm.s32 @!p0 $0xEF80  }
0x32e: {  	[tilespmem:s18], [sflag:$0x2] =	stream.indirect.gather @!p0 [hbm4b:s2+s16], $0x80, s15, s16, $0xb8;
	[tilespmem:$0x1BF80] =	vst v63  }
0x32f: {  	s15 =	sadd.s32 @!p0 $0x4C0, s14;
	s18 =	simm.s32 @!p0 $0xFF80  }
0x330: {  	[tilespmem:s18], [sflag:$0x2] =	stream.indirect.gather @!p0 [hbm4b:s2+s16], $0x80, s15, s16, $0xb8;
	[tilespmem:$0x1BF80] =	vst v63  }
0x331: {  	s15 =	sadd.s32 @!p0 $0x4E0, s14;
	s18 =	simm.s32 @!p0 $0x10F80  }
0x332: {  	[tilespmem:s18], [sflag:$0x2] =	stream.indirect.gather @!p0 [hbm4b:s2+s16], $0x80, s15, s16, $0xb8;
	[tilespmem:$0x1BF80] =	vst v63  }
0x333: {  	s15 =	sadd.s32 @!p0 $0x500, s14;
	s18 =	simm.s32 @!p0 $0x11F80  }
0x334: {  	[tilespmem:s18], [sflag:$0x2] =	stream.indirect.gather @!p0 [hbm4b:s2+s16], $0x80, s15, s16, $0xb8;
	[tilespmem:$0x1BF80] =	vst v63  }
0x335: {  	s15 =	sadd.s32 @!p0 $0x520, s14;
	s18 =	simm.s32 @!p0 $0x12F80  }
0x336: {  	[tilespmem:s18], [sflag:$0x2] =	stream.indirect.gather @!p0 [hbm4b:s2+s16], $0x80, s15, s16, $0xb8;
	[tilespmem:$0x1BF80] =	vst v63  }
0x337: {  	s15 =	sadd.s32 @!p0 $0x540, s14;
	s18 =	simm.s32 @!p0 $0x13F80  }
0x338: {  	[tilespmem:s18], [sflag:$0x2] =	stream.indirect.gather @!p0 [hbm4b:s2+s16], $0x80, s15, s16, $0xb8;
	[tilespmem:$0x1BF80] =	vst v63  }
0x339: {  	s15 =	sadd.s32 @!p0 $0x560, s14;
	s18 =	simm.s32 @!p0 $0x14F80  }
0x33a: {  	[tilespmem:s18], [sflag:$0x2] =	stream.indirect.gather @!p0 [hbm4b:s2+s16], $0x80, s15, s16, $0xb8;
	[tilespmem:$0x1BF80] =	vst v63  }
0x33b: {  	s15 =	sadd.s32 @!p0 $0x580, s14;
	s18 =	simm.s32 @!p0 $0x15F80  }
0x33c: {  	[tilespmem:s18], [sflag:$0x2] =	stream.indirect.gather @!p0 [hbm4b:s2+s16], $0x80, s15, s16, $0xb8;
	[tilespmem:$0x1BF80] =	vst v63  }
0x33d: {  	s15 =	sadd.s32 @!p0 $0x5A0, s14;
	s18 =	simm.s32 @!p0 $0x16F80  }
0x33e: {  	[tilespmem:s18], [sflag:$0x2] =	stream.indirect.gather @!p0 [hbm4b:s2+s16], $0x80, s15, s16, $0xb8;
	[tilespmem:$0x1BF80] =	vst v63  }
0x33f: {  	s15 =	sadd.s32 @!p0 $0x5C0, s14;
	s18 =	simm.s32 @!p0 $0x17F80  }
0x340: {  	[tilespmem:s18], [sflag:$0x2] =	stream.indirect.gather @!p0 [hbm4b:s2+s16], $0x80, s15, s16, $0xb8;
	[tilespmem:$0x1BF80] =	vst v63  }
0x341: {  	s14 =	sadd.s32 @!p0 $0x5E0, s14;
	s15 =	simm.s32 @!p0 $0x18F80  }
0x342: {  	[tilespmem:s15], [sflag:$0x2] =	stream.indirect.gather @!p0 [hbm4b:s2+s16], $0x80, s14, s16, $0xb8;
	[tilespmem:$0x1BF80] =	vst v63  }
0x343: {  	_ =	swait.ge [sflag:s5], $0x1000  }
0x344: {  	[sflag:s5] =	ssyncset.done $0x0  }
0x345: {  	[sflag:s5] =	ssyncadd.s32 $0xFFFFF000  }
0x346: {  	_ =	swait.ge [sflag:s5], $0x1000  }
0x347: {  	[sflag:s5] =	ssyncset.done $0x0  }
0x348: {  	[sflag:s5] =	ssyncadd.s32 $0xFFFFF000  }
0x349: {  	_ =	swait.ge [sflag:s5], $0x1000  }
0x34a: {  	[sflag:s5] =	ssyncset.done $0x0  }
0x34b: {  	[sflag:s5] =	ssyncadd.s32 $0xFFFFF000  }
0x34c: {  	_ =	swait.ge [sflag:s5], $0x1000  }
0x34d: {  	[sflag:s5] =	ssyncset.done $0x0  }
0x34e: {  	[sflag:s5] =	ssyncadd.s32 $0xFFFFF000  }
0x34f: {  	_ =	swait.ge [sflag:s5], $0x1000  }
0x350: {  	[sflag:s5] =	ssyncset.done $0x0  }
0x351: {  	[sflag:s5] =	ssyncadd.s32 $0xFFFFF000  }
0x352: {  	_ =	swait.ge [sflag:s5], $0x1000  }
0x353: {  	[sflag:s5] =	ssyncset.done $0x0  }
0x354: {  	[sflag:s5] =	ssyncadd.s32 $0xFFFFF000  }
0x355: {  	_ =	swait.ge [sflag:s5], $0x1000  }
0x356: {  	[sflag:s5] =	ssyncset.done $0x0  }
0x357: {  	[sflag:s5] =	ssyncadd.s32 $0xFFFFF000  }
0x358: {  	_ =	swait.ge [sflag:s5], $0x1000  }
0x359: {  	[sflag:s5] =	ssyncset.done $0x0  }
0x35a: {  	[sflag:s5] =	ssyncadd.s32 $0xFFFFF000  }
0x35b: {  	_ =	swait.ge [sflag:s5], $0x1000  }
0x35c: {  	[sflag:s5] =	ssyncset.done $0x0  }
0x35d: {  	[sflag:s5] =	ssyncadd.s32 $0xFFFFF000  }
0x35e: {  	_ =	swait.ge [sflag:s5], $0x1000  }
0x35f: {  	[sflag:s5] =	ssyncset.done $0x0  }
0x360: {  	[sflag:s5] =	ssyncadd.s32 $0xFFFFF000  }
0x361: {  	_ =	swait.ge [sflag:s5], $0x1000  }
0x362: {  	[sflag:s5] =	ssyncset.done $0x0  }
0x363: {  	[sflag:s5] =	ssyncadd.s32 $0xFFFFF000  }
0x364: {  	_ =	swait.ge [sflag:s5], $0x1000  }
0x365: {  	[sflag:s5] =	ssyncset.done $0x0  }
0x366: {  	[sflag:s5] =	ssyncadd.s32 $0xFFFFF000  }
0x367: {  	_ =	swait.ge [sflag:s9], $0x1000  }
0x368: {  	[sflag:s9] =	ssyncset.done $0x0  }
0x369: {  	s14 =	simm.s32 $0x0;
	[sflag:s9] =	ssyncadd.s32 $0xFFFFF000  }
0x36a: {  	v0 =	vld [tilespmem:s14+$0x1FF0]  }
0x36b: {  	v1 =	vld [tilespmem:s14+$0x2FF0]  }
0x36c: {  	v2 =	vld [tilespmem:s14+$0x1F80]  }
0x36d: {  	v3 =	vld [tilespmem:s14+$0x3FF0]  }
0x36e: {  	v4 =	vld [tilespmem:s14+$0x2F80]  }
0x36f: {  	v5 =	vld [tilespmem:s14+$0x4FF0]  }
0x370: {  	v6 =	vld [tilespmem:s14+$0x1F90]  }
0x371: {  	v7 =	vld [tilespmem:s14+$0x2F90]  }
0x372: {  	v8 =	vld [tilespmem:s14+$0x1FA0]  }
0x373: {  	v9 =	vld [tilespmem:s14+$0x2FA0]  }
0x374: {  	v10 =	vld [tilespmem:s14+$0x1FB0]  }
0x375: {  	v11 =	vld [tilespmem:s14+$0x2FB0]  }
0x376: {  	v12 =	vld [tilespmem:s14+$0x1FC0]  }
0x377: {  	v13 =	vld [tilespmem:s14+$0x2FC0]  }
0x378: {  	v14 =	vld [tilespmem:s14+$0x1FD0]  }
0x379: {  	v57 =	vld [tilespmem:s14+$0x1FE0]  }
0x37a: {  	v16 =	vld [tilespmem:s14+$0x3F80]  }
0x37b: {  	v17 =	vld [tilespmem:s14+$0x3FA0]  }
0x37c: {  	v58 =	vld [tilespmem:s14+$0x3FB0]  }
0x37d: {  	v19 =	vld [tilespmem:s14+$0x3FC0]  }
0x37e: {  	v20 =	vld [tilespmem:s14+$0x3FE0]  }
0x37f: {  	v59 =	vld [tilespmem:s14+$0x4F80]  }
0x380: {  	v22 =	vld [tilespmem:s14+$0x4F90]  }
0x381: {  	v60 =	vld [tilespmem:s14+$0x4FA0]  }
0x382: {  	v24 =	vld [tilespmem:s14+$0x4FB0]  }
0x383: {  	v61 =	vld [tilespmem:s14+$0x4FC0]  }
0x384: {  	v26 =	vld [tilespmem:s14+$0x4FD0]  }
0x385: {  	v62 =	vld [tilespmem:s14+$0x4FE0]  }
0x386: {  	v28 =	vld [tilespmem:s14+$0x5F80]  }
0x387: {  	v63 =	vld [tilespmem:s14+$0x5F90]  }
0x388: {  	v30 =	vld [tilespmem:s14+$0x5FA0]  }
0x389: {  	v48 =	vld [tilespmem:s14+$0x5FB0]  }
0x38a: {  	v32 =	vld [tilespmem:s14+$0x5FC0]  }
0x38b: {  	v49 =	vld [tilespmem:s14+$0x5FD0]  }
0x38c: {  	v34 =	vld [tilespmem:s14+$0x5FE0]  }
0x38d: {  	v50 =	vld [tilespmem:s14+$0x6F80]  }
0x38e: {  	v36 =	vld [tilespmem:s14+$0x6F90]  }
0x38f: {  	v51 =	vld [tilespmem:s14+$0x6FA0]  }
0x390: {  	v38 =	vld [tilespmem:s14+$0x6FB0]  }
0x391: {  	v52 =	vld [tilespmem:s14+$0x6FC0]  }
0x392: {  	v40 =	vld [tilespmem:s14+$0x6FD0]  }
0x393: {  	v53 =	vld [tilespmem:s14+$0x6FE0]  }
0x394: {  	v42 =	vld [tilespmem:s14+$0x7F80]  }
0x395: {  	v54 =	vld [tilespmem:s14+$0x7F90]  }
0x396: {  	v44 =	vld [tilespmem:s14+$0x7FA0]  }
0x397: {  	v55 =	vld [tilespmem:s14+$0x7FB0]  }
0x398: {  	v46 =	vld [tilespmem:s14+$0x7FC0]  }
0x399: {  	v56 =	vld [tilespmem:s14+$0x7FD0]  }
0x39a: {  	v0 =	vadd.f32 v1, v0;
	v1 =	vld [tilespmem:s14+$0x5FF0]  }
0x39b: {  	v2 =	vadd.f32 v4, v2;
	v4 =	vld [tilespmem:s14+$0x7FE0]  }
0x39c: {  	v6 =	vadd.f32 v7, v6;
	v7 =	vadd.f32 v9, v8;
	v8 =	vld [tilespmem:s14+$0x8F80]  }
0x39d: {  	v9 =	vadd.f32 v11, v10;
	v11 =	vld [tilespmem:s14+$0x8F90];
	v0 =	vadd.f32 v3, v0  }
0x39e: {  	v3 =	vld [tilespmem:s14+$0x6FF0];
	v2 =	vadd.f32 v16, v2  }
0x39f: {  	v9 =	vadd.f32 v58, v9;
	v58 =	vld [tilespmem:s14+$0x8FC0];
	v0 =	vadd.f32 v5, v0  }
0x3a0: {  	v10 =	vadd.f32 v13, v12;
	v7 =	vadd.f32 v17, v7;
	v5 =	vld [tilespmem:s14+$0x7FF0]  }
0x3a1: {  	v2 =	vadd.f32 v59, v2;
	v59 =	vld [tilespmem:s14+$0x8FE0];
	v0 =	vadd.f32 v1, v0  }
0x3a2: {  	v10 =	vadd.f32 v19, v10;
	v1 =	vld [tilespmem:s14+$0x8FF0]  }
0x3a3: {  	v7 =	vadd.f32 v60, v7;
	v60 =	vld [tilespmem:s14+$0x9F80];
	v0 =	vadd.f32 v3, v0  }
0x3a4: {  	v9 =	vadd.f32 v24, v9;
	v3 =	vld [tilespmem:s14+$0x9FF0]  }
0x3a5: {  	v10 =	vadd.f32 v61, v10;
	v61 =	vld [tilespmem:s14+$0x9F90];
	v0 =	vadd.f32 v5, v0  }
0x3a6: {  	v2 =	vadd.f32 v28, v2;
	v5 =	vld [tilespmem:s14+$0xAFF0]  }
0x3a7: {  	v9 =	vadd.f32 v48, v9;
	v48 =	vld [tilespmem:s14+$0x9FC0];
	v0 =	vadd.f32 v1, v0  }
0x3a8: {  	v7 =	vadd.f32 v30, v7;
	v1 =	vld [tilespmem:s14+$0xBFF0]  }
0x3a9: {  	v2 =	vadd.f32 v50, v2;
	v50 =	vld [tilespmem:s14+$0x9FE0];
	v0 =	vadd.f32 v3, v0  }
0x3aa: {  	v10 =	vadd.f32 v32, v10;
	v3 =	vld [tilespmem:s14+$0xCFF0]  }
0x3ab: {  	v7 =	vadd.f32 v51, v7;
	v51 =	vld [tilespmem:s14+$0xAF80];
	v0 =	vadd.f32 v5, v0  }
0x3ac: {  	v9 =	vadd.f32 v38, v9;
	v10 =	vadd.f32 v52, v10;
	v52 =	vld [tilespmem:s14+$0xAF90]  }
0x3ad: {  	v0 =	vadd.f32 v1, v0;
	v1 =	vld [tilespmem:s14+$0x2FE0]  }
0x3ae: {  	v9 =	vadd.f32 v55, v9;
	v55 =	vld [tilespmem:s14+$0xAFC0]  }
0x3af: {  	v2 =	vadd.f32 v42, v2;
	v0 =	vadd.f32 v3, v0;
	v3 =	vld [tilespmem:s14+$0x3F90]  }
0x3b0: {  	v5 =	vld [tilespmem:s14+$0x2FD0]  }
0x3b1: {  	v2 =	vadd.f32 v8, v2;
	v8 =	vld [tilespmem:s14+$0xBF80];
	v0 =	vmul.f32 $8.333333580e-02, v0  }
0x3b2: {  	v1 =	vadd.f32 v1, v57;
	v57 =	vld [tilespmem:s14+$0x8FA0]  }
0x3b3: {  	v7 =	vadd.f32 v44, v7;
	v10 =	vadd.f32 v46, v10;
	[tilespmem:s14+$0x19FF0] =	vst v0;
	v0 =	vld [tilespmem:s14+$0x3FD0]  }
0x3b4: {  	v3 =	vadd.f32 v3, v6;
	v6 =	vld [tilespmem:s14+$0x8FB0];
	v1 =	vadd.f32 v20, v1  }
0x3b5: {  	v2 =	vadd.f32 v60, v2;
	v60 =	vld [tilespmem:s14+$0xCF80];
	v5 =	vadd.f32 v5, v14  }
0x3b6: {  	v3 =	vadd.f32 v22, v3;
	v1 =	vadd.f32 v62, v1;
	v62 =	vld [tilespmem:s14+$0x9FA0]  }
0x3b7: {  	v2 =	vadd.f32 v51, v2;
	v7 =	vadd.f32 v57, v7;
	v57 =	vld [tilespmem:s14+$0xBFC0]  }
0x3b8: {  	v0 =	vadd.f32 v0, v5;
	v5 =	vld [tilespmem:s14+$0x8FD0];
	v3 =	vadd.f32 v63, v3  }
0x3b9: {  	v63 =	vld [tilespmem:s14+$0x9FB0];
	v1 =	vadd.f32 v34, v1;
	v6 =	vadd.f32 v6, v9  }
0x3ba: {  	v9 =	vadd.f32 v58, v10;
	v10 =	vld [tilespmem:s14+$0xBF90];
	v0 =	vadd.f32 v26, v0  }
0x3bb: {  	v2 =	vadd.f32 v8, v2;
	v58 =	vld [tilespmem:s14+$0xBFD0];
	v3 =	vadd.f32 v36, v3  }
0x3bc: {  	v1 =	vadd.f32 v53, v1;
	v53 =	vld [tilespmem:s14+$0xAFA0];
	v0 =	vadd.f32 v49, v0  }
0x3bd: {  	v7 =	vadd.f32 v62, v7;
	v9 =	vadd.f32 v48, v9;
	v49 =	vld [tilespmem:s14+$0x9FD0]  }
0x3be: {  	v3 =	vadd.f32 v54, v3;
	v54 =	vld [tilespmem:s14+$0xAFB0];
	v0 =	vadd.f32 v40, v0  }
0x3bf: {  	v1 =	vadd.f32 v4, v1;
	v4 =	vld [tilespmem:s14+$0xAFE0];
	v6 =	vadd.f32 v63, v6  }
0x3c0: {  	v3 =	vadd.f32 v11, v3;
	v11 =	vld [tilespmem:s14+$0xBFB0];
	v0 =	vadd.f32 v56, v0  }
0x3c1: {  	v9 =	vadd.f32 v55, v9;
	v1 =	vadd.f32 v59, v1;
	v56 =	vld [tilespmem:s14+$0xAFD0]  }
0x3c2: {  	v3 =	vadd.f32 v61, v3;
	v0 =	vadd.f32 v5, v0;
	v5 =	vld [tilespmem:s14+$0xBFA0]  }
0x3c3: {  	v62 =	vld [tilespmem:s14+$0xCFA0];
	v7 =	vadd.f32 v53, v7;
	v1 =	vadd.f32 v50, v1  }
0x3c4: {  	v61 =	vld [tilespmem:s14+$0xCF90];
	v6 =	vadd.f32 v54, v6;
	v3 =	vadd.f32 v52, v3  }
0x3c5: {  	v59 =	vld [tilespmem:s14+$0xBFE0];
	v1 =	vadd.f32 v4, v1;
	v0 =	vadd.f32 v49, v0  }
0x3c6: {  	v8 =	vld [tilespmem:s14+$0xCFB0];
	v6 =	vadd.f32 v11, v6;
	v10 =	vadd.f32 v10, v3  }
0x3c7: {  	v0 =	vadd.f32 v56, v0;
	v63 =	vadd.f32 v5, v7;
	v7 =	vld [tilespmem:s14+$0xCFC0]  }
0x3c8: {  	v11 =	vadd.f32 v60, v2;
	v3 =	vadd.f32 v57, v9;
	v5 =	vld [tilespmem:s14+$0xCFD0]  }
0x3c9: {  	s16 =	simm.s32 $0x80;
	v4 =	vld [tilespmem:s14+$0xCFE0];
	v9 =	vadd.f32 v61, v10;
	v2 =	vadd.f32 v58, v0  }
0x3ca: {  	s15 =	simm.s32 $0x400;
	v11 =	vmul.f32 $8.333333580e-02, v11;
	v0 =	vadd.f32 v59, v1;
	v1 =	vld [tilespmem:s16+$0x1FF0];
	v10 =	vadd.f32 v62, v63  }
.LBB2_9:
0x3cb: {  	p0 =	sne.s32 s15, $0x3E00;
	v12 =	vld [tilespmem:s16+$0x2FF0];
	v9 =	vmul.f32 $8.333333580e-02, v9;
	v6 =	vadd.f32 v8, v6  }
0x3cc: {  	v8 =	vld [tilespmem:s16+$0x1F80];
	[tilespmem:s14+$0x19F80] =	vst v11;
	v10 =	vmul.f32 $8.333333580e-02, v10;
	v3 =	vadd.f32 v7, v3  }
0x3cd: {  	v7 =	vld [tilespmem:s16+$0x3FF0];
	[tilespmem:s14+$0x19F90] =	vst v9;
	v6 =	vmul.f32 $8.333333580e-02, v6;
	v2 =	vadd.f32 v5, v2  }
0x3ce: {  	v5 =	vld [tilespmem:s16+$0x2F80];
	[tilespmem:s14+$0x19FA0] =	vst v10;
	v3 =	vmul.f32 $8.333333580e-02, v3;
	v0 =	vadd.f32 v4, v0  }
0x3cf: {  	v4 =	vld [tilespmem:s16+$0x4FF0];
	[tilespmem:s14+$0x19FB0] =	vst v6;
	v2 =	vmul.f32 $8.333333580e-02, v2  }
0x3d0: {  	v6 =	vld [tilespmem:s16+$0x1F90];
	v1 =	vadd.f32 v12, v1;
	[tilespmem:s14+$0x19FC0] =	vst v3;
	v0 =	vmul.f32 $8.333333580e-02, v0  }
0x3d1: {  	v3 =	vld [tilespmem:s16+$0x5FF0];
	[tilespmem:s14+$0x19FD0] =	vst v2  }
0x3d2: {  	v2 =	vld [tilespmem:s16+$0x2F90];
	v1 =	vadd.f32 v7, v1;
	[tilespmem:s14+$0x19FE0] =	vst v0;
	s14 =	smov.u32 s16  }
0x3d3: {  	v0 =	vadd.f32 v5, v8;
	v5 =	vld [tilespmem:s14+$0x6FF0]  }
0x3d4: {  	v7 =	vld [tilespmem:s14+$0x1FA0];
	v1 =	vadd.f32 v4, v1  }
0x3d5: {  	v4 =	vld [tilespmem:s14+$0x7FF0]  }
0x3d6: {  	v8 =	vld [tilespmem:s14+$0x2FA0];
	v1 =	vadd.f32 v3, v1  }
0x3d7: {  	v2 =	vadd.f32 v2, v6;
	v3 =	vld [tilespmem:s14+$0x8FF0]  }
0x3d8: {  	v6 =	vld [tilespmem:s14+$0x1FB0];
	v1 =	vadd.f32 v5, v1  }
0x3d9: {  	v5 =	vld [tilespmem:s14+$0x9FF0]  }
0x3da: {  	v9 =	vld [tilespmem:s14+$0x2FB0];
	v1 =	vadd.f32 v4, v1  }
0x3db: {  	v4 =	vadd.f32 v8, v7;
	v7 =	vld [tilespmem:s14+$0xAFF0]  }
0x3dc: {  	v8 =	vld [tilespmem:s14+$0x1FC0];
	v1 =	vadd.f32 v3, v1  }
0x3dd: {  	v3 =	vld [tilespmem:s14+$0xBFF0]  }
0x3de: {  	v10 =	vld [tilespmem:s14+$0x2FC0];
	v1 =	vadd.f32 v5, v1  }
0x3df: {  	v5 =	vadd.f32 v9, v6;
	v6 =	vld [tilespmem:s14+$0xCFF0]  }
0x3e0: {  	v9 =	vld [tilespmem:s14+$0x1FD0];
	v1 =	vadd.f32 v7, v1  }
0x3e1: {  	v7 =	vld [tilespmem:s14+$0x2FD0]  }
0x3e2: {  	v11 =	vld [tilespmem:s14+$0x1FE0];
	v1 =	vadd.f32 v3, v1  }
0x3e3: {  	v3 =	vadd.f32 v10, v8;
	v8 =	vld [tilespmem:s14+$0x2FE0]  }
0x3e4: {  	v10 =	vld [tilespmem:s14+$0x3F80];
	v1 =	vadd.f32 v6, v1  }
0x3e5: {  	v6 =	vld [tilespmem:s14+$0x3F90]  }
0x3e6: {  	v12 =	vld [tilespmem:s14+$0x3FA0];
	v7 =	vadd.f32 v7, v9;
	v1 =	vmul.f32 $8.333333580e-02, v1  }
0x3e7: {  	v9 =	vld [tilespmem:s14+$0x3FB0]  }
0x3e8: {  	v13 =	vld [tilespmem:s14+$0x3FC0];
	v8 =	vadd.f32 v8, v11;
	[tilespmem:s14+$0x19FF0] =	vst v1  }
0x3e9: {  	v0 =	vadd.f32 v10, v0;
	v1 =	vld [tilespmem:s14+$0x3FD0]  }
0x3ea: {  	v2 =	vadd.f32 v6, v2;
	v6 =	vld [tilespmem:s14+$0x3FE0]  }
0x3eb: {  	v10 =	vld [tilespmem:s14+$0x4F80];
	v4 =	vadd.f32 v12, v4  }
0x3ec: {  	v11 =	vld [tilespmem:s14+$0x4F90];
	v5 =	vadd.f32 v9, v5  }
0x3ed: {  	v9 =	vld [tilespmem:s14+$0x4FA0];
	v3 =	vadd.f32 v13, v3  }
0x3ee: {  	v12 =	vld [tilespmem:s14+$0x4FB0];
	v1 =	vadd.f32 v1, v7  }
0x3ef: {  	v7 =	vld [tilespmem:s14+$0x4FC0];
	v6 =	vadd.f32 v6, v8  }
0x3f0: {  	v0 =	vadd.f32 v10, v0;
	v8 =	vld [tilespmem:s14+$0x4FD0]  }
0x3f1: {  	v2 =	vadd.f32 v11, v2;
	v10 =	vld [tilespmem:s14+$0x4FE0]  }
0x3f2: {  	v11 =	vld [tilespmem:s14+$0x5F80];
	v4 =	vadd.f32 v9, v4  }
0x3f3: {  	v9 =	vld [tilespmem:s14+$0x5F90];
	v5 =	vadd.f32 v12, v5  }
0x3f4: {  	v12 =	vld [tilespmem:s14+$0x5FA0];
	v3 =	vadd.f32 v7, v3  }
0x3f5: {  	v7 =	vld [tilespmem:s14+$0x5FB0];
	v1 =	vadd.f32 v8, v1  }
0x3f6: {  	v8 =	vld [tilespmem:s14+$0x5FC0];
	v6 =	vadd.f32 v10, v6  }
0x3f7: {  	v0 =	vadd.f32 v11, v0;
	v10 =	vld [tilespmem:s14+$0x5FD0]  }
0x3f8: {  	v2 =	vadd.f32 v9, v2;
	v9 =	vld [tilespmem:s14+$0x5FE0]  }
0x3f9: {  	v11 =	vld [tilespmem:s14+$0x6F80];
	v4 =	vadd.f32 v12, v4  }
0x3fa: {  	v12 =	vld [tilespmem:s14+$0x6F90];
	v5 =	vadd.f32 v7, v5  }
0x3fb: {  	v7 =	vld [tilespmem:s14+$0x6FA0];
	v3 =	vadd.f32 v8, v3  }
0x3fc: {  	v8 =	vld [tilespmem:s14+$0x6FB0];
	v1 =	vadd.f32 v10, v1  }
0x3fd: {  	v10 =	vld [tilespmem:s14+$0x6FC0];
	v6 =	vadd.f32 v9, v6  }
0x3fe: {  	v0 =	vadd.f32 v11, v0;
	v9 =	vld [tilespmem:s14+$0x6FD0]  }
0x3ff: {  	v2 =	vadd.f32 v12, v2;
	v11 =	vld [tilespmem:s14+$0x6FE0]  }
0x400: {  	v12 =	vld [tilespmem:s14+$0x7F80];
	v4 =	vadd.f32 v7, v4  }
0x401: {  	v7 =	vld [tilespmem:s14+$0x7F90];
	v5 =	vadd.f32 v8, v5  }
0x402: {  	v8 =	vld [tilespmem:s14+$0x7FA0];
	v3 =	vadd.f32 v10, v3  }
0x403: {  	v10 =	vld [tilespmem:s14+$0x7FB0];
	v1 =	vadd.f32 v9, v1  }
0x404: {  	v9 =	vld [tilespmem:s14+$0x7FC0];
	v6 =	vadd.f32 v11, v6  }
0x405: {  	v0 =	vadd.f32 v12, v0;
	v11 =	vld [tilespmem:s14+$0x7FD0]  }
0x406: {  	v2 =	vadd.f32 v7, v2;
	v7 =	vld [tilespmem:s14+$0x7FE0]  }
0x407: {  	v12 =	vld [tilespmem:s14+$0x8F80];
	v4 =	vadd.f32 v8, v4  }
0x408: {  	v8 =	vld [tilespmem:s14+$0x8F90];
	v5 =	vadd.f32 v10, v5  }
0x409: {  	v10 =	vld [tilespmem:s14+$0x8FA0];
	v3 =	vadd.f32 v9, v3  }
0x40a: {  	v9 =	vld [tilespmem:s14+$0x8FB0];
	v1 =	vadd.f32 v11, v1  }
0x40b: {  	v11 =	vld [tilespmem:s14+$0x8FC0];
	v6 =	vadd.f32 v7, v6  }
0x40c: {  	v0 =	vadd.f32 v12, v0;
	v7 =	vld [tilespmem:s14+$0x8FD0]  }
0x40d: {  	v2 =	vadd.f32 v8, v2;
	v8 =	vld [tilespmem:s14+$0x8FE0]  }
0x40e: {  	v12 =	vld [tilespmem:s14+$0x9F80];
	v4 =	vadd.f32 v10, v4  }
0x40f: {  	v10 =	vld [tilespmem:s14+$0x9F90];
	v5 =	vadd.f32 v9, v5  }
0x410: {  	v9 =	vld [tilespmem:s14+$0x9FA0];
	v3 =	vadd.f32 v11, v3  }
0x411: {  	v11 =	vld [tilespmem:s14+$0x9FB0];
	v1 =	vadd.f32 v7, v1  }
0x412: {  	v7 =	vld [tilespmem:s14+$0x9FC0];
	v6 =	vadd.f32 v8, v6  }
0x413: {  	v0 =	vadd.f32 v12, v0;
	v8 =	vld [tilespmem:s14+$0x9FD0]  }
0x414: {  	v2 =	vadd.f32 v10, v2;
	v10 =	vld [tilespmem:s14+$0x9FE0]  }
0x415: {  	v12 =	vld [tilespmem:s14+$0xAF80];
	v4 =	vadd.f32 v9, v4  }
0x416: {  	v9 =	vld [tilespmem:s14+$0xAF90];
	v5 =	vadd.f32 v11, v5  }
0x417: {  	v11 =	vld [tilespmem:s14+$0xAFA0];
	v3 =	vadd.f32 v7, v3  }
0x418: {  	v7 =	vld [tilespmem:s14+$0xAFB0];
	v1 =	vadd.f32 v8, v1  }
0x419: {  	v8 =	vld [tilespmem:s14+$0xAFC0];
	v6 =	vadd.f32 v10, v6  }
0x41a: {  	v0 =	vadd.f32 v12, v0;
	v10 =	vld [tilespmem:s14+$0xAFD0]  }
0x41b: {  	v2 =	vadd.f32 v9, v2;
	v9 =	vld [tilespmem:s14+$0xAFE0]  }
0x41c: {  	v12 =	vld [tilespmem:s14+$0xBF80];
	v4 =	vadd.f32 v11, v4  }
0x41d: {  	v11 =	vld [tilespmem:s14+$0xBF90];
	v5 =	vadd.f32 v7, v5  }
0x41e: {  	v7 =	vld [tilespmem:s14+$0xBFA0];
	v3 =	vadd.f32 v8, v3  }
0x41f: {  	v8 =	vld [tilespmem:s14+$0xBFB0];
	v1 =	vadd.f32 v10, v1  }
0x420: {  	v10 =	vld [tilespmem:s14+$0xBFC0];
	v9 =	vadd.f32 v9, v6  }
0x421: {  	v12 =	vadd.f32 v12, v0;
	v0 =	vld [tilespmem:s14+$0xBFD0]  }
0x422: {  	v11 =	vadd.f32 v11, v2;
	v13 =	vld [tilespmem:s14+$0xBFE0]  }
0x423: {  	v14 =	vld [tilespmem:s14+$0xCF80];
	v15 =	vadd.f32 v7, v4  }
0x424: {  	v4 =	vld [tilespmem:s14+$0xCF90];
	v6 =	vadd.f32 v8, v5  }
0x425: {  	v16 =	vld [tilespmem:s14+$0xCFA0];
	v3 =	vadd.f32 v10, v3  }
.Ltmp3:
0x426: {  	v8 =	vld [tilespmem:s14+$0xCFB0];
	v2 =	vadd.f32 v0, v1;
	(pc) =	sbr.rel @p0 .LBB2_9-.Ltmp3, $4  }
0x427: {  	v7 =	vld [tilespmem:s14+$0xCFC0];
	v0 =	vadd.f32 v13, v9  }
0x428: {  	v10 =	vadd.f32 v14, v12;
	v5 =	vld [tilespmem:s14+$0xCFD0]  }
0x429: {  	s16 =	sshra.s32 s15, $0x2;
	v9 =	vadd.f32 v4, v11;
	v4 =	vld [tilespmem:s14+$0xCFE0]  }
0x42a: {  	s15 =	sadd.s32 $0x200, s15;
	v1 =	vld [tilespmem:s16+$0x1FF0];
	v11 =	vmul.f32 $8.333333580e-02, v10;
	v10 =	vadd.f32 v16, v15  }
0x42b: {  	v12 =	vld [tilespmem:s16+$0x2FF0];
	v9 =	vmul.f32 $8.333333580e-02, v9;
	v6 =	vadd.f32 v8, v6  }
0x42c: {  	v13 =	vld [tilespmem:s16+$0x1F80];
	[tilespmem:s14+$0x19F80] =	vst v11;
	v48 =	vmul.f32 $8.333333580e-02, v10;
	v3 =	vadd.f32 v7, v3  }
0x42d: {  	v11 =	vld [tilespmem:s16+$0x3FF0];
	[tilespmem:s14+$0x19F90] =	vst v9;
	v6 =	vmul.f32 $8.333333580e-02, v6;
	v2 =	vadd.f32 v5, v2  }
0x42e: {  	v9 =	vld [tilespmem:s16+$0x2F80];
	[tilespmem:s14+$0x19FA0] =	vst v48;
	v3 =	vmul.f32 $8.333333580e-02, v3;
	v0 =	vadd.f32 v4, v0  }
0x42f: {  	v49 =	vld [tilespmem:s16+$0x4FF0];
	[tilespmem:s14+$0x19FB0] =	vst v6;
	v2 =	vmul.f32 $8.333333580e-02, v2  }
0x430: {  	v5 =	vld [tilespmem:s16+$0x1F90];
	[tilespmem:s14+$0x19FC0] =	vst v3;
	v0 =	vmul.f32 $8.333333580e-02, v0  }
0x431: {  	v3 =	vld [tilespmem:s16+$0x5FF0];
	[tilespmem:s14+$0x19FD0] =	vst v2  }
0x432: {  	v2 =	vld [tilespmem:s16+$0x2F90];
	[tilespmem:s14+$0x19FE0] =	vst v0  }
0x433: {  	v51 =	vld [tilespmem:s16+$0x6FF0]  }
0x434: {  	v4 =	vld [tilespmem:s16+$0x1FA0]  }
0x435: {  	v6 =	vld [tilespmem:s16+$0x7FF0]  }
0x436: {  	v7 =	vld [tilespmem:s16+$0x2FA0]  }
0x437: {  	v52 =	vld [tilespmem:s16+$0x8FF0]  }
0x438: {  	v8 =	vld [tilespmem:s16+$0x1FB0]  }
0x439: {  	v53 =	vld [tilespmem:s16+$0x9FF0]  }
0x43a: {  	v54 =	vld [tilespmem:s16+$0x2FB0]  }
0x43b: {  	v55 =	vld [tilespmem:s16+$0xAFF0]  }
0x43c: {  	v56 =	vld [tilespmem:s16+$0x1FC0]  }
0x43d: {  	v57 =	vld [tilespmem:s16+$0xBFF0]  }
0x43e: {  	v58 =	vld [tilespmem:s16+$0x2FC0]  }
0x43f: {  	v59 =	vld [tilespmem:s16+$0xCFF0]  }
0x440: {  	v14 =	vld [tilespmem:s16+$0x1FD0]  }
0x441: {  	v60 =	vld [tilespmem:s16+$0x2FD0]  }
0x442: {  	v15 =	vld [tilespmem:s16+$0x1FE0]  }
0x443: {  	v61 =	vld [tilespmem:s16+$0x2FE0]  }
0x444: {  	v16 =	vld [tilespmem:s16+$0x3F80]  }
0x445: {  	v62 =	vld [tilespmem:s16+$0x3F90]  }
0x446: {  	v17 =	vld [tilespmem:s16+$0x3FA0]  }
0x447: {  	v18 =	vld [tilespmem:s16+$0x3FB0]  }
0x448: {  	v19 =	vld [tilespmem:s16+$0x3FC0]  }
0x449: {  	v63 =	vld [tilespmem:s16+$0x3FD0]  }
0x44a: {  	v20 =	vld [tilespmem:s16+$0x3FE0]  }
0x44b: {  	v21 =	vld [tilespmem:s16+$0x4F80]  }
0x44c: {  	v22 =	vld [tilespmem:s16+$0x4F90]  }
0x44d: {  	v23 =	vld [tilespmem:s16+$0x4FA0]  }
0x44e: {  	v24 =	vld [tilespmem:s16+$0x4FB0]  }
0x44f: {  	v25 =	vld [tilespmem:s16+$0x4FC0]  }
0x450: {  	v26 =	vld [tilespmem:s16+$0x4FD0]  }
0x451: {  	v27 =	vld [tilespmem:s16+$0x4FE0]  }
0x452: {  	v28 =	vld [tilespmem:s16+$0x5F80]  }
0x453: {  	v29 =	vld [tilespmem:s16+$0x5F90]  }
0x454: {  	v30 =	vld [tilespmem:s16+$0x5FA0]  }
0x455: {  	v31 =	vld [tilespmem:s16+$0x5FB0]  }
0x456: {  	v32 =	vld [tilespmem:s16+$0x5FC0]  }
0x457: {  	v33 =	vld [tilespmem:s16+$0x5FD0]  }
0x458: {  	v34 =	vld [tilespmem:s16+$0x5FE0]  }
0x459: {  	v35 =	vld [tilespmem:s16+$0x6F80]  }
0x45a: {  	v36 =	vld [tilespmem:s16+$0x6F90]  }
0x45b: {  	v37 =	vld [tilespmem:s16+$0x6FA0]  }
0x45c: {  	v38 =	vld [tilespmem:s16+$0x6FB0]  }
0x45d: {  	v1 =	vadd.f32 v12, v1;
	v39 =	vld [tilespmem:s16+$0x6FC0]  }
0x45e: {  	v40 =	vld [tilespmem:s16+$0x6FD0]  }
0x45f: {  	v50 =	vadd.f32 v11, v1;
	v41 =	vld [tilespmem:s16+$0x6FE0]  }
0x460: {  	v42 =	vld [tilespmem:s16+$0x7F80]  }
0x461: {  	v43 =	vld [tilespmem:s16+$0x7F90];
	v0 =	vadd.f32 v49, v50  }
0x462: {  	v44 =	vld [tilespmem:s16+$0x7FA0]  }
0x463: {  	v45 =	vld [tilespmem:s16+$0x7FB0];
	v0 =	vadd.f32 v3, v0  }
0x464: {  	v46 =	vld [tilespmem:s16+$0x7FC0];
	v9 =	vadd.f32 v9, v13;
	v2 =	vadd.f32 v2, v5  }
0x465: {  	v47 =	vld [tilespmem:s16+$0x7FD0];
	v0 =	vadd.f32 v51, v0;
	v4 =	vadd.f32 v7, v4  }
0x466: {  	v48 =	vld [tilespmem:s16+$0x7FE0];
	v3 =	vadd.f32 v61, v15;
	v9 =	vadd.f32 v16, v9  }
0x467: {  	v50 =	vld [tilespmem:s16+$0x8F80];
	v1 =	vadd.f32 v62, v2;
	v0 =	vadd.f32 v6, v0  }
0x468: {  	v49 =	vld [tilespmem:s16+$0xBFA0];
	v6 =	vadd.f32 v60, v14;
	v4 =	vadd.f32 v17, v4  }
0x469: {  	v51 =	vld [tilespmem:s16+$0x8F90];
	v3 =	vadd.f32 v20, v3;
	v9 =	vadd.f32 v21, v9  }
0x46a: {  	v61 =	vld [tilespmem:s16+$0x9FA0];
	v1 =	vadd.f32 v22, v1;
	v0 =	vadd.f32 v52, v0  }
0x46b: {  	v62 =	vld [tilespmem:s16+$0x9FB0];
	v52 =	vadd.f32 v54, v8;
	v4 =	vadd.f32 v23, v4  }
0x46c: {  	v60 =	vld [tilespmem:s16+$0x9F90];
	v3 =	vadd.f32 v27, v3;
	v9 =	vadd.f32 v28, v9  }
0x46d: {  	v54 =	vld [tilespmem:s16+$0x8FA0];
	v1 =	vadd.f32 v29, v1;
	v0 =	vadd.f32 v53, v0  }
0x46e: {  	v53 =	vadd.f32 v58, v56;
	v56 =	vld [tilespmem:s16+$0x8FC0];
	v7 =	vadd.f32 v18, v52  }
0x46f: {  	v58 =	vld [tilespmem:s16+$0x8FE0];
	v4 =	vadd.f32 v30, v4;
	v3 =	vadd.f32 v34, v3  }
0x470: {  	v9 =	vadd.f32 v35, v9;
	v35 =	vld [tilespmem:s16+$0xAF80];
	v1 =	vadd.f32 v36, v1  }
0x471: {  	v52 =	vld [tilespmem:s16+$0xBFD0];
	v0 =	vadd.f32 v55, v0;
	v8 =	vadd.f32 v19, v53  }
0x472: {  	v55 =	vld [tilespmem:s16+$0x8FB0];
	v7 =	vadd.f32 v24, v7;
	v4 =	vadd.f32 v37, v4  }
0x473: {  	v37 =	vld [tilespmem:s16+$0xAF90];
	v3 =	vadd.f32 v41, v3;
	v9 =	vadd.f32 v42, v9  }
0x474: {  	v41 =	vld [tilespmem:s16+$0xAFB0];
	v1 =	vadd.f32 v43, v1;
	v0 =	vadd.f32 v57, v0  }
0x475: {  	v53 =	vld [tilespmem:s16+$0xBFE0];
	v8 =	vadd.f32 v25, v8;
	v7 =	vadd.f32 v31, v7  }
0x476: {  	v43 =	vld [tilespmem:s16+$0xAFC0];
	v4 =	vadd.f32 v44, v4;
	v3 =	vadd.f32 v48, v3  }
0x477: {  	v57 =	vld [tilespmem:s16+$0x8FD0];
	v9 =	vadd.f32 v50, v9;
	v1 =	vadd.f32 v51, v1  }
0x478: {  	v31 =	vld [tilespmem:s16+$0x9FD0];
	v0 =	vadd.f32 v59, v0;
	v8 =	vadd.f32 v32, v8  }
0x479: {  	v48 =	vld [tilespmem:s16+$0xBF90];
	v7 =	vadd.f32 v38, v7;
	v4 =	vadd.f32 v54, v4  }
0x47a: {  	v59 =	vld [tilespmem:s16+$0x9F80];
	v3 =	vadd.f32 v58, v3;
	v1 =	vadd.f32 v60, v1;
	v0 =	vmul.f32 $8.333333580e-02, v0  }
0x47b: {  	v50 =	vld [tilespmem:s16+$0xBFB0];
	v8 =	vadd.f32 v39, v8;
	v7 =	vadd.f32 v45, v7  }
0x47c: {  	v51 =	vld [tilespmem:s16+$0xBFC0];
	v4 =	vadd.f32 v61, v4;
	[tilespmem:s16+$0x19FF0] =	vst v0;
	v0 =	vadd.f32 v63, v6  }
0x47d: {  	v39 =	vld [tilespmem:s16+$0xAFA0];
	v1 =	vadd.f32 v37, v1;
	v8 =	vadd.f32 v46, v8  }
0x47e: {  	v63 =	vld [tilespmem:s16+$0x9FC0];
	v7 =	vadd.f32 v55, v7;
	v0 =	vadd.f32 v26, v0  }
0x47f: {  	v58 =	vld [tilespmem:s16+$0xCFC0];
	v9 =	vadd.f32 v59, v9;
	v1 =	vadd.f32 v48, v1  }
0x480: {  	v55 =	vld [tilespmem:s16+$0xCF90];
	v2 =	vadd.f32 v56, v8;
	v0 =	vadd.f32 v33, v0  }
0x481: {  	v7 =	vadd.f32 v62, v7;
	v56 =	vld [tilespmem:s16+$0xCFA0];
	v9 =	vadd.f32 v35, v9  }
0x482: {  	v4 =	vadd.f32 v39, v4;
	v33 =	vld [tilespmem:s16+$0x9FE0];
	v0 =	vadd.f32 v40, v0  }
0x483: {  	v46 =	vld [tilespmem:s16+$0xAFE0];
	v7 =	vadd.f32 v41, v7;
	v2 =	vadd.f32 v63, v2  }
0x484: {  	v4 =	vadd.f32 v49, v4;
	v0 =	vadd.f32 v47, v0;
	v47 =	vld [tilespmem:s16+$0xBF80]  }
0x485: {  	v45 =	vld [tilespmem:s16+$0xAFD0];
	v1 =	vadd.f32 v55, v1;
	v6 =	vadd.f32 v50, v7  }
0x486: {  	v54 =	vld [tilespmem:s16+$0xCF80];
	v2 =	vadd.f32 v43, v2;
	v0 =	vadd.f32 v57, v0  }
0x487: {  	v4 =	vadd.f32 v56, v4;
	v3 =	vadd.f32 v33, v3;
	v57 =	vld [tilespmem:s16+$0xCFB0]  }
0x488: {  	v61 =	vld [tilespmem:s16+$0xCFE0];
	v2 =	vadd.f32 v51, v2;
	v0 =	vadd.f32 v31, v0  }
0x489: {  	v60 =	vld [tilespmem:s16+$0xCFD0];
	v3 =	vadd.f32 v46, v3;
	v9 =	vadd.f32 v47, v9  }
0x48a: {  	v1 =	vmul.f32 $8.333333580e-02, v1;
	v2 =	vadd.f32 v58, v2;
	v0 =	vadd.f32 v45, v0  }
0x48b: {  	v4 =	vmul.f32 $8.333333580e-02, v4;
	v3 =	vadd.f32 v53, v3;
	v59 =	vadd.f32 v54, v9  }
0x48c: {  	[tilespmem:s16+$0x19F90] =	vst v1;
	v2 =	vmul.f32 $8.333333580e-02, v2;
	v6 =	vadd.f32 v57, v6;
	v0 =	vadd.f32 v52, v0  }
0x48d: {  	s12 =	sadd.s32 $0x1, s12;
	[tilespmem:s16+$0x19FA0] =	vst v4;
	v3 =	vadd.f32 v61, v3;
	v8 =	vmul.f32 $8.333333580e-02, v59  }
0x48e: {  	p0 =	sne.s32 s12, $0xA;
	[tilespmem:s16+$0x19FC0] =	vst v2;
	v62 =	vmul.f32 $8.333333580e-02, v6;
	v0 =	vadd.f32 v60, v0  }
.Ltmp4:
0x48f: {  	v63 =	vmul.f32 $8.333333580e-02, v3;
	[tilespmem:s16+$0x19F80] =	vst v8;
	(pc) =	sbr.rel @p0 .LBB2_6-.Ltmp4, $4  }
0x490: {  	[tilespmem:s16+$0x19FB0] =	vst v62;
	v0 =	vmul.f32 $8.333333580e-02, v0  }
0x491: {  	s13 =	sshll.u32 s13, $0xE;
	[tilespmem:s16+$0x19FE0] =	vst v63  }
0x492: {  	s13 =	sadd.s32 s13, s17;
	[tilespmem:s16+$0x19FD0] =	vst v0  }
0x493: {  	[hbm4b:s13+s3] =	stream.linear.scatter [tilespmem:s6], [sflag:$0x3], $0x1000, $0x38;
	[tilespmem:$0x1BF80] =	vst v63  }
0x494: {  	_ =	swait.ge [sflag:s9], $0x1000  }
0x495: {  	[sflag:s9] =	ssyncset.done $0x0  }
0x496: {  	s0 =	simm.s32 $0x4;
	[sflag:s9] =	ssyncadd.s32 $0xFFFFF000  }
0x497: {  	_ =	swait.ge [sflag:s0], $0x1000  }
0x498: {  	s1 =	rddreg [dreg:$0x13]  }
0x499: {  	s12 =	rddreg [dreg:$0x12];
	s1 =	sadd.s32 $0x1, s1  }
0x49a: {  	p0 =	sne.s32 s1, s12  }
.Ltmp5:
0x49b: {  	_ = 	snop;
	(pc) =	sbr.rel @p0 .LBB2_1-.Ltmp5, $3  }
0x49c: {  	_ =	sdelay $0x1  }
0x49d: {  	[sflag:s0] =	ssyncset.done $0x0  }
0x49e: {  	[sflag:s0] =	ssyncadd.s32 $0xFFFFF000  }
0x49f: {  	_ =	sfence.sel $0x180000  }
0x4a0: {  	[bflag:$0x0] =	sbarrier.arrive $0xFFFF  }
0x4a1: {  	_ =	strace $0x90000047  }
0x4a2: {  	s0 =	stileid.u32;
	[bflag:$0x2] =	sbarrier.arrive $0xFFFF  }
0x4a3: {  	p0 =	sne.s32 s0, $0x0;
	s0 =	rddreg [dreg:$0x4]  }
0x4a4: {  	s0 =	sadd.s32 @!p0 $0x100000, s0  }
0x4a5: {  	[sflag:s0] =	ssyncadd.tile.s32 @!p0 $0x1;
	_ =	shalt  }
.Lfunc_end2:
_tile_overlayer_lowered:
.L_overlay_start_2:
0x4a6: {  	(tag) =	ssettag $0x2  }
0x4a7: {  	s0 =	rddreg [dreg:$0x0];
	s2 =	stileid.u32  }
0x4a8: {  	s1 =	rddreg [dreg:$0x1];
	p0 =	sne.s32 s2, $0x0  }
0x4a9: {  	s3 =	rddreg [dreg:$0x2];
	[bflag:$0x3] =	sbarrier.arrive $0xFFFF;
	s2 =	simm.s32 @!p0 $0x1C06  }
0x4aa: {  	[timem:s3], [sflag:s2] =	dma.local @!p0 [hbm:s0], s1  }
0x4ab: {  	s0 =	simm.s32 @!p0 $0x6  }
0x4ac: {  	_ =	swait.ge @!p0 [sflag:s0], s1  }
0x4ad: {  	s1 =	ssub.s32 @!p0 $0x0, s1;
	[sflag:s0] =	ssyncset.done @!p0 $0x0  }
0x4ae: {  	[sflag:s0] =	ssyncadd.s32 @!p0 s1  }
0x4af: {  	[bflag:$0x3] =	sbarrier.arrive $0xFFFF  }
0x4b0: {  	_ =	shalt  }

</sc_bundles>
